<compile_context>
chip_gen: v7x
topology: tpu7x:2x2x1
jax: 0.10.2.dev20260603
libtpu: 0.0.44.dev20260713+nightly
codegen_flags: <defaults>
</compile_context>

<pallas_src>
import functools

import jax
import jax.numpy as jnp
from jax import lax
from jax.experimental import pallas as pl
from jax.experimental.pallas import tpu as pltpu
from jax.experimental.pallas import tpu_sc as plsc

EPS = 0.001
PROX = 0.15
RB = 256
CB = 256
LANES = 128


def _sc_gather(table, idx):
    b = idx.shape[0]
    info = plsc.get_sparse_core_info()
    nw = info.num_cores * info.num_subcores
    b_per_w = b // nw
    mesh = plsc.VectorSubcoreMesh(core_axis_name="c", subcore_axis_name="s")

    @functools.partial(
        pl.kernel,
        mesh=mesh,
        out_type=jax.ShapeDtypeStruct((b, LANES), jnp.float32),
        scratch_types=[
            pltpu.VMEM((b_per_w,), jnp.int32),
            pltpu.VMEM((b_per_w, LANES), jnp.float32),
            pltpu.SemaphoreType.DMA,
        ],
    )
    def k(table_hbm, idx_hbm, out_hbm, idx_v, rows_v, sem):
        wid = lax.axis_index("s") * info.num_cores + lax.axis_index("c")
        base = wid * b_per_w
        pltpu.sync_copy(idx_hbm.at[pl.ds(base, b_per_w)], idx_v)
        pltpu.async_copy(table_hbm.at[idx_v], rows_v, sem).wait()
        pltpu.sync_copy(rows_v, out_hbm.at[pl.ds(base, b_per_w)])

    return k(table, idx)


def _body(a1x_c_ref, a1y_c_ref, a2x_c_ref, a2y_c_ref,
          b1x_r_ref, b1y_r_ref, b2x_r_ref, b2y_r_ref,
          src_c_ref, dst_c_ref, src_r_ref, dst_r_ref, out_ref):
    f32 = jnp.float32
    a1x_c = a1x_c_ref[...]
    a1y_c = a1y_c_ref[...]
    a2x_c = a2x_c_ref[...]
    a2y_c = a2y_c_ref[...]
    b1x_r = b1x_r_ref[...]
    b1y_r = b1y_r_ref[...]
    b2x_r = b2x_r_ref[...]
    b2y_r = b2y_r_ref[...]
    src_c = src_c_ref[...]
    dst_c = dst_c_ref[...]
    src_r = src_r_ref[...]
    dst_r = dst_r_ref[...]
    e = src_c.shape[0]

    d1x_c = a2x_c - a1x_c
    d1y_c = a2y_c - a1y_c
    midx_c = (a1x_c + a2x_c) * 0.5
    midy_c = (a1y_c + a2y_c) * 0.5
    lsq_c = d1x_c * d1x_c + d1y_c * d1y_c
    aa_c = jnp.maximum(lsq_c, 1e-12)
    inv_a_c = 1.0 / aa_c
    hlp_c = jnp.sqrt(jnp.maximum(lsq_c, 1e-24)) * 0.5 + (PROX * 0.5)

    d2x_r = b2x_r - b1x_r
    d2y_r = b2y_r - b1y_r
    midx_r = (b1x_r + b2x_r) * 0.5
    midy_r = (b1y_r + b2y_r) * 0.5
    lsq_r = d2x_r * d2x_r + d2y_r * d2y_r
    ee_r = jnp.maximum(lsq_r, 1e-12)
    inv_e_r = 1.0 / ee_r
    hlp_r = jnp.sqrt(jnp.maximum(lsq_r, 1e-24)) * 0.5 + (PROX * 0.5)

    nb_r = e // RB
    nb_c = e // CB
    acc_loss = f32(0.0)
    acc_cnt = f32(0.0)
    for bi in range(nb_r):
        r0 = bi * RB
        A1x = a1x_c[r0:r0 + RB]
        A1y = a1y_c[r0:r0 + RB]
        D1x = d1x_c[r0:r0 + RB]
        D1y = d1y_c[r0:r0 + RB]
        MIx = midx_c[r0:r0 + RB]
        MIy = midy_c[r0:r0 + RB]
        AA = aa_c[r0:r0 + RB]
        IA = inv_a_c[r0:r0 + RB]
        HI = hlp_c[r0:r0 + RB]
        SI = src_c[r0:r0 + RB]
        DI = dst_c[r0:r0 + RB]
        for bj in range(bi, nb_c):
            c0 = bj * CB
            B1x = b1x_r[:, c0:c0 + CB]
            B1y = b1y_r[:, c0:c0 + CB]
            D2x = d2x_r[:, c0:c0 + CB]
            D2y = d2y_r[:, c0:c0 + CB]
            MJx = midx_r[:, c0:c0 + CB]
            MJy = midy_r[:, c0:c0 + CB]
            EE = ee_r[:, c0:c0 + CB]
            IE = inv_e_r[:, c0:c0 + CB]
            HJ = hlp_r[:, c0:c0 + CB]
            SJ = src_r[:, c0:c0 + CB]
            DJ = dst_r[:, c0:c0 + CB]

            rx = A1x - B1x
            ry = A1y - B1y
            b = D1x * D2x + D1y * D2y
            c = D1x * rx + D1y * ry
            f = D2x * rx + D2y * ry
            denom = jnp.maximum(AA * EE - b * b, 1e-12)
            rden = 1.0 / denom
            s = jnp.clip((b * f - c * EE) * rden, 0.0, 1.0)
            t = jnp.clip((b * s + f) * IE, 0.0, 1.0)
            s = jnp.clip((b * t - c) * IA, 0.0, 1.0)
            dx = rx + s * D1x - t * D2x
            dy = ry + s * D1y - t * D2y
            dist = jnp.sqrt(jnp.maximum(dx * dx + dy * dy, 1e-24))

            mdx = MIx - MJx
            mdy = MIy - MJy
            reach = HI + HJ
            prox = (mdx * mdx + mdy * mdy) < (reach * reach)
            share = ((SI == SJ) | (SI == DJ) | (DI == SJ) | (DI == DJ))
            cand = prox & jnp.logical_not(share)
            if bi == bj:
                ii = jax.lax.broadcasted_iota(jnp.int32, (RB, CB), 0)
                jj = jax.lax.broadcasted_iota(jnp.int32, (RB, CB), 1)
                cand = cand & (jj > ii)
            contrib = jnp.where(cand, jnp.maximum(EPS - dist, 0.0), 0.0)
            acc_loss = acc_loss + jnp.sum(contrib)
            acc_cnt = acc_cnt + jnp.sum(cand.astype(f32))

    out_ref[0, 0] = acc_loss / jnp.maximum(acc_cnt, 1.0)


def kernel(node_positions, adjacency, edge_index):
    del adjacency
    n = node_positions.shape[1]
    e = edge_index.shape[1]
    pos = node_positions.reshape(n, 2)
    table = jnp.pad(pos, ((0, 0), (0, LANES - 2)))
    idx = jnp.concatenate([edge_index[0], edge_index[1]])
    g = _sc_gather(table, idx)
    a1 = g[:e]
    a2 = g[e:]
    src = edge_index[0]
    dst = edge_index[1]
    out = pl.pallas_call(
        _body,
        out_shape=jax.ShapeDtypeStruct((1, 1), jnp.float32),
        out_specs=pl.BlockSpec(memory_space=pltpu.SMEM),
    )(
        a1[:, 0:1], a1[:, 1:2], a2[:, 0:1], a2[:, 1:2],
        a1[:, 0].reshape(1, e), a1[:, 1].reshape(1, e),
        a2[:, 0].reshape(1, e), a2[:, 1].reshape(1, e),
        src.reshape(e, 1), dst.reshape(e, 1),
        src.reshape(1, e), dst.reshape(1, e),
    )
    return out[0, 0]

# --- scband reference (transcript-rebuilt; emitter-appended) ---
"""Pipeline reference for scband-spatial-non-intersection-axiom-40570261078453 (READ-ONLY COPY).

The authoritative reference and input builder live on the scoring server;
editing this copy changes nothing except your own understanding.
"""

import jax, jax.numpy as jnp
import numpy as np

EPSILON = 0.001
PROXIMITY_THRESHOLD = 0.15


def setup_inputs(seed: int = 0) -> dict:
    key = jax.random.key(seed)
    k1, k2, k3 = jax.random.split(key, 3)
    node_positions = jax.random.uniform(k1, (1, 1024, 2), dtype=jnp.float32)
    adjacency = jax.random.normal(k2, (1, 1024, 1024), dtype=jnp.float32)
    edge_index = jax.random.randint(k3, (2, 2048), 0, 1024, dtype=jnp.int32)
    return {"node_positions": node_positions, "adjacency": adjacency, "edge_index": edge_index}


def _forward(node_positions, adjacency, edge_index):
    # adjacency is accepted per the module signature but unused in the torch forward.
    positions = node_positions.reshape(-1, 2)
    src = edge_index[0]
    dst = edge_index[1]
    a1 = positions[src]
    a2 = positions[dst]
    E = src.shape[0]
    # --- candidate pair finding (equivalent to the spatial-bucketing search:
    # buckets of size 2*max_reach with 3x3 neighborhood provably cover every pair
    # whose midpoint distance < reach, so a dense midpoint-distance test yields
    # exactly the same candidate set). Indices carry no gradient in torch either.
    mid = jax.lax.stop_gradient((a1 + a2) * 0.5)
    hl = jax.lax.stop_gradient(jnp.sqrt(jnp.clip(((a2 - a1) ** 2).sum(-1), 1e-24, None)) * 0.5)
    mid_dist = jnp.sqrt(((mid[:, None, :] - mid[None, :, :]) ** 2).sum(-1))
    reach = hl[:, None] + hl[None, :] + PROXIMITY_THRESHOLD
    tri = jnp.triu(jnp.ones((E, E), dtype=bool), k=1)
    share = ((src[:, None] == src[None, :]) | (src[:, None] == dst[None, :]) |
             (dst[:, None] == src[None, :]) | (dst[:, None] == dst[None, :]))
    cand = tri & (~share) & (mid_dist < reach)
    # --- differentiable segment-segment closest-approach distance, all pairs
    A1 = a1[:, None, :]; A2 = a2[:, None, :]
    B1 = a1[None, :, :]; B2 = a2[None, :, :]
    d1 = A2 - A1
    d2 = B2 - B1
    r = A1 - B1
    a = jnp.clip((d1 * d1).sum(-1), 1e-12, None)
    e = jnp.clip((d2 * d2).sum(-1), 1e-12, None)
    b = (d1 * d2).sum(-1)
    c = (d1 * r).sum(-1)
    f = (d2 * r).sum(-1)
    denom = jnp.clip(a * e - b * b, 1e-12, None)
    s = (b * f - c * e) / denom
    t = (a * f - b * c) / denom
    s = jnp.clip(s, 0.0, 1.0)
    t = jnp.clip(t, 0.0, 1.0)
    t = jnp.clip((b * s + f) / e, 0.0, 1.0)
    s = jnp.clip((b * t - c) / a, 0.0, 1.0)
    closest_a = A1 + s[..., None] * d1
    closest_b = B1 + t[..., None] * d2
    dists = jnp.sqrt(jnp.clip(((closest_a - closest_b) ** 2).sum(-1), 1e-24, None))
    pair_loss = jax.nn.relu(EPSILON - dists) * cand
    n_pairs = cand.sum()
    loss = pair_loss.sum() / jnp.maximum(n_pairs, 1).astype(pair_loss.dtype)
    return loss


def reference(node_positions, adjacency, edge_index):
    return _forward(node_positions, adjacency, edge_index)

if __name__ == "__main__":
    import jax
    _d = setup_inputs()
    print(jax.jit(kernel)(*tuple(_d.values())))

</pallas_src>

<mosaic_0001>
#map = affine_map<(d0, d1) -> (0, 0)>
#map1 = affine_map<(d0, d1) -> (0)>
module attributes {stable_mosaic.version = 14 : i64} {
  func.func @k(%arg0: i32, %arg1: i32, %arg2: memref<1024x128xf32, #tpu.memory_space<hbm>>, %arg3: memref<4096xi32, #tpu.memory_space<hbm>>, %arg4: memref<4096x128xf32, #tpu.memory_space<hbm>>, %arg5: memref<128xi32, #tpu.memory_space<vmem>>, %arg6: memref<128x128xf32, #tpu.memory_space<vmem>>, %arg7: memref<!tpu.dma_semaphore, #tpu.memory_space<semaphore_mem>>) attributes {dimension_semantics = [#tpu.dimension_semantics<core_parallel>, #tpu.dimension_semantics<subcore_parallel>], iteration_bounds = array<i64: 2, 16>, scalar_prefetch = 0 : i64, scratch_operands = 3 : i64, tpu.core_type = #tpu.core_type<sc_vector_subcore>, window_params = [{transform_indices = #map}, {transform_indices = #map1}, {transform_indices = #map}]} {
    %mul3A = arith.constant 2 : i32
    %mul3A_0 = arith.muli %arg1, %mul3A : i32
    %add3A = arith.addi %mul3A_0, %arg0 : i32
    %mul3A_1 = arith.constant 128 : i32
    %mul3A_2 = arith.muli %add3A, %mul3A_1 : i32
    "tpu.region"() ({
      %run_scoped3A = tpu.sem_alloc : memref<!tpu.dma_semaphore, #tpu.memory_space<semaphore_mem>>
      %dma_start3A_7 = tpu.memref_slice %arg3[%mul3A_2] : memref<4096xi32, #tpu.memory_space<hbm>> -> memref<128xi32, #tpu.memory_space<hbm>>
      %dma_start3A_8 = tpu.memref_slice %arg3[%mul3A_2] : memref<4096xi32, #tpu.memory_space<hbm>> -> memref<128xi32, #tpu.memory_space<hbm>>
      tpu.enqueue_dma source(%dma_start3A_8 : memref<128xi32, #tpu.memory_space<hbm>>) target(%arg5 : memref<128xi32, #tpu.memory_space<vmem>>) target_semaphore(%run_scoped3A : memref<!tpu.dma_semaphore, #tpu.memory_space<semaphore_mem>>)
      %dma_wait3A_9 = tpu.memref_slice %arg3[%mul3A_2] : memref<4096xi32, #tpu.memory_space<hbm>> -> memref<128xi32, #tpu.memory_space<hbm>>
      %dma_wait3A_10 = tpu.memref_slice %arg3[%mul3A_2] : memref<4096xi32, #tpu.memory_space<hbm>> -> memref<128xi32, #tpu.memory_space<hbm>>
      tpu.wait_dma2 semaphore(%run_scoped3A : memref<!tpu.dma_semaphore, #tpu.memory_space<semaphore_mem>>) src(%dma_wait3A_10 : memref<128xi32, #tpu.memory_space<hbm>>) dst(%arg5 : memref<128xi32, #tpu.memory_space<vmem>>)
      tpu.yield
    }) : () -> ()
    %dma_start3A = arith.constant 0 : i32
    %dma_start3A_3 = arith.constant 0 : i32
    %dma_start3A_4 = tpu.memref_slice %arg2[%dma_start3A, %dma_start3A_3] : memref<1024x128xf32, #tpu.memory_space<hbm>> -> memref<1024x128xf32, #tpu.memory_space<hbm>>
    tpu.enqueue_indirect_dma source(%dma_start3A_4 : memref<1024x128xf32, #tpu.memory_space<hbm>>) target(%arg6 : memref<128x128xf32, #tpu.memory_space<vmem>>) offsets(%arg5 : memref<128xi32, #tpu.memory_space<vmem>>) semaphore(%arg7 : memref<!tpu.dma_semaphore, #tpu.memory_space<semaphore_mem>>)
    %dma_wait3A = arith.constant 0 : i32
    %dma_wait3A_5 = arith.constant 0 : i32
    %dma_wait3A_6 = tpu.memref_slice %arg2[%dma_wait3A, %dma_wait3A_5] : memref<1024x128xf32, #tpu.memory_space<hbm>> -> memref<1024x128xf32, #tpu.memory_space<hbm>>
    tpu.wait_indirect_dma semaphore(%arg7 : memref<!tpu.dma_semaphore, #tpu.memory_space<semaphore_mem>>) src(%dma_wait3A_6 : memref<1024x128xf32, #tpu.memory_space<hbm>>) dst(%arg6 : memref<128x128xf32, #tpu.memory_space<vmem>>)
    "tpu.region"() ({
      %run_scoped3A = tpu.sem_alloc : memref<!tpu.dma_semaphore, #tpu.memory_space<semaphore_mem>>
      %dma_start3A_7 = arith.constant 0 : i32
      %dma_start3A_8 = tpu.memref_slice %arg4[%mul3A_2, %dma_start3A_7] : memref<4096x128xf32, #tpu.memory_space<hbm>> -> memref<128x128xf32, #tpu.memory_space<hbm>>
      %dma_start3A_9 = arith.constant 0 : i32
      %dma_start3A_10 = tpu.memref_slice %arg4[%mul3A_2, %dma_start3A_9] : memref<4096x128xf32, #tpu.memory_space<hbm>> -> memref<128x128xf32, #tpu.memory_space<hbm>>
      tpu.enqueue_dma source(%arg6 : memref<128x128xf32, #tpu.memory_space<vmem>>) target(%dma_start3A_10 : memref<128x128xf32, #tpu.memory_space<hbm>>) target_semaphore(%run_scoped3A : memref<!tpu.dma_semaphore, #tpu.memory_space<semaphore_mem>>)
      %dma_wait3A_11 = arith.constant 0 : i32
      %dma_wait3A_12 = tpu.memref_slice %arg4[%mul3A_2, %dma_wait3A_11] : memref<4096x128xf32, #tpu.memory_space<hbm>> -> memref<128x128xf32, #tpu.memory_space<hbm>>
      %dma_wait3A_13 = arith.constant 0 : i32
      %dma_wait3A_14 = tpu.memref_slice %arg4[%mul3A_2, %dma_wait3A_13] : memref<4096x128xf32, #tpu.memory_space<hbm>> -> memref<128x128xf32, #tpu.memory_space<hbm>>
      tpu.wait_dma2 semaphore(%run_scoped3A : memref<!tpu.dma_semaphore, #tpu.memory_space<semaphore_mem>>) src(%arg6 : memref<128x128xf32, #tpu.memory_space<vmem>>) dst(%dma_wait3A_14 : memref<128x128xf32, #tpu.memory_space<hbm>>)
      tpu.yield
    }) : () -> ()
    return
  }
}

module attributes {stable_mosaic.version = 14 : i64} {
  func.func @_body(%arg0: memref<2048x1xf32, #tpu.memory_space<vmem>>, %arg1: memref<2048x1xf32, #tpu.memory_space<vmem>>, %arg2: memref<2048x1xf32, #tpu.memory_space<vmem>>, %arg3: memref<2048x1xf32, #tpu.memory_space<vmem>>, %arg4: memref<1x2048xf32, #tpu.memory_space<vmem>>, %arg5: memref<1x2048xf32, #tpu.memory_space<vmem>>, %arg6: memref<1x2048xf32, #tpu.memory_space<vmem>>, %arg7: memref<1x2048xf32, #tpu.memory_space<vmem>>, %arg8: memref<2048x1xi32, #tpu.memory_space<vmem>>, %arg9: memref<2048x1xi32, #tpu.memory_space<vmem>>, %arg10: memref<1x2048xi32, #tpu.memory_space<vmem>>, %arg11: memref<1x2048xi32, #tpu.memory_space<vmem>>, %arg12: memref<1x1xf32, #tpu.memory_space<smem>>) attributes {dimension_semantics = [], scalar_prefetch = 0 : i64, scratch_operands = 0 : i64, tpu.core_type = #tpu.core_type<tc>} {
    %get3A = arith.constant 0 : index
    %get3A_0 = arith.constant 0 : index
    %get3A_1 = vector.load %arg0[%get3A, %get3A_0] : memref<2048x1xf32, #tpu.memory_space<vmem>>, vector<2048x1xf32>
    %get3A_2 = arith.constant 0 : index
    %get3A_3 = arith.constant 0 : index
    %get3A_4 = vector.load %arg1[%get3A_2, %get3A_3] : memref<2048x1xf32, #tpu.memory_space<vmem>>, vector<2048x1xf32>
    %get3A_5 = arith.constant 0 : index
    %get3A_6 = arith.constant 0 : index
    %get3A_7 = vector.load %arg2[%get3A_5, %get3A_6] : memref<2048x1xf32, #tpu.memory_space<vmem>>, vector<2048x1xf32>
    %get3A_8 = arith.constant 0 : index
    %get3A_9 = arith.constant 0 : index
    %get3A_10 = vector.load %arg3[%get3A_8, %get3A_9] : memref<2048x1xf32, #tpu.memory_space<vmem>>, vector<2048x1xf32>
    %get3A_11 = arith.constant 0 : index
    %get3A_12 = arith.constant 0 : index
    %get3A_13 = vector.load %arg4[%get3A_11, %get3A_12] : memref<1x2048xf32, #tpu.memory_space<vmem>>, vector<1x2048xf32>
    %get3A_14 = arith.constant 0 : index
    %get3A_15 = arith.constant 0 : index
    %get3A_16 = vector.load %arg5[%get3A_14, %get3A_15] : memref<1x2048xf32, #tpu.memory_space<vmem>>, vector<1x2048xf32>
    %get3A_17 = arith.constant 0 : index
    %get3A_18 = arith.constant 0 : index
    %get3A_19 = vector.load %arg6[%get3A_17, %get3A_18] : memref<1x2048xf32, #tpu.memory_space<vmem>>, vector<1x2048xf32>
    %get3A_20 = arith.constant 0 : index
    %get3A_21 = arith.constant 0 : index
    %get3A_22 = vector.load %arg7[%get3A_20, %get3A_21] : memref<1x2048xf32, #tpu.memory_space<vmem>>, vector<1x2048xf32>
    %get3A_23 = arith.constant 0 : index
    %get3A_24 = arith.constant 0 : index
    %get3A_25 = vector.load %arg8[%get3A_23, %get3A_24] : memref<2048x1xi32, #tpu.memory_space<vmem>>, vector<2048x1xi32>
    %get3A_26 = arith.constant 0 : index
    %get3A_27 = arith.constant 0 : index
    %get3A_28 = vector.load %arg9[%get3A_26, %get3A_27] : memref<2048x1xi32, #tpu.memory_space<vmem>>, vector<2048x1xi32>
    %get3A_29 = arith.constant 0 : index
    %get3A_30 = arith.constant 0 : index
    %get3A_31 = vector.load %arg10[%get3A_29, %get3A_30] : memref<1x2048xi32, #tpu.memory_space<vmem>>, vector<1x2048xi32>
    %get3A_32 = arith.constant 0 : index
    %get3A_33 = arith.constant 0 : index
    %get3A_34 = vector.load %arg11[%get3A_32, %get3A_33] : memref<1x2048xi32, #tpu.memory_space<vmem>>, vector<1x2048xi32>
    %sub3A = arith.subf %get3A_7, %get3A_1 : vector<2048x1xf32>
    %sub3A_35 = arith.subf %get3A_10, %get3A_4 : vector<2048x1xf32>
    %add3A = arith.addf %get3A_1, %get3A_7 : vector<2048x1xf32>
    %mul3A = arith.constant 5.000000e-01 : f32
    %mul3A_36 = vector.broadcast %mul3A : f32 to vector<2048x1xf32>
    %mul3A_37 = arith.mulf %add3A, %mul3A_36 : vector<2048x1xf32>
    %add3A_38 = arith.addf %get3A_4, %get3A_10 : vector<2048x1xf32>
    %mul3A_39 = arith.constant 5.000000e-01 : f32
    %mul3A_40 = vector.broadcast %mul3A_39 : f32 to vector<2048x1xf32>
    %mul3A_41 = arith.mulf %add3A_38, %mul3A_40 : vector<2048x1xf32>
    %mul3A_42 = arith.mulf %sub3A, %sub3A : vector<2048x1xf32>
    %mul3A_43 = arith.mulf %sub3A_35, %sub3A_35 : vector<2048x1xf32>
    %add3A_44 = arith.addf %mul3A_42, %mul3A_43 : vector<2048x1xf32>
    %max3A = arith.constant 9.99999996E-13 : f32
    %max3A_45 = vector.broadcast %max3A : f32 to vector<2048x1xf32>
    %max3A_46 = arith.maximumf %add3A_44, %max3A_45 : vector<2048x1xf32>
    %div3A = arith.constant 1.000000e+00 : f32
    %div3A_47 = vector.broadcast %div3A : f32 to vector<2048x1xf32>
    %div3A_48 = arith.divf %div3A_47, %max3A_46 : vector<2048x1xf32>
    %max3A_49 = arith.constant 1.000000e-24 : f32
    %max3A_50 = vector.broadcast %max3A_49 : f32 to vector<2048x1xf32>
    %max3A_51 = arith.maximumf %add3A_44, %max3A_50 : vector<2048x1xf32>
    %sqrt3A = math.sqrt %max3A_51 : vector<2048x1xf32>
    %mul3A_52 = arith.constant 5.000000e-01 : f32
    %mul3A_53 = vector.broadcast %mul3A_52 : f32 to vector<2048x1xf32>
    %mul3A_54 = arith.mulf %sqrt3A, %mul3A_53 : vector<2048x1xf32>
    %add3A_55 = arith.constant 7.500000e-02 : f32
    %add3A_56 = vector.broadcast %add3A_55 : f32 to vector<2048x1xf32>
    %add3A_57 = arith.addf %mul3A_54, %add3A_56 : vector<2048x1xf32>
    %sub3A_58 = arith.subf %get3A_19, %get3A_13 : vector<1x2048xf32>
    %sub3A_59 = arith.subf %get3A_22, %get3A_16 : vector<1x2048xf32>
    %add3A_60 = arith.addf %get3A_13, %get3A_19 : vector<1x2048xf32>
    %mul3A_61 = arith.constant 5.000000e-01 : f32
    %mul3A_62 = vector.broadcast %mul3A_61 : f32 to vector<1x2048xf32>
    %mul3A_63 = arith.mulf %add3A_60, %mul3A_62 : vector<1x2048xf32>
    %add3A_64 = arith.addf %get3A_16, %get3A_22 : vector<1x2048xf32>
    %mul3A_65 = arith.constant 5.000000e-01 : f32
    %mul3A_66 = vector.broadcast %mul3A_65 : f32 to vector<1x2048xf32>
    %mul3A_67 = arith.mulf %add3A_64, %mul3A_66 : vector<1x2048xf32>
    %mul3A_68 = arith.mulf %sub3A_58, %sub3A_58 : vector<1x2048xf32>
    %mul3A_69 = arith.mulf %sub3A_59, %sub3A_59 : vector<1x2048xf32>
    %add3A_70 = arith.addf %mul3A_68, %mul3A_69 : vector<1x2048xf32>
    %max3A_71 = arith.constant 9.99999996E-13 : f32
    %max3A_72 = vector.broadcast %max3A_71 : f32 to vector<1x2048xf32>
    %max3A_73 = arith.maximumf %add3A_70, %max3A_72 : vector<1x2048xf32>
    %div3A_74 = arith.constant 1.000000e+00 : f32
    %div3A_75 = vector.broadcast %div3A_74 : f32 to vector<1x2048xf32>
    %div3A_76 = arith.divf %div3A_75, %max3A_73 : vector<1x2048xf32>
    %max3A_77 = arith.constant 1.000000e-24 : f32
    %max3A_78 = vector.broadcast %max3A_77 : f32 to vector<1x2048xf32>
    %max3A_79 = arith.maximumf %add3A_70, %max3A_78 : vector<1x2048xf32>
    %sqrt3A_80 = math.sqrt %max3A_79 : vector<1x2048xf32>
    %mul3A_81 = arith.constant 5.000000e-01 : f32
    %mul3A_82 = vector.broadcast %mul3A_81 : f32 to vector<1x2048xf32>
    %mul3A_83 = arith.mulf %sqrt3A_80, %mul3A_82 : vector<1x2048xf32>
    %add3A_84 = arith.constant 7.500000e-02 : f32
    %add3A_85 = vector.broadcast %add3A_84 : f32 to vector<1x2048xf32>
    %add3A_86 = arith.addf %mul3A_83, %add3A_85 : vector<1x2048xf32>
    %slice3A = vector.extract_strided_slice %get3A_1 {offsets = [0, 0], sizes = [256, 1], strides = [1, 1]} : vector<2048x1xf32> to vector<256x1xf32>
    %slice3A_87 = vector.extract_strided_slice %get3A_4 {offsets = [0, 0], sizes = [256, 1], strides = [1, 1]} : vector<2048x1xf32> to vector<256x1xf32>
    %slice3A_88 = vector.extract_strided_slice %sub3A {offsets = [0, 0], sizes = [256, 1], strides = [1, 1]} : vector<2048x1xf32> to vector<256x1xf32>
    %slice3A_89 = vector.extract_strided_slice %sub3A_35 {offsets = [0, 0], sizes = [256, 1], strides = [1, 1]} : vector<2048x1xf32> to vector<256x1xf32>
    %slice3A_90 = vector.extract_strided_slice %mul3A_37 {offsets = [0, 0], sizes = [256, 1], strides = [1, 1]} : vector<2048x1xf32> to vector<256x1xf32>
    %slice3A_91 = vector.extract_strided_slice %mul3A_41 {offsets = [0, 0], sizes = [256, 1], strides = [1, 1]} : vector<2048x1xf32> to vector<256x1xf32>
    %slice3A_92 = vector.extract_strided_slice %max3A_46 {offsets = [0, 0], sizes = [256, 1], strides = [1, 1]} : vector<2048x1xf32> to vector<256x1xf32>
    %slice3A_93 = vector.extract_strided_slice %div3A_48 {offsets = [0, 0], sizes = [256, 1], strides = [1, 1]} : vector<2048x1xf32> to vector<256x1xf32>
    %slice3A_94 = vector.extract_strided_slice %add3A_57 {offsets = [0, 0], sizes = [256, 1], strides = [1, 1]} : vector<2048x1xf32> to vector<256x1xf32>
    %slice3A_95 = vector.extract_strided_slice %get3A_25 {offsets = [0, 0], sizes = [256, 1], strides = [1, 1]} : vector<2048x1xi32> to vector<256x1xi32>
    %slice3A_96 = vector.extract_strided_slice %get3A_28 {offsets = [0, 0], sizes = [256, 1], strides = [1, 1]} : vector<2048x1xi32> to vector<256x1xi32>
    %slice3A_97 = vector.extract_strided_slice %get3A_13 {offsets = [0, 0], sizes = [1, 256], strides = [1, 1]} : vector<1x2048xf32> to vector<1x256xf32>
    %slice3A_98 = vector.extract_strided_slice %get3A_16 {offsets = [0, 0], sizes = [1, 256], strides = [1, 1]} : vector<1x2048xf32> to vector<1x256xf32>
    %slice3A_99 = vector.extract_strided_slice %sub3A_58 {offsets = [0, 0], sizes = [1, 256], strides = [1, 1]} : vector<1x2048xf32> to vector<1x256xf32>
    %slice3A_100 = vector.extract_strided_slice %sub3A_59 {offsets = [0, 0], sizes = [1, 256], strides = [1, 1]} : vector<1x2048xf32> to vector<1x256xf32>
    %slice3A_101 = vector.extract_strided_slice %mul3A_63 {offsets = [0, 0], sizes = [1, 256], strides = [1, 1]} : vector<1x2048xf32> to vector<1x256xf32>
    %slice3A_102 = vector.extract_strided_slice %mul3A_67 {offsets = [0, 0], sizes = [1, 256], strides = [1, 1]} : vector<1x2048xf32> to vector<1x256xf32>
    %slice3A_103 = vector.extract_strided_slice %max3A_73 {offsets = [0, 0], sizes = [1, 256], strides = [1, 1]} : vector<1x2048xf32> to vector<1x256xf32>
    %slice3A_104 = vector.extract_strided_slice %div3A_76 {offsets = [0, 0], sizes = [1, 256], strides = [1, 1]} : vector<1x2048xf32> to vector<1x256xf32>
    %slice3A_105 = vector.extract_strided_slice %add3A_86 {offsets = [0, 0], sizes = [1, 256], strides = [1, 1]} : vector<1x2048xf32> to vector<1x256xf32>
    %slice3A_106 = vector.extract_strided_slice %get3A_31 {offsets = [0, 0], sizes = [1, 256], strides = [1, 1]} : vector<1x2048xi32> to vector<1x256xi32>
    %slice3A_107 = vector.extract_strided_slice %get3A_34 {offsets = [0, 0], sizes = [1, 256], strides = [1, 1]} : vector<1x2048xi32> to vector<1x256xi32>
    %sub3A_108 = vector.broadcast %slice3A : vector<256x1xf32> to vector<256x256xf32>
    %sub3A_109 = vector.broadcast %slice3A_97 : vector<1x256xf32> to vector<256x256xf32>
    %sub3A_110 = arith.subf %sub3A_108, %sub3A_109 : vector<256x256xf32>
    %sub3A_111 = vector.broadcast %slice3A_87 : vector<256x1xf32> to vector<256x256xf32>
    %sub3A_112 = vector.broadcast %slice3A_98 : vector<1x256xf32> to vector<256x256xf32>
    %sub3A_113 = arith.subf %sub3A_111, %sub3A_112 : vector<256x256xf32>
    %mul3A_114 = vector.broadcast %slice3A_88 : vector<256x1xf32> to vector<256x256xf32>
    %mul3A_115 = vector.broadcast %slice3A_99 : vector<1x256xf32> to vector<256x256xf32>
    %mul3A_116 = arith.mulf %mul3A_114, %mul3A_115 : vector<256x256xf32>
    %mul3A_117 = vector.broadcast %slice3A_89 : vector<256x1xf32> to vector<256x256xf32>
    %mul3A_118 = vector.broadcast %slice3A_100 : vector<1x256xf32> to vector<256x256xf32>
    %mul3A_119 = arith.mulf %mul3A_117, %mul3A_118 : vector<256x256xf32>
    %add3A_120 = arith.addf %mul3A_116, %mul3A_119 : vector<256x256xf32>
    %mul3A_121 = vector.broadcast %slice3A_88 : vector<256x1xf32> to vector<256x256xf32>
    %mul3A_122 = arith.mulf %mul3A_121, %sub3A_110 : vector<256x256xf32>
    %mul3A_123 = vector.broadcast %slice3A_89 : vector<256x1xf32> to vector<256x256xf32>
    %mul3A_124 = arith.mulf %mul3A_123, %sub3A_113 : vector<256x256xf32>
    %add3A_125 = arith.addf %mul3A_122, %mul3A_124 : vector<256x256xf32>
    %mul3A_126 = vector.broadcast %slice3A_99 : vector<1x256xf32> to vector<256x256xf32>
    %mul3A_127 = arith.mulf %mul3A_126, %sub3A_110 : vector<256x256xf32>
    %mul3A_128 = vector.broadcast %slice3A_100 : vector<1x256xf32> to vector<256x256xf32>
    %mul3A_129 = arith.mulf %mul3A_128, %sub3A_113 : vector<256x256xf32>
    %add3A_130 = arith.addf %mul3A_127, %mul3A_129 : vector<256x256xf32>
    %mul3A_131 = vector.broadcast %slice3A_92 : vector<256x1xf32> to vector<256x256xf32>
    %mul3A_132 = vector.broadcast %slice3A_103 : vector<1x256xf32> to vector<256x256xf32>
    %mul3A_133 = arith.mulf %mul3A_131, %mul3A_132 : vector<256x256xf32>
    %mul3A_134 = arith.mulf %add3A_120, %add3A_120 : vector<256x256xf32>
    %sub3A_135 = arith.subf %mul3A_133, %mul3A_134 : vector<256x256xf32>
    %max3A_136 = arith.constant 9.99999996E-13 : f32
    %max3A_137 = vector.broadcast %max3A_136 : f32 to vector<256x256xf32>
    %max3A_138 = arith.maximumf %sub3A_135, %max3A_137 : vector<256x256xf32>
    %div3A_139 = arith.constant 1.000000e+00 : f32
    %div3A_140 = vector.broadcast %div3A_139 : f32 to vector<256x256xf32>
    %div3A_141 = arith.divf %div3A_140, %max3A_138 : vector<256x256xf32>
    %mul3A_142 = arith.mulf %add3A_120, %add3A_130 : vector<256x256xf32>
    %mul3A_143 = vector.broadcast %slice3A_103 : vector<1x256xf32> to vector<256x256xf32>
    %mul3A_144 = arith.mulf %add3A_125, %mul3A_143 : vector<256x256xf32>
    %sub3A_145 = arith.subf %mul3A_142, %mul3A_144 : vector<256x256xf32>
    %mul3A_146 = arith.mulf %sub3A_145, %div3A_141 : vector<256x256xf32>
    %jit3A = arith.constant 0.000000e+00 : f32
    %jit3A_147 = arith.constant 1.000000e+00 : f32
    %max3A_148 = vector.broadcast %jit3A : f32 to vector<256x256xf32>
    %max3A_149 = arith.maximumf %max3A_148, %mul3A_146 : vector<256x256xf32>
    %min3A = vector.broadcast %jit3A_147 : f32 to vector<256x256xf32>
    %min3A_150 = arith.minimumf %min3A, %max3A_149 : vector<256x256xf32>
    %mul3A_151 = arith.mulf %add3A_120, %min3A_150 : vector<256x256xf32>
    %add3A_152 = arith.addf %mul3A_151, %add3A_130 : vector<256x256xf32>
    %mul3A_153 = vector.broadcast %slice3A_104 : vector<1x256xf32> to vector<256x256xf32>
    %mul3A_154 = arith.mulf %add3A_152, %mul3A_153 : vector<256x256xf32>
    %jit3A_155 = arith.constant 0.000000e+00 : f32
    %jit3A_156 = arith.constant 1.000000e+00 : f32
    %max3A_157 = vector.broadcast %jit3A_155 : f32 to vector<256x256xf32>
    %max3A_158 = arith.maximumf %max3A_157, %mul3A_154 : vector<256x256xf32>
    %min3A_159 = vector.broadcast %jit3A_156 : f32 to vector<256x256xf32>
    %min3A_160 = arith.minimumf %min3A_159, %max3A_158 : vector<256x256xf32>
    %mul3A_161 = arith.mulf %add3A_120, %min3A_160 : vector<256x256xf32>
    %sub3A_162 = arith.subf %mul3A_161, %add3A_125 : vector<256x256xf32>
    %mul3A_163 = vector.broadcast %slice3A_93 : vector<256x1xf32> to vector<256x256xf32>
    %mul3A_164 = arith.mulf %sub3A_162, %mul3A_163 : vector<256x256xf32>
    %jit3A_165 = arith.constant 0.000000e+00 : f32
    %jit3A_166 = arith.constant 1.000000e+00 : f32
    %max3A_167 = vector.broadcast %jit3A_165 : f32 to vector<256x256xf32>
    %max3A_168 = arith.maximumf %max3A_167, %mul3A_164 : vector<256x256xf32>
    %min3A_169 = vector.broadcast %jit3A_166 : f32 to vector<256x256xf32>
    %min3A_170 = arith.minimumf %min3A_169, %max3A_168 : vector<256x256xf32>
    %mul3A_171 = vector.broadcast %slice3A_88 : vector<256x1xf32> to vector<256x256xf32>
    %mul3A_172 = arith.mulf %min3A_170, %mul3A_171 : vector<256x256xf32>
    %add3A_173 = arith.addf %sub3A_110, %mul3A_172 : vector<256x256xf32>
    %mul3A_174 = vector.broadcast %slice3A_99 : vector<1x256xf32> to vector<256x256xf32>
    %mul3A_175 = arith.mulf %min3A_160, %mul3A_174 : vector<256x256xf32>
    %sub3A_176 = arith.subf %add3A_173, %mul3A_175 : vector<256x256xf32>
    %mul3A_177 = vector.broadcast %slice3A_89 : vector<256x1xf32> to vector<256x256xf32>
    %mul3A_178 = arith.mulf %min3A_170, %mul3A_177 : vector<256x256xf32>
    %add3A_179 = arith.addf %sub3A_113, %mul3A_178 : vector<256x256xf32>
    %mul3A_180 = vector.broadcast %slice3A_100 : vector<1x256xf32> to vector<256x256xf32>
    %mul3A_181 = arith.mulf %min3A_160, %mul3A_180 : vector<256x256xf32>
    %sub3A_182 = arith.subf %add3A_179, %mul3A_181 : vector<256x256xf32>
    %mul3A_183 = arith.mulf %sub3A_176, %sub3A_176 : vector<256x256xf32>
    %mul3A_184 = arith.mulf %sub3A_182, %sub3A_182 : vector<256x256xf32>
    %add3A_185 = arith.addf %mul3A_183, %mul3A_184 : vector<256x256xf32>
    %max3A_186 = arith.constant 1.000000e-24 : f32
    %max3A_187 = vector.broadcast %max3A_186 : f32 to vector<256x256xf32>
    %max3A_188 = arith.maximumf %add3A_185, %max3A_187 : vector<256x256xf32>
    %sqrt3A_189 = math.sqrt %max3A_188 : vector<256x256xf32>
    %sub3A_190 = vector.broadcast %slice3A_90 : vector<256x1xf32> to vector<256x256xf32>
    %sub3A_191 = vector.broadcast %slice3A_101 : vector<1x256xf32> to vector<256x256xf32>
    %sub3A_192 = arith.subf %sub3A_190, %sub3A_191 : vector<256x256xf32>
    %sub3A_193 = vector.broadcast %slice3A_91 : vector<256x1xf32> to vector<256x256xf32>
    %sub3A_194 = vector.broadcast %slice3A_102 : vector<1x256xf32> to vector<256x256xf32>
    %sub3A_195 = arith.subf %sub3A_193, %sub3A_194 : vector<256x256xf32>
    %add3A_196 = vector.broadcast %slice3A_94 : vector<256x1xf32> to vector<256x256xf32>
    %add3A_197 = vector.broadcast %slice3A_105 : vector<1x256xf32> to vector<256x256xf32>
    %add3A_198 = arith.addf %add3A_196, %add3A_197 : vector<256x256xf32>
    %mul3A_199 = arith.mulf %sub3A_192, %sub3A_192 : vector<256x256xf32>
    %mul3A_200 = arith.mulf %sub3A_195, %sub3A_195 : vector<256x256xf32>
    %add3A_201 = arith.addf %mul3A_199, %mul3A_200 : vector<256x256xf32>
    %mul3A_202 = arith.mulf %add3A_198, %add3A_198 : vector<256x256xf32>
    %lt3A = arith.cmpf olt, %add3A_201, %mul3A_202 : vector<256x256xf32>
    %eq3A = vector.broadcast %slice3A_95 : vector<256x1xi32> to vector<256x256xi32>
    %eq3A_203 = vector.broadcast %slice3A_106 : vector<1x256xi32> to vector<256x256xi32>
    %eq3A_204 = arith.cmpi eq, %eq3A, %eq3A_203 : vector<256x256xi32>
    %eq3A_205 = vector.broadcast %slice3A_95 : vector<256x1xi32> to vector<256x256xi32>
    %eq3A_206 = vector.broadcast %slice3A_107 : vector<1x256xi32> to vector<256x256xi32>
    %eq3A_207 = arith.cmpi eq, %eq3A_205, %eq3A_206 : vector<256x256xi32>
    %or3A = arith.ori %eq3A_204, %eq3A_207 : vector<256x256xi1>
    %eq3A_208 = vector.broadcast %slice3A_96 : vector<256x1xi32> to vector<256x256xi32>
    %eq3A_209 = vector.broadcast %slice3A_106 : vector<1x256xi32> to vector<256x256xi32>
    %eq3A_210 = arith.cmpi eq, %eq3A_208, %eq3A_209 : vector<256x256xi32>
    %or3A_211 = arith.ori %or3A, %eq3A_210 : vector<256x256xi1>
    %eq3A_212 = vector.broadcast %slice3A_96 : vector<256x1xi32> to vector<256x256xi32>
    %eq3A_213 = vector.broadcast %slice3A_107 : vector<1x256xi32> to vector<256x256xi32>
    %eq3A_214 = arith.cmpi eq, %eq3A_212, %eq3A_213 : vector<256x256xi32>
    %or3A_215 = arith.ori %or3A_211, %eq3A_214 : vector<256x256xi1>
    %not3A = arith.constant dense<true> : vector<256x256xi1>
    %not3A_216 = arith.xori %or3A_215, %not3A : vector<256x256xi1>
    %and3A = arith.andi %lt3A, %not3A_216 : vector<256x256xi1>
    %iota3A = tpu.iota {dimensions = array<i32: 0>} : vector<256x256xi32>
    %iota3A_217 = tpu.iota {dimensions = array<i32: 1>} : vector<256x256xi32>
    %gt3A = arith.cmpi sgt, %iota3A_217, %iota3A : vector<256x256xi32>
    %and3A_218 = arith.andi %and3A, %gt3A : vector<256x256xi1>
    %sub3A_219 = arith.constant 1.000000e-03 : f32
    %sub3A_220 = vector.broadcast %sub3A_219 : f32 to vector<256x256xf32>
    %sub3A_221 = arith.subf %sub3A_220, %sqrt3A_189 : vector<256x256xf32>
    %max3A_222 = arith.constant 0.000000e+00 : f32
    %max3A_223 = vector.broadcast %max3A_222 : f32 to vector<256x256xf32>
    %max3A_224 = arith.maximumf %sub3A_221, %max3A_223 : vector<256x256xf32>
    %jit3A_225 = arith.constant 0.000000e+00 : f32
    %broadcast_in_dim3A = vector.broadcast %jit3A_225 : f32 to vector<256x256xf32>
    %select_n3A = arith.select %and3A_218, %max3A_224, %broadcast_in_dim3A : vector<256x256xi1>, vector<256x256xf32>
    %reduce_sum3A = vector.shape_cast %select_n3A : vector<256x256xf32> to vector<1x256x256xf32>
    %reduce_sum3A_226 = arith.constant dense<0.000000e+00> : vector<1xf32>
    %reduce_sum3A_227 = vector.multi_reduction <add>, %reduce_sum3A, %reduce_sum3A_226 [1, 2] : vector<1x256x256xf32> to vector<1xf32>
    %reduce_sum3A_228 = vector.shape_cast %reduce_sum3A_227 : vector<1xf32> to vector<1x1x1xf32>
    %reduce_sum3A_229 = vector.extract %reduce_sum3A_228[0, 0, 0] : f32 from vector<1x1x1xf32>
    %add3A_230 = arith.constant 0.000000e+00 : f32
    %add3A_231 = arith.addf %add3A_230, %reduce_sum3A_229 : f32
    %convert_element_type3A = arith.extui %and3A_218 : vector<256x256xi1> to vector<256x256xi32>
    %convert_element_type3A_232 = arith.sitofp %convert_element_type3A : vector<256x256xi32> to vector<256x256xf32>
    %reduce_sum3A_233 = vector.shape_cast %convert_element_type3A_232 : vector<256x256xf32> to vector<1x256x256xf32>
    %reduce_sum3A_234 = arith.constant dense<0.000000e+00> : vector<1xf32>
    %reduce_sum3A_235 = vector.multi_reduction <add>, %reduce_sum3A_233, %reduce_sum3A_234 [1, 2] : vector<1x256x256xf32> to vector<1xf32>
    %reduce_sum3A_236 = vector.shape_cast %reduce_sum3A_235 : vector<1xf32> to vector<1x1x1xf32>
    %reduce_sum3A_237 = vector.extract %reduce_sum3A_236[0, 0, 0] : f32 from vector<1x1x1xf32>
    %add3A_238 = arith.constant 0.000000e+00 : f32
    %add3A_239 = arith.addf %add3A_238, %reduce_sum3A_237 : f32
    %slice3A_240 = vector.extract_strided_slice %get3A_13 {offsets = [0, 256], sizes = [1, 256], strides = [1, 1]} : vector<1x2048xf32> to vector<1x256xf32>
    %slice3A_241 = vector.extract_strided_slice %get3A_16 {offsets = [0, 256], sizes = [1, 256], strides = [1, 1]} : vector<1x2048xf32> to vector<1x256xf32>
    %slice3A_242 = vector.extract_strided_slice %sub3A_58 {offsets = [0, 256], sizes = [1, 256], strides = [1, 1]} : vector<1x2048xf32> to vector<1x256xf32>
    %slice3A_243 = vector.extract_strided_slice %sub3A_59 {offsets = [0, 256], sizes = [1, 256], strides = [1, 1]} : vector<1x2048xf32> to vector<1x256xf32>
    %slice3A_244 = vector.extract_strided_slice %mul3A_63 {offsets = [0, 256], sizes = [1, 256], strides = [1, 1]} : vector<1x2048xf32> to vector<1x256xf32>
    %slice3A_245 = vector.extract_strided_slice %mul3A_67 {offsets = [0, 256], sizes = [1, 256], strides = [1, 1]} : vector<1x2048xf32> to vector<1x256xf32>
    %slice3A_246 = vector.extract_strided_slice %max3A_73 {offsets = [0, 256], sizes = [1, 256], strides = [1, 1]} : vector<1x2048xf32> to vector<1x256xf32>
    %slice3A_247 = vector.extract_strided_slice %div3A_76 {offsets = [0, 256], sizes = [1, 256], strides = [1, 1]} : vector<1x2048xf32> to vector<1x256xf32>
    %slice3A_248 = vector.extract_strided_slice %add3A_86 {offsets = [0, 256], sizes = [1, 256], strides = [1, 1]} : vector<1x2048xf32> to vector<1x256xf32>
    %slice3A_249 = vector.extract_strided_slice %get3A_31 {offsets = [0, 256], sizes = [1, 256], strides = [1, 1]} : vector<1x2048xi32> to vector<1x256xi32>
    %slice3A_250 = vector.extract_strided_slice %get3A_34 {offsets = [0, 256], sizes = [1, 256], strides = [1, 1]} : vector<1x2048xi32> to vector<1x256xi32>
    %sub3A_251 = vector.broadcast %slice3A : vector<256x1xf32> to vector<256x256xf32>
    %sub3A_252 = vector.broadcast %slice3A_240 : vector<1x256xf32> to vector<256x256xf32>
    %sub3A_253 = arith.subf %sub3A_251, %sub3A_252 : vector<256x256xf32>
    %sub3A_254 = vector.broadcast %slice3A_87 : vector<256x1xf32> to vector<256x256xf32>
    %sub3A_255 = vector.broadcast %slice3A_241 : vector<1x256xf32> to vector<256x256xf32>
    %sub3A_256 = arith.subf %sub3A_254, %sub3A_255 : vector<256x256xf32>
    %mul3A_257 = vector.broadcast %slice3A_88 : vector<256x1xf32> to vector<256x256xf32>
    %mul3A_258 = vector.broadcast %slice3A_242 : vector<1x256xf32> to vector<256x256xf32>
    %mul3A_259 = arith.mulf %mul3A_257, %mul3A_258 : vector<256x256xf32>
    %mul3A_260 = vector.broadcast %slice3A_89 : vector<256x1xf32> to vector<256x256xf32>
    %mul3A_261 = vector.broadcast %slice3A_243 : vector<1x256xf32> to vector<256x256xf32>
    %mul3A_262 = arith.mulf %mul3A_260, %mul3A_261 : vector<256x256xf32>
    %add3A_263 = arith.addf %mul3A_259, %mul3A_262 : vector<256x256xf32>
    %mul3A_264 = vector.broadcast %slice3A_88 : vector<256x1xf32> to vector<256x256xf32>
    %mul3A_265 = arith.mulf %mul3A_264, %sub3A_253 : vector<256x256xf32>
    %mul3A_266 = vector.broadcast %slice3A_89 : vector<256x1xf32> to vector<256x256xf32>
    %mul3A_267 = arith.mulf %mul3A_266, %sub3A_256 : vector<256x256xf32>
    %add3A_268 = arith.addf %mul3A_265, %mul3A_267 : vector<256x256xf32>
    %mul3A_269 = vector.broadcast %slice3A_242 : vector<1x256xf32> to vector<256x256xf32>
    %mul3A_270 = arith.mulf %mul3A_269, %sub3A_253 : vector<256x256xf32>
    %mul3A_271 = vector.broadcast %slice3A_243 : vector<1x256xf32> to vector<256x256xf32>
    %mul3A_272 = arith.mulf %mul3A_271, %sub3A_256 : vector<256x256xf32>
    %add3A_273 = arith.addf %mul3A_270, %mul3A_272 : vector<256x256xf32>
    %mul3A_274 = vector.broadcast %slice3A_92 : vector<256x1xf32> to vector<256x256xf32>
    %mul3A_275 = vector.broadcast %slice3A_246 : vector<1x256xf32> to vector<256x256xf32>
    %mul3A_276 = arith.mulf %mul3A_274, %mul3A_275 : vector<256x256xf32>
    %mul3A_277 = arith.mulf %add3A_263, %add3A_263 : vector<256x256xf32>
    %sub3A_278 = arith.subf %mul3A_276, %mul3A_277 : vector<256x256xf32>
    %max3A_279 = arith.constant 9.99999996E-13 : f32
    %max3A_280 = vector.broadcast %max3A_279 : f32 to vector<256x256xf32>
    %max3A_281 = arith.maximumf %sub3A_278, %max3A_280 : vector<256x256xf32>
    %div3A_282 = arith.constant 1.000000e+00 : f32
    %div3A_283 = vector.broadcast %div3A_282 : f32 to vector<256x256xf32>
    %div3A_284 = arith.divf %div3A_283, %max3A_281 : vector<256x256xf32>
    %mul3A_285 = arith.mulf %add3A_263, %add3A_273 : vector<256x256xf32>
    %mul3A_286 = vector.broadcast %slice3A_246 : vector<1x256xf32> to vector<256x256xf32>
    %mul3A_287 = arith.mulf %add3A_268, %mul3A_286 : vector<256x256xf32>
    %sub3A_288 = arith.subf %mul3A_285, %mul3A_287 : vector<256x256xf32>
    %mul3A_289 = arith.mulf %sub3A_288, %div3A_284 : vector<256x256xf32>
    %jit3A_290 = arith.constant 0.000000e+00 : f32
    %jit3A_291 = arith.constant 1.000000e+00 : f32
    %max3A_292 = vector.broadcast %jit3A_290 : f32 to vector<256x256xf32>
    %max3A_293 = arith.maximumf %max3A_292, %mul3A_289 : vector<256x256xf32>
    %min3A_294 = vector.broadcast %jit3A_291 : f32 to vector<256x256xf32>
    %min3A_295 = arith.minimumf %min3A_294, %max3A_293 : vector<256x256xf32>
    %mul3A_296 = arith.mulf %add3A_263, %min3A_295 : vector<256x256xf32>
    %add3A_297 = arith.addf %mul3A_296, %add3A_273 : vector<256x256xf32>
    %mul3A_298 = vector.broadcast %slice3A_247 : vector<1x256xf32> to vector<256x256xf32>
    %mul3A_299 = arith.mulf %add3A_297, %mul3A_298 : vector<256x256xf32>
    %jit3A_300 = arith.constant 0.000000e+00 : f32
    %jit3A_301 = arith.constant 1.000000e+00 : f32
    %max3A_302 = vector.broadcast %jit3A_300 : f32 to vector<256x256xf32>
    %max3A_303 = arith.maximumf %max3A_302, %mul3A_299 : vector<256x256xf32>
    %min3A_304 = vector.broadcast %jit3A_301 : f32 to vector<256x256xf32>
    %min3A_305 = arith.minimumf %min3A_304, %max3A_303 : vector<256x256xf32>
    %mul3A_306 = arith.mulf %add3A_263, %min3A_305 : vector<256x256xf32>
    %sub3A_307 = arith.subf %mul3A_306, %add3A_268 : vector<256x256xf32>
    %mul3A_308 = vector.broadcast %slice3A_93 : vector<256x1xf32> to vector<256x256xf32>
    %mul3A_309 = arith.mulf %sub3A_307, %mul3A_308 : vector<256x256xf32>
    %jit3A_310 = arith.constant 0.000000e+00 : f32
    %jit3A_311 = arith.constant 1.000000e+00 : f32
    %max3A_312 = vector.broadcast %jit3A_310 : f32 to vector<256x256xf32>
    %max3A_313 = arith.maximumf %max3A_312, %mul3A_309 : vector<256x256xf32>
    %min3A_314 = vector.broadcast %jit3A_311 : f32 to vector<256x256xf32>
    %min3A_315 = arith.minimumf %min3A_314, %max3A_313 : vector<256x256xf32>
    %mul3A_316 = vector.broadcast %slice3A_88 : vector<256x1xf32> to vector<256x256xf32>
    %mul3A_317 = arith.mulf %min3A_315, %mul3A_316 : vector<256x256xf32>
    %add3A_318 = arith.addf %sub3A_253, %mul3A_317 : vector<256x256xf32>
    %mul3A_319 = vector.broadcast %slice3A_242 : vector<1x256xf32> to vector<256x256xf32>
    %mul3A_320 = arith.mulf %min3A_305, %mul3A_319 : vector<256x256xf32>
    %sub3A_321 = arith.subf %add3A_318, %mul3A_320 : vector<256x256xf32>
    %mul3A_322 = vector.broadcast %slice3A_89 : vector<256x1xf32> to vector<256x256xf32>
    %mul3A_323 = arith.mulf %min3A_315, %mul3A_322 : vector<256x256xf32>
    %add3A_324 = arith.addf %sub3A_256, %mul3A_323 : vector<256x256xf32>
    %mul3A_325 = vector.broadcast %slice3A_243 : vector<1x256xf32> to vector<256x256xf32>
    %mul3A_326 = arith.mulf %min3A_305, %mul3A_325 : vector<256x256xf32>
    %sub3A_327 = arith.subf %add3A_324, %mul3A_326 : vector<256x256xf32>
    %mul3A_328 = arith.mulf %sub3A_321, %sub3A_321 : vector<256x256xf32>
    %mul3A_329 = arith.mulf %sub3A_327, %sub3A_327 : vector<256x256xf32>
    %add3A_330 = arith.addf %mul3A_328, %mul3A_329 : vector<256x256xf32>
    %max3A_331 = arith.constant 1.000000e-24 : f32
    %max3A_332 = vector.broadcast %max3A_331 : f32 to vector<256x256xf32>
    %max3A_333 = arith.maximumf %add3A_330, %max3A_332 : vector<256x256xf32>
    %sqrt3A_334 = math.sqrt %max3A_333 : vector<256x256xf32>
    %sub3A_335 = vector.broadcast %slice3A_90 : vector<256x1xf32> to vector<256x256xf32>
    %sub3A_336 = vector.broadcast %slice3A_244 : vector<1x256xf32> to vector<256x256xf32>
    %sub3A_337 = arith.subf %sub3A_335, %sub3A_336 : vector<256x256xf32>
    %sub3A_338 = vector.broadcast %slice3A_91 : vector<256x1xf32> to vector<256x256xf32>
    %sub3A_339 = vector.broadcast %slice3A_245 : vector<1x256xf32> to vector<256x256xf32>
    %sub3A_340 = arith.subf %sub3A_338, %sub3A_339 : vector<256x256xf32>
    %add3A_341 = vector.broadcast %slice3A_94 : vector<256x1xf32> to vector<256x256xf32>
    %add3A_342 = vector.broadcast %slice3A_248 : vector<1x256xf32> to vector<256x256xf32>
    %add3A_343 = arith.addf %add3A_341, %add3A_342 : vector<256x256xf32>
    %mul3A_344 = arith.mulf %sub3A_337, %sub3A_337 : vector<256x256xf32>
    %mul3A_345 = arith.mulf %sub3A_340, %sub3A_340 : vector<256x256xf32>
    %add3A_346 = arith.addf %mul3A_344, %mul3A_345 : vector<256x256xf32>
    %mul3A_347 = arith.mulf %add3A_343, %add3A_343 : vector<256x256xf32>
    %lt3A_348 = arith.cmpf olt, %add3A_346, %mul3A_347 : vector<256x256xf32>
    %eq3A_349 = vector.broadcast %slice3A_95 : vector<256x1xi32> to vector<256x256xi32>
    %eq3A_350 = vector.broadcast %slice3A_249 : vector<1x256xi32> to vector<256x256xi32>
    %eq3A_351 = arith.cmpi eq, %eq3A_349, %eq3A_350 : vector<256x256xi32>
    %eq3A_352 = vector.broadcast %slice3A_95 : vector<256x1xi32> to vector<256x256xi32>
    %eq3A_353 = vector.broadcast %slice3A_250 : vector<1x256xi32> to vector<256x256xi32>
    %eq3A_354 = arith.cmpi eq, %eq3A_352, %eq3A_353 : vector<256x256xi32>
    %or3A_355 = arith.ori %eq3A_351, %eq3A_354 : vector<256x256xi1>
    %eq3A_356 = vector.broadcast %slice3A_96 : vector<256x1xi32> to vector<256x256xi32>
    %eq3A_357 = vector.broadcast %slice3A_249 : vector<1x256xi32> to vector<256x256xi32>
    %eq3A_358 = arith.cmpi eq, %eq3A_356, %eq3A_357 : vector<256x256xi32>
    %or3A_359 = arith.ori %or3A_355, %eq3A_358 : vector<256x256xi1>
    %eq3A_360 = vector.broadcast %slice3A_96 : vector<256x1xi32> to vector<256x256xi32>
    %eq3A_361 = vector.broadcast %slice3A_250 : vector<1x256xi32> to vector<256x256xi32>
    %eq3A_362 = arith.cmpi eq, %eq3A_360, %eq3A_361 : vector<256x256xi32>
    %or3A_363 = arith.ori %or3A_359, %eq3A_362 : vector<256x256xi1>
    %not3A_364 = arith.constant dense<true> : vector<256x256xi1>
    %not3A_365 = arith.xori %or3A_363, %not3A_364 : vector<256x256xi1>
    %and3A_366 = arith.andi %lt3A_348, %not3A_365 : vector<256x256xi1>
    %sub3A_367 = arith.constant 1.000000e-03 : f32
    %sub3A_368 = vector.broadcast %sub3A_367 : f32 to vector<256x256xf32>
    %sub3A_369 = arith.subf %sub3A_368, %sqrt3A_334 : vector<256x256xf32>
    %max3A_370 = arith.constant 0.000000e+00 : f32
    %max3A_371 = vector.broadcast %max3A_370 : f32 to vector<256x256xf32>
    %max3A_372 = arith.maximumf %sub3A_369, %max3A_371 : vector<256x256xf32>
    %jit3A_373 = arith.constant 0.000000e+00 : f32
    %broadcast_in_dim3A_374 = vector.broadcast %jit3A_373 : f32 to vector<256x256xf32>
    %select_n3A_375 = arith.select %and3A_366, %max3A_372, %broadcast_in_dim3A_374 : vector<256x256xi1>, vector<256x256xf32>
    %reduce_sum3A_376 = vector.shape_cast %select_n3A_375 : vector<256x256xf32> to vector<1x256x256xf32>
    %reduce_sum3A_377 = arith.constant dense<0.000000e+00> : vector<1xf32>
    %reduce_sum3A_378 = vector.multi_reduction <add>, %reduce_sum3A_376, %reduce_sum3A_377 [1, 2] : vector<1x256x256xf32> to vector<1xf32>
    %reduce_sum3A_379 = vector.shape_cast %reduce_sum3A_378 : vector<1xf32> to vector<1x1x1xf32>
    %reduce_sum3A_380 = vector.extract %reduce_sum3A_379[0, 0, 0] : f32 from vector<1x1x1xf32>
    %add3A_381 = arith.addf %add3A_231, %reduce_sum3A_380 : f32
    %convert_element_type3A_382 = arith.extui %and3A_366 : vector<256x256xi1> to vector<256x256xi32>
    %convert_element_type3A_383 = arith.sitofp %convert_element_type3A_382 : vector<256x256xi32> to vector<256x256xf32>
    %reduce_sum3A_384 = vector.shape_cast %convert_element_type3A_383 : vector<256x256xf32> to vector<1x256x256xf32>
    %reduce_sum3A_385 = arith.constant dense<0.000000e+00> : vector<1xf32>
    %reduce_sum3A_386 = vector.multi_reduction <add>, %reduce_sum3A_384, %reduce_sum3A_385 [1, 2] : vector<1x256x256xf32> to vector<1xf32>
    %reduce_sum3A_387 = vector.shape_cast %reduce_sum3A_386 : vector<1xf32> to vector<1x1x1xf32>
    %reduce_sum3A_388 = vector.extract %reduce_sum3A_387[0, 0, 0] : f32 from vector<1x1x1xf32>
    %add3A_389 = arith.addf %add3A_239, %reduce_sum3A_388 : f32
    %slice3A_390 = vector.extract_strided_slice %get3A_13 {offsets = [0, 512], sizes = [1, 256], strides = [1, 1]} : vector<1x2048xf32> to vector<1x256xf32>
    %slice3A_391 = vector.extract_strided_slice %get3A_16 {offsets = [0, 512], sizes = [1, 256], strides = [1, 1]} : vector<1x2048xf32> to vector<1x256xf32>
    %slice3A_392 = vector.extract_strided_slice %sub3A_58 {offsets = [0, 512], sizes = [1, 256], strides = [1, 1]} : vector<1x2048xf32> to vector<1x256xf32>
    %slice3A_393 = vector.extract_strided_slice %sub3A_59 {offsets = [0, 512], sizes = [1, 256], strides = [1, 1]} : vector<1x2048xf32> to vector<1x256xf32>
    %slice3A_394 = vector.extract_strided_slice %mul3A_63 {offsets = [0, 512], sizes = [1, 256], strides = [1, 1]} : vector<1x2048xf32> to vector<1x256xf32>
    %slice3A_395 = vector.extract_strided_slice %mul3A_67 {offsets = [0, 512], sizes = [1, 256], strides = [1, 1]} : vector<1x2048xf32> to vector<1x256xf32>
    %slice3A_396 = vector.extract_strided_slice %max3A_73 {offsets = [0, 512], sizes = [1, 256], strides = [1, 1]} : vector<1x2048xf32> to vector<1x256xf32>
    %slice3A_397 = vector.extract_strided_slice %div3A_76 {offsets = [0, 512], sizes = [1, 256], strides = [1, 1]} : vector<1x2048xf32> to vector<1x256xf32>
    %slice3A_398 = vector.extract_strided_slice %add3A_86 {offsets = [0, 512], sizes = [1, 256], strides = [1, 1]} : vector<1x2048xf32> to vector<1x256xf32>
    %slice3A_399 = vector.extract_strided_slice %get3A_31 {offsets = [0, 512], sizes = [1, 256], strides = [1, 1]} : vector<1x2048xi32> to vector<1x256xi32>
    %slice3A_400 = vector.extract_strided_slice %get3A_34 {offsets = [0, 512], sizes = [1, 256], strides = [1, 1]} : vector<1x2048xi32> to vector<1x256xi32>
    %sub3A_401 = vector.broadcast %slice3A : vector<256x1xf32> to vector<256x256xf32>
    %sub3A_402 = vector.broadcast %slice3A_390 : vector<1x256xf32> to vector<256x256xf32>
    %sub3A_403 = arith.subf %sub3A_401, %sub3A_402 : vector<256x256xf32>
    %sub3A_404 = vector.broadcast %slice3A_87 : vector<256x1xf32> to vector<256x256xf32>
    %sub3A_405 = vector.broadcast %slice3A_391 : vector<1x256xf32> to vector<256x256xf32>
    %sub3A_406 = arith.subf %sub3A_404, %sub3A_405 : vector<256x256xf32>
    %mul3A_407 = vector.broadcast %slice3A_88 : vector<256x1xf32> to vector<256x256xf32>
    %mul3A_408 = vector.broadcast %slice3A_392 : vector<1x256xf32> to vector<256x256xf32>
    %mul3A_409 = arith.mulf %mul3A_407, %mul3A_408 : vector<256x256xf32>
    %mul3A_410 = vector.broadcast %slice3A_89 : vector<256x1xf32> to vector<256x256xf32>
    %mul3A_411 = vector.broadcast %slice3A_393 : vector<1x256xf32> to vector<256x256xf32>
    %mul3A_412 = arith.mulf %mul3A_410, %mul3A_411 : vector<256x256xf32>
    %add3A_413 = arith.addf %mul3A_409, %mul3A_412 : vector<256x256xf32>
    %mul3A_414 = vector.broadcast %slice3A_88 : vector<256x1xf32> to vector<256x256xf32>
    %mul3A_415 = arith.mulf %mul3A_414, %sub3A_403 : vector<256x256xf32>
    %mul3A_416 = vector.broadcast %slice3A_89 : vector<256x1xf32> to vector<256x256xf32>
    %mul3A_417 = arith.mulf %mul3A_416, %sub3A_406 : vector<256x256xf32>
    %add3A_418 = arith.addf %mul3A_415, %mul3A_417 : vector<256x256xf32>
    %mul3A_419 = vector.broadcast %slice3A_392 : vector<1x256xf32> to vector<256x256xf32>
    %mul3A_420 = arith.mulf %mul3A_419, %sub3A_403 : vector<256x256xf32>
    %mul3A_421 = vector.broadcast %slice3A_393 : vector<1x256xf32> to vector<256x256xf32>
    %mul3A_422 = arith.mulf %mul3A_421, %sub3A_406 : vector<256x256xf32>
    %add3A_423 = arith.addf %mul3A_420, %mul3A_422 : vector<256x256xf32>
    %mul3A_424 = vector.broadcast %slice3A_92 : vector<256x1xf32> to vector<256x256xf32>
    %mul3A_425 = vector.broadcast %slice3A_396 : vector<1x256xf32> to vector<256x256xf32>
    %mul3A_426 = arith.mulf %mul3A_424, %mul3A_425 : vector<256x256xf32>
    %mul3A_427 = arith.mulf %add3A_413, %add3A_413 : vector<256x256xf32>
    %sub3A_428 = arith.subf %mul3A_426, %mul3A_427 : vector<256x256xf32>
    %max3A_429 = arith.constant 9.99999996E-13 : f32
    %max3A_430 = vector.broadcast %max3A_429 : f32 to vector<256x256xf32>
    %max3A_431 = arith.maximumf %sub3A_428, %max3A_430 : vector<256x256xf32>
    %div3A_432 = arith.constant 1.000000e+00 : f32
    %div3A_433 = vector.broadcast %div3A_432 : f32 to vector<256x256xf32>
    %div3A_434 = arith.divf %div3A_433, %max3A_431 : vector<256x256xf32>
    %mul3A_435 = arith.mulf %add3A_413, %add3A_423 : vector<256x256xf32>
    %mul3A_436 = vector.broadcast %slice3A_396 : vector<1x256xf32> to vector<256x256xf32>
    %mul3A_437 = arith.mulf %add3A_418, %mul3A_436 : vector<256x256xf32>
    %sub3A_438 = arith.subf %mul3A_435, %mul3A_437 : vector<256x256xf32>
    %mul3A_439 = arith.mulf %sub3A_438, %div3A_434 : vector<256x256xf32>
    %jit3A_440 = arith.constant 0.000000e+00 : f32
    %jit3A_441 = arith.constant 1.000000e+00 : f32
    %max3A_442 = vector.broadcast %jit3A_440 : f32 to vector<256x256xf32>
    %max3A_443 = arith.maximumf %max3A_442, %mul3A_439 : vector<256x256xf32>
    %min3A_444 = vector.broadcast %jit3A_441 : f32 to vector<256x256xf32>
    %min3A_445 = arith.minimumf %min3A_444, %max3A_443 : vector<256x256xf32>
    %mul3A_446 = arith.mulf %add3A_413, %min3A_445 : vector<256x256xf32>
    %add3A_447 = arith.addf %mul3A_446, %add3A_423 : vector<256x256xf32>
    %mul3A_448 = vector.broadcast %slice3A_397 : vector<1x256xf32> to vector<256x256xf32>
    %mul3A_449 = arith.mulf %add3A_447, %mul3A_448 : vector<256x256xf32>
    %jit3A_450 = arith.constant 0.000000e+00 : f32
    %jit3A_451 = arith.constant 1.000000e+00 : f32
    %max3A_452 = vector.broadcast %jit3A_450 : f32 to vector<256x256xf32>
    %max3A_453 = arith.maximumf %max3A_452, %mul3A_449 : vector<256x256xf32>
    %min3A_454 = vector.broadcast %jit3A_451 : f32 to vector<256x256xf32>
    %min3A_455 = arith.minimumf %min3A_454, %max3A_453 : vector<256x256xf32>
    %mul3A_456 = arith.mulf %add3A_413, %min3A_455 : vector<256x256xf32>
    %sub3A_457 = arith.subf %mul3A_456, %add3A_418 : vector<256x256xf32>
    %mul3A_458 = vector.broadcast %slice3A_93 : vector<256x1xf32> to vector<256x256xf32>
    %mul3A_459 = arith.mulf %sub3A_457, %mul3A_458 : vector<256x256xf32>
    %jit3A_460 = arith.constant 0.000000e+00 : f32
    %jit3A_461 = arith.constant 1.000000e+00 : f32
    %max3A_462 = vector.broadcast %jit3A_460 : f32 to vector<256x256xf32>
    %max3A_463 = arith.maximumf %max3A_462, %mul3A_459 : vector<256x256xf32>
    %min3A_464 = vector.broadcast %jit3A_461 : f32 to vector<256x256xf32>
    %min3A_465 = arith.minimumf %min3A_464, %max3A_463 : vector<256x256xf32>
    %mul3A_466 = vector.broadcast %slice3A_88 : vector<256x1xf32> to vector<256x256xf32>
    %mul3A_467 = arith.mulf %min3A_465, %mul3A_466 : vector<256x256xf32>
    %add3A_468 = arith.addf %sub3A_403, %mul3A_467 : vector<256x256xf32>
    %mul3A_469 = vector.broadcast %slice3A_392 : vector<1x256xf32> to vector<256x256xf32>
    %mul3A_470 = arith.mulf %min3A_455, %mul3A_469 : vector<256x256xf32>
    %sub3A_471 = arith.subf %add3A_468, %mul3A_470 : vector<256x256xf32>
    %mul3A_472 = vector.broadcast %slice3A_89 : vector<256x1xf32> to vector<256x256xf32>
    %mul3A_473 = arith.mulf %min3A_465, %mul3A_472 : vector<256x256xf32>
    %add3A_474 = arith.addf %sub3A_406, %mul3A_473 : vector<256x256xf32>
    %mul3A_475 = vector.broadcast %slice3A_393 : vector<1x256xf32> to vector<256x256xf32>
    %mul3A_476 = arith.mulf %min3A_455, %mul3A_475 : vector<256x256xf32>
    %sub3A_477 = arith.subf %add3A_474, %mul3A_476 : vector<256x256xf32>
    %mul3A_478 = arith.mulf %sub3A_471, %sub3A_471 : vector<256x256xf32>
    %mul3A_479 = arith.mulf %sub3A_477, %sub3A_477 : vector<256x256xf32>
    %add3A_480 = arith.addf %mul3A_478, %mul3A_479 : vector<256x256xf32>
    %max3A_481 = arith.constant 1.000000e-24 : f32
    %max3A_482 = vector.broadcast %max3A_481 : f32 to vector<256x256xf32>
    %max3A_483 = arith.maximumf %add3A_480, %max3A_482 : vector<256x256xf32>
    %sqrt3A_484 = math.sqrt %max3A_483 : vector<256x256xf32>
    %sub3A_485 = vector.broadcast %slice3A_90 : vector<256x1xf32> to vector<256x256xf32>
    %sub3A_486 = vector.broadcast %slice3A_394 : vector<1x256xf32> to vector<256x256xf32>
    %sub3A_487 = arith.subf %sub3A_485, %sub3A_486 : vector<256x256xf32>
    %sub3A_488 = vector.broadcast %slice3A_91 : vector<256x1xf32> to vector<256x256xf32>
    %sub3A_489 = vector.broadcast %slice3A_395 : vector<1x256xf32> to vector<256x256xf32>
    %sub3A_490 = arith.subf %sub3A_488, %sub3A_489 : vector<256x256xf32>
    %add3A_491 = vector.broadcast %slice3A_94 : vector<256x1xf32> to vector<256x256xf32>
    %add3A_492 = vector.broadcast %slice3A_398 : vector<1x256xf32> to vector<256x256xf32>
    %add3A_493 = arith.addf %add3A_491, %add3A_492 : vector<256x256xf32>
    %mul3A_494 = arith.mulf %sub3A_487, %sub3A_487 : vector<256x256xf32>
    %mul3A_495 = arith.mulf %sub3A_490, %sub3A_490 : vector<256x256xf32>
    %add3A_496 = arith.addf %mul3A_494, %mul3A_495 : vector<256x256xf32>
    %mul3A_497 = arith.mulf %add3A_493, %add3A_493 : vector<256x256xf32>
    %lt3A_498 = arith.cmpf olt, %add3A_496, %mul3A_497 : vector<256x256xf32>
    %eq3A_499 = vector.broadcast %slice3A_95 : vector<256x1xi32> to vector<256x256xi32>
    %eq3A_500 = vector.broadcast %slice3A_399 : vector<1x256xi32> to vector<256x256xi32>
    %eq3A_501 = arith.cmpi eq, %eq3A_499, %eq3A_500 : vector<256x256xi32>
    %eq3A_502 = vector.broadcast %slice3A_95 : vector<256x1xi32> to vector<256x256xi32>
    %eq3A_503 = vector.broadcast %slice3A_400 : vector<1x256xi32> to vector<256x256xi32>
    %eq3A_504 = arith.cmpi eq, %eq3A_502, %eq3A_503 : vector<256x256xi32>
    %or3A_505 = arith.ori %eq3A_501, %eq3A_504 : vector<256x256xi1>
    %eq3A_506 = vector.broadcast %slice3A_96 : vector<256x1xi32> to vector<256x256xi32>
    %eq3A_507 = vector.broadcast %slice3A_399 : vector<1x256xi32> to vector<256x256xi32>
    %eq3A_508 = arith.cmpi eq, %eq3A_506, %eq3A_507 : vector<256x256xi32>
    %or3A_509 = arith.ori %or3A_505, %eq3A_508 : vector<256x256xi1>
    %eq3A_510 = vector.broadcast %slice3A_96 : vector<256x1xi32> to vector<256x256xi32>
    %eq3A_511 = vector.broadcast %slice3A_400 : vector<1x256xi32> to vector<256x256xi32>
    %eq3A_512 = arith.cmpi eq, %eq3A_510, %eq3A_511 : vector<256x256xi32>
    %or3A_513 = arith.ori %or3A_509, %eq3A_512 : vector<256x256xi1>
    %not3A_514 = arith.constant dense<true> : vector<256x256xi1>
    %not3A_515 = arith.xori %or3A_513, %not3A_514 : vector<256x256xi1>
    %and3A_516 = arith.andi %lt3A_498, %not3A_515 : vector<256x256xi1>
    %sub3A_517 = arith.constant 1.000000e-03 : f32
    %sub3A_518 = vector.broadcast %sub3A_517 : f32 to vector<256x256xf32>
    %sub3A_519 = arith.subf %sub3A_518, %sqrt3A_484 : vector<256x256xf32>
    %max3A_520 = arith.constant 0.000000e+00 : f32
    %max3A_521 = vector.broadcast %max3A_520 : f32 to vector<256x256xf32>
    %max3A_522 = arith.maximumf %sub3A_519, %max3A_521 : vector<256x256xf32>
    %jit3A_523 = arith.constant 0.000000e+00 : f32
    %broadcast_in_dim3A_524 = vector.broadcast %jit3A_523 : f32 to vector<256x256xf32>
    %select_n3A_525 = arith.select %and3A_516, %max3A_522, %broadcast_in_dim3A_524 : vector<256x256xi1>, vector<256x256xf32>
    %reduce_sum3A_526 = vector.shape_cast %select_n3A_525 : vector<256x256xf32> to vector<1x256x256xf32>
    %reduce_sum3A_527 = arith.constant dense<0.000000e+00> : vector<1xf32>
    %reduce_sum3A_528 = vector.multi_reduction <add>, %reduce_sum3A_526, %reduce_sum3A_527 [1, 2] : vector<1x256x256xf32> to vector<1xf32>
    %reduce_sum3A_529 = vector.shape_cast %reduce_sum3A_528 : vector<1xf32> to vector<1x1x1xf32>
    %reduce_sum3A_530 = vector.extract %reduce_sum3A_529[0, 0, 0] : f32 from vector<1x1x1xf32>
    %add3A_531 = arith.addf %add3A_381, %reduce_sum3A_530 : f32
    %convert_element_type3A_532 = arith.extui %and3A_516 : vector<256x256xi1> to vector<256x256xi32>
    %convert_element_type3A_533 = arith.sitofp %convert_element_type3A_532 : vector<256x256xi32> to vector<256x256xf32>
    %reduce_sum3A_534 = vector.shape_cast %convert_element_type3A_533 : vector<256x256xf32> to vector<1x256x256xf32>
    %reduce_sum3A_535 = arith.constant dense<0.000000e+00> : vector<1xf32>
    %reduce_sum3A_536 = vector.multi_reduction <add>, %reduce_sum3A_534, %reduce_sum3A_535 [1, 2] : vector<1x256x256xf32> to vector<1xf32>
    %reduce_sum3A_537 = vector.shape_cast %reduce_sum3A_536 : vector<1xf32> to vector<1x1x1xf32>
    %reduce_sum3A_538 = vector.extract %reduce_sum3A_537[0, 0, 0] : f32 from vector<1x1x1xf32>
    %add3A_539 = arith.addf %add3A_389, %reduce_sum3A_538 : f32
    %slice3A_540 = vector.extract_strided_slice %get3A_13 {offsets = [0, 768], sizes = [1, 256], strides = [1, 1]} : vector<1x2048xf32> to vector<1x256xf32>
    %slice3A_541 = vector.extract_strided_slice %get3A_16 {offsets = [0, 768], sizes = [1, 256], strides = [1, 1]} : vector<1x2048xf32> to vector<1x256xf32>
    %slice3A_542 = vector.extract_strided_slice %sub3A_58 {offsets = [0, 768], sizes = [1, 256], strides = [1, 1]} : vector<1x2048xf32> to vector<1x256xf32>
    %slice3A_543 = vector.extract_strided_slice %sub3A_59 {offsets = [0, 768], sizes = [1, 256], strides = [1, 1]} : vector<1x2048xf32> to vector<1x256xf32>
    %slice3A_544 = vector.extract_strided_slice %mul3A_63 {offsets = [0, 768], sizes = [1, 256], strides = [1, 1]} : vector<1x2048xf32> to vector<1x256xf32>
    %slice3A_545 = vector.extract_strided_slice %mul3A_67 {offsets = [0, 768], sizes = [1, 256], strides = [1, 1]} : vector<1x2048xf32> to vector<1x256xf32>
    %slice3A_546 = vector.extract_strided_slice %max3A_73 {offsets = [0, 768], sizes = [1, 256], strides = [1, 1]} : vector<1x2048xf32> to vector<1x256xf32>
    %slice3A_547 = vector.extract_strided_slice %div3A_76 {offsets = [0, 768], sizes = [1, 256], strides = [1, 1]} : vector<1x2048xf32> to vector<1x256xf32>
    %slice3A_548 = vector.extract_strided_slice %add3A_86 {offsets = [0, 768], sizes = [1, 256], strides = [1, 1]} : vector<1x2048xf32> to vector<1x256xf32>
    %slice3A_549 = vector.extract_strided_slice %get3A_31 {offsets = [0, 768], sizes = [1, 256], strides = [1, 1]} : vector<1x2048xi32> to vector<1x256xi32>
    %slice3A_550 = vector.extract_strided_slice %get3A_34 {offsets = [0, 768], sizes = [1, 256], strides = [1, 1]} : vector<1x2048xi32> to vector<1x256xi32>
    %sub3A_551 = vector.broadcast %slice3A : vector<256x1xf32> to vector<256x256xf32>
    %sub3A_552 = vector.broadcast %slice3A_540 : vector<1x256xf32> to vector<256x256xf32>
    %sub3A_553 = arith.subf %sub3A_551, %sub3A_552 : vector<256x256xf32>
    %sub3A_554 = vector.broadcast %slice3A_87 : vector<256x1xf32> to vector<256x256xf32>
    %sub3A_555 = vector.broadcast %slice3A_541 : vector<1x256xf32> to vector<256x256xf32>
    %sub3A_556 = arith.subf %sub3A_554, %sub3A_555 : vector<256x256xf32>
    %mul3A_557 = vector.broadcast %slice3A_88 : vector<256x1xf32> to vector<256x256xf32>
    %mul3A_558 = vector.broadcast %slice3A_542 : vector<1x256xf32> to vector<256x256xf32>
    %mul3A_559 = arith.mulf %mul3A_557, %mul3A_558 : vector<256x256xf32>
    %mul3A_560 = vector.broadcast %slice3A_89 : vector<256x1xf32> to vector<256x256xf32>
    %mul3A_561 = vector.broadcast %slice3A_543 : vector<1x256xf32> to vector<256x256xf32>
    %mul3A_562 = arith.mulf %mul3A_560, %mul3A_561 : vector<256x256xf32>
    %add3A_563 = arith.addf %mul3A_559, %mul3A_562 : vector<256x256xf32>
    %mul3A_564 = vector.broadcast %slice3A_88 : vector<256x1xf32> to vector<256x256xf32>
    %mul3A_565 = arith.mulf %mul3A_564, %sub3A_553 : vector<256x256xf32>
    %mul3A_566 = vector.broadcast %slice3A_89 : vector<256x1xf32> to vector<256x256xf32>
    %mul3A_567 = arith.mulf %mul3A_566, %sub3A_556 : vector<256x256xf32>
    %add3A_568 = arith.addf %mul3A_565, %mul3A_567 : vector<256x256xf32>
    %mul3A_569 = vector.broadcast %slice3A_542 : vector<1x256xf32> to vector<256x256xf32>
    %mul3A_570 = arith.mulf %mul3A_569, %sub3A_553 : vector<256x256xf32>
    %mul3A_571 = vector.broadcast %slice3A_543 : vector<1x256xf32> to vector<256x256xf32>
    %mul3A_572 = arith.mulf %mul3A_571, %sub3A_556 : vector<256x256xf32>
    %add3A_573 = arith.addf %mul3A_570, %mul3A_572 : vector<256x256xf32>
    %mul3A_574 = vector.broadcast %slice3A_92 : vector<256x1xf32> to vector<256x256xf32>
    %mul3A_575 = vector.broadcast %slice3A_546 : vector<1x256xf32> to vector<256x256xf32>
    %mul3A_576 = arith.mulf %mul3A_574, %mul3A_575 : vector<256x256xf32>
    %mul3A_577 = arith.mulf %add3A_563, %add3A_563 : vector<256x256xf32>
    %sub3A_578 = arith.subf %mul3A_576, %mul3A_577 : vector<256x256xf32>
    %max3A_579 = arith.constant 9.99999996E-13 : f32
    %max3A_580 = vector.broadcast %max3A_579 : f32 to vector<256x256xf32>
    %max3A_581 = arith.maximumf %sub3A_578, %max3A_580 : vector<256x256xf32>
    %div3A_582 = arith.constant 1.000000e+00 : f32
    %div3A_583 = vector.broadcast %div3A_582 : f32 to vector<256x256xf32>
    %div3A_584 = arith.divf %div3A_583, %max3A_581 : vector<256x256xf32>
    %mul3A_585 = arith.mulf %add3A_563, %add3A_573 : vector<256x256xf32>
    %mul3A_586 = vector.broadcast %slice3A_546 : vector<1x256xf32> to vector<256x256xf32>
    %mul3A_587 = arith.mulf %add3A_568, %mul3A_586 : vector<256x256xf32>
    %sub3A_588 = arith.subf %mul3A_585, %mul3A_587 : vector<256x256xf32>
    %mul3A_589 = arith.mulf %sub3A_588, %div3A_584 : vector<256x256xf32>
    %jit3A_590 = arith.constant 0.000000e+00 : f32
    %jit3A_591 = arith.constant 1.000000e+00 : f32
    %max3A_592 = vector.broadcast %jit3A_590 : f32 to vector<256x256xf32>
    %max3A_593 = arith.maximumf %max3A_592, %mul3A_589 : vector<256x256xf32>
    %min3A_594 = vector.broadcast %jit3A_591 : f32 to vector<256x256xf32>
    %min3A_595 = arith.minimumf %min3A_594, %max3A_593 : vector<256x256xf32>
    %mul3A_596 = arith.mulf %add3A_563, %min3A_595 : vector<256x256xf32>
    %add3A_597 = arith.addf %mul3A_596, %add3A_573 : vector<256x256xf32>
    %mul3A_598 = vector.broadcast %slice3A_547 : vector<1x256xf32> to vector<256x256xf32>
    %mul3A_599 = arith.mulf %add3A_597, %mul3A_598 : vector<256x256xf32>
    %jit3A_600 = arith.constant 0.000000e+00 : f32
    %jit3A_601 = arith.constant 1.000000e+00 : f32
    %max3A_602 = vector.broadcast %jit3A_600 : f32 to vector<256x256xf32>
    %max3A_603 = arith.maximumf %max3A_602, %mul3A_599 : vector<256x256xf32>
    %min3A_604 = vector.broadcast %jit3A_601 : f32 to vector<256x256xf32>
    %min3A_605 = arith.minimumf %min3A_604, %max3A_603 : vector<256x256xf32>
    %mul3A_606 = arith.mulf %add3A_563, %min3A_605 : vector<256x256xf32>
    %sub3A_607 = arith.subf %mul3A_606, %add3A_568 : vector<256x256xf32>
    %mul3A_608 = vector.broadcast %slice3A_93 : vector<256x1xf32> to vector<256x256xf32>
    %mul3A_609 = arith.mulf %sub3A_607, %mul3A_608 : vector<256x256xf32>
    %jit3A_610 = arith.constant 0.000000e+00 : f32
    %jit3A_611 = arith.constant 1.000000e+00 : f32
    %max3A_612 = vector.broadcast %jit3A_610 : f32 to vector<256x256xf32>
    %max3A_613 = arith.maximumf %max3A_612, %mul3A_609 : vector<256x256xf32>
    %min3A_614 = vector.broadcast %jit3A_611 : f32 to vector<256x256xf32>
    %min3A_615 = arith.minimumf %min3A_614, %max3A_613 : vector<256x256xf32>
    %mul3A_616 = vector.broadcast %slice3A_88 : vector<256x1xf32> to vector<256x256xf32>
    %mul3A_617 = arith.mulf %min3A_615, %mul3A_616 : vector<256x256xf32>
    %add3A_618 = arith.addf %sub3A_553, %mul3A_617 : vector<256x256xf32>
    %mul3A_619 = vector.broadcast %slice3A_542 : vector<1x256xf32> to vector<256x256xf32>
    %mul3A_620 = arith.mulf %min3A_605, %mul3A_619 : vector<256x256xf32>
    %sub3A_621 = arith.subf %add3A_618, %mul3A_620 : vector<256x256xf32>
    %mul3A_622 = vector.broadcast %slice3A_89 : vector<256x1xf32> to vector<256x256xf32>
    %mul3A_623 = arith.mulf %min3A_615, %mul3A_622 : vector<256x256xf32>
    %add3A_624 = arith.addf %sub3A_556, %mul3A_623 : vector<256x256xf32>
    %mul3A_625 = vector.broadcast %slice3A_543 : vector<1x256xf32> to vector<256x256xf32>
    %mul3A_626 = arith.mulf %min3A_605, %mul3A_625 : vector<256x256xf32>
    %sub3A_627 = arith.subf %add3A_624, %mul3A_626 : vector<256x256xf32>
    %mul3A_628 = arith.mulf %sub3A_621, %sub3A_621 : vector<256x256xf32>
    %mul3A_629 = arith.mulf %sub3A_627, %sub3A_627 : vector<256x256xf32>
    %add3A_630 = arith.addf %mul3A_628, %mul3A_629 : vector<256x256xf32>
    %max3A_631 = arith.constant 1.000000e-24 : f32
    %max3A_632 = vector.broadcast %max3A_631 : f32 to vector<256x256xf32>
    %max3A_633 = arith.maximumf %add3A_630, %max3A_632 : vector<256x256xf32>
    %sqrt3A_634 = math.sqrt %max3A_633 : vector<256x256xf32>
    %sub3A_635 = vector.broadcast %slice3A_90 : vector<256x1xf32> to vector<256x256xf32>
    %sub3A_636 = vector.broadcast %slice3A_544 : vector<1x256xf32> to vector<256x256xf32>
    %sub3A_637 = arith.subf %sub3A_635, %sub3A_636 : vector<256x256xf32>
    %sub3A_638 = vector.broadcast %slice3A_91 : vector<256x1xf32> to vector<256x256xf32>
    %sub3A_639 = vector.broadcast %slice3A_545 : vector<1x256xf32> to vector<256x256xf32>
    %sub3A_640 = arith.subf %sub3A_638, %sub3A_639 : vector<256x256xf32>
    %add3A_641 = vector.broadcast %slice3A_94 : vector<256x1xf32> to vector<256x256xf32>
    %add3A_642 = vector.broadcast %slice3A_548 : vector<1x256xf32> to vector<256x256xf32>
    %add3A_643 = arith.addf %add3A_641, %add3A_642 : vector<256x256xf32>
    %mul3A_644 = arith.mulf %sub3A_637, %sub3A_637 : vector<256x256xf32>
    %mul3A_645 = arith.mulf %sub3A_640, %sub3A_640 : vector<256x256xf32>
    %add3A_646 = arith.addf %mul3A_644, %mul3A_645 : vector<256x256xf32>
    %mul3A_647 = arith.mulf %add3A_643, %add3A_643 : vector<256x256xf32>
    %lt3A_648 = arith.cmpf olt, %add3A_646, %mul3A_647 : vector<256x256xf32>
    %eq3A_649 = vector.broadcast %slice3A_95 : vector<256x1xi32> to vector<256x256xi32>
    %eq3A_650 = vector.broadcast %slice3A_549 : vector<1x256xi32> to vector<256x256xi32>
    %eq3A_651 = arith.cmpi eq, %eq3A_649, %eq3A_650 : vector<256x256xi32>
    %eq3A_652 = vector.broadcast %slice3A_95 : vector<256x1xi32> to vector<256x256xi32>
    %eq3A_653 = vector.broadcast %slice3A_550 : vector<1x256xi32> to vector<256x256xi32>
    %eq3A_654 = arith.cmpi eq, %eq3A_652, %eq3A_653 : vector<256x256xi32>
    %or3A_655 = arith.ori %eq3A_651, %eq3A_654 : vector<256x256xi1>
    %eq3A_656 = vector.broadcast %slice3A_96 : vector<256x1xi32> to vector<256x256xi32>
    %eq3A_657 = vector.broadcast %slice3A_549 : vector<1x256xi32> to vector<256x256xi32>
    %eq3A_658 = arith.cmpi eq, %eq3A_656, %eq3A_657 : vector<256x256xi32>
    %or3A_659 = arith.ori %or3A_655, %eq3A_658 : vector<256x256xi1>
    %eq3A_660 = vector.broadcast %slice3A_96 : vector<256x1xi32> to vector<256x256xi32>
    %eq3A_661 = vector.broadcast %slice3A_550 : vector<1x256xi32> to vector<256x256xi32>
    %eq3A_662 = arith.cmpi eq, %eq3A_660, %eq3A_661 : vector<256x256xi32>
    %or3A_663 = arith.ori %or3A_659, %eq3A_662 : vector<256x256xi1>
    %not3A_664 = arith.constant dense<true> : vector<256x256xi1>
    %not3A_665 = arith.xori %or3A_663, %not3A_664 : vector<256x256xi1>
    %and3A_666 = arith.andi %lt3A_648, %not3A_665 : vector<256x256xi1>
    %sub3A_667 = arith.constant 1.000000e-03 : f32
    %sub3A_668 = vector.broadcast %sub3A_667 : f32 to vector<256x256xf32>
    %sub3A_669 = arith.subf %sub3A_668, %sqrt3A_634 : vector<256x256xf32>
    %max3A_670 = arith.constant 0.000000e+00 : f32
    %max3A_671 = vector.broadcast %max3A_670 : f32 to vector<256x256xf32>
    %max3A_672 = arith.maximumf %sub3A_669, %max3A_671 : vector<256x256xf32>
    %jit3A_673 = arith.constant 0.000000e+00 : f32
    %broadcast_in_dim3A_674 = vector.broadcast %jit3A_673 : f32 to vector<256x256xf32>
    %select_n3A_675 = arith.select %and3A_666, %max3A_672, %broadcast_in_dim3A_674 : vector<256x256xi1>, vector<256x256xf32>
    %reduce_sum3A_676 = vector.shape_cast %select_n3A_675 : vector<256x256xf32> to vector<1x256x256xf32>
    %reduce_sum3A_677 = arith.constant dense<0.000000e+00> : vector<1xf32>
    %reduce_sum3A_678 = vector.multi_reduction <add>, %reduce_sum3A_676, %reduce_sum3A_677 [1, 2] : vector<1x256x256xf32> to vector<1xf32>
    %reduce_sum3A_679 = vector.shape_cast %reduce_sum3A_678 : vector<1xf32> to vector<1x1x1xf32>
    %reduce_sum3A_680 = vector.extract %reduce_sum3A_679[0, 0, 0] : f32 from vector<1x1x1xf32>
    %add3A_681 = arith.addf %add3A_531, %reduce_sum3A_680 : f32
    %convert_element_type3A_682 = arith.extui %and3A_666 : vector<256x256xi1> to vector<256x256xi32>
    %convert_element_type3A_683 = arith.sitofp %convert_element_type3A_682 : vector<256x256xi32> to vector<256x256xf32>
    %reduce_sum3A_684 = vector.shape_cast %convert_element_type3A_683 : vector<256x256xf32> to vector<1x256x256xf32>
    %reduce_sum3A_685 = arith.constant dense<0.000000e+00> : vector<1xf32>
    %reduce_sum3A_686 = vector.multi_reduction <add>, %reduce_sum3A_684, %reduce_sum3A_685 [1, 2] : vector<1x256x256xf32> to vector<1xf32>
    %reduce_sum3A_687 = vector.shape_cast %reduce_sum3A_686 : vector<1xf32> to vector<1x1x1xf32>
    %reduce_sum3A_688 = vector.extract %reduce_sum3A_687[0, 0, 0] : f32 from vector<1x1x1xf32>
    %add3A_689 = arith.addf %add3A_539, %reduce_sum3A_688 : f32
    %slice3A_690 = vector.extract_strided_slice %get3A_13 {offsets = [0, 1024], sizes = [1, 256], strides = [1, 1]} : vector<1x2048xf32> to vector<1x256xf32>
    %slice3A_691 = vector.extract_strided_slice %get3A_16 {offsets = [0, 1024], sizes = [1, 256], strides = [1, 1]} : vector<1x2048xf32> to vector<1x256xf32>
    %slice3A_692 = vector.extract_strided_slice %sub3A_58 {offsets = [0, 1024], sizes = [1, 256], strides = [1, 1]} : vector<1x2048xf32> to vector<1x256xf32>
    %slice3A_693 = vector.extract_strided_slice %sub3A_59 {offsets = [0, 1024], sizes = [1, 256], strides = [1, 1]} : vector<1x2048xf32> to vector<1x256xf32>
    %slice3A_694 = vector.extract_strided_slice %mul3A_63 {offsets = [0, 1024], sizes = [1, 256], strides = [1, 1]} : vector<1x2048xf32> to vector<1x256xf32>
    %slice3A_695 = vector.extract_strided_slice %mul3A_67 {offsets = [0, 1024], sizes = [1, 256], strides = [1, 1]} : vector<1x2048xf32> to vector<1x256xf32>
    %slice3A_696 = vector.extract_strided_slice %max3A_73 {offsets = [0, 1024], sizes = [1, 256], strides = [1, 1]} : vector<1x2048xf32> to vector<1x256xf32>
    %slice3A_697 = vector.extract_strided_slice %div3A_76 {offsets = [0, 1024], sizes = [1, 256], strides = [1, 1]} : vector<1x2048xf32> to vector<1x256xf32>
    %slice3A_698 = vector.extract_strided_slice %add3A_86 {offsets = [0, 1024], sizes = [1, 256], strides = [1, 1]} : vector<1x2048xf32> to vector<1x256xf32>
    %slice3A_699 = vector.extract_strided_slice %get3A_31 {offsets = [0, 1024], sizes = [1, 256], strides = [1, 1]} : vector<1x2048xi32> to vector<1x256xi32>
    %slice3A_700 = vector.extract_strided_slice %get3A_34 {offsets = [0, 1024], sizes = [1, 256], strides = [1, 1]} : vector<1x2048xi32> to vector<1x256xi32>
    %sub3A_701 = vector.broadcast %slice3A : vector<256x1xf32> to vector<256x256xf32>
    %sub3A_702 = vector.broadcast %slice3A_690 : vector<1x256xf32> to vector<256x256xf32>
    %sub3A_703 = arith.subf %sub3A_701, %sub3A_702 : vector<256x256xf32>
    %sub3A_704 = vector.broadcast %slice3A_87 : vector<256x1xf32> to vector<256x256xf32>
    %sub3A_705 = vector.broadcast %slice3A_691 : vector<1x256xf32> to vector<256x256xf32>
    %sub3A_706 = arith.subf %sub3A_704, %sub3A_705 : vector<256x256xf32>
    %mul3A_707 = vector.broadcast %slice3A_88 : vector<256x1xf32> to vector<256x256xf32>
    %mul3A_708 = vector.broadcast %slice3A_692 : vector<1x256xf32> to vector<256x256xf32>
    %mul3A_709 = arith.mulf %mul3A_707, %mul3A_708 : vector<256x256xf32>
    %mul3A_710 = vector.broadcast %slice3A_89 : vector<256x1xf32> to vector<256x256xf32>
    %mul3A_711 = vector.broadcast %slice3A_693 : vector<1x256xf32> to vector<256x256xf32>
    %mul3A_712 = arith.mulf %mul3A_710, %mul3A_711 : vector<256x256xf32>
    %add3A_713 = arith.addf %mul3A_709, %mul3A_712 : vector<256x256xf32>
    %mul3A_714 = vector.broadcast %slice3A_88 : vector<256x1xf32> to vector<256x256xf32>
    %mul3A_715 = arith.mulf %mul3A_714, %sub3A_703 : vector<256x256xf32>
    %mul3A_716 = vector.broadcast %slice3A_89 : vector<256x1xf32> to vector<256x256xf32>
    %mul3A_717 = arith.mulf %mul3A_716, %sub3A_706 : vector<256x256xf32>
    %add3A_718 = arith.addf %mul3A_715, %mul3A_717 : vector<256x256xf32>
    %mul3A_719 = vector.broadcast %slice3A_692 : vector<1x256xf32> to vector<256x256xf32>
    %mul3A_720 = arith.mulf %mul3A_719, %sub3A_703 : vector<256x256xf32>
    %mul3A_721 = vector.broadcast %slice3A_693 : vector<1x256xf32> to vector<256x256xf32>
    %mul3A_722 = arith.mulf %mul3A_721, %sub3A_706 : vector<256x256xf32>
    %add3A_723 = arith.addf %mul3A_720, %mul3A_722 : vector<256x256xf32>
    %mul3A_724 = vector.broadcast %slice3A_92 : vector<256x1xf32> to vector<256x256xf32>
    %mul3A_725 = vector.broadcast %slice3A_696 : vector<1x256xf32> to vector<256x256xf32>
    %mul3A_726 = arith.mulf %mul3A_724, %mul3A_725 : vector<256x256xf32>
    %mul3A_727 = arith.mulf %add3A_713, %add3A_713 : vector<256x256xf32>
    %sub3A_728 = arith.subf %mul3A_726, %mul3A_727 : vector<256x256xf32>
    %max3A_729 = arith.constant 9.99999996E-13 : f32
    %max3A_730 = vector.broadcast %max3A_729 : f32 to vector<256x256xf32>
    %max3A_731 = arith.maximumf %sub3A_728, %max3A_730 : vector<256x256xf32>
    %div3A_732 = arith.constant 1.000000e+00 : f32
    %div3A_733 = vector.broadcast %div3A_732 : f32 to vector<256x256xf32>
    %div3A_734 = arith.divf %div3A_733, %max3A_731 : vector<256x256xf32>
    %mul3A_735 = arith.mulf %add3A_713, %add3A_723 : vector<256x256xf32>
    %mul3A_736 = vector.broadcast %slice3A_696 : vector<1x256xf32> to vector<256x256xf32>
    %mul3A_737 = arith.mulf %add3A_718, %mul3A_736 : vector<256x256xf32>
    %sub3A_738 = arith.subf %mul3A_735, %mul3A_737 : vector<256x256xf32>
    %mul3A_739 = arith.mulf %sub3A_738, %div3A_734 : vector<256x256xf32>
    %jit3A_740 = arith.constant 0.000000e+00 : f32
    %jit3A_741 = arith.constant 1.000000e+00 : f32
    %max3A_742 = vector.broadcast %jit3A_740 : f32 to vector<256x256xf32>
    %max3A_743 = arith.maximumf %max3A_742, %mul3A_739 : vector<256x256xf32>
    %min3A_744 = vector.broadcast %jit3A_741 : f32 to vector<256x256xf32>
    %min3A_745 = arith.minimumf %min3A_744, %max3A_743 : vector<256x256xf32>
    %mul3A_746 = arith.mulf %add3A_713, %min3A_745 : vector<256x256xf32>
    %add3A_747 = arith.addf %mul3A_746, %add3A_723 : vector<256x256xf32>
    %mul3A_748 = vector.broadcast %slice3A_697 : vector<1x256xf32> to vector<256x256xf32>
    %mul3A_749 = arith.mulf %add3A_747, %mul3A_748 : vector<256x256xf32>
    %jit3A_750 = arith.constant 0.000000e+00 : f32
    %jit3A_751 = arith.constant 1.000000e+00 : f32
    %max3A_752 = vector.broadcast %jit3A_750 : f32 to vector<256x256xf32>
    %max3A_753 = arith.maximumf %max3A_752, %mul3A_749 : vector<256x256xf32>
    %min3A_754 = vector.broadcast %jit3A_751 : f32 to vector<256x256xf32>
    %min3A_755 = arith.minimumf %min3A_754, %max3A_753 : vector<256x256xf32>
    %mul3A_756 = arith.mulf %add3A_713, %min3A_755 : vector<256x256xf32>
    %sub3A_757 = arith.subf %mul3A_756, %add3A_718 : vector<256x256xf32>
    %mul3A_758 = vector.broadcast %slice3A_93 : vector<256x1xf32> to vector<256x256xf32>
    %mul3A_759 = arith.mulf %sub3A_757, %mul3A_758 : vector<256x256xf32>
    %jit3A_760 = arith.constant 0.000000e+00 : f32
    %jit3A_761 = arith.constant 1.000000e+00 : f32
    %max3A_762 = vector.broadcast %jit3A_760 : f32 to vector<256x256xf32>
    %max3A_763 = arith.maximumf %max3A_762, %mul3A_759 : vector<256x256xf32>
    %min3A_764 = vector.broadcast %jit3A_761 : f32 to vector<256x256xf32>
    %min3A_765 = arith.minimumf %min3A_764, %max3A_763 : vector<256x256xf32>
    %mul3A_766 = vector.broadcast %slice3A_88 : vector<256x1xf32> to vector<256x256xf32>
    %mul3A_767 = arith.mulf %min3A_765, %mul3A_766 : vector<256x256xf32>
    %add3A_768 = arith.addf %sub3A_703, %mul3A_767 : vector<256x256xf32>
    %mul3A_769 = vector.broadcast %slice3A_692 : vector<1x256xf32> to vector<256x256xf32>
    %mul3A_770 = arith.mulf %min3A_755, %mul3A_769 : vector<256x256xf32>
    %sub3A_771 = arith.subf %add3A_768, %mul3A_770 : vector<256x256xf32>
    %mul3A_772 = vector.broadcast %slice3A_89 : vector<256x1xf32> to vector<256x256xf32>
    %mul3A_773 = arith.mulf %min3A_765, %mul3A_772 : vector<256x256xf32>
    %add3A_774 = arith.addf %sub3A_706, %mul3A_773 : vector<256x256xf32>
    %mul3A_775 = vector.broadcast %slice3A_693 : vector<1x256xf32> to vector<256x256xf32>
    %mul3A_776 = arith.mulf %min3A_755, %mul3A_775 : vector<256x256xf32>
    %sub3A_777 = arith.subf %add3A_774, %mul3A_776 : vector<256x256xf32>
    %mul3A_778 = arith.mulf %sub3A_771, %sub3A_771 : vector<256x256xf32>
    %mul3A_779 = arith.mulf %sub3A_777, %sub3A_777 : vector<256x256xf32>
    %add3A_780 = arith.addf %mul3A_778, %mul3A_779 : vector<256x256xf32>
    %max3A_781 = arith.constant 1.000000e-24 : f32
    %max3A_782 = vector.broadcast %max3A_781 : f32 to vector<256x256xf32>
    %max3A_783 = arith.maximumf %add3A_780, %max3A_782 : vector<256x256xf32>
    %sqrt3A_784 = math.sqrt %max3A_783 : vector<256x256xf32>
    %sub3A_785 = vector.broadcast %slice3A_90 : vector<256x1xf32> to vector<256x256xf32>
    %sub3A_786 = vector.broadcast %slice3A_694 : vector<1x256xf32> to vector<256x256xf32>
    %sub3A_787 = arith.subf %sub3A_785, %sub3A_786 : vector<256x256xf32>
    %sub3A_788 = vector.broadcast %slice3A_91 : vector<256x1xf32> to vector<256x256xf32>
    %sub3A_789 = vector.broadcast %slice3A_695 : vector<1x256xf32> to vector<256x256xf32>
    %sub3A_790 = arith.subf %sub3A_788, %sub3A_789 : vector<256x256xf32>
    %add3A_791 = vector.broadcast %slice3A_94 : vector<256x1xf32> to vector<256x256xf32>
    %add3A_792 = vector.broadcast %slice3A_698 : vector<1x256xf32> to vector<256x256xf32>
    %add3A_793 = arith.addf %add3A_791, %add3A_792 : vector<256x256xf32>
    %mul3A_794 = arith.mulf %sub3A_787, %sub3A_787 : vector<256x256xf32>
    %mul3A_795 = arith.mulf %sub3A_790, %sub3A_790 : vector<256x256xf32>
    %add3A_796 = arith.addf %mul3A_794, %mul3A_795 : vector<256x256xf32>
    %mul3A_797 = arith.mulf %add3A_793, %add3A_793 : vector<256x256xf32>
    %lt3A_798 = arith.cmpf olt, %add3A_796, %mul3A_797 : vector<256x256xf32>
    %eq3A_799 = vector.broadcast %slice3A_95 : vector<256x1xi32> to vector<256x256xi32>
    %eq3A_800 = vector.broadcast %slice3A_699 : vector<1x256xi32> to vector<256x256xi32>
    %eq3A_801 = arith.cmpi eq, %eq3A_799, %eq3A_800 : vector<256x256xi32>
    %eq3A_802 = vector.broadcast %slice3A_95 : vector<256x1xi32> to vector<256x256xi32>
    %eq3A_803 = vector.broadcast %slice3A_700 : vector<1x256xi32> to vector<256x256xi32>
    %eq3A_804 = arith.cmpi eq, %eq3A_802, %eq3A_803 : vector<256x256xi32>
    %or3A_805 = arith.ori %eq3A_801, %eq3A_804 : vector<256x256xi1>
    %eq3A_806 = vector.broadcast %slice3A_96 : vector<256x1xi32> to vector<256x256xi32>
    %eq3A_807 = vector.broadcast %slice3A_699 : vector<1x256xi32> to vector<256x256xi32>
    %eq3A_808 = arith.cmpi eq, %eq3A_806, %eq3A_807 : vector<256x256xi32>
    %or3A_809 = arith.ori %or3A_805, %eq3A_808 : vector<256x256xi1>
    %eq3A_810 = vector.broadcast %slice3A_96 : vector<256x1xi32> to vector<256x256xi32>
    %eq3A_811 = vector.broadcast %slice3A_700 : vector<1x256xi32> to vector<256x256xi32>
    %eq3A_812 = arith.cmpi eq, %eq3A_810, %eq3A_811 : vector<256x256xi32>
    %or3A_813 = arith.ori %or3A_809, %eq3A_812 : vector<256x256xi1>
    %not3A_814 = arith.constant dense<true> : vector<256x256xi1>
    %not3A_815 = arith.xori %or3A_813, %not3A_814 : vector<256x256xi1>
    %and3A_816 = arith.andi %lt3A_798, %not3A_815 : vector<256x256xi1>
    %sub3A_817 = arith.constant 1.000000e-03 : f32
    %sub3A_818 = vector.broadcast %sub3A_817 : f32 to vector<256x256xf32>
    %sub3A_819 = arith.subf %sub3A_818, %sqrt3A_784 : vector<256x256xf32>
    %max3A_820 = arith.constant 0.000000e+00 : f32
    %max3A_821 = vector.broadcast %max3A_820 : f32 to vector<256x256xf32>
    %max3A_822 = arith.maximumf %sub3A_819, %max3A_821 : vector<256x256xf32>
    %jit3A_823 = arith.constant 0.000000e+00 : f32
    %broadcast_in_dim3A_824 = vector.broadcast %jit3A_823 : f32 to vector<256x256xf32>
    %select_n3A_825 = arith.select %and3A_816, %max3A_822, %broadcast_in_dim3A_824 : vector<256x256xi1>, vector<256x256xf32>
    %reduce_sum3A_826 = vector.shape_cast %select_n3A_825 : vector<256x256xf32> to vector<1x256x256xf32>
    %reduce_sum3A_827 = arith.constant dense<0.000000e+00> : vector<1xf32>
    %reduce_sum3A_828 = vector.multi_reduction <add>, %reduce_sum3A_826, %reduce_sum3A_827 [1, 2] : vector<1x256x256xf32> to vector<1xf32>
    %reduce_sum3A_829 = vector.shape_cast %reduce_sum3A_828 : vector<1xf32> to vector<1x1x1xf32>
    %reduce_sum3A_830 = vector.extract %reduce_sum3A_829[0, 0, 0] : f32 from vector<1x1x1xf32>
    %add3A_831 = arith.addf %add3A_681, %reduce_sum3A_830 : f32
    %convert_element_type3A_832 = arith.extui %and3A_816 : vector<256x256xi1> to vector<256x256xi32>
    %convert_element_type3A_833 = arith.sitofp %convert_element_type3A_832 : vector<256x256xi32> to vector<256x256xf32>
    %reduce_sum3A_834 = vector.shape_cast %convert_element_type3A_833 : vector<256x256xf32> to vector<1x256x256xf32>
    %reduce_sum3A_835 = arith.constant dense<0.000000e+00> : vector<1xf32>
    %reduce_sum3A_836 = vector.multi_reduction <add>, %reduce_sum3A_834, %reduce_sum3A_835 [1, 2] : vector<1x256x256xf32> to vector<1xf32>
    %reduce_sum3A_837 = vector.shape_cast %reduce_sum3A_836 : vector<1xf32> to vector<1x1x1xf32>
    %reduce_sum3A_838 = vector.extract %reduce_sum3A_837[0, 0, 0] : f32 from vector<1x1x1xf32>
    %add3A_839 = arith.addf %add3A_689, %reduce_sum3A_838 : f32
    %slice3A_840 = vector.extract_strided_slice %get3A_13 {offsets = [0, 1280], sizes = [1, 256], strides = [1, 1]} : vector<1x2048xf32> to vector<1x256xf32>
    %slice3A_841 = vector.extract_strided_slice %get3A_16 {offsets = [0, 1280], sizes = [1, 256], strides = [1, 1]} : vector<1x2048xf32> to vector<1x256xf32>
    %slice3A_842 = vector.extract_strided_slice %sub3A_58 {offsets = [0, 1280], sizes = [1, 256], strides = [1, 1]} : vector<1x2048xf32> to vector<1x256xf32>
    %slice3A_843 = vector.extract_strided_slice %sub3A_59 {offsets = [0, 1280], sizes = [1, 256], strides = [1, 1]} : vector<1x2048xf32> to vector<1x256xf32>
    %slice3A_844 = vector.extract_strided_slice %mul3A_63 {offsets = [0, 1280], sizes = [1, 256], strides = [1, 1]} : vector<1x2048xf32> to vector<1x256xf32>
    %slice3A_845 = vector.extract_strided_slice %mul3A_67 {offsets = [0, 1280], sizes = [1, 256], strides = [1, 1]} : vector<1x2048xf32> to vector<1x256xf32>
    %slice3A_846 = vector.extract_strided_slice %max3A_73 {offsets = [0, 1280], sizes = [1, 256], strides = [1, 1]} : vector<1x2048xf32> to vector<1x256xf32>
    %slice3A_847 = vector.extract_strided_slice %div3A_76 {offsets = [0, 1280], sizes = [1, 256], strides = [1, 1]} : vector<1x2048xf32> to vector<1x256xf32>
    %slice3A_848 = vector.extract_strided_slice %add3A_86 {offsets = [0, 1280], sizes = [1, 256], strides = [1, 1]} : vector<1x2048xf32> to vector<1x256xf32>
    %slice3A_849 = vector.extract_strided_slice %get3A_31 {offsets = [0, 1280], sizes = [1, 256], strides = [1, 1]} : vector<1x2048xi32> to vector<1x256xi32>
    %slice3A_850 = vector.extract_strided_slice %get3A_34 {offsets = [0, 1280], sizes = [1, 256], strides = [1, 1]} : vector<1x2048xi32> to vector<1x256xi32>
    %sub3A_851 = vector.broadcast %slice3A : vector<256x1xf32> to vector<256x256xf32>
    %sub3A_852 = vector.broadcast %slice3A_840 : vector<1x256xf32> to vector<256x256xf32>
    %sub3A_853 = arith.subf %sub3A_851, %sub3A_852 : vector<256x256xf32>
    %sub3A_854 = vector.broadcast %slice3A_87 : vector<256x1xf32> to vector<256x256xf32>
    %sub3A_855 = vector.broadcast %slice3A_841 : vector<1x256xf32> to vector<256x256xf32>
    %sub3A_856 = arith.subf %sub3A_854, %sub3A_855 : vector<256x256xf32>
    %mul3A_857 = vector.broadcast %slice3A_88 : vector<256x1xf32> to vector<256x256xf32>
    %mul3A_858 = vector.broadcast %slice3A_842 : vector<1x256xf32> to vector<256x256xf32>
    %mul3A_859 = arith.mulf %mul3A_857, %mul3A_858 : vector<256x256xf32>
    %mul3A_860 = vector.broadcast %slice3A_89 : vector<256x1xf32> to vector<256x256xf32>
    %mul3A_861 = vector.broadcast %slice3A_843 : vector<1x256xf32> to vector<256x256xf32>
    %mul3A_862 = arith.mulf %mul3A_860, %mul3A_861 : vector<256x256xf32>
    %add3A_863 = arith.addf %mul3A_859, %mul3A_862 : vector<256x256xf32>
    %mul3A_864 = vector.broadcast %slice3A_88 : vector<256x1xf32> to vector<256x256xf32>
    %mul3A_865 = arith.mulf %mul3A_864, %sub3A_853 : vector<256x256xf32>
    %mul3A_866 = vector.broadcast %slice3A_89 : vector<256x1xf32> to vector<256x256xf32>
    %mul3A_867 = arith.mulf %mul3A_866, %sub3A_856 : vector<256x256xf32>
    %add3A_868 = arith.addf %mul3A_865, %mul3A_867 : vector<256x256xf32>
    %mul3A_869 = vector.broadcast %slice3A_842 : vector<1x256xf32> to vector<256x256xf32>
    %mul3A_870 = arith.mulf %mul3A_869, %sub3A_853 : vector<256x256xf32>
    %mul3A_871 = vector.broadcast %slice3A_843 : vector<1x256xf32> to vector<256x256xf32>
    %mul3A_872 = arith.mulf %mul3A_871, %sub3A_856 : vector<256x256xf32>
    %add3A_873 = arith.addf %mul3A_870, %mul3A_872 : vector<256x256xf32>
    %mul3A_874 = vector.broadcast %slice3A_92 : vector<256x1xf32> to vector<256x256xf32>
    %mul3A_875 = vector.broadcast %slice3A_846 : vector<1x256xf32> to vector<256x256xf32>
    %mul3A_876 = arith.mulf %mul3A_874, %mul3A_875 : vector<256x256xf32>
    %mul3A_877 = arith.mulf %add3A_863, %add3A_863 : vector<256x256xf32>
    %sub3A_878 = arith.subf %mul3A_876, %mul3A_877 : vector<256x256xf32>
    %max3A_879 = arith.constant 9.99999996E-13 : f32
    %max3A_880 = vector.broadcast %max3A_879 : f32 to vector<256x256xf32>
    %max3A_881 = arith.maximumf %sub3A_878, %max3A_880 : vector<256x256xf32>
    %div3A_882 = arith.constant 1.000000e+00 : f32
    %div3A_883 = vector.broadcast %div3A_882 : f32 to vector<256x256xf32>
    %div3A_884 = arith.divf %div3A_883, %max3A_881 : vector<256x256xf32>
    %mul3A_885 = arith.mulf %add3A_863, %add3A_873 : vector<256x256xf32>
    %mul3A_886 = vector.broadcast %slice3A_846 : vector<1x256xf32> to vector<256x256xf32>
    %mul3A_887 = arith.mulf %add3A_868, %mul3A_886 : vector<256x256xf32>
    %sub3A_888 = arith.subf %mul3A_885, %mul3A_887 : vector<256x256xf32>
    %mul3A_889 = arith.mulf %sub3A_888, %div3A_884 : vector<256x256xf32>
    %jit3A_890 = arith.constant 0.000000e+00 : f32
    %jit3A_891 = arith.constant 1.000000e+00 : f32
    %max3A_892 = vector.broadcast %jit3A_890 : f32 to vector<256x256xf32>
    %max3A_893 = arith.maximumf %max3A_892, %mul3A_889 : vector<256x256xf32>
    %min3A_894 = vector.broadcast %jit3A_891 : f32 to vector<256x256xf32>
    %min3A_895 = arith.minimumf %min3A_894, %max3A_893 : vector<256x256xf32>
    %mul3A_896 = arith.mulf %add3A_863, %min3A_895 : vector<256x256xf32>
    %add3A_897 = arith.addf %mul3A_896, %add3A_873 : vector<256x256xf32>
    %mul3A_898 = vector.broadcast %slice3A_847 : vector<1x256xf32> to vector<256x256xf32>
    %mul3A_899 = arith.mulf %add3A_897, %mul3A_898 : vector<256x256xf32>
    %jit3A_900 = arith.constant 0.000000e+00 : f32
    %jit3A_901 = arith.constant 1.000000e+00 : f32
    %max3A_902 = vector.broadcast %jit3A_900 : f32 to vector<256x256xf32>
    %max3A_903 = arith.maximumf %max3A_902, %mul3A_899 : vector<256x256xf32>
    %min3A_904 = vector.broadcast %jit3A_901 : f32 to vector<256x256xf32>
    %min3A_905 = arith.minimumf %min3A_904, %max3A_903 : vector<256x256xf32>
    %mul3A_906 = arith.mulf %add3A_863, %min3A_905 : vector<256x256xf32>
    %sub3A_907 = arith.subf %mul3A_906, %add3A_868 : vector<256x256xf32>
    %mul3A_908 = vector.broadcast %slice3A_93 : vector<256x1xf32> to vector<256x256xf32>
    %mul3A_909 = arith.mulf %sub3A_907, %mul3A_908 : vector<256x256xf32>
    %jit3A_910 = arith.constant 0.000000e+00 : f32
    %jit3A_911 = arith.constant 1.000000e+00 : f32
    %max3A_912 = vector.broadcast %jit3A_910 : f32 to vector<256x256xf32>
    %max3A_913 = arith.maximumf %max3A_912, %mul3A_909 : vector<256x256xf32>
    %min3A_914 = vector.broadcast %jit3A_911 : f32 to vector<256x256xf32>
    %min3A_915 = arith.minimumf %min3A_914, %max3A_913 : vector<256x256xf32>
    %mul3A_916 = vector.broadcast %slice3A_88 : vector<256x1xf32> to vector<256x256xf32>
    %mul3A_917 = arith.mulf %min3A_915, %mul3A_916 : vector<256x256xf32>
    %add3A_918 = arith.addf %sub3A_853, %mul3A_917 : vector<256x256xf32>
    %mul3A_919 = vector.broadcast %slice3A_842 : vector<1x256xf32> to vector<256x256xf32>
    %mul3A_920 = arith.mulf %min3A_905, %mul3A_919 : vector<256x256xf32>
    %sub3A_921 = arith.subf %add3A_918, %mul3A_920 : vector<256x256xf32>
    %mul3A_922 = vector.broadcast %slice3A_89 : vector<256x1xf32> to vector<256x256xf32>
    %mul3A_923 = arith.mulf %min3A_915, %mul3A_922 : vector<256x256xf32>
    %add3A_924 = arith.addf %sub3A_856, %mul3A_923 : vector<256x256xf32>
    %mul3A_925 = vector.broadcast %slice3A_843 : vector<1x256xf32> to vector<256x256xf32>
    %mul3A_926 = arith.mulf %min3A_905, %mul3A_925 : vector<256x256xf32>
    %sub3A_927 = arith.subf %add3A_924, %mul3A_926 : vector<256x256xf32>
    %mul3A_928 = arith.mulf %sub3A_921, %sub3A_921 : vector<256x256xf32>
    %mul3A_929 = arith.mulf %sub3A_927, %sub3A_927 : vector<256x256xf32>
    %add3A_930 = arith.addf %mul3A_928, %mul3A_929 : vector<256x256xf32>
    %max3A_931 = arith.constant 1.000000e-24 : f32
    %max3A_932 = vector.broadcast %max3A_931 : f32 to vector<256x256xf32>
    %max3A_933 = arith.maximumf %add3A_930, %max3A_932 : vector<256x256xf32>
    %sqrt3A_934 = math.sqrt %max3A_933 : vector<256x256xf32>
    %sub3A_935 = vector.broadcast %slice3A_90 : vector<256x1xf32> to vector<256x256xf32>
    %sub3A_936 = vector.broadcast %slice3A_844 : vector<1x256xf32> to vector<256x256xf32>
    %sub3A_937 = arith.subf %sub3A_935, %sub3A_936 : vector<256x256xf32>
    %sub3A_938 = vector.broadcast %slice3A_91 : vector<256x1xf32> to vector<256x256xf32>
    %sub3A_939 = vector.broadcast %slice3A_845 : vector<1x256xf32> to vector<256x256xf32>
    %sub3A_940 = arith.subf %sub3A_938, %sub3A_939 : vector<256x256xf32>
    %add3A_941 = vector.broadcast %slice3A_94 : vector<256x1xf32> to vector<256x256xf32>
    %add3A_942 = vector.broadcast %slice3A_848 : vector<1x256xf32> to vector<256x256xf32>
    %add3A_943 = arith.addf %add3A_941, %add3A_942 : vector<256x256xf32>
    %mul3A_944 = arith.mulf %sub3A_937, %sub3A_937 : vector<256x256xf32>
    %mul3A_945 = arith.mulf %sub3A_940, %sub3A_940 : vector<256x256xf32>
    %add3A_946 = arith.addf %mul3A_944, %mul3A_945 : vector<256x256xf32>
    %mul3A_947 = arith.mulf %add3A_943, %add3A_943 : vector<256x256xf32>
    %lt3A_948 = arith.cmpf olt, %add3A_946, %mul3A_947 : vector<256x256xf32>
    %eq3A_949 = vector.broadcast %slice3A_95 : vector<256x1xi32> to vector<256x256xi32>
    %eq3A_950 = vector.broadcast %slice3A_849 : vector<1x256xi32> to vector<256x256xi32>
    %eq3A_951 = arith.cmpi eq, %eq3A_949, %eq3A_950 : vector<256x256xi32>
    %eq3A_952 = vector.broadcast %slice3A_95 : vector<256x1xi32> to vector<256x256xi32>
    %eq3A_953 = vector.broadcast %slice3A_850 : vector<1x256xi32> to vector<256x256xi32>
    %eq3A_954 = arith.cmpi eq, %eq3A_952, %eq3A_953 : vector<256x256xi32>
    %or3A_955 = arith.ori %eq3A_951, %eq3A_954 : vector<256x256xi1>
    %eq3A_956 = vector.broadcast %slice3A_96 : vector<256x1xi32> to vector<256x256xi32>
    %eq3A_957 = vector.broadcast %slice3A_849 : vector<1x256xi32> to vector<256x256xi32>
    %eq3A_958 = arith.cmpi eq, %eq3A_956, %eq3A_957 : vector<256x256xi32>
    %or3A_959 = arith.ori %or3A_955, %eq3A_958 : vector<256x256xi1>
    %eq3A_960 = vector.broadcast %slice3A_96 : vector<256x1xi32> to vector<256x256xi32>
    %eq3A_961 = vector.broadcast %slice3A_850 : vector<1x256xi32> to vector<256x256xi32>
    %eq3A_962 = arith.cmpi eq, %eq3A_960, %eq3A_961 : vector<256x256xi32>
    %or3A_963 = arith.ori %or3A_959, %eq3A_962 : vector<256x256xi1>
    %not3A_964 = arith.constant dense<true> : vector<256x256xi1>
    %not3A_965 = arith.xori %or3A_963, %not3A_964 : vector<256x256xi1>
    %and3A_966 = arith.andi %lt3A_948, %not3A_965 : vector<256x256xi1>
    %sub3A_967 = arith.constant 1.000000e-03 : f32
    %sub3A_968 = vector.broadcast %sub3A_967 : f32 to vector<256x256xf32>
    %sub3A_969 = arith.subf %sub3A_968, %sqrt3A_934 : vector<256x256xf32>
    %max3A_970 = arith.constant 0.000000e+00 : f32
    %max3A_971 = vector.broadcast %max3A_970 : f32 to vector<256x256xf32>
    %max3A_972 = arith.maximumf %sub3A_969, %max3A_971 : vector<256x256xf32>
    %jit3A_973 = arith.constant 0.000000e+00 : f32
    %broadcast_in_dim3A_974 = vector.broadcast %jit3A_973 : f32 to vector<256x256xf32>
    %select_n3A_975 = arith.select %and3A_966, %max3A_972, %broadcast_in_dim3A_974 : vector<256x256xi1>, vector<256x256xf32>
    %reduce_sum3A_976 = vector.shape_cast %select_n3A_975 : vector<256x256xf32> to vector<1x256x256xf32>
    %reduce_sum3A_977 = arith.constant dense<0.000000e+00> : vector<1xf32>
    %reduce_sum3A_978 = vector.multi_reduction <add>, %reduce_sum3A_976, %reduce_sum3A_977 [1, 2] : vector<1x256x256xf32> to vector<1xf32>
    %reduce_sum3A_979 = vector.shape_cast %reduce_sum3A_978 : vector<1xf32> to vector<1x1x1xf32>
    %reduce_sum3A_980 = vector.extract %reduce_sum3A_979[0, 0, 0] : f32 from vector<1x1x1xf32>
    %add3A_981 = arith.addf %add3A_831, %reduce_sum3A_980 : f32
    %convert_element_type3A_982 = arith.extui %and3A_966 : vector<256x256xi1> to vector<256x256xi32>
    %convert_element_type3A_983 = arith.sitofp %convert_element_type3A_982 : vector<256x256xi32> to vector<256x256xf32>
    %reduce_sum3A_984 = vector.shape_cast %convert_element_type3A_983 : vector<256x256xf32> to vector<1x256x256xf32>
    %reduce_sum3A_985 = arith.constant dense<0.000000e+00> : vector<1xf32>
    %reduce_sum3A_986 = vector.multi_reduction <add>, %reduce_sum3A_984, %reduce_sum3A_985 [1, 2] : vector<1x256x256xf32> to vector<1xf32>
    %reduce_sum3A_987 = vector.shape_cast %reduce_sum3A_986 : vector<1xf32> to vector<1x1x1xf32>
    %reduce_sum3A_988 = vector.extract %reduce_sum3A_987[0, 0, 0] : f32 from vector<1x1x1xf32>
    %add3A_989 = arith.addf %add3A_839, %reduce_sum3A_988 : f32
    %slice3A_990 = vector.extract_strided_slice %get3A_13 {offsets = [0, 1536], sizes = [1, 256], strides = [1, 1]} : vector<1x2048xf32> to vector<1x256xf32>
    %slice3A_991 = vector.extract_strided_slice %get3A_16 {offsets = [0, 1536], sizes = [1, 256], strides = [1, 1]} : vector<1x2048xf32> to vector<1x256xf32>
    %slice3A_992 = vector.extract_strided_slice %sub3A_58 {offsets = [0, 1536], sizes = [1, 256], strides = [1, 1]} : vector<1x2048xf32> to vector<1x256xf32>
    %slice3A_993 = vector.extract_strided_slice %sub3A_59 {offsets = [0, 1536], sizes = [1, 256], strides = [1, 1]} : vector<1x2048xf32> to vector<1x256xf32>
    %slice3A_994 = vector.extract_strided_slice %mul3A_63 {offsets = [0, 1536], sizes = [1, 256], strides = [1, 1]} : vector<1x2048xf32> to vector<1x256xf32>
    %slice3A_995 = vector.extract_strided_slice %mul3A_67 {offsets = [0, 1536], sizes = [1, 256], strides = [1, 1]} : vector<1x2048xf32> to vector<1x256xf32>
    %slice3A_996 = vector.extract_strided_slice %max3A_73 {offsets = [0, 1536], sizes = [1, 256], strides = [1, 1]} : vector<1x2048xf32> to vector<1x256xf32>
    %slice3A_997 = vector.extract_strided_slice %div3A_76 {offsets = [0, 1536], sizes = [1, 256], strides = [1, 1]} : vector<1x2048xf32> to vector<1x256xf32>
    %slice3A_998 = vector.extract_strided_slice %add3A_86 {offsets = [0, 1536], sizes = [1, 256], strides = [1, 1]} : vector<1x2048xf32> to vector<1x256xf32>
    %slice3A_999 = vector.extract_strided_slice %get3A_31 {offsets = [0, 1536], sizes = [1, 256], strides = [1, 1]} : vector<1x2048xi32> to vector<1x256xi32>
    %slice3A_1000 = vector.extract_strided_slice %get3A_34 {offsets = [0, 1536], sizes = [1, 256], strides = [1, 1]} : vector<1x2048xi32> to vector<1x256xi32>
    %sub3A_1001 = vector.broadcast %slice3A : vector<256x1xf32> to vector<256x256xf32>
    %sub3A_1002 = vector.broadcast %slice3A_990 : vector<1x256xf32> to vector<256x256xf32>
    %sub3A_1003 = arith.subf %sub3A_1001, %sub3A_1002 : vector<256x256xf32>
    %sub3A_1004 = vector.broadcast %slice3A_87 : vector<256x1xf32> to vector<256x256xf32>
    %sub3A_1005 = vector.broadcast %slice3A_991 : vector<1x256xf32> to vector<256x256xf32>
    %sub3A_1006 = arith.subf %sub3A_1004, %sub3A_1005 : vector<256x256xf32>
    %mul3A_1007 = vector.broadcast %slice3A_88 : vector<256x1xf32> to vector<256x256xf32>
    %mul3A_1008 = vector.broadcast %slice3A_992 : vector<1x256xf32> to vector<256x256xf32>
    %mul3A_1009 = arith.mulf %mul3A_1007, %mul3A_1008 : vector<256x256xf32>
    %mul3A_1010 = vector.broadcast %slice3A_89 : vector<256x1xf32> to vector<256x256xf32>
    %mul3A_1011 = vector.broadcast %slice3A_993 : vector<1x256xf32> to vector<256x256xf32>
    %mul3A_1012 = arith.mulf %mul3A_1010, %mul3A_1011 : vector<256x256xf32>
    %add3A_1013 = arith.addf %mul3A_1009, %mul3A_1012 : vector<256x256xf32>
    %mul3A_1014 = vector.broadcast %slice3A_88 : vector<256x1xf32> to vector<256x256xf32>
    %mul3A_1015 = arith.mulf %mul3A_1014, %sub3A_1003 : vector<256x256xf32>
    %mul3A_1016 = vector.broadcast %slice3A_89 : vector<256x1xf32> to vector<256x256xf32>
    %mul3A_1017 = arith.mulf %mul3A_1016, %sub3A_1006 : vector<256x256xf32>
    %add3A_1018 = arith.addf %mul3A_1015, %mul3A_1017 : vector<256x256xf32>
    %mul3A_1019 = vector.broadcast %slice3A_992 : vector<1x256xf32> to vector<256x256xf32>
    %mul3A_1020 = arith.mulf %mul3A_1019, %sub3A_1003 : vector<256x256xf32>
    %mul3A_1021 = vector.broadcast %slice3A_993 : vector<1x256xf32> to vector<256x256xf32>
    %mul3A_1022 = arith.mulf %mul3A_1021, %sub3A_1006 : vector<256x256xf32>
    %add3A_1023 = arith.addf %mul3A_1020, %mul3A_1022 : vector<256x256xf32>
    %mul3A_1024 = vector.broadcast %slice3A_92 : vector<256x1xf32> to vector<256x256xf32>
    %mul3A_1025 = vector.broadcast %slice3A_996 : vector<1x256xf32> to vector<256x256xf32>
    %mul3A_1026 = arith.mulf %mul3A_1024, %mul3A_1025 : vector<256x256xf32>
    %mul3A_1027 = arith.mulf %add3A_1013, %add3A_1013 : vector<256x256xf32>
    %sub3A_1028 = arith.subf %mul3A_1026, %mul3A_1027 : vector<256x256xf32>
    %max3A_1029 = arith.constant 9.99999996E-13 : f32
    %max3A_1030 = vector.broadcast %max3A_1029 : f32 to vector<256x256xf32>
    %max3A_1031 = arith.maximumf %sub3A_1028, %max3A_1030 : vector<256x256xf32>
    %div3A_1032 = arith.constant 1.000000e+00 : f32
    %div3A_1033 = vector.broadcast %div3A_1032 : f32 to vector<256x256xf32>
    %div3A_1034 = arith.divf %div3A_1033, %max3A_1031 : vector<256x256xf32>
    %mul3A_1035 = arith.mulf %add3A_1013, %add3A_1023 : vector<256x256xf32>
    %mul3A_1036 = vector.broadcast %slice3A_996 : vector<1x256xf32> to vector<256x256xf32>
    %mul3A_1037 = arith.mulf %add3A_1018, %mul3A_1036 : vector<256x256xf32>
    %sub3A_1038 = arith.subf %mul3A_1035, %mul3A_1037 : vector<256x256xf32>
    %mul3A_1039 = arith.mulf %sub3A_1038, %div3A_1034 : vector<256x256xf32>
    %jit3A_1040 = arith.constant 0.000000e+00 : f32
    %jit3A_1041 = arith.constant 1.000000e+00 : f32
    %max3A_1042 = vector.broadcast %jit3A_1040 : f32 to vector<256x256xf32>
    %max3A_1043 = arith.maximumf %max3A_1042, %mul3A_1039 : vector<256x256xf32>
    %min3A_1044 = vector.broadcast %jit3A_1041 : f32 to vector<256x256xf32>
    %min3A_1045 = arith.minimumf %min3A_1044, %max3A_1043 : vector<256x256xf32>
    %mul3A_1046 = arith.mulf %add3A_1013, %min3A_1045 : vector<256x256xf32>
    %add3A_1047 = arith.addf %mul3A_1046, %add3A_1023 : vector<256x256xf32>
    %mul3A_1048 = vector.broadcast %slice3A_997 : vector<1x256xf32> to vector<256x256xf32>
    %mul3A_1049 = arith.mulf %add3A_1047, %mul3A_1048 : vector<256x256xf32>
    %jit3A_1050 = arith.constant 0.000000e+00 : f32
    %jit3A_1051 = arith.constant 1.000000e+00 : f32
    %max3A_1052 = vector.broadcast %jit3A_1050 : f32 to vector<256x256xf32>
    %max3A_1053 = arith.maximumf %max3A_1052, %mul3A_1049 : vector<256x256xf32>
    %min3A_1054 = vector.broadcast %jit3A_1051 : f32 to vector<256x256xf32>
    %min3A_1055 = arith.minimumf %min3A_1054, %max3A_1053 : vector<256x256xf32>
    %mul3A_1056 = arith.mulf %add3A_1013, %min3A_1055 : vector<256x256xf32>
    %sub3A_1057 = arith.subf %mul3A_1056, %add3A_1018 : vector<256x256xf32>
    %mul3A_1058 = vector.broadcast %slice3A_93 : vector<256x1xf32> to vector<256x256xf32>
    %mul3A_1059 = arith.mulf %sub3A_1057, %mul3A_1058 : vector<256x256xf32>
    %jit3A_1060 = arith.constant 0.000000e+00 : f32
    %jit3A_1061 = arith.constant 1.000000e+00 : f32
    %max3A_1062 = vector.broadcast %jit3A_1060 : f32 to vector<256x256xf32>
    %max3A_1063 = arith.maximumf %max3A_1062, %mul3A_1059 : vector<256x256xf32>
    %min3A_1064 = vector.broadcast %jit3A_1061 : f32 to vector<256x256xf32>
    %min3A_1065 = arith.minimumf %min3A_1064, %max3A_1063 : vector<256x256xf32>
    %mul3A_1066 = vector.broadcast %slice3A_88 : vector<256x1xf32> to vector<256x256xf32>
    %mul3A_1067 = arith.mulf %min3A_1065, %mul3A_1066 : vector<256x256xf32>
    %add3A_1068 = arith.addf %sub3A_1003, %mul3A_1067 : vector<256x256xf32>
    %mul3A_1069 = vector.broadcast %slice3A_992 : vector<1x256xf32> to vector<256x256xf32>
    %mul3A_1070 = arith.mulf %min3A_1055, %mul3A_1069 : vector<256x256xf32>
    %sub3A_1071 = arith.subf %add3A_1068, %mul3A_1070 : vector<256x256xf32>
    %mul3A_1072 = vector.broadcast %slice3A_89 : vector<256x1xf32> to vector<256x256xf32>
    %mul3A_1073 = arith.mulf %min3A_1065, %mul3A_1072 : vector<256x256xf32>
    %add3A_1074 = arith.addf %sub3A_1006, %mul3A_1073 : vector<256x256xf32>
    %mul3A_1075 = vector.broadcast %slice3A_993 : vector<1x256xf32> to vector<256x256xf32>
    %mul3A_1076 = arith.mulf %min3A_1055, %mul3A_1075 : vector<256x256xf32>
    %sub3A_1077 = arith.subf %add3A_1074, %mul3A_1076 : vector<256x256xf32>
    %mul3A_1078 = arith.mulf %sub3A_1071, %sub3A_1071 : vector<256x256xf32>
    %mul3A_1079 = arith.mulf %sub3A_1077, %sub3A_1077 : vector<256x256xf32>
    %add3A_1080 = arith.addf %mul3A_1078, %mul3A_1079 : vector<256x256xf32>
    %max3A_1081 = arith.constant 1.000000e-24 : f32
    %max3A_1082 = vector.broadcast %max3A_1081 : f32 to vector<256x256xf32>
    %max3A_1083 = arith.maximumf %add3A_1080, %max3A_1082 : vector<256x256xf32>
    %sqrt3A_1084 = math.sqrt %max3A_1083 : vector<256x256xf32>
    %sub3A_1085 = vector.broadcast %slice3A_90 : vector<256x1xf32> to vector<256x256xf32>
    %sub3A_1086 = vector.broadcast %slice3A_994 : vector<1x256xf32> to vector<256x256xf32>
    %sub3A_1087 = arith.subf %sub3A_1085, %sub3A_1086 : vector<256x256xf32>
    %sub3A_1088 = vector.broadcast %slice3A_91 : vector<256x1xf32> to vector<256x256xf32>
    %sub3A_1089 = vector.broadcast %slice3A_995 : vector<1x256xf32> to vector<256x256xf32>
    %sub3A_1090 = arith.subf %sub3A_1088, %sub3A_1089 : vector<256x256xf32>
    %add3A_1091 = vector.broadcast %slice3A_94 : vector<256x1xf32> to vector<256x256xf32>
    %add3A_1092 = vector.broadcast %slice3A_998 : vector<1x256xf32> to vector<256x256xf32>
    %add3A_1093 = arith.addf %add3A_1091, %add3A_1092 : vector<256x256xf32>
    %mul3A_1094 = arith.mulf %sub3A_1087, %sub3A_1087 : vector<256x256xf32>
    %mul3A_1095 = arith.mulf %sub3A_1090, %sub3A_1090 : vector<256x256xf32>
    %add3A_1096 = arith.addf %mul3A_1094, %mul3A_1095 : vector<256x256xf32>
    %mul3A_1097 = arith.mulf %add3A_1093, %add3A_1093 : vector<256x256xf32>
    %lt3A_1098 = arith.cmpf olt, %add3A_1096, %mul3A_1097 : vector<256x256xf32>
    %eq3A_1099 = vector.broadcast %slice3A_95 : vector<256x1xi32> to vector<256x256xi32>
    %eq3A_1100 = vector.broadcast %slice3A_999 : vector<1x256xi32> to vector<256x256xi32>
    %eq3A_1101 = arith.cmpi eq, %eq3A_1099, %eq3A_1100 : vector<256x256xi32>
    %eq3A_1102 = vector.broadcast %slice3A_95 : vector<256x1xi32> to vector<256x256xi32>
    %eq3A_1103 = vector.broadcast %slice3A_1000 : vector<1x256xi32> to vector<256x256xi32>
    %eq3A_1104 = arith.cmpi eq, %eq3A_1102, %eq3A_1103 : vector<256x256xi32>
    %or3A_1105 = arith.ori %eq3A_1101, %eq3A_1104 : vector<256x256xi1>
    %eq3A_1106 = vector.broadcast %slice3A_96 : vector<256x1xi32> to vector<256x256xi32>
    %eq3A_1107 = vector.broadcast %slice3A_999 : vector<1x256xi32> to vector<256x256xi32>
    %eq3A_1108 = arith.cmpi eq, %eq3A_1106, %eq3A_1107 : vector<256x256xi32>
    %or3A_1109 = arith.ori %or3A_1105, %eq3A_1108 : vector<256x256xi1>
    %eq3A_1110 = vector.broadcast %slice3A_96 : vector<256x1xi32> to vector<256x256xi32>
    %eq3A_1111 = vector.broadcast %slice3A_1000 : vector<1x256xi32> to vector<256x256xi32>
    %eq3A_1112 = arith.cmpi eq, %eq3A_1110, %eq3A_1111 : vector<256x256xi32>
    %or3A_1113 = arith.ori %or3A_1109, %eq3A_1112 : vector<256x256xi1>
    %not3A_1114 = arith.constant dense<true> : vector<256x256xi1>
    %not3A_1115 = arith.xori %or3A_1113, %not3A_1114 : vector<256x256xi1>
    %and3A_1116 = arith.andi %lt3A_1098, %not3A_1115 : vector<256x256xi1>
    %sub3A_1117 = arith.constant 1.000000e-03 : f32
    %sub3A_1118 = vector.broadcast %sub3A_1117 : f32 to vector<256x256xf32>
    %sub3A_1119 = arith.subf %sub3A_1118, %sqrt3A_1084 : vector<256x256xf32>
    %max3A_1120 = arith.constant 0.000000e+00 : f32
    %max3A_1121 = vector.broadcast %max3A_1120 : f32 to vector<256x256xf32>
    %max3A_1122 = arith.maximumf %sub3A_1119, %max3A_1121 : vector<256x256xf32>
    %jit3A_1123 = arith.constant 0.000000e+00 : f32
    %broadcast_in_dim3A_1124 = vector.broadcast %jit3A_1123 : f32 to vector<256x256xf32>
    %select_n3A_1125 = arith.select %and3A_1116, %max3A_1122, %broadcast_in_dim3A_1124 : vector<256x256xi1>, vector<256x256xf32>
    %reduce_sum3A_1126 = vector.shape_cast %select_n3A_1125 : vector<256x256xf32> to vector<1x256x256xf32>
    %reduce_sum3A_1127 = arith.constant dense<0.000000e+00> : vector<1xf32>
    %reduce_sum3A_1128 = vector.multi_reduction <add>, %reduce_sum3A_1126, %reduce_sum3A_1127 [1, 2] : vector<1x256x256xf32> to vector<1xf32>
    %reduce_sum3A_1129 = vector.shape_cast %reduce_sum3A_1128 : vector<1xf32> to vector<1x1x1xf32>
    %reduce_sum3A_1130 = vector.extract %reduce_sum3A_1129[0, 0, 0] : f32 from vector<1x1x1xf32>
    %add3A_1131 = arith.addf %add3A_981, %reduce_sum3A_1130 : f32
    %convert_element_type3A_1132 = arith.extui %and3A_1116 : vector<256x256xi1> to vector<256x256xi32>
    %convert_element_type3A_1133 = arith.sitofp %convert_element_type3A_1132 : vector<256x256xi32> to vector<256x256xf32>
    %reduce_sum3A_1134 = vector.shape_cast %convert_element_type3A_1133 : vector<256x256xf32> to vector<1x256x256xf32>
    %reduce_sum3A_1135 = arith.constant dense<0.000000e+00> : vector<1xf32>
    %reduce_sum3A_1136 = vector.multi_reduction <add>, %reduce_sum3A_1134, %reduce_sum3A_1135 [1, 2] : vector<1x256x256xf32> to vector<1xf32>
    %reduce_sum3A_1137 = vector.shape_cast %reduce_sum3A_1136 : vector<1xf32> to vector<1x1x1xf32>
    %reduce_sum3A_1138 = vector.extract %reduce_sum3A_1137[0, 0, 0] : f32 from vector<1x1x1xf32>
    %add3A_1139 = arith.addf %add3A_989, %reduce_sum3A_1138 : f32
    %slice3A_1140 = vector.extract_strided_slice %get3A_13 {offsets = [0, 1792], sizes = [1, 256], strides = [1, 1]} : vector<1x2048xf32> to vector<1x256xf32>
    %slice3A_1141 = vector.extract_strided_slice %get3A_16 {offsets = [0, 1792], sizes = [1, 256], strides = [1, 1]} : vector<1x2048xf32> to vector<1x256xf32>
    %slice3A_1142 = vector.extract_strided_slice %sub3A_58 {offsets = [0, 1792], sizes = [1, 256], strides = [1, 1]} : vector<1x2048xf32> to vector<1x256xf32>
    %slice3A_1143 = vector.extract_strided_slice %sub3A_59 {offsets = [0, 1792], sizes = [1, 256], strides = [1, 1]} : vector<1x2048xf32> to vector<1x256xf32>
    %slice3A_1144 = vector.extract_strided_slice %mul3A_63 {offsets = [0, 1792], sizes = [1, 256], strides = [1, 1]} : vector<1x2048xf32> to vector<1x256xf32>
    %slice3A_1145 = vector.extract_strided_slice %mul3A_67 {offsets = [0, 1792], sizes = [1, 256], strides = [1, 1]} : vector<1x2048xf32> to vector<1x256xf32>
    %slice3A_1146 = vector.extract_strided_slice %max3A_73 {offsets = [0, 1792], sizes = [1, 256], strides = [1, 1]} : vector<1x2048xf32> to vector<1x256xf32>
    %slice3A_1147 = vector.extract_strided_slice %div3A_76 {offsets = [0, 1792], sizes = [1, 256], strides = [1, 1]} : vector<1x2048xf32> to vector<1x256xf32>
    %slice3A_1148 = vector.extract_strided_slice %add3A_86 {offsets = [0, 1792], sizes = [1, 256], strides = [1, 1]} : vector<1x2048xf32> to vector<1x256xf32>
    %slice3A_1149 = vector.extract_strided_slice %get3A_31 {offsets = [0, 1792], sizes = [1, 256], strides = [1, 1]} : vector<1x2048xi32> to vector<1x256xi32>
    %slice3A_1150 = vector.extract_strided_slice %get3A_34 {offsets = [0, 1792], sizes = [1, 256], strides = [1, 1]} : vector<1x2048xi32> to vector<1x256xi32>
    %sub3A_1151 = vector.broadcast %slice3A : vector<256x1xf32> to vector<256x256xf32>
    %sub3A_1152 = vector.broadcast %slice3A_1140 : vector<1x256xf32> to vector<256x256xf32>
    %sub3A_1153 = arith.subf %sub3A_1151, %sub3A_1152 : vector<256x256xf32>
    %sub3A_1154 = vector.broadcast %slice3A_87 : vector<256x1xf32> to vector<256x256xf32>
    %sub3A_1155 = vector.broadcast %slice3A_1141 : vector<1x256xf32> to vector<256x256xf32>
    %sub3A_1156 = arith.subf %sub3A_1154, %sub3A_1155 : vector<256x256xf32>
    %mul3A_1157 = vector.broadcast %slice3A_88 : vector<256x1xf32> to vector<256x256xf32>
    %mul3A_1158 = vector.broadcast %slice3A_1142 : vector<1x256xf32> to vector<256x256xf32>
    %mul3A_1159 = arith.mulf %mul3A_1157, %mul3A_1158 : vector<256x256xf32>
    %mul3A_1160 = vector.broadcast %slice3A_89 : vector<256x1xf32> to vector<256x256xf32>
    %mul3A_1161 = vector.broadcast %slice3A_1143 : vector<1x256xf32> to vector<256x256xf32>
    %mul3A_1162 = arith.mulf %mul3A_1160, %mul3A_1161 : vector<256x256xf32>
    %add3A_1163 = arith.addf %mul3A_1159, %mul3A_1162 : vector<256x256xf32>
    %mul3A_1164 = vector.broadcast %slice3A_88 : vector<256x1xf32> to vector<256x256xf32>
    %mul3A_1165 = arith.mulf %mul3A_1164, %sub3A_1153 : vector<256x256xf32>
    %mul3A_1166 = vector.broadcast %slice3A_89 : vector<256x1xf32> to vector<256x256xf32>
    %mul3A_1167 = arith.mulf %mul3A_1166, %sub3A_1156 : vector<256x256xf32>
    %add3A_1168 = arith.addf %mul3A_1165, %mul3A_1167 : vector<256x256xf32>
    %mul3A_1169 = vector.broadcast %slice3A_1142 : vector<1x256xf32> to vector<256x256xf32>
    %mul3A_1170 = arith.mulf %mul3A_1169, %sub3A_1153 : vector<256x256xf32>
    %mul3A_1171 = vector.broadcast %slice3A_1143 : vector<1x256xf32> to vector<256x256xf32>
    %mul3A_1172 = arith.mulf %mul3A_1171, %sub3A_1156 : vector<256x256xf32>
    %add3A_1173 = arith.addf %mul3A_1170, %mul3A_1172 : vector<256x256xf32>
    %mul3A_1174 = vector.broadcast %slice3A_92 : vector<256x1xf32> to vector<256x256xf32>
    %mul3A_1175 = vector.broadcast %slice3A_1146 : vector<1x256xf32> to vector<256x256xf32>
    %mul3A_1176 = arith.mulf %mul3A_1174, %mul3A_1175 : vector<256x256xf32>
    %mul3A_1177 = arith.mulf %add3A_1163, %add3A_1163 : vector<256x256xf32>
    %sub3A_1178 = arith.subf %mul3A_1176, %mul3A_1177 : vector<256x256xf32>
    %max3A_1179 = arith.constant 9.99999996E-13 : f32
    %max3A_1180 = vector.broadcast %max3A_1179 : f32 to vector<256x256xf32>
    %max3A_1181 = arith.maximumf %sub3A_1178, %max3A_1180 : vector<256x256xf32>
    %div3A_1182 = arith.constant 1.000000e+00 : f32
    %div3A_1183 = vector.broadcast %div3A_1182 : f32 to vector<256x256xf32>
    %div3A_1184 = arith.divf %div3A_1183, %max3A_1181 : vector<256x256xf32>
    %mul3A_1185 = arith.mulf %add3A_1163, %add3A_1173 : vector<256x256xf32>
    %mul3A_1186 = vector.broadcast %slice3A_1146 : vector<1x256xf32> to vector<256x256xf32>
    %mul3A_1187 = arith.mulf %add3A_1168, %mul3A_1186 : vector<256x256xf32>
    %sub3A_1188 = arith.subf %mul3A_1185, %mul3A_1187 : vector<256x256xf32>
    %mul3A_1189 = arith.mulf %sub3A_1188, %div3A_1184 : vector<256x256xf32>
    %jit3A_1190 = arith.constant 0.000000e+00 : f32
    %jit3A_1191 = arith.constant 1.000000e+00 : f32
    %max3A_1192 = vector.broadcast %jit3A_1190 : f32 to vector<256x256xf32>
    %max3A_1193 = arith.maximumf %max3A_1192, %mul3A_1189 : vector<256x256xf32>
    %min3A_1194 = vector.broadcast %jit3A_1191 : f32 to vector<256x256xf32>
    %min3A_1195 = arith.minimumf %min3A_1194, %max3A_1193 : vector<256x256xf32>
    %mul3A_1196 = arith.mulf %add3A_1163, %min3A_1195 : vector<256x256xf32>
    %add3A_1197 = arith.addf %mul3A_1196, %add3A_1173 : vector<256x256xf32>
    %mul3A_1198 = vector.broadcast %slice3A_1147 : vector<1x256xf32> to vector<256x256xf32>
    %mul3A_1199 = arith.mulf %add3A_1197, %mul3A_1198 : vector<256x256xf32>
    %jit3A_1200 = arith.constant 0.000000e+00 : f32
    %jit3A_1201 = arith.constant 1.000000e+00 : f32
    %max3A_1202 = vector.broadcast %jit3A_1200 : f32 to vector<256x256xf32>
    %max3A_1203 = arith.maximumf %max3A_1202, %mul3A_1199 : vector<256x256xf32>
    %min3A_1204 = vector.broadcast %jit3A_1201 : f32 to vector<256x256xf32>
    %min3A_1205 = arith.minimumf %min3A_1204, %max3A_1203 : vector<256x256xf32>
    %mul3A_1206 = arith.mulf %add3A_1163, %min3A_1205 : vector<256x256xf32>
    %sub3A_1207 = arith.subf %mul3A_1206, %add3A_1168 : vector<256x256xf32>
    %mul3A_1208 = vector.broadcast %slice3A_93 : vector<256x1xf32> to vector<256x256xf32>
    %mul3A_1209 = arith.mulf %sub3A_1207, %mul3A_1208 : vector<256x256xf32>
    %jit3A_1210 = arith.constant 0.000000e+00 : f32
    %jit3A_1211 = arith.constant 1.000000e+00 : f32
    %max3A_1212 = vector.broadcast %jit3A_1210 : f32 to vector<256x256xf32>
    %max3A_1213 = arith.maximumf %max3A_1212, %mul3A_1209 : vector<256x256xf32>
    %min3A_1214 = vector.broadcast %jit3A_1211 : f32 to vector<256x256xf32>
    %min3A_1215 = arith.minimumf %min3A_1214, %max3A_1213 : vector<256x256xf32>
    %mul3A_1216 = vector.broadcast %slice3A_88 : vector<256x1xf32> to vector<256x256xf32>
    %mul3A_1217 = arith.mulf %min3A_1215, %mul3A_1216 : vector<256x256xf32>
    %add3A_1218 = arith.addf %sub3A_1153, %mul3A_1217 : vector<256x256xf32>
    %mul3A_1219 = vector.broadcast %slice3A_1142 : vector<1x256xf32> to vector<256x256xf32>
    %mul3A_1220 = arith.mulf %min3A_1205, %mul3A_1219 : vector<256x256xf32>
    %sub3A_1221 = arith.subf %add3A_1218, %mul3A_1220 : vector<256x256xf32>
    %mul3A_1222 = vector.broadcast %slice3A_89 : vector<256x1xf32> to vector<256x256xf32>
    %mul3A_1223 = arith.mulf %min3A_1215, %mul3A_1222 : vector<256x256xf32>
    %add3A_1224 = arith.addf %sub3A_1156, %mul3A_1223 : vector<256x256xf32>
    %mul3A_1225 = vector.broadcast %slice3A_1143 : vector<1x256xf32> to vector<256x256xf32>
    %mul3A_1226 = arith.mulf %min3A_1205, %mul3A_1225 : vector<256x256xf32>
    %sub3A_1227 = arith.subf %add3A_1224, %mul3A_1226 : vector<256x256xf32>
    %mul3A_1228 = arith.mulf %sub3A_1221, %sub3A_1221 : vector<256x256xf32>
    %mul3A_1229 = arith.mulf %sub3A_1227, %sub3A_1227 : vector<256x256xf32>
    %add3A_1230 = arith.addf %mul3A_1228, %mul3A_1229 : vector<256x256xf32>
    %max3A_1231 = arith.constant 1.000000e-24 : f32
    %max3A_1232 = vector.broadcast %max3A_1231 : f32 to vector<256x256xf32>
    %max3A_1233 = arith.maximumf %add3A_1230, %max3A_1232 : vector<256x256xf32>
    %sqrt3A_1234 = math.sqrt %max3A_1233 : vector<256x256xf32>
    %sub3A_1235 = vector.broadcast %slice3A_90 : vector<256x1xf32> to vector<256x256xf32>
    %sub3A_1236 = vector.broadcast %slice3A_1144 : vector<1x256xf32> to vector<256x256xf32>
    %sub3A_1237 = arith.subf %sub3A_1235, %sub3A_1236 : vector<256x256xf32>
    %sub3A_1238 = vector.broadcast %slice3A_91 : vector<256x1xf32> to vector<256x256xf32>
    %sub3A_1239 = vector.broadcast %slice3A_1145 : vector<1x256xf32> to vector<256x256xf32>
    %sub3A_1240 = arith.subf %sub3A_1238, %sub3A_1239 : vector<256x256xf32>
    %add3A_1241 = vector.broadcast %slice3A_94 : vector<256x1xf32> to vector<256x256xf32>
    %add3A_1242 = vector.broadcast %slice3A_1148 : vector<1x256xf32> to vector<256x256xf32>
    %add3A_1243 = arith.addf %add3A_1241, %add3A_1242 : vector<256x256xf32>
    %mul3A_1244 = arith.mulf %sub3A_1237, %sub3A_1237 : vector<256x256xf32>
    %mul3A_1245 = arith.mulf %sub3A_1240, %sub3A_1240 : vector<256x256xf32>
    %add3A_1246 = arith.addf %mul3A_1244, %mul3A_1245 : vector<256x256xf32>
    %mul3A_1247 = arith.mulf %add3A_1243, %add3A_1243 : vector<256x256xf32>
    %lt3A_1248 = arith.cmpf olt, %add3A_1246, %mul3A_1247 : vector<256x256xf32>
    %eq3A_1249 = vector.broadcast %slice3A_95 : vector<256x1xi32> to vector<256x256xi32>
    %eq3A_1250 = vector.broadcast %slice3A_1149 : vector<1x256xi32> to vector<256x256xi32>
    %eq3A_1251 = arith.cmpi eq, %eq3A_1249, %eq3A_1250 : vector<256x256xi32>
    %eq3A_1252 = vector.broadcast %slice3A_95 : vector<256x1xi32> to vector<256x256xi32>
    %eq3A_1253 = vector.broadcast %slice3A_1150 : vector<1x256xi32> to vector<256x256xi32>
    %eq3A_1254 = arith.cmpi eq, %eq3A_1252, %eq3A_1253 : vector<256x256xi32>
    %or3A_1255 = arith.ori %eq3A_1251, %eq3A_1254 : vector<256x256xi1>
    %eq3A_1256 = vector.broadcast %slice3A_96 : vector<256x1xi32> to vector<256x256xi32>
    %eq3A_1257 = vector.broadcast %slice3A_1149 : vector<1x256xi32> to vector<256x256xi32>
    %eq3A_1258 = arith.cmpi eq, %eq3A_1256, %eq3A_1257 : vector<256x256xi32>
    %or3A_1259 = arith.ori %or3A_1255, %eq3A_1258 : vector<256x256xi1>
    %eq3A_1260 = vector.broadcast %slice3A_96 : vector<256x1xi32> to vector<256x256xi32>
    %eq3A_1261 = vector.broadcast %slice3A_1150 : vector<1x256xi32> to vector<256x256xi32>
    %eq3A_1262 = arith.cmpi eq, %eq3A_1260, %eq3A_1261 : vector<256x256xi32>
    %or3A_1263 = arith.ori %or3A_1259, %eq3A_1262 : vector<256x256xi1>
    %not3A_1264 = arith.constant dense<true> : vector<256x256xi1>
    %not3A_1265 = arith.xori %or3A_1263, %not3A_1264 : vector<256x256xi1>
    %and3A_1266 = arith.andi %lt3A_1248, %not3A_1265 : vector<256x256xi1>
    %sub3A_1267 = arith.constant 1.000000e-03 : f32
    %sub3A_1268 = vector.broadcast %sub3A_1267 : f32 to vector<256x256xf32>
    %sub3A_1269 = arith.subf %sub3A_1268, %sqrt3A_1234 : vector<256x256xf32>
    %max3A_1270 = arith.constant 0.000000e+00 : f32
    %max3A_1271 = vector.broadcast %max3A_1270 : f32 to vector<256x256xf32>
    %max3A_1272 = arith.maximumf %sub3A_1269, %max3A_1271 : vector<256x256xf32>
    %jit3A_1273 = arith.constant 0.000000e+00 : f32
    %broadcast_in_dim3A_1274 = vector.broadcast %jit3A_1273 : f32 to vector<256x256xf32>
    %select_n3A_1275 = arith.select %and3A_1266, %max3A_1272, %broadcast_in_dim3A_1274 : vector<256x256xi1>, vector<256x256xf32>
    %reduce_sum3A_1276 = vector.shape_cast %select_n3A_1275 : vector<256x256xf32> to vector<1x256x256xf32>
    %reduce_sum3A_1277 = arith.constant dense<0.000000e+00> : vector<1xf32>
    %reduce_sum3A_1278 = vector.multi_reduction <add>, %reduce_sum3A_1276, %reduce_sum3A_1277 [1, 2] : vector<1x256x256xf32> to vector<1xf32>
    %reduce_sum3A_1279 = vector.shape_cast %reduce_sum3A_1278 : vector<1xf32> to vector<1x1x1xf32>
    %reduce_sum3A_1280 = vector.extract %reduce_sum3A_1279[0, 0, 0] : f32 from vector<1x1x1xf32>
    %add3A_1281 = arith.addf %add3A_1131, %reduce_sum3A_1280 : f32
    %convert_element_type3A_1282 = arith.extui %and3A_1266 : vector<256x256xi1> to vector<256x256xi32>
    %convert_element_type3A_1283 = arith.sitofp %convert_element_type3A_1282 : vector<256x256xi32> to vector<256x256xf32>
    %reduce_sum3A_1284 = vector.shape_cast %convert_element_type3A_1283 : vector<256x256xf32> to vector<1x256x256xf32>
    %reduce_sum3A_1285 = arith.constant dense<0.000000e+00> : vector<1xf32>
    %reduce_sum3A_1286 = vector.multi_reduction <add>, %reduce_sum3A_1284, %reduce_sum3A_1285 [1, 2] : vector<1x256x256xf32> to vector<1xf32>
    %reduce_sum3A_1287 = vector.shape_cast %reduce_sum3A_1286 : vector<1xf32> to vector<1x1x1xf32>
    %reduce_sum3A_1288 = vector.extract %reduce_sum3A_1287[0, 0, 0] : f32 from vector<1x1x1xf32>
    %add3A_1289 = arith.addf %add3A_1139, %reduce_sum3A_1288 : f32
    %slice3A_1290 = vector.extract_strided_slice %get3A_1 {offsets = [256, 0], sizes = [256, 1], strides = [1, 1]} : vector<2048x1xf32> to vector<256x1xf32>
    %slice3A_1291 = vector.extract_strided_slice %get3A_4 {offsets = [256, 0], sizes = [256, 1], strides = [1, 1]} : vector<2048x1xf32> to vector<256x1xf32>
    %slice3A_1292 = vector.extract_strided_slice %sub3A {offsets = [256, 0], sizes = [256, 1], strides = [1, 1]} : vector<2048x1xf32> to vector<256x1xf32>
    %slice3A_1293 = vector.extract_strided_slice %sub3A_35 {offsets = [256, 0], sizes = [256, 1], strides = [1, 1]} : vector<2048x1xf32> to vector<256x1xf32>
    %slice3A_1294 = vector.extract_strided_slice %mul3A_37 {offsets = [256, 0], sizes = [256, 1], strides = [1, 1]} : vector<2048x1xf32> to vector<256x1xf32>
    %slice3A_1295 = vector.extract_strided_slice %mul3A_41 {offsets = [256, 0], sizes = [256, 1], strides = [1, 1]} : vector<2048x1xf32> to vector<256x1xf32>
    %slice3A_1296 = vector.extract_strided_slice %max3A_46 {offsets = [256, 0], sizes = [256, 1], strides = [1, 1]} : vector<2048x1xf32> to vector<256x1xf32>
    %slice3A_1297 = vector.extract_strided_slice %div3A_48 {offsets = [256, 0], sizes = [256, 1], strides = [1, 1]} : vector<2048x1xf32> to vector<256x1xf32>
    %slice3A_1298 = vector.extract_strided_slice %add3A_57 {offsets = [256, 0], sizes = [256, 1], strides = [1, 1]} : vector<2048x1xf32> to vector<256x1xf32>
    %slice3A_1299 = vector.extract_strided_slice %get3A_25 {offsets = [256, 0], sizes = [256, 1], strides = [1, 1]} : vector<2048x1xi32> to vector<256x1xi32>
    %slice3A_1300 = vector.extract_strided_slice %get3A_28 {offsets = [256, 0], sizes = [256, 1], strides = [1, 1]} : vector<2048x1xi32> to vector<256x1xi32>
    %slice3A_1301 = vector.extract_strided_slice %get3A_13 {offsets = [0, 256], sizes = [1, 256], strides = [1, 1]} : vector<1x2048xf32> to vector<1x256xf32>
    %slice3A_1302 = vector.extract_strided_slice %get3A_16 {offsets = [0, 256], sizes = [1, 256], strides = [1, 1]} : vector<1x2048xf32> to vector<1x256xf32>
    %slice3A_1303 = vector.extract_strided_slice %sub3A_58 {offsets = [0, 256], sizes = [1, 256], strides = [1, 1]} : vector<1x2048xf32> to vector<1x256xf32>
    %slice3A_1304 = vector.extract_strided_slice %sub3A_59 {offsets = [0, 256], sizes = [1, 256], strides = [1, 1]} : vector<1x2048xf32> to vector<1x256xf32>
    %slice3A_1305 = vector.extract_strided_slice %mul3A_63 {offsets = [0, 256], sizes = [1, 256], strides = [1, 1]} : vector<1x2048xf32> to vector<1x256xf32>
    %slice3A_1306 = vector.extract_strided_slice %mul3A_67 {offsets = [0, 256], sizes = [1, 256], strides = [1, 1]} : vector<1x2048xf32> to vector<1x256xf32>
    %slice3A_1307 = vector.extract_strided_slice %max3A_73 {offsets = [0, 256], sizes = [1, 256], strides = [1, 1]} : vector<1x2048xf32> to vector<1x256xf32>
    %slice3A_1308 = vector.extract_strided_slice %div3A_76 {offsets = [0, 256], sizes = [1, 256], strides = [1, 1]} : vector<1x2048xf32> to vector<1x256xf32>
    %slice3A_1309 = vector.extract_strided_slice %add3A_86 {offsets = [0, 256], sizes = [1, 256], strides = [1, 1]} : vector<1x2048xf32> to vector<1x256xf32>
    %slice3A_1310 = vector.extract_strided_slice %get3A_31 {offsets = [0, 256], sizes = [1, 256], strides = [1, 1]} : vector<1x2048xi32> to vector<1x256xi32>
    %slice3A_1311 = vector.extract_strided_slice %get3A_34 {offsets = [0, 256], sizes = [1, 256], strides = [1, 1]} : vector<1x2048xi32> to vector<1x256xi32>
    %sub3A_1312 = vector.broadcast %slice3A_1290 : vector<256x1xf32> to vector<256x256xf32>
    %sub3A_1313 = vector.broadcast %slice3A_1301 : vector<1x256xf32> to vector<256x256xf32>
    %sub3A_1314 = arith.subf %sub3A_1312, %sub3A_1313 : vector<256x256xf32>
    %sub3A_1315 = vector.broadcast %slice3A_1291 : vector<256x1xf32> to vector<256x256xf32>
    %sub3A_1316 = vector.broadcast %slice3A_1302 : vector<1x256xf32> to vector<256x256xf32>
    %sub3A_1317 = arith.subf %sub3A_1315, %sub3A_1316 : vector<256x256xf32>
    %mul3A_1318 = vector.broadcast %slice3A_1292 : vector<256x1xf32> to vector<256x256xf32>
    %mul3A_1319 = vector.broadcast %slice3A_1303 : vector<1x256xf32> to vector<256x256xf32>
    %mul3A_1320 = arith.mulf %mul3A_1318, %mul3A_1319 : vector<256x256xf32>
    %mul3A_1321 = vector.broadcast %slice3A_1293 : vector<256x1xf32> to vector<256x256xf32>
    %mul3A_1322 = vector.broadcast %slice3A_1304 : vector<1x256xf32> to vector<256x256xf32>
    %mul3A_1323 = arith.mulf %mul3A_1321, %mul3A_1322 : vector<256x256xf32>
    %add3A_1324 = arith.addf %mul3A_1320, %mul3A_1323 : vector<256x256xf32>
    %mul3A_1325 = vector.broadcast %slice3A_1292 : vector<256x1xf32> to vector<256x256xf32>
    %mul3A_1326 = arith.mulf %mul3A_1325, %sub3A_1314 : vector<256x256xf32>
    %mul3A_1327 = vector.broadcast %slice3A_1293 : vector<256x1xf32> to vector<256x256xf32>
    %mul3A_1328 = arith.mulf %mul3A_1327, %sub3A_1317 : vector<256x256xf32>
    %add3A_1329 = arith.addf %mul3A_1326, %mul3A_1328 : vector<256x256xf32>
    %mul3A_1330 = vector.broadcast %slice3A_1303 : vector<1x256xf32> to vector<256x256xf32>
    %mul3A_1331 = arith.mulf %mul3A_1330, %sub3A_1314 : vector<256x256xf32>
    %mul3A_1332 = vector.broadcast %slice3A_1304 : vector<1x256xf32> to vector<256x256xf32>
    %mul3A_1333 = arith.mulf %mul3A_1332, %sub3A_1317 : vector<256x256xf32>
    %add3A_1334 = arith.addf %mul3A_1331, %mul3A_1333 : vector<256x256xf32>
    %mul3A_1335 = vector.broadcast %slice3A_1296 : vector<256x1xf32> to vector<256x256xf32>
    %mul3A_1336 = vector.broadcast %slice3A_1307 : vector<1x256xf32> to vector<256x256xf32>
    %mul3A_1337 = arith.mulf %mul3A_1335, %mul3A_1336 : vector<256x256xf32>
    %mul3A_1338 = arith.mulf %add3A_1324, %add3A_1324 : vector<256x256xf32>
    %sub3A_1339 = arith.subf %mul3A_1337, %mul3A_1338 : vector<256x256xf32>
    %max3A_1340 = arith.constant 9.99999996E-13 : f32
    %max3A_1341 = vector.broadcast %max3A_1340 : f32 to vector<256x256xf32>
    %max3A_1342 = arith.maximumf %sub3A_1339, %max3A_1341 : vector<256x256xf32>
    %div3A_1343 = arith.constant 1.000000e+00 : f32
    %div3A_1344 = vector.broadcast %div3A_1343 : f32 to vector<256x256xf32>
    %div3A_1345 = arith.divf %div3A_1344, %max3A_1342 : vector<256x256xf32>
    %mul3A_1346 = arith.mulf %add3A_1324, %add3A_1334 : vector<256x256xf32>
    %mul3A_1347 = vector.broadcast %slice3A_1307 : vector<1x256xf32> to vector<256x256xf32>
    %mul3A_1348 = arith.mulf %add3A_1329, %mul3A_1347 : vector<256x256xf32>
    %sub3A_1349 = arith.subf %mul3A_1346, %mul3A_1348 : vector<256x256xf32>
    %mul3A_1350 = arith.mulf %sub3A_1349, %div3A_1345 : vector<256x256xf32>
    %jit3A_1351 = arith.constant 0.000000e+00 : f32
    %jit3A_1352 = arith.constant 1.000000e+00 : f32
    %max3A_1353 = vector.broadcast %jit3A_1351 : f32 to vector<256x256xf32>
    %max3A_1354 = arith.maximumf %max3A_1353, %mul3A_1350 : vector<256x256xf32>
    %min3A_1355 = vector.broadcast %jit3A_1352 : f32 to vector<256x256xf32>
    %min3A_1356 = arith.minimumf %min3A_1355, %max3A_1354 : vector<256x256xf32>
    %mul3A_1357 = arith.mulf %add3A_1324, %min3A_1356 : vector<256x256xf32>
    %add3A_1358 = arith.addf %mul3A_1357, %add3A_1334 : vector<256x256xf32>
    %mul3A_1359 = vector.broadcast %slice3A_1308 : vector<1x256xf32> to vector<256x256xf32>
    %mul3A_1360 = arith.mulf %add3A_1358, %mul3A_1359 : vector<256x256xf32>
    %jit3A_1361 = arith.constant 0.000000e+00 : f32
    %jit3A_1362 = arith.constant 1.000000e+00 : f32
    %max3A_1363 = vector.broadcast %jit3A_1361 : f32 to vector<256x256xf32>
    %max3A_1364 = arith.maximumf %max3A_1363, %mul3A_1360 : vector<256x256xf32>
    %min3A_1365 = vector.broadcast %jit3A_1362 : f32 to vector<256x256xf32>
    %min3A_1366 = arith.minimumf %min3A_1365, %max3A_1364 : vector<256x256xf32>
    %mul3A_1367 = arith.mulf %add3A_1324, %min3A_1366 : vector<256x256xf32>
    %sub3A_1368 = arith.subf %mul3A_1367, %add3A_1329 : vector<256x256xf32>
    %mul3A_1369 = vector.broadcast %slice3A_1297 : vector<256x1xf32> to vector<256x256xf32>
    %mul3A_1370 = arith.mulf %sub3A_1368, %mul3A_1369 : vector<256x256xf32>
    %jit3A_1371 = arith.constant 0.000000e+00 : f32
    %jit3A_1372 = arith.constant 1.000000e+00 : f32
    %max3A_1373 = vector.broadcast %jit3A_1371 : f32 to vector<256x256xf32>
    %max3A_1374 = arith.maximumf %max3A_1373, %mul3A_1370 : vector<256x256xf32>
    %min3A_1375 = vector.broadcast %jit3A_1372 : f32 to vector<256x256xf32>
    %min3A_1376 = arith.minimumf %min3A_1375, %max3A_1374 : vector<256x256xf32>
    %mul3A_1377 = vector.broadcast %slice3A_1292 : vector<256x1xf32> to vector<256x256xf32>
    %mul3A_1378 = arith.mulf %min3A_1376, %mul3A_1377 : vector<256x256xf32>
    %add3A_1379 = arith.addf %sub3A_1314, %mul3A_1378 : vector<256x256xf32>
    %mul3A_1380 = vector.broadcast %slice3A_1303 : vector<1x256xf32> to vector<256x256xf32>
    %mul3A_1381 = arith.mulf %min3A_1366, %mul3A_1380 : vector<256x256xf32>
    %sub3A_1382 = arith.subf %add3A_1379, %mul3A_1381 : vector<256x256xf32>
    %mul3A_1383 = vector.broadcast %slice3A_1293 : vector<256x1xf32> to vector<256x256xf32>
    %mul3A_1384 = arith.mulf %min3A_1376, %mul3A_1383 : vector<256x256xf32>
    %add3A_1385 = arith.addf %sub3A_1317, %mul3A_1384 : vector<256x256xf32>
    %mul3A_1386 = vector.broadcast %slice3A_1304 : vector<1x256xf32> to vector<256x256xf32>
    %mul3A_1387 = arith.mulf %min3A_1366, %mul3A_1386 : vector<256x256xf32>
    %sub3A_1388 = arith.subf %add3A_1385, %mul3A_1387 : vector<256x256xf32>
    %mul3A_1389 = arith.mulf %sub3A_1382, %sub3A_1382 : vector<256x256xf32>
    %mul3A_1390 = arith.mulf %sub3A_1388, %sub3A_1388 : vector<256x256xf32>
    %add3A_1391 = arith.addf %mul3A_1389, %mul3A_1390 : vector<256x256xf32>
    %max3A_1392 = arith.constant 1.000000e-24 : f32
    %max3A_1393 = vector.broadcast %max3A_1392 : f32 to vector<256x256xf32>
    %max3A_1394 = arith.maximumf %add3A_1391, %max3A_1393 : vector<256x256xf32>
    %sqrt3A_1395 = math.sqrt %max3A_1394 : vector<256x256xf32>
    %sub3A_1396 = vector.broadcast %slice3A_1294 : vector<256x1xf32> to vector<256x256xf32>
    %sub3A_1397 = vector.broadcast %slice3A_1305 : vector<1x256xf32> to vector<256x256xf32>
    %sub3A_1398 = arith.subf %sub3A_1396, %sub3A_1397 : vector<256x256xf32>
    %sub3A_1399 = vector.broadcast %slice3A_1295 : vector<256x1xf32> to vector<256x256xf32>
    %sub3A_1400 = vector.broadcast %slice3A_1306 : vector<1x256xf32> to vector<256x256xf32>
    %sub3A_1401 = arith.subf %sub3A_1399, %sub3A_1400 : vector<256x256xf32>
    %add3A_1402 = vector.broadcast %slice3A_1298 : vector<256x1xf32> to vector<256x256xf32>
    %add3A_1403 = vector.broadcast %slice3A_1309 : vector<1x256xf32> to vector<256x256xf32>
    %add3A_1404 = arith.addf %add3A_1402, %add3A_1403 : vector<256x256xf32>
    %mul3A_1405 = arith.mulf %sub3A_1398, %sub3A_1398 : vector<256x256xf32>
    %mul3A_1406 = arith.mulf %sub3A_1401, %sub3A_1401 : vector<256x256xf32>
    %add3A_1407 = arith.addf %mul3A_1405, %mul3A_1406 : vector<256x256xf32>
    %mul3A_1408 = arith.mulf %add3A_1404, %add3A_1404 : vector<256x256xf32>
    %lt3A_1409 = arith.cmpf olt, %add3A_1407, %mul3A_1408 : vector<256x256xf32>
    %eq3A_1410 = vector.broadcast %slice3A_1299 : vector<256x1xi32> to vector<256x256xi32>
    %eq3A_1411 = vector.broadcast %slice3A_1310 : vector<1x256xi32> to vector<256x256xi32>
    %eq3A_1412 = arith.cmpi eq, %eq3A_1410, %eq3A_1411 : vector<256x256xi32>
    %eq3A_1413 = vector.broadcast %slice3A_1299 : vector<256x1xi32> to vector<256x256xi32>
    %eq3A_1414 = vector.broadcast %slice3A_1311 : vector<1x256xi32> to vector<256x256xi32>
    %eq3A_1415 = arith.cmpi eq, %eq3A_1413, %eq3A_1414 : vector<256x256xi32>
    %or3A_1416 = arith.ori %eq3A_1412, %eq3A_1415 : vector<256x256xi1>
    %eq3A_1417 = vector.broadcast %slice3A_1300 : vector<256x1xi32> to vector<256x256xi32>
    %eq3A_1418 = vector.broadcast %slice3A_1310 : vector<1x256xi32> to vector<256x256xi32>
    %eq3A_1419 = arith.cmpi eq, %eq3A_1417, %eq3A_1418 : vector<256x256xi32>
    %or3A_1420 = arith.ori %or3A_1416, %eq3A_1419 : vector<256x256xi1>
    %eq3A_1421 = vector.broadcast %slice3A_1300 : vector<256x1xi32> to vector<256x256xi32>
    %eq3A_1422 = vector.broadcast %slice3A_1311 : vector<1x256xi32> to vector<256x256xi32>
    %eq3A_1423 = arith.cmpi eq, %eq3A_1421, %eq3A_1422 : vector<256x256xi32>
    %or3A_1424 = arith.ori %or3A_1420, %eq3A_1423 : vector<256x256xi1>
    %not3A_1425 = arith.constant dense<true> : vector<256x256xi1>
    %not3A_1426 = arith.xori %or3A_1424, %not3A_1425 : vector<256x256xi1>
    %and3A_1427 = arith.andi %lt3A_1409, %not3A_1426 : vector<256x256xi1>
    %iota3A_1428 = tpu.iota {dimensions = array<i32: 0>} : vector<256x256xi32>
    %iota3A_1429 = tpu.iota {dimensions = array<i32: 1>} : vector<256x256xi32>
    %gt3A_1430 = arith.cmpi sgt, %iota3A_1429, %iota3A_1428 : vector<256x256xi32>
    %and3A_1431 = arith.andi %and3A_1427, %gt3A_1430 : vector<256x256xi1>
    %sub3A_1432 = arith.constant 1.000000e-03 : f32
    %sub3A_1433 = vector.broadcast %sub3A_1432 : f32 to vector<256x256xf32>
    %sub3A_1434 = arith.subf %sub3A_1433, %sqrt3A_1395 : vector<256x256xf32>
    %max3A_1435 = arith.constant 0.000000e+00 : f32
    %max3A_1436 = vector.broadcast %max3A_1435 : f32 to vector<256x256xf32>
    %max3A_1437 = arith.maximumf %sub3A_1434, %max3A_1436 : vector<256x256xf32>
    %jit3A_1438 = arith.constant 0.000000e+00 : f32
    %broadcast_in_dim3A_1439 = vector.broadcast %jit3A_1438 : f32 to vector<256x256xf32>
    %select_n3A_1440 = arith.select %and3A_1431, %max3A_1437, %broadcast_in_dim3A_1439 : vector<256x256xi1>, vector<256x256xf32>
    %reduce_sum3A_1441 = vector.shape_cast %select_n3A_1440 : vector<256x256xf32> to vector<1x256x256xf32>
    %reduce_sum3A_1442 = arith.constant dense<0.000000e+00> : vector<1xf32>
    %reduce_sum3A_1443 = vector.multi_reduction <add>, %reduce_sum3A_1441, %reduce_sum3A_1442 [1, 2] : vector<1x256x256xf32> to vector<1xf32>
    %reduce_sum3A_1444 = vector.shape_cast %reduce_sum3A_1443 : vector<1xf32> to vector<1x1x1xf32>
    %reduce_sum3A_1445 = vector.extract %reduce_sum3A_1444[0, 0, 0] : f32 from vector<1x1x1xf32>
    %add3A_1446 = arith.addf %add3A_1281, %reduce_sum3A_1445 : f32
    %convert_element_type3A_1447 = arith.extui %and3A_1431 : vector<256x256xi1> to vector<256x256xi32>
    %convert_element_type3A_1448 = arith.sitofp %convert_element_type3A_1447 : vector<256x256xi32> to vector<256x256xf32>
    %reduce_sum3A_1449 = vector.shape_cast %convert_element_type3A_1448 : vector<256x256xf32> to vector<1x256x256xf32>
    %reduce_sum3A_1450 = arith.constant dense<0.000000e+00> : vector<1xf32>
    %reduce_sum3A_1451 = vector.multi_reduction <add>, %reduce_sum3A_1449, %reduce_sum3A_1450 [1, 2] : vector<1x256x256xf32> to vector<1xf32>
    %reduce_sum3A_1452 = vector.shape_cast %reduce_sum3A_1451 : vector<1xf32> to vector<1x1x1xf32>
    %reduce_sum3A_1453 = vector.extract %reduce_sum3A_1452[0, 0, 0] : f32 from vector<1x1x1xf32>
    %add3A_1454 = arith.addf %add3A_1289, %reduce_sum3A_1453 : f32
    %slice3A_1455 = vector.extract_strided_slice %get3A_13 {offsets = [0, 512], sizes = [1, 256], strides = [1, 1]} : vector<1x2048xf32> to vector<1x256xf32>
    %slice3A_1456 = vector.extract_strided_slice %get3A_16 {offsets = [0, 512], sizes = [1, 256], strides = [1, 1]} : vector<1x2048xf32> to vector<1x256xf32>
    %slice3A_1457 = vector.extract_strided_slice %sub3A_58 {offsets = [0, 512], sizes = [1, 256], strides = [1, 1]} : vector<1x2048xf32> to vector<1x256xf32>
    %slice3A_1458 = vector.extract_strided_slice %sub3A_59 {offsets = [0, 512], sizes = [1, 256], strides = [1, 1]} : vector<1x2048xf32> to vector<1x256xf32>
    %slice3A_1459 = vector.extract_strided_slice %mul3A_63 {offsets = [0, 512], sizes = [1, 256], strides = [1, 1]} : vector<1x2048xf32> to vector<1x256xf32>
    %slice3A_1460 = vector.extract_strided_slice %mul3A_67 {offsets = [0, 512], sizes = [1, 256], strides = [1, 1]} : vector<1x2048xf32> to vector<1x256xf32>
    %slice3A_1461 = vector.extract_strided_slice %max3A_73 {offsets = [0, 512], sizes = [1, 256], strides = [1, 1]} : vector<1x2048xf32> to vector<1x256xf32>
    %slice3A_1462 = vector.extract_strided_slice %div3A_76 {offsets = [0, 512], sizes = [1, 256], strides = [1, 1]} : vector<1x2048xf32> to vector<1x256xf32>
    %slice3A_1463 = vector.extract_strided_slice %add3A_86 {offsets = [0, 512], sizes = [1, 256], strides = [1, 1]} : vector<1x2048xf32> to vector<1x256xf32>
    %slice3A_1464 = vector.extract_strided_slice %get3A_31 {offsets = [0, 512], sizes = [1, 256], strides = [1, 1]} : vector<1x2048xi32> to vector<1x256xi32>
    %slice3A_1465 = vector.extract_strided_slice %get3A_34 {offsets = [0, 512], sizes = [1, 256], strides = [1, 1]} : vector<1x2048xi32> to vector<1x256xi32>
    %sub3A_1466 = vector.broadcast %slice3A_1290 : vector<256x1xf32> to vector<256x256xf32>
    %sub3A_1467 = vector.broadcast %slice3A_1455 : vector<1x256xf32> to vector<256x256xf32>
    %sub3A_1468 = arith.subf %sub3A_1466, %sub3A_1467 : vector<256x256xf32>
    %sub3A_1469 = vector.broadcast %slice3A_1291 : vector<256x1xf32> to vector<256x256xf32>
    %sub3A_1470 = vector.broadcast %slice3A_1456 : vector<1x256xf32> to vector<256x256xf32>
    %sub3A_1471 = arith.subf %sub3A_1469, %sub3A_1470 : vector<256x256xf32>
    %mul3A_1472 = vector.broadcast %slice3A_1292 : vector<256x1xf32> to vector<256x256xf32>
    %mul3A_1473 = vector.broadcast %slice3A_1457 : vector<1x256xf32> to vector<256x256xf32>
    %mul3A_1474 = arith.mulf %mul3A_1472, %mul3A_1473 : vector<256x256xf32>
    %mul3A_1475 = vector.broadcast %slice3A_1293 : vector<256x1xf32> to vector<256x256xf32>
    %mul3A_1476 = vector.broadcast %slice3A_1458 : vector<1x256xf32> to vector<256x256xf32>
    %mul3A_1477 = arith.mulf %mul3A_1475, %mul3A_1476 : vector<256x256xf32>
    %add3A_1478 = arith.addf %mul3A_1474, %mul3A_1477 : vector<256x256xf32>
    %mul3A_1479 = vector.broadcast %slice3A_1292 : vector<256x1xf32> to vector<256x256xf32>
    %mul3A_1480 = arith.mulf %mul3A_1479, %sub3A_1468 : vector<256x256xf32>
    %mul3A_1481 = vector.broadcast %slice3A_1293 : vector<256x1xf32> to vector<256x256xf32>
    %mul3A_1482 = arith.mulf %mul3A_1481, %sub3A_1471 : vector<256x256xf32>
    %add3A_1483 = arith.addf %mul3A_1480, %mul3A_1482 : vector<256x256xf32>
    %mul3A_1484 = vector.broadcast %slice3A_1457 : vector<1x256xf32> to vector<256x256xf32>
    %mul3A_1485 = arith.mulf %mul3A_1484, %sub3A_1468 : vector<256x256xf32>
    %mul3A_1486 = vector.broadcast %slice3A_1458 : vector<1x256xf32> to vector<256x256xf32>
    %mul3A_1487 = arith.mulf %mul3A_1486, %sub3A_1471 : vector<256x256xf32>
    %add3A_1488 = arith.addf %mul3A_1485, %mul3A_1487 : vector<256x256xf32>
    %mul3A_1489 = vector.broadcast %slice3A_1296 : vector<256x1xf32> to vector<256x256xf32>
    %mul3A_1490 = vector.broadcast %slice3A_1461 : vector<1x256xf32> to vector<256x256xf32>
    %mul3A_1491 = arith.mulf %mul3A_1489, %mul3A_1490 : vector<256x256xf32>
    %mul3A_1492 = arith.mulf %add3A_1478, %add3A_1478 : vector<256x256xf32>
    %sub3A_1493 = arith.subf %mul3A_1491, %mul3A_1492 : vector<256x256xf32>
    %max3A_1494 = arith.constant 9.99999996E-13 : f32
    %max3A_1495 = vector.broadcast %max3A_1494 : f32 to vector<256x256xf32>
    %max3A_1496 = arith.maximumf %sub3A_1493, %max3A_1495 : vector<256x256xf32>
    %div3A_1497 = arith.constant 1.000000e+00 : f32
    %div3A_1498 = vector.broadcast %div3A_1497 : f32 to vector<256x256xf32>
    %div3A_1499 = arith.divf %div3A_1498, %max3A_1496 : vector<256x256xf32>
    %mul3A_1500 = arith.mulf %add3A_1478, %add3A_1488 : vector<256x256xf32>
    %mul3A_1501 = vector.broadcast %slice3A_1461 : vector<1x256xf32> to vector<256x256xf32>
    %mul3A_1502 = arith.mulf %add3A_1483, %mul3A_1501 : vector<256x256xf32>
    %sub3A_1503 = arith.subf %mul3A_1500, %mul3A_1502 : vector<256x256xf32>
    %mul3A_1504 = arith.mulf %sub3A_1503, %div3A_1499 : vector<256x256xf32>
    %jit3A_1505 = arith.constant 0.000000e+00 : f32
    %jit3A_1506 = arith.constant 1.000000e+00 : f32
    %max3A_1507 = vector.broadcast %jit3A_1505 : f32 to vector<256x256xf32>
    %max3A_1508 = arith.maximumf %max3A_1507, %mul3A_1504 : vector<256x256xf32>
    %min3A_1509 = vector.broadcast %jit3A_1506 : f32 to vector<256x256xf32>
    %min3A_1510 = arith.minimumf %min3A_1509, %max3A_1508 : vector<256x256xf32>
    %mul3A_1511 = arith.mulf %add3A_1478, %min3A_1510 : vector<256x256xf32>
    %add3A_1512 = arith.addf %mul3A_1511, %add3A_1488 : vector<256x256xf32>
    %mul3A_1513 = vector.broadcast %slice3A_1462 : vector<1x256xf32> to vector<256x256xf32>
    %mul3A_1514 = arith.mulf %add3A_1512, %mul3A_1513 : vector<256x256xf32>
    %jit3A_1515 = arith.constant 0.000000e+00 : f32
    %jit3A_1516 = arith.constant 1.000000e+00 : f32
    %max3A_1517 = vector.broadcast %jit3A_1515 : f32 to vector<256x256xf32>
    %max3A_1518 = arith.maximumf %max3A_1517, %mul3A_1514 : vector<256x256xf32>
    %min3A_1519 = vector.broadcast %jit3A_1516 : f32 to vector<256x256xf32>
    %min3A_1520 = arith.minimumf %min3A_1519, %max3A_1518 : vector<256x256xf32>
    %mul3A_1521 = arith.mulf %add3A_1478, %min3A_1520 : vector<256x256xf32>
    %sub3A_1522 = arith.subf %mul3A_1521, %add3A_1483 : vector<256x256xf32>
    %mul3A_1523 = vector.broadcast %slice3A_1297 : vector<256x1xf32> to vector<256x256xf32>
    %mul3A_1524 = arith.mulf %sub3A_1522, %mul3A_1523 : vector<256x256xf32>
    %jit3A_1525 = arith.constant 0.000000e+00 : f32
    %jit3A_1526 = arith.constant 1.000000e+00 : f32
    %max3A_1527 = vector.broadcast %jit3A_1525 : f32 to vector<256x256xf32>
    %max3A_1528 = arith.maximumf %max3A_1527, %mul3A_1524 : vector<256x256xf32>
    %min3A_1529 = vector.broadcast %jit3A_1526 : f32 to vector<256x256xf32>
    %min3A_1530 = arith.minimumf %min3A_1529, %max3A_1528 : vector<256x256xf32>
    %mul3A_1531 = vector.broadcast %slice3A_1292 : vector<256x1xf32> to vector<256x256xf32>
    %mul3A_1532 = arith.mulf %min3A_1530, %mul3A_1531 : vector<256x256xf32>
    %add3A_1533 = arith.addf %sub3A_1468, %mul3A_1532 : vector<256x256xf32>
    %mul3A_1534 = vector.broadcast %slice3A_1457 : vector<1x256xf32> to vector<256x256xf32>
    %mul3A_1535 = arith.mulf %min3A_1520, %mul3A_1534 : vector<256x256xf32>
    %sub3A_1536 = arith.subf %add3A_1533, %mul3A_1535 : vector<256x256xf32>
    %mul3A_1537 = vector.broadcast %slice3A_1293 : vector<256x1xf32> to vector<256x256xf32>
    %mul3A_1538 = arith.mulf %min3A_1530, %mul3A_1537 : vector<256x256xf32>
    %add3A_1539 = arith.addf %sub3A_1471, %mul3A_1538 : vector<256x256xf32>
    %mul3A_1540 = vector.broadcast %slice3A_1458 : vector<1x256xf32> to vector<256x256xf32>
    %mul3A_1541 = arith.mulf %min3A_1520, %mul3A_1540 : vector<256x256xf32>
    %sub3A_1542 = arith.subf %add3A_1539, %mul3A_1541 : vector<256x256xf32>
    %mul3A_1543 = arith.mulf %sub3A_1536, %sub3A_1536 : vector<256x256xf32>
    %mul3A_1544 = arith.mulf %sub3A_1542, %sub3A_1542 : vector<256x256xf32>
    %add3A_1545 = arith.addf %mul3A_1543, %mul3A_1544 : vector<256x256xf32>
    %max3A_1546 = arith.constant 1.000000e-24 : f32
    %max3A_1547 = vector.broadcast %max3A_1546 : f32 to vector<256x256xf32>
    %max3A_1548 = arith.maximumf %add3A_1545, %max3A_1547 : vector<256x256xf32>
    %sqrt3A_1549 = math.sqrt %max3A_1548 : vector<256x256xf32>
    %sub3A_1550 = vector.broadcast %slice3A_1294 : vector<256x1xf32> to vector<256x256xf32>
    %sub3A_1551 = vector.broadcast %slice3A_1459 : vector<1x256xf32> to vector<256x256xf32>
    %sub3A_1552 = arith.subf %sub3A_1550, %sub3A_1551 : vector<256x256xf32>
    %sub3A_1553 = vector.broadcast %slice3A_1295 : vector<256x1xf32> to vector<256x256xf32>
    %sub3A_1554 = vector.broadcast %slice3A_1460 : vector<1x256xf32> to vector<256x256xf32>
    %sub3A_1555 = arith.subf %sub3A_1553, %sub3A_1554 : vector<256x256xf32>
    %add3A_1556 = vector.broadcast %slice3A_1298 : vector<256x1xf32> to vector<256x256xf32>
    %add3A_1557 = vector.broadcast %slice3A_1463 : vector<1x256xf32> to vector<256x256xf32>
    %add3A_1558 = arith.addf %add3A_1556, %add3A_1557 : vector<256x256xf32>
    %mul3A_1559 = arith.mulf %sub3A_1552, %sub3A_1552 : vector<256x256xf32>
    %mul3A_1560 = arith.mulf %sub3A_1555, %sub3A_1555 : vector<256x256xf32>
    %add3A_1561 = arith.addf %mul3A_1559, %mul3A_1560 : vector<256x256xf32>
    %mul3A_1562 = arith.mulf %add3A_1558, %add3A_1558 : vector<256x256xf32>
    %lt3A_1563 = arith.cmpf olt, %add3A_1561, %mul3A_1562 : vector<256x256xf32>
    %eq3A_1564 = vector.broadcast %slice3A_1299 : vector<256x1xi32> to vector<256x256xi32>
    %eq3A_1565 = vector.broadcast %slice3A_1464 : vector<1x256xi32> to vector<256x256xi32>
    %eq3A_1566 = arith.cmpi eq, %eq3A_1564, %eq3A_1565 : vector<256x256xi32>
    %eq3A_1567 = vector.broadcast %slice3A_1299 : vector<256x1xi32> to vector<256x256xi32>
    %eq3A_1568 = vector.broadcast %slice3A_1465 : vector<1x256xi32> to vector<256x256xi32>
    %eq3A_1569 = arith.cmpi eq, %eq3A_1567, %eq3A_1568 : vector<256x256xi32>
    %or3A_1570 = arith.ori %eq3A_1566, %eq3A_1569 : vector<256x256xi1>
    %eq3A_1571 = vector.broadcast %slice3A_1300 : vector<256x1xi32> to vector<256x256xi32>
    %eq3A_1572 = vector.broadcast %slice3A_1464 : vector<1x256xi32> to vector<256x256xi32>
    %eq3A_1573 = arith.cmpi eq, %eq3A_1571, %eq3A_1572 : vector<256x256xi32>
    %or3A_1574 = arith.ori %or3A_1570, %eq3A_1573 : vector<256x256xi1>
    %eq3A_1575 = vector.broadcast %slice3A_1300 : vector<256x1xi32> to vector<256x256xi32>
    %eq3A_1576 = vector.broadcast %slice3A_1465 : vector<1x256xi32> to vector<256x256xi32>
    %eq3A_1577 = arith.cmpi eq, %eq3A_1575, %eq3A_1576 : vector<256x256xi32>
    %or3A_1578 = arith.ori %or3A_1574, %eq3A_1577 : vector<256x256xi1>
    %not3A_1579 = arith.constant dense<true> : vector<256x256xi1>
    %not3A_1580 = arith.xori %or3A_1578, %not3A_1579 : vector<256x256xi1>
    %and3A_1581 = arith.andi %lt3A_1563, %not3A_1580 : vector<256x256xi1>
    %sub3A_1582 = arith.constant 1.000000e-03 : f32
    %sub3A_1583 = vector.broadcast %sub3A_1582 : f32 to vector<256x256xf32>
    %sub3A_1584 = arith.subf %sub3A_1583, %sqrt3A_1549 : vector<256x256xf32>
    %max3A_1585 = arith.constant 0.000000e+00 : f32
    %max3A_1586 = vector.broadcast %max3A_1585 : f32 to vector<256x256xf32>
    %max3A_1587 = arith.maximumf %sub3A_1584, %max3A_1586 : vector<256x256xf32>
    %jit3A_1588 = arith.constant 0.000000e+00 : f32
    %broadcast_in_dim3A_1589 = vector.broadcast %jit3A_1588 : f32 to vector<256x256xf32>
    %select_n3A_1590 = arith.select %and3A_1581, %max3A_1587, %broadcast_in_dim3A_1589 : vector<256x256xi1>, vector<256x256xf32>
    %reduce_sum3A_1591 = vector.shape_cast %select_n3A_1590 : vector<256x256xf32> to vector<1x256x256xf32>
    %reduce_sum3A_1592 = arith.constant dense<0.000000e+00> : vector<1xf32>
    %reduce_sum3A_1593 = vector.multi_reduction <add>, %reduce_sum3A_1591, %reduce_sum3A_1592 [1, 2] : vector<1x256x256xf32> to vector<1xf32>
    %reduce_sum3A_1594 = vector.shape_cast %reduce_sum3A_1593 : vector<1xf32> to vector<1x1x1xf32>
    %reduce_sum3A_1595 = vector.extract %reduce_sum3A_1594[0, 0, 0] : f32 from vector<1x1x1xf32>
    %add3A_1596 = arith.addf %add3A_1446, %reduce_sum3A_1595 : f32
    %convert_element_type3A_1597 = arith.extui %and3A_1581 : vector<256x256xi1> to vector<256x256xi32>
    %convert_element_type3A_1598 = arith.sitofp %convert_element_type3A_1597 : vector<256x256xi32> to vector<256x256xf32>
    %reduce_sum3A_1599 = vector.shape_cast %convert_element_type3A_1598 : vector<256x256xf32> to vector<1x256x256xf32>
    %reduce_sum3A_1600 = arith.constant dense<0.000000e+00> : vector<1xf32>
    %reduce_sum3A_1601 = vector.multi_reduction <add>, %reduce_sum3A_1599, %reduce_sum3A_1600 [1, 2] : vector<1x256x256xf32> to vector<1xf32>
    %reduce_sum3A_1602 = vector.shape_cast %reduce_sum3A_1601 : vector<1xf32> to vector<1x1x1xf32>
    %reduce_sum3A_1603 = vector.extract %reduce_sum3A_1602[0, 0, 0] : f32 from vector<1x1x1xf32>
    %add3A_1604 = arith.addf %add3A_1454, %reduce_sum3A_1603 : f32
    %slice3A_1605 = vector.extract_strided_slice %get3A_13 {offsets = [0, 768], sizes = [1, 256], strides = [1, 1]} : vector<1x2048xf32> to vector<1x256xf32>
    %slice3A_1606 = vector.extract_strided_slice %get3A_16 {offsets = [0, 768], sizes = [1, 256], strides = [1, 1]} : vector<1x2048xf32> to vector<1x256xf32>
    %slice3A_1607 = vector.extract_strided_slice %sub3A_58 {offsets = [0, 768], sizes = [1, 256], strides = [1, 1]} : vector<1x2048xf32> to vector<1x256xf32>
    %slice3A_1608 = vector.extract_strided_slice %sub3A_59 {offsets = [0, 768], sizes = [1, 256], strides = [1, 1]} : vector<1x2048xf32> to vector<1x256xf32>
    %slice3A_1609 = vector.extract_strided_slice %mul3A_63 {offsets = [0, 768], sizes = [1, 256], strides = [1, 1]} : vector<1x2048xf32> to vector<1x256xf32>
    %slice3A_1610 = vector.extract_strided_slice %mul3A_67 {offsets = [0, 768], sizes = [1, 256], strides = [1, 1]} : vector<1x2048xf32> to vector<1x256xf32>
    %slice3A_1611 = vector.extract_strided_slice %max3A_73 {offsets = [0, 768], sizes = [1, 256], strides = [1, 1]} : vector<1x2048xf32> to vector<1x256xf32>
    %slice3A_1612 = vector.extract_strided_slice %div3A_76 {offsets = [0, 768], sizes = [1, 256], strides = [1, 1]} : vector<1x2048xf32> to vector<1x256xf32>
    %slice3A_1613 = vector.extract_strided_slice %add3A_86 {offsets = [0, 768], sizes = [1, 256], strides = [1, 1]} : vector<1x2048xf32> to vector<1x256xf32>
    %slice3A_1614 = vector.extract_strided_slice %get3A_31 {offsets = [0, 768], sizes = [1, 256], strides = [1, 1]} : vector<1x2048xi32> to vector<1x256xi32>
    %slice3A_1615 = vector.extract_strided_slice %get3A_34 {offsets = [0, 768], sizes = [1, 256], strides = [1, 1]} : vector<1x2048xi32> to vector<1x256xi32>
    %sub3A_1616 = vector.broadcast %slice3A_1290 : vector<256x1xf32> to vector<256x256xf32>
    %sub3A_1617 = vector.broadcast %slice3A_1605 : vector<1x256xf32> to vector<256x256xf32>
    %sub3A_1618 = arith.subf %sub3A_1616, %sub3A_1617 : vector<256x256xf32>
    %sub3A_1619 = vector.broadcast %slice3A_1291 : vector<256x1xf32> to vector<256x256xf32>
    %sub3A_1620 = vector.broadcast %slice3A_1606 : vector<1x256xf32> to vector<256x256xf32>
    %sub3A_1621 = arith.subf %sub3A_1619, %sub3A_1620 : vector<256x256xf32>
    %mul3A_1622 = vector.broadcast %slice3A_1292 : vector<256x1xf32> to vector<256x256xf32>
    %mul3A_1623 = vector.broadcast %slice3A_1607 : vector<1x256xf32> to vector<256x256xf32>
    %mul3A_1624 = arith.mulf %mul3A_1622, %mul3A_1623 : vector<256x256xf32>
    %mul3A_1625 = vector.broadcast %slice3A_1293 : vector<256x1xf32> to vector<256x256xf32>
    %mul3A_1626 = vector.broadcast %slice3A_1608 : vector<1x256xf32> to vector<256x256xf32>
    %mul3A_1627 = arith.mulf %mul3A_1625, %mul3A_1626 : vector<256x256xf32>
    %add3A_1628 = arith.addf %mul3A_1624, %mul3A_1627 : vector<256x256xf32>
    %mul3A_1629 = vector.broadcast %slice3A_1292 : vector<256x1xf32> to vector<256x256xf32>
    %mul3A_1630 = arith.mulf %mul3A_1629, %sub3A_1618 : vector<256x256xf32>
    %mul3A_1631 = vector.broadcast %slice3A_1293 : vector<256x1xf32> to vector<256x256xf32>
    %mul3A_1632 = arith.mulf %mul3A_1631, %sub3A_1621 : vector<256x256xf32>
    %add3A_1633 = arith.addf %mul3A_1630, %mul3A_1632 : vector<256x256xf32>
    %mul3A_1634 = vector.broadcast %slice3A_1607 : vector<1x256xf32> to vector<256x256xf32>
    %mul3A_1635 = arith.mulf %mul3A_1634, %sub3A_1618 : vector<256x256xf32>
    %mul3A_1636 = vector.broadcast %slice3A_1608 : vector<1x256xf32> to vector<256x256xf32>
    %mul3A_1637 = arith.mulf %mul3A_1636, %sub3A_1621 : vector<256x256xf32>
    %add3A_1638 = arith.addf %mul3A_1635, %mul3A_1637 : vector<256x256xf32>
    %mul3A_1639 = vector.broadcast %slice3A_1296 : vector<256x1xf32> to vector<256x256xf32>
    %mul3A_1640 = vector.broadcast %slice3A_1611 : vector<1x256xf32> to vector<256x256xf32>
    %mul3A_1641 = arith.mulf %mul3A_1639, %mul3A_1640 : vector<256x256xf32>
    %mul3A_1642 = arith.mulf %add3A_1628, %add3A_1628 : vector<256x256xf32>
    %sub3A_1643 = arith.subf %mul3A_1641, %mul3A_1642 : vector<256x256xf32>
    %max3A_1644 = arith.constant 9.99999996E-13 : f32
    %max3A_1645 = vector.broadcast %max3A_1644 : f32 to vector<256x256xf32>
    %max3A_1646 = arith.maximumf %sub3A_1643, %max3A_1645 : vector<256x256xf32>
    %div3A_1647 = arith.constant 1.000000e+00 : f32
    %div3A_1648 = vector.broadcast %div3A_1647 : f32 to vector<256x256xf32>
    %div3A_1649 = arith.divf %div3A_1648, %max3A_1646 : vector<256x256xf32>
    %mul3A_1650 = arith.mulf %add3A_1628, %add3A_1638 : vector<256x256xf32>
    %mul3A_1651 = vector.broadcast %slice3A_1611 : vector<1x256xf32> to vector<256x256xf32>
    %mul3A_1652 = arith.mulf %add3A_1633, %mul3A_1651 : vector<256x256xf32>
    %sub3A_1653 = arith.subf %mul3A_1650, %mul3A_1652 : vector<256x256xf32>
    %mul3A_1654 = arith.mulf %sub3A_1653, %div3A_1649 : vector<256x256xf32>
    %jit3A_1655 = arith.constant 0.000000e+00 : f32
    %jit3A_1656 = arith.constant 1.000000e+00 : f32
    %max3A_1657 = vector.broadcast %jit3A_1655 : f32 to vector<256x256xf32>
    %max3A_1658 = arith.maximumf %max3A_1657, %mul3A_1654 : vector<256x256xf32>
    %min3A_1659 = vector.broadcast %jit3A_1656 : f32 to vector<256x256xf32>
    %min3A_1660 = arith.minimumf %min3A_1659, %max3A_1658 : vector<256x256xf32>
    %mul3A_1661 = arith.mulf %add3A_1628, %min3A_1660 : vector<256x256xf32>
    %add3A_1662 = arith.addf %mul3A_1661, %add3A_1638 : vector<256x256xf32>
    %mul3A_1663 = vector.broadcast %slice3A_1612 : vector<1x256xf32> to vector<256x256xf32>
    %mul3A_1664 = arith.mulf %add3A_1662, %mul3A_1663 : vector<256x256xf32>
    %jit3A_1665 = arith.constant 0.000000e+00 : f32
    %jit3A_1666 = arith.constant 1.000000e+00 : f32
    %max3A_1667 = vector.broadcast %jit3A_1665 : f32 to vector<256x256xf32>
    %max3A_1668 = arith.maximumf %max3A_1667, %mul3A_1664 : vector<256x256xf32>
    %min3A_1669 = vector.broadcast %jit3A_1666 : f32 to vector<256x256xf32>
    %min3A_1670 = arith.minimumf %min3A_1669, %max3A_1668 : vector<256x256xf32>
    %mul3A_1671 = arith.mulf %add3A_1628, %min3A_1670 : vector<256x256xf32>
    %sub3A_1672 = arith.subf %mul3A_1671, %add3A_1633 : vector<256x256xf32>
    %mul3A_1673 = vector.broadcast %slice3A_1297 : vector<256x1xf32> to vector<256x256xf32>
    %mul3A_1674 = arith.mulf %sub3A_1672, %mul3A_1673 : vector<256x256xf32>
    %jit3A_1675 = arith.constant 0.000000e+00 : f32
    %jit3A_1676 = arith.constant 1.000000e+00 : f32
    %max3A_1677 = vector.broadcast %jit3A_1675 : f32 to vector<256x256xf32>
    %max3A_1678 = arith.maximumf %max3A_1677, %mul3A_1674 : vector<256x256xf32>
    %min3A_1679 = vector.broadcast %jit3A_1676 : f32 to vector<256x256xf32>
    %min3A_1680 = arith.minimumf %min3A_1679, %max3A_1678 : vector<256x256xf32>
    %mul3A_1681 = vector.broadcast %slice3A_1292 : vector<256x1xf32> to vector<256x256xf32>
    %mul3A_1682 = arith.mulf %min3A_1680, %mul3A_1681 : vector<256x256xf32>
    %add3A_1683 = arith.addf %sub3A_1618, %mul3A_1682 : vector<256x256xf32>
    %mul3A_1684 = vector.broadcast %slice3A_1607 : vector<1x256xf32> to vector<256x256xf32>
    %mul3A_1685 = arith.mulf %min3A_1670, %mul3A_1684 : vector<256x256xf32>
    %sub3A_1686 = arith.subf %add3A_1683, %mul3A_1685 : vector<256x256xf32>
    %mul3A_1687 = vector.broadcast %slice3A_1293 : vector<256x1xf32> to vector<256x256xf32>
    %mul3A_1688 = arith.mulf %min3A_1680, %mul3A_1687 : vector<256x256xf32>
    %add3A_1689 = arith.addf %sub3A_1621, %mul3A_1688 : vector<256x256xf32>
    %mul3A_1690 = vector.broadcast %slice3A_1608 : vector<1x256xf32> to vector<256x256xf32>
    %mul3A_1691 = arith.mulf %min3A_1670, %mul3A_1690 : vector<256x256xf32>
    %sub3A_1692 = arith.subf %add3A_1689, %mul3A_1691 : vector<256x256xf32>
    %mul3A_1693 = arith.mulf %sub3A_1686, %sub3A_1686 : vector<256x256xf32>
    %mul3A_1694 = arith.mulf %sub3A_1692, %sub3A_1692 : vector<256x256xf32>
    %add3A_1695 = arith.addf %mul3A_1693, %mul3A_1694 : vector<256x256xf32>
    %max3A_1696 = arith.constant 1.000000e-24 : f32
    %max3A_1697 = vector.broadcast %max3A_1696 : f32 to vector<256x256xf32>
    %max3A_1698 = arith.maximumf %add3A_1695, %max3A_1697 : vector<256x256xf32>
    %sqrt3A_1699 = math.sqrt %max3A_1698 : vector<256x256xf32>
    %sub3A_1700 = vector.broadcast %slice3A_1294 : vector<256x1xf32> to vector<256x256xf32>
    %sub3A_1701 = vector.broadcast %slice3A_1609 : vector<1x256xf32> to vector<256x256xf32>
    %sub3A_1702 = arith.subf %sub3A_1700, %sub3A_1701 : vector<256x256xf32>
    %sub3A_1703 = vector.broadcast %slice3A_1295 : vector<256x1xf32> to vector<256x256xf32>
    %sub3A_1704 = vector.broadcast %slice3A_1610 : vector<1x256xf32> to vector<256x256xf32>
    %sub3A_1705 = arith.subf %sub3A_1703, %sub3A_1704 : vector<256x256xf32>
    %add3A_1706 = vector.broadcast %slice3A_1298 : vector<256x1xf32> to vector<256x256xf32>
    %add3A_1707 = vector.broadcast %slice3A_1613 : vector<1x256xf32> to vector<256x256xf32>
    %add3A_1708 = arith.addf %add3A_1706, %add3A_1707 : vector<256x256xf32>
    %mul3A_1709 = arith.mulf %sub3A_1702, %sub3A_1702 : vector<256x256xf32>
    %mul3A_1710 = arith.mulf %sub3A_1705, %sub3A_1705 : vector<256x256xf32>
    %add3A_1711 = arith.addf %mul3A_1709, %mul3A_1710 : vector<256x256xf32>
    %mul3A_1712 = arith.mulf %add3A_1708, %add3A_1708 : vector<256x256xf32>
    %lt3A_1713 = arith.cmpf olt, %add3A_1711, %mul3A_1712 : vector<256x256xf32>
    %eq3A_1714 = vector.broadcast %slice3A_1299 : vector<256x1xi32> to vector<256x256xi32>
    %eq3A_1715 = vector.broadcast %slice3A_1614 : vector<1x256xi32> to vector<256x256xi32>
    %eq3A_1716 = arith.cmpi eq, %eq3A_1714, %eq3A_1715 : vector<256x256xi32>
    %eq3A_1717 = vector.broadcast %slice3A_1299 : vector<256x1xi32> to vector<256x256xi32>
    %eq3A_1718 = vector.broadcast %slice3A_1615 : vector<1x256xi32> to vector<256x256xi32>
    %eq3A_1719 = arith.cmpi eq, %eq3A_1717, %eq3A_1718 : vector<256x256xi32>
    %or3A_1720 = arith.ori %eq3A_1716, %eq3A_1719 : vector<256x256xi1>
    %eq3A_1721 = vector.broadcast %slice3A_1300 : vector<256x1xi32> to vector<256x256xi32>
    %eq3A_1722 = vector.broadcast %slice3A_1614 : vector<1x256xi32> to vector<256x256xi32>
    %eq3A_1723 = arith.cmpi eq, %eq3A_1721, %eq3A_1722 : vector<256x256xi32>
    %or3A_1724 = arith.ori %or3A_1720, %eq3A_1723 : vector<256x256xi1>
    %eq3A_1725 = vector.broadcast %slice3A_1300 : vector<256x1xi32> to vector<256x256xi32>
    %eq3A_1726 = vector.broadcast %slice3A_1615 : vector<1x256xi32> to vector<256x256xi32>
    %eq3A_1727 = arith.cmpi eq, %eq3A_1725, %eq3A_1726 : vector<256x256xi32>
    %or3A_1728 = arith.ori %or3A_1724, %eq3A_1727 : vector<256x256xi1>
    %not3A_1729 = arith.constant dense<true> : vector<256x256xi1>
    %not3A_1730 = arith.xori %or3A_1728, %not3A_1729 : vector<256x256xi1>
    %and3A_1731 = arith.andi %lt3A_1713, %not3A_1730 : vector<256x256xi1>
    %sub3A_1732 = arith.constant 1.000000e-03 : f32
    %sub3A_1733 = vector.broadcast %sub3A_1732 : f32 to vector<256x256xf32>
    %sub3A_1734 = arith.subf %sub3A_1733, %sqrt3A_1699 : vector<256x256xf32>
    %max3A_1735 = arith.constant 0.000000e+00 : f32
    %max3A_1736 = vector.broadcast %max3A_1735 : f32 to vector<256x256xf32>
    %max3A_1737 = arith.maximumf %sub3A_1734, %max3A_1736 : vector<256x256xf32>
    %jit3A_1738 = arith.constant 0.000000e+00 : f32
    %broadcast_in_dim3A_1739 = vector.broadcast %jit3A_1738 : f32 to vector<256x256xf32>
    %select_n3A_1740 = arith.select %and3A_1731, %max3A_1737, %broadcast_in_dim3A_1739 : vector<256x256xi1>, vector<256x256xf32>
    %reduce_sum3A_1741 = vector.shape_cast %select_n3A_1740 : vector<256x256xf32> to vector<1x256x256xf32>
    %reduce_sum3A_1742 = arith.constant dense<0.000000e+00> : vector<1xf32>
    %reduce_sum3A_1743 = vector.multi_reduction <add>, %reduce_sum3A_1741, %reduce_sum3A_1742 [1, 2] : vector<1x256x256xf32> to vector<1xf32>
    %reduce_sum3A_1744 = vector.shape_cast %reduce_sum3A_1743 : vector<1xf32> to vector<1x1x1xf32>
    %reduce_sum3A_1745 = vector.extract %reduce_sum3A_1744[0, 0, 0] : f32 from vector<1x1x1xf32>
    %add3A_1746 = arith.addf %add3A_1596, %reduce_sum3A_1745 : f32
    %convert_element_type3A_1747 = arith.extui %and3A_1731 : vector<256x256xi1> to vector<256x256xi32>
    %convert_element_type3A_1748 = arith.sitofp %convert_element_type3A_1747 : vector<256x256xi32> to vector<256x256xf32>
    %reduce_sum3A_1749 = vector.shape_cast %convert_element_type3A_1748 : vector<256x256xf32> to vector<1x256x256xf32>
    %reduce_sum3A_1750 = arith.constant dense<0.000000e+00> : vector<1xf32>
    %reduce_sum3A_1751 = vector.multi_reduction <add>, %reduce_sum3A_1749, %reduce_sum3A_1750 [1, 2] : vector<1x256x256xf32> to vector<1xf32>
    %reduce_sum3A_1752 = vector.shape_cast %reduce_sum3A_1751 : vector<1xf32> to vector<1x1x1xf32>
    %reduce_sum3A_1753 = vector.extract %reduce_sum3A_1752[0, 0, 0] : f32 from vector<1x1x1xf32>
    %add3A_1754 = arith.addf %add3A_1604, %reduce_sum3A_1753 : f32
    %slice3A_1755 = vector.extract_strided_slice %get3A_13 {offsets = [0, 1024], sizes = [1, 256], strides = [1, 1]} : vector<1x2048xf32> to vector<1x256xf32>
    %slice3A_1756 = vector.extract_strided_slice %get3A_16 {offsets = [0, 1024], sizes = [1, 256], strides = [1, 1]} : vector<1x2048xf32> to vector<1x256xf32>
    %slice3A_1757 = vector.extract_strided_slice %sub3A_58 {offsets = [0, 1024], sizes = [1, 256], strides = [1, 1]} : vector<1x2048xf32> to vector<1x256xf32>
    %slice3A_1758 = vector.extract_strided_slice %sub3A_59 {offsets = [0, 1024], sizes = [1, 256], strides = [1, 1]} : vector<1x2048xf32> to vector<1x256xf32>
    %slice3A_1759 = vector.extract_strided_slice %mul3A_63 {offsets = [0, 1024], sizes = [1, 256], strides = [1, 1]} : vector<1x2048xf32> to vector<1x256xf32>
    %slice3A_1760 = vector.extract_strided_slice %mul3A_67 {offsets = [0, 1024], sizes = [1, 256], strides = [1, 1]} : vector<1x2048xf32> to vector<1x256xf32>
    %slice3A_1761 = vector.extract_strided_slice %max3A_73 {offsets = [0, 1024], sizes = [1, 256], strides = [1, 1]} : vector<1x2048xf32> to vector<1x256xf32>
    %slice3A_1762 = vector.extract_strided_slice %div3A_76 {offsets = [0, 1024], sizes = [1, 256], strides = [1, 1]} : vector<1x2048xf32> to vector<1x256xf32>
    %slice3A_1763 = vector.extract_strided_slice %add3A_86 {offsets = [0, 1024], sizes = [1, 256], strides = [1, 1]} : vector<1x2048xf32> to vector<1x256xf32>
    %slice3A_1764 = vector.extract_strided_slice %get3A_31 {offsets = [0, 1024], sizes = [1, 256], strides = [1, 1]} : vector<1x2048xi32> to vector<1x256xi32>
    %slice3A_1765 = vector.extract_strided_slice %get3A_34 {offsets = [0, 1024], sizes = [1, 256], strides = [1, 1]} : vector<1x2048xi32> to vector<1x256xi32>
    %sub3A_1766 = vector.broadcast %slice3A_1290 : vector<256x1xf32> to vector<256x256xf32>
    %sub3A_1767 = vector.broadcast %slice3A_1755 : vector<1x256xf32> to vector<256x256xf32>
    %sub3A_1768 = arith.subf %sub3A_1766, %sub3A_1767 : vector<256x256xf32>
    %sub3A_1769 = vector.broadcast %slice3A_1291 : vector<256x1xf32> to vector<256x256xf32>
    %sub3A_1770 = vector.broadcast %slice3A_1756 : vector<1x256xf32> to vector<256x256xf32>
    %sub3A_1771 = arith.subf %sub3A_1769, %sub3A_1770 : vector<256x256xf32>
    %mul3A_1772 = vector.broadcast %slice3A_1292 : vector<256x1xf32> to vector<256x256xf32>
    %mul3A_1773 = vector.broadcast %slice3A_1757 : vector<1x256xf32> to vector<256x256xf32>
    %mul3A_1774 = arith.mulf %mul3A_1772, %mul3A_1773 : vector<256x256xf32>
    %mul3A_1775 = vector.broadcast %slice3A_1293 : vector<256x1xf32> to vector<256x256xf32>
    %mul3A_1776 = vector.broadcast %slice3A_1758 : vector<1x256xf32> to vector<256x256xf32>
    %mul3A_1777 = arith.mulf %mul3A_1775, %mul3A_1776 : vector<256x256xf32>
    %add3A_1778 = arith.addf %mul3A_1774, %mul3A_1777 : vector<256x256xf32>
    %mul3A_1779 = vector.broadcast %slice3A_1292 : vector<256x1xf32> to vector<256x256xf32>
    %mul3A_1780 = arith.mulf %mul3A_1779, %sub3A_1768 : vector<256x256xf32>
    %mul3A_1781 = vector.broadcast %slice3A_1293 : vector<256x1xf32> to vector<256x256xf32>
    %mul3A_1782 = arith.mulf %mul3A_1781, %sub3A_1771 : vector<256x256xf32>
    %add3A_1783 = arith.addf %mul3A_1780, %mul3A_1782 : vector<256x256xf32>
    %mul3A_1784 = vector.broadcast %slice3A_1757 : vector<1x256xf32> to vector<256x256xf32>
    %mul3A_1785 = arith.mulf %mul3A_1784, %sub3A_1768 : vector<256x256xf32>
    %mul3A_1786 = vector.broadcast %slice3A_1758 : vector<1x256xf32> to vector<256x256xf32>
    %mul3A_1787 = arith.mulf %mul3A_1786, %sub3A_1771 : vector<256x256xf32>
    %add3A_1788 = arith.addf %mul3A_1785, %mul3A_1787 : vector<256x256xf32>
    %mul3A_1789 = vector.broadcast %slice3A_1296 : vector<256x1xf32> to vector<256x256xf32>
    %mul3A_1790 = vector.broadcast %slice3A_1761 : vector<1x256xf32> to vector<256x256xf32>
    %mul3A_1791 = arith.mulf %mul3A_1789, %mul3A_1790 : vector<256x256xf32>
    %mul3A_1792 = arith.mulf %add3A_1778, %add3A_1778 : vector<256x256xf32>
    %sub3A_1793 = arith.subf %mul3A_1791, %mul3A_1792 : vector<256x256xf32>
    %max3A_1794 = arith.constant 9.99999996E-13 : f32
    %max3A_1795 = vector.broadcast %max3A_1794 : f32 to vector<256x256xf32>
    %max3A_1796 = arith.maximumf %sub3A_1793, %max3A_1795 : vector<256x256xf32>
    %div3A_1797 = arith.constant 1.000000e+00 : f32
    %div3A_1798 = vector.broadcast %div3A_1797 : f32 to vector<256x256xf32>
    %div3A_1799 = arith.divf %div3A_1798, %max3A_1796 : vector<256x256xf32>
    %mul3A_1800 = arith.mulf %add3A_1778, %add3A_1788 : vector<256x256xf32>
    %mul3A_1801 = vector.broadcast %slice3A_1761 : vector<1x256xf32> to vector<256x256xf32>
    %mul3A_1802 = arith.mulf %add3A_1783, %mul3A_1801 : vector<256x256xf32>
    %sub3A_1803 = arith.subf %mul3A_1800, %mul3A_1802 : vector<256x256xf32>
    %mul3A_1804 = arith.mulf %sub3A_1803, %div3A_1799 : vector<256x256xf32>
    %jit3A_1805 = arith.constant 0.000000e+00 : f32
    %jit3A_1806 = arith.constant 1.000000e+00 : f32
    %max3A_1807 = vector.broadcast %jit3A_1805 : f32 to vector<256x256xf32>
    %max3A_1808 = arith.maximumf %max3A_1807, %mul3A_1804 : vector<256x256xf32>
    %min3A_1809 = vector.broadcast %jit3A_1806 : f32 to vector<256x256xf32>
    %min3A_1810 = arith.minimumf %min3A_1809, %max3A_1808 : vector<256x256xf32>
    %mul3A_1811 = arith.mulf %add3A_1778, %min3A_1810 : vector<256x256xf32>
    %add3A_1812 = arith.addf %mul3A_1811, %add3A_1788 : vector<256x256xf32>
    %mul3A_1813 = vector.broadcast %slice3A_1762 : vector<1x256xf32> to vector<256x256xf32>
    %mul3A_1814 = arith.mulf %add3A_1812, %mul3A_1813 : vector<256x256xf32>
    %jit3A_1815 = arith.constant 0.000000e+00 : f32
    %jit3A_1816 = arith.constant 1.000000e+00 : f32
    %max3A_1817 = vector.broadcast %jit3A_1815 : f32 to vector<256x256xf32>
    %max3A_1818 = arith.maximumf %max3A_1817, %mul3A_1814 : vector<256x256xf32>
    %min3A_1819 = vector.broadcast %jit3A_1816 : f32 to vector<256x256xf32>
    %min3A_1820 = arith.minimumf %min3A_1819, %max3A_1818 : vector<256x256xf32>
    %mul3A_1821 = arith.mulf %add3A_1778, %min3A_1820 : vector<256x256xf32>
    %sub3A_1822 = arith.subf %mul3A_1821, %add3A_1783 : vector<256x256xf32>
    %mul3A_1823 = vector.broadcast %slice3A_1297 : vector<256x1xf32> to vector<256x256xf32>
    %mul3A_1824 = arith.mulf %sub3A_1822, %mul3A_1823 : vector<256x256xf32>
    %jit3A_1825 = arith.constant 0.000000e+00 : f32
    %jit3A_1826 = arith.constant 1.000000e+00 : f32
    %max3A_1827 = vector.broadcast %jit3A_1825 : f32 to vector<256x256xf32>
    %max3A_1828 = arith.maximumf %max3A_1827, %mul3A_1824 : vector<256x256xf32>
    %min3A_1829 = vector.broadcast %jit3A_1826 : f32 to vector<256x256xf32>
    %min3A_1830 = arith.minimumf %min3A_1829, %max3A_1828 : vector<256x256xf32>
    %mul3A_1831 = vector.broadcast %slice3A_1292 : vector<256x1xf32> to vector<256x256xf32>
    %mul3A_1832 = arith.mulf %min3A_1830, %mul3A_1831 : vector<256x256xf32>
    %add3A_1833 = arith.addf %sub3A_1768, %mul3A_1832 : vector<256x256xf32>
    %mul3A_1834 = vector.broadcast %slice3A_1757 : vector<1x256xf32> to vector<256x256xf32>
    %mul3A_1835 = arith.mulf %min3A_1820, %mul3A_1834 : vector<256x256xf32>
    %sub3A_1836 = arith.subf %add3A_1833, %mul3A_1835 : vector<256x256xf32>
    %mul3A_1837 = vector.broadcast %slice3A_1293 : vector<256x1xf32> to vector<256x256xf32>
    %mul3A_1838 = arith.mulf %min3A_1830, %mul3A_1837 : vector<256x256xf32>
    %add3A_1839 = arith.addf %sub3A_1771, %mul3A_1838 : vector<256x256xf32>
    %mul3A_1840 = vector.broadcast %slice3A_1758 : vector<1x256xf32> to vector<256x256xf32>
    %mul3A_1841 = arith.mulf %min3A_1820, %mul3A_1840 : vector<256x256xf32>
    %sub3A_1842 = arith.subf %add3A_1839, %mul3A_1841 : vector<256x256xf32>
    %mul3A_1843 = arith.mulf %sub3A_1836, %sub3A_1836 : vector<256x256xf32>
    %mul3A_1844 = arith.mulf %sub3A_1842, %sub3A_1842 : vector<256x256xf32>
    %add3A_1845 = arith.addf %mul3A_1843, %mul3A_1844 : vector<256x256xf32>
    %max3A_1846 = arith.constant 1.000000e-24 : f32
    %max3A_1847 = vector.broadcast %max3A_1846 : f32 to vector<256x256xf32>
    %max3A_1848 = arith.maximumf %add3A_1845, %max3A_1847 : vector<256x256xf32>
    %sqrt3A_1849 = math.sqrt %max3A_1848 : vector<256x256xf32>
    %sub3A_1850 = vector.broadcast %slice3A_1294 : vector<256x1xf32> to vector<256x256xf32>
    %sub3A_1851 = vector.broadcast %slice3A_1759 : vector<1x256xf32> to vector<256x256xf32>
    %sub3A_1852 = arith.subf %sub3A_1850, %sub3A_1851 : vector<256x256xf32>
    %sub3A_1853 = vector.broadcast %slice3A_1295 : vector<256x1xf32> to vector<256x256xf32>
    %sub3A_1854 = vector.broadcast %slice3A_1760 : vector<1x256xf32> to vector<256x256xf32>
    %sub3A_1855 = arith.subf %sub3A_1853, %sub3A_1854 : vector<256x256xf32>
    %add3A_1856 = vector.broadcast %slice3A_1298 : vector<256x1xf32> to vector<256x256xf32>
    %add3A_1857 = vector.broadcast %slice3A_1763 : vector<1x256xf32> to vector<256x256xf32>
    %add3A_1858 = arith.addf %add3A_1856, %add3A_1857 : vector<256x256xf32>
    %mul3A_1859 = arith.mulf %sub3A_1852, %sub3A_1852 : vector<256x256xf32>
    %mul3A_1860 = arith.mulf %sub3A_1855, %sub3A_1855 : vector<256x256xf32>
    %add3A_1861 = arith.addf %mul3A_1859, %mul3A_1860 : vector<256x256xf32>
    %mul3A_1862 = arith.mulf %add3A_1858, %add3A_1858 : vector<256x256xf32>
    %lt3A_1863 = arith.cmpf olt, %add3A_1861, %mul3A_1862 : vector<256x256xf32>
    %eq3A_1864 = vector.broadcast %slice3A_1299 : vector<256x1xi32> to vector<256x256xi32>
    %eq3A_1865 = vector.broadcast %slice3A_1764 : vector<1x256xi32> to vector<256x256xi32>
    %eq3A_1866 = arith.cmpi eq, %eq3A_1864, %eq3A_1865 : vector<256x256xi32>
    %eq3A_1867 = vector.broadcast %slice3A_1299 : vector<256x1xi32> to vector<256x256xi32>
    %eq3A_1868 = vector.broadcast %slice3A_1765 : vector<1x256xi32> to vector<256x256xi32>
    %eq3A_1869 = arith.cmpi eq, %eq3A_1867, %eq3A_1868 : vector<256x256xi32>
    %or3A_1870 = arith.ori %eq3A_1866, %eq3A_1869 : vector<256x256xi1>
    %eq3A_1871 = vector.broadcast %slice3A_1300 : vector<256x1xi32> to vector<256x256xi32>
    %eq3A_1872 = vector.broadcast %slice3A_1764 : vector<1x256xi32> to vector<256x256xi32>
    %eq3A_1873 = arith.cmpi eq, %eq3A_1871, %eq3A_1872 : vector<256x256xi32>
    %or3A_1874 = arith.ori %or3A_1870, %eq3A_1873 : vector<256x256xi1>
    %eq3A_1875 = vector.broadcast %slice3A_1300 : vector<256x1xi32> to vector<256x256xi32>
    %eq3A_1876 = vector.broadcast %slice3A_1765 : vector<1x256xi32> to vector<256x256xi32>
    %eq3A_1877 = arith.cmpi eq, %eq3A_1875, %eq3A_1876 : vector<256x256xi32>
    %or3A_1878 = arith.ori %or3A_1874, %eq3A_1877 : vector<256x256xi1>
    %not3A_1879 = arith.constant dense<true> : vector<256x256xi1>
    %not3A_1880 = arith.xori %or3A_1878, %not3A_1879 : vector<256x256xi1>
    %and3A_1881 = arith.andi %lt3A_1863, %not3A_1880 : vector<256x256xi1>
    %sub3A_1882 = arith.constant 1.000000e-03 : f32
    %sub3A_1883 = vector.broadcast %sub3A_1882 : f32 to vector<256x256xf32>
    %sub3A_1884 = arith.subf %sub3A_1883, %sqrt3A_1849 : vector<256x256xf32>
    %max3A_1885 = arith.constant 0.000000e+00 : f32
    %max3A_1886 = vector.broadcast %max3A_1885 : f32 to vector<256x256xf32>
    %max3A_1887 = arith.maximumf %sub3A_1884, %max3A_1886 : vector<256x256xf32>
    %jit3A_1888 = arith.constant 0.000000e+00 : f32
    %broadcast_in_dim3A_1889 = vector.broadcast %jit3A_1888 : f32 to vector<256x256xf32>
    %select_n3A_1890 = arith.select %and3A_1881, %max3A_1887, %broadcast_in_dim3A_1889 : vector<256x256xi1>, vector<256x256xf32>
    %reduce_sum3A_1891 = vector.shape_cast %select_n3A_1890 : vector<256x256xf32> to vector<1x256x256xf32>
    %reduce_sum3A_1892 = arith.constant dense<0.000000e+00> : vector<1xf32>
    %reduce_sum3A_1893 = vector.multi_reduction <add>, %reduce_sum3A_1891, %reduce_sum3A_1892 [1, 2] : vector<1x256x256xf32> to vector<1xf32>
    %reduce_sum3A_1894 = vector.shape_cast %reduce_sum3A_1893 : vector<1xf32> to vector<1x1x1xf32>
    %reduce_sum3A_1895 = vector.extract %reduce_sum3A_1894[0, 0, 0] : f32 from vector<1x1x1xf32>
    %add3A_1896 = arith.addf %add3A_1746, %reduce_sum3A_1895 : f32
    %convert_element_type3A_1897 = arith.extui %and3A_1881 : vector<256x256xi1> to vector<256x256xi32>
    %convert_element_type3A_1898 = arith.sitofp %convert_element_type3A_1897 : vector<256x256xi32> to vector<256x256xf32>
    %reduce_sum3A_1899 = vector.shape_cast %convert_element_type3A_1898 : vector<256x256xf32> to vector<1x256x256xf32>
    %reduce_sum3A_1900 = arith.constant dense<0.000000e+00> : vector<1xf32>
    %reduce_sum3A_1901 = vector.multi_reduction <add>, %reduce_sum3A_1899, %reduce_sum3A_1900 [1, 2] : vector<1x256x256xf32> to vector<1xf32>
    %reduce_sum3A_1902 = vector.shape_cast %reduce_sum3A_1901 : vector<1xf32> to vector<1x1x1xf32>
    %reduce_sum3A_1903 = vector.extract %reduce_sum3A_1902[0, 0, 0] : f32 from vector<1x1x1xf32>
    %add3A_1904 = arith.addf %add3A_1754, %reduce_sum3A_1903 : f32
    %slice3A_1905 = vector.extract_strided_slice %get3A_13 {offsets = [0, 1280], sizes = [1, 256], strides = [1, 1]} : vector<1x2048xf32> to vector<1x256xf32>
    %slice3A_1906 = vector.extract_strided_slice %get3A_16 {offsets = [0, 1280], sizes = [1, 256], strides = [1, 1]} : vector<1x2048xf32> to vector<1x256xf32>
    %slice3A_1907 = vector.extract_strided_slice %sub3A_58 {offsets = [0, 1280], sizes = [1, 256], strides = [1, 1]} : vector<1x2048xf32> to vector<1x256xf32>
    %slice3A_1908 = vector.extract_strided_slice %sub3A_59 {offsets = [0, 1280], sizes = [1, 256], strides = [1, 1]} : vector<1x2048xf32> to vector<1x256xf32>
    %slice3A_1909 = vector.extract_strided_slice %mul3A_63 {offsets = [0, 1280], sizes = [1, 256], strides = [1, 1]} : vector<1x2048xf32> to vector<1x256xf32>
    %slice3A_1910 = vector.extract_strided_slice %mul3A_67 {offsets = [0, 1280], sizes = [1, 256], strides = [1, 1]} : vector<1x2048xf32> to vector<1x256xf32>
    %slice3A_1911 = vector.extract_strided_slice %max3A_73 {offsets = [0, 1280], sizes = [1, 256], strides = [1, 1]} : vector<1x2048xf32> to vector<1x256xf32>
    %slice3A_1912 = vector.extract_strided_slice %div3A_76 {offsets = [0, 1280], sizes = [1, 256], strides = [1, 1]} : vector<1x2048xf32> to vector<1x256xf32>
    %slice3A_1913 = vector.extract_strided_slice %add3A_86 {offsets = [0, 1280], sizes = [1, 256], strides = [1, 1]} : vector<1x2048xf32> to vector<1x256xf32>
    %slice3A_1914 = vector.extract_strided_slice %get3A_31 {offsets = [0, 1280], sizes = [1, 256], strides = [1, 1]} : vector<1x2048xi32> to vector<1x256xi32>
    %slice3A_1915 = vector.extract_strided_slice %get3A_34 {offsets = [0, 1280], sizes = [1, 256], strides = [1, 1]} : vector<1x2048xi32> to vector<1x256xi32>
    %sub3A_1916 = vector.broadcast %slice3A_1290 : vector<256x1xf32> to vector<256x256xf32>
    %sub3A_1917 = vector.broadcast %slice3A_1905 : vector<1x256xf32> to vector<256x256xf32>
    %sub3A_1918 = arith.subf %sub3A_1916, %sub3A_1917 : vector<256x256xf32>
    %sub3A_1919 = vector.broadcast %slice3A_1291 : vector<256x1xf32> to vector<256x256xf32>
    %sub3A_1920 = vector.broadcast %slice3A_1906 : vector<1x256xf32> to vector<256x256xf32>
    %sub3A_1921 = arith.subf %sub3A_1919, %sub3A_1920 : vector<256x256xf32>
    %mul3A_1922 = vector.broadcast %slice3A_1292 : vector<256x1xf32> to vector<256x256xf32>
    %mul3A_1923 = vector.broadcast %slice3A_1907 : vector<1x256xf32> to vector<256x256xf32>
    %mul3A_1924 = arith.mulf %mul3A_1922, %mul3A_1923 : vector<256x256xf32>
    %mul3A_1925 = vector.broadcast %slice3A_1293 : vector<256x1xf32> to vector<256x256xf32>
    %mul3A_1926 = vector.broadcast %slice3A_1908 : vector<1x256xf32> to vector<256x256xf32>
    %mul3A_1927 = arith.mulf %mul3A_1925, %mul3A_1926 : vector<256x256xf32>
    %add3A_1928 = arith.addf %mul3A_1924, %mul3A_1927 : vector<256x256xf32>
    %mul3A_1929 = vector.broadcast %slice3A_1292 : vector<256x1xf32> to vector<256x256xf32>
    %mul3A_1930 = arith.mulf %mul3A_1929, %sub3A_1918 : vector<256x256xf32>
    %mul3A_1931 = vector.broadcast %slice3A_1293 : vector<256x1xf32> to vector<256x256xf32>
    %mul3A_1932 = arith.mulf %mul3A_1931, %sub3A_1921 : vector<256x256xf32>
    %add3A_1933 = arith.addf %mul3A_1930, %mul3A_1932 : vector<256x256xf32>
    %mul3A_1934 = vector.broadcast %slice3A_1907 : vector<1x256xf32> to vector<256x256xf32>
    %mul3A_1935 = arith.mulf %mul3A_1934, %sub3A_1918 : vector<256x256xf32>
    %mul3A_1936 = vector.broadcast %slice3A_1908 : vector<1x256xf32> to vector<256x256xf32>
    %mul3A_1937 = arith.mulf %mul3A_1936, %sub3A_1921 : vector<256x256xf32>
    %add3A_1938 = arith.addf %mul3A_1935, %mul3A_1937 : vector<256x256xf32>
    %mul3A_1939 = vector.broadcast %slice3A_1296 : vector<256x1xf32> to vector<256x256xf32>
    %mul3A_1940 = vector.broadcast %slice3A_1911 : vector<1x256xf32> to vector<256x256xf32>
    %mul3A_1941 = arith.mulf %mul3A_1939, %mul3A_1940 : vector<256x256xf32>
    %mul3A_1942 = arith.mulf %add3A_1928, %add3A_1928 : vector<256x256xf32>
    %sub3A_1943 = arith.subf %mul3A_1941, %mul3A_1942 : vector<256x256xf32>
    %max3A_1944 = arith.constant 9.99999996E-13 : f32
    %max3A_1945 = vector.broadcast %max3A_1944 : f32 to vector<256x256xf32>
    %max3A_1946 = arith.maximumf %sub3A_1943, %max3A_1945 : vector<256x256xf32>
    %div3A_1947 = arith.constant 1.000000e+00 : f32
    %div3A_1948 = vector.broadcast %div3A_1947 : f32 to vector<256x256xf32>
    %div3A_1949 = arith.divf %div3A_1948, %max3A_1946 : vector<256x256xf32>
    %mul3A_1950 = arith.mulf %add3A_1928, %add3A_1938 : vector<256x256xf32>
    %mul3A_1951 = vector.broadcast %slice3A_1911 : vector<1x256xf32> to vector<256x256xf32>
    %mul3A_1952 = arith.mulf %add3A_1933, %mul3A_1951 : vector<256x256xf32>
    %sub3A_1953 = arith.subf %mul3A_1950, %mul3A_1952 : vector<256x256xf32>
    %mul3A_1954 = arith.mulf %sub3A_1953, %div3A_1949 : vector<256x256xf32>
    %jit3A_1955 = arith.constant 0.000000e+00 : f32
    %jit3A_1956 = arith.constant 1.000000e+00 : f32
    %max3A_1957 = vector.broadcast %jit3A_1955 : f32 to vector<256x256xf32>
    %max3A_1958 = arith.maximumf %max3A_1957, %mul3A_1954 : vector<256x256xf32>
    %min3A_1959 = vector.broadcast %jit3A_1956 : f32 to vector<256x256xf32>
    %min3A_1960 = arith.minimumf %min3A_1959, %max3A_1958 : vector<256x256xf32>
    %mul3A_1961 = arith.mulf %add3A_1928, %min3A_1960 : vector<256x256xf32>
    %add3A_1962 = arith.addf %mul3A_1961, %add3A_1938 : vector<256x256xf32>
    %mul3A_1963 = vector.broadcast %slice3A_1912 : vector<1x256xf32> to vector<256x256xf32>
    %mul3A_1964 = arith.mulf %add3A_1962, %mul3A_1963 : vector<256x256xf32>
    %jit3A_1965 = arith.constant 0.000000e+00 : f32
    %jit3A_1966 = arith.constant 1.000000e+00 : f32
    %max3A_1967 = vector.broadcast %jit3A_1965 : f32 to vector<256x256xf32>
    %max3A_1968 = arith.maximumf %max3A_1967, %mul3A_1964 : vector<256x256xf32>
    %min3A_1969 = vector.broadcast %jit3A_1966 : f32 to vector<256x256xf32>
    %min3A_1970 = arith.minimumf %min3A_1969, %max3A_1968 : vector<256x256xf32>
    %mul3A_1971 = arith.mulf %add3A_1928, %min3A_1970 : vector<256x256xf32>
    %sub3A_1972 = arith.subf %mul3A_1971, %add3A_1933 : vector<256x256xf32>
    %mul3A_1973 = vector.broadcast %slice3A_1297 : vector<256x1xf32> to vector<256x256xf32>
    %mul3A_1974 = arith.mulf %sub3A_1972, %mul3A_1973 : vector<256x256xf32>
    %jit3A_1975 = arith.constant 0.000000e+00 : f32
    %jit3A_1976 = arith.constant 1.000000e+00 : f32
    %max3A_1977 = vector.broadcast %jit3A_1975 : f32 to vector<256x256xf32>
    %max3A_1978 = arith.maximumf %max3A_1977, %mul3A_1974 : vector<256x256xf32>
    %min3A_1979 = vector.broadcast %jit3A_1976 : f32 to vector<256x256xf32>
    %min3A_1980 = arith.minimumf %min3A_1979, %max3A_1978 : vector<256x256xf32>
    %mul3A_1981 = vector.broadcast %slice3A_1292 : vector<256x1xf32> to vector<256x256xf32>
    %mul3A_1982 = arith.mulf %min3A_1980, %mul3A_1981 : vector<256x256xf32>
    %add3A_1983 = arith.addf %sub3A_1918, %mul3A_1982 : vector<256x256xf32>
    %mul3A_1984 = vector.broadcast %slice3A_1907 : vector<1x256xf32> to vector<256x256xf32>
    %mul3A_1985 = arith.mulf %min3A_1970, %mul3A_1984 : vector<256x256xf32>
    %sub3A_1986 = arith.subf %add3A_1983, %mul3A_1985 : vector<256x256xf32>
    %mul3A_1987 = vector.broadcast %slice3A_1293 : vector<256x1xf32> to vector<256x256xf32>
    %mul3A_1988 = arith.mulf %min3A_1980, %mul3A_1987 : vector<256x256xf32>
    %add3A_1989 = arith.addf %sub3A_1921, %mul3A_1988 : vector<256x256xf32>
    %mul3A_1990 = vector.broadcast %slice3A_1908 : vector<1x256xf32> to vector<256x256xf32>
    %mul3A_1991 = arith.mulf %min3A_1970, %mul3A_1990 : vector<256x256xf32>
    %sub3A_1992 = arith.subf %add3A_1989, %mul3A_1991 : vector<256x256xf32>
    %mul3A_1993 = arith.mulf %sub3A_1986, %sub3A_1986 : vector<256x256xf32>
    %mul3A_1994 = arith.mulf %sub3A_1992, %sub3A_1992 : vector<256x256xf32>
    %add3A_1995 = arith.addf %mul3A_1993, %mul3A_1994 : vector<256x256xf32>
    %max3A_1996 = arith.constant 1.000000e-24 : f32
    %max3A_1997 = vector.broadcast %max3A_1996 : f32 to vector<256x256xf32>
    %max3A_1998 = arith.maximumf %add3A_1995, %max3A_1997 : vector<256x256xf32>
    %sqrt3A_1999 = math.sqrt %max3A_1998 : vector<256x256xf32>
    %sub3A_2000 = vector.broadcast %slice3A_1294 : vector<256x1xf32> to vector<256x256xf32>
    %sub3A_2001 = vector.broadcast %slice3A_1909 : vector<1x256xf32> to vector<256x256xf32>
    %sub3A_2002 = arith.subf %sub3A_2000, %sub3A_2001 : vector<256x256xf32>
    %sub3A_2003 = vector.broadcast %slice3A_1295 : vector<256x1xf32> to vector<256x256xf32>
    %sub3A_2004 = vector.broadcast %slice3A_1910 : vector<1x256xf32> to vector<256x256xf32>
    %sub3A_2005 = arith.subf %sub3A_2003, %sub3A_2004 : vector<256x256xf32>
    %add3A_2006 = vector.broadcast %slice3A_1298 : vector<256x1xf32> to vector<256x256xf32>
    %add3A_2007 = vector.broadcast %slice3A_1913 : vector<1x256xf32> to vector<256x256xf32>
    %add3A_2008 = arith.addf %add3A_2006, %add3A_2007 : vector<256x256xf32>
    %mul3A_2009 = arith.mulf %sub3A_2002, %sub3A_2002 : vector<256x256xf32>
    %mul3A_2010 = arith.mulf %sub3A_2005, %sub3A_2005 : vector<256x256xf32>
    %add3A_2011 = arith.addf %mul3A_2009, %mul3A_2010 : vector<256x256xf32>
    %mul3A_2012 = arith.mulf %add3A_2008, %add3A_2008 : vector<256x256xf32>
    %lt3A_2013 = arith.cmpf olt, %add3A_2011, %mul3A_2012 : vector<256x256xf32>
    %eq3A_2014 = vector.broadcast %slice3A_1299 : vector<256x1xi32> to vector<256x256xi32>
    %eq3A_2015 = vector.broadcast %slice3A_1914 : vector<1x256xi32> to vector<256x256xi32>
    %eq3A_2016 = arith.cmpi eq, %eq3A_2014, %eq3A_2015 : vector<256x256xi32>
    %eq3A_2017 = vector.broadcast %slice3A_1299 : vector<256x1xi32> to vector<256x256xi32>
    %eq3A_2018 = vector.broadcast %slice3A_1915 : vector<1x256xi32> to vector<256x256xi32>
    %eq3A_2019 = arith.cmpi eq, %eq3A_2017, %eq3A_2018 : vector<256x256xi32>
    %or3A_2020 = arith.ori %eq3A_2016, %eq3A_2019 : vector<256x256xi1>
    %eq3A_2021 = vector.broadcast %slice3A_1300 : vector<256x1xi32> to vector<256x256xi32>
    %eq3A_2022 = vector.broadcast %slice3A_1914 : vector<1x256xi32> to vector<256x256xi32>
    %eq3A_2023 = arith.cmpi eq, %eq3A_2021, %eq3A_2022 : vector<256x256xi32>
    %or3A_2024 = arith.ori %or3A_2020, %eq3A_2023 : vector<256x256xi1>
    %eq3A_2025 = vector.broadcast %slice3A_1300 : vector<256x1xi32> to vector<256x256xi32>
    %eq3A_2026 = vector.broadcast %slice3A_1915 : vector<1x256xi32> to vector<256x256xi32>
    %eq3A_2027 = arith.cmpi eq, %eq3A_2025, %eq3A_2026 : vector<256x256xi32>
    %or3A_2028 = arith.ori %or3A_2024, %eq3A_2027 : vector<256x256xi1>
    %not3A_2029 = arith.constant dense<true> : vector<256x256xi1>
    %not3A_2030 = arith.xori %or3A_2028, %not3A_2029 : vector<256x256xi1>
    %and3A_2031 = arith.andi %lt3A_2013, %not3A_2030 : vector<256x256xi1>
    %sub3A_2032 = arith.constant 1.000000e-03 : f32
    %sub3A_2033 = vector.broadcast %sub3A_2032 : f32 to vector<256x256xf32>
    %sub3A_2034 = arith.subf %sub3A_2033, %sqrt3A_1999 : vector<256x256xf32>
    %max3A_2035 = arith.constant 0.000000e+00 : f32
    %max3A_2036 = vector.broadcast %max3A_2035 : f32 to vector<256x256xf32>
    %max3A_2037 = arith.maximumf %sub3A_2034, %max3A_2036 : vector<256x256xf32>
    %jit3A_2038 = arith.constant 0.000000e+00 : f32
    %broadcast_in_dim3A_2039 = vector.broadcast %jit3A_2038 : f32 to vector<256x256xf32>
    %select_n3A_2040 = arith.select %and3A_2031, %max3A_2037, %broadcast_in_dim3A_2039 : vector<256x256xi1>, vector<256x256xf32>
    %reduce_sum3A_2041 = vector.shape_cast %select_n3A_2040 : vector<256x256xf32> to vector<1x256x256xf32>
    %reduce_sum3A_2042 = arith.constant dense<0.000000e+00> : vector<1xf32>
    %reduce_sum3A_2043 = vector.multi_reduction <add>, %reduce_sum3A_2041, %reduce_sum3A_2042 [1, 2] : vector<1x256x256xf32> to vector<1xf32>
    %reduce_sum3A_2044 = vector.shape_cast %reduce_sum3A_2043 : vector<1xf32> to vector<1x1x1xf32>
    %reduce_sum3A_2045 = vector.extract %reduce_sum3A_2044[0, 0, 0] : f32 from vector<1x1x1xf32>
    %add3A_2046 = arith.addf %add3A_1896, %reduce_sum3A_2045 : f32
    %convert_element_type3A_2047 = arith.extui %and3A_2031 : vector<256x256xi1> to vector<256x256xi32>
    %convert_element_type3A_2048 = arith.sitofp %convert_element_type3A_2047 : vector<256x256xi32> to vector<256x256xf32>
    %reduce_sum3A_2049 = vector.shape_cast %convert_element_type3A_2048 : vector<256x256xf32> to vector<1x256x256xf32>
    %reduce_sum3A_2050 = arith.constant dense<0.000000e+00> : vector<1xf32>
    %reduce_sum3A_2051 = vector.multi_reduction <add>, %reduce_sum3A_2049, %reduce_sum3A_2050 [1, 2] : vector<1x256x256xf32> to vector<1xf32>
    %reduce_sum3A_2052 = vector.shape_cast %reduce_sum3A_2051 : vector<1xf32> to vector<1x1x1xf32>
    %reduce_sum3A_2053 = vector.extract %reduce_sum3A_2052[0, 0, 0] : f32 from vector<1x1x1xf32>
    %add3A_2054 = arith.addf %add3A_1904, %reduce_sum3A_2053 : f32
    %slice3A_2055 = vector.extract_strided_slice %get3A_13 {offsets = [0, 1536], sizes = [1, 256], strides = [1, 1]} : vector<1x2048xf32> to vector<1x256xf32>
    %slice3A_2056 = vector.extract_strided_slice %get3A_16 {offsets = [0, 1536], sizes = [1, 256], strides = [1, 1]} : vector<1x2048xf32> to vector<1x256xf32>
    %slice3A_2057 = vector.extract_strided_slice %sub3A_58 {offsets = [0, 1536], sizes = [1, 256], strides = [1, 1]} : vector<1x2048xf32> to vector<1x256xf32>
    %slice3A_2058 = vector.extract_strided_slice %sub3A_59 {offsets = [0, 1536], sizes = [1, 256], strides = [1, 1]} : vector<1x2048xf32> to vector<1x256xf32>
    %slice3A_2059 = vector.extract_strided_slice %mul3A_63 {offsets = [0, 1536], sizes = [1, 256], strides = [1, 1]} : vector<1x2048xf32> to vector<1x256xf32>
    %slice3A_2060 = vector.extract_strided_slice %mul3A_67 {offsets = [0, 1536], sizes = [1, 256], strides = [1, 1]} : vector<1x2048xf32> to vector<1x256xf32>
    %slice3A_2061 = vector.extract_strided_slice %max3A_73 {offsets = [0, 1536], sizes = [1, 256], strides = [1, 1]} : vector<1x2048xf32> to vector<1x256xf32>
    %slice3A_2062 = vector.extract_strided_slice %div3A_76 {offsets = [0, 1536], sizes = [1, 256], strides = [1, 1]} : vector<1x2048xf32> to vector<1x256xf32>
    %slice3A_2063 = vector.extract_strided_slice %add3A_86 {offsets = [0, 1536], sizes = [1, 256], strides = [1, 1]} : vector<1x2048xf32> to vector<1x256xf32>
    %slice3A_2064 = vector.extract_strided_slice %get3A_31 {offsets = [0, 1536], sizes = [1, 256], strides = [1, 1]} : vector<1x2048xi32> to vector<1x256xi32>
    %slice3A_2065 = vector.extract_strided_slice %get3A_34 {offsets = [0, 1536], sizes = [1, 256], strides = [1, 1]} : vector<1x2048xi32> to vector<1x256xi32>
    %sub3A_2066 = vector.broadcast %slice3A_1290 : vector<256x1xf32> to vector<256x256xf32>
    %sub3A_2067 = vector.broadcast %slice3A_2055 : vector<1x256xf32> to vector<256x256xf32>
    %sub3A_2068 = arith.subf %sub3A_2066, %sub3A_2067 : vector<256x256xf32>
    %sub3A_2069 = vector.broadcast %slice3A_1291 : vector<256x1xf32> to vector<256x256xf32>
    %sub3A_2070 = vector.broadcast %slice3A_2056 : vector<1x256xf32> to vector<256x256xf32>
    %sub3A_2071 = arith.subf %sub3A_2069, %sub3A_2070 : vector<256x256xf32>
    %mul3A_2072 = vector.broadcast %slice3A_1292 : vector<256x1xf32> to vector<256x256xf32>
    %mul3A_2073 = vector.broadcast %slice3A_2057 : vector<1x256xf32> to vector<256x256xf32>
    %mul3A_2074 = arith.mulf %mul3A_2072, %mul3A_2073 : vector<256x256xf32>
    %mul3A_2075 = vector.broadcast %slice3A_1293 : vector<256x1xf32> to vector<256x256xf32>
    %mul3A_2076 = vector.broadcast %slice3A_2058 : vector<1x256xf32> to vector<256x256xf32>
    %mul3A_2077 = arith.mulf %mul3A_2075, %mul3A_2076 : vector<256x256xf32>
    %add3A_2078 = arith.addf %mul3A_2074, %mul3A_2077 : vector<256x256xf32>
    %mul3A_2079 = vector.broadcast %slice3A_1292 : vector<256x1xf32> to vector<256x256xf32>
    %mul3A_2080 = arith.mulf %mul3A_2079, %sub3A_2068 : vector<256x256xf32>
    %mul3A_2081 = vector.broadcast %slice3A_1293 : vector<256x1xf32> to vector<256x256xf32>
    %mul3A_2082 = arith.mulf %mul3A_2081, %sub3A_2071 : vector<256x256xf32>
    %add3A_2083 = arith.addf %mul3A_2080, %mul3A_2082 : vector<256x256xf32>
    %mul3A_2084 = vector.broadcast %slice3A_2057 : vector<1x256xf32> to vector<256x256xf32>
    %mul3A_2085 = arith.mulf %mul3A_2084, %sub3A_2068 : vector<256x256xf32>
    %mul3A_2086 = vector.broadcast %slice3A_2058 : vector<1x256xf32> to vector<256x256xf32>
    %mul3A_2087 = arith.mulf %mul3A_2086, %sub3A_2071 : vector<256x256xf32>
    %add3A_2088 = arith.addf %mul3A_2085, %mul3A_2087 : vector<256x256xf32>
    %mul3A_2089 = vector.broadcast %slice3A_1296 : vector<256x1xf32> to vector<256x256xf32>
    %mul3A_2090 = vector.broadcast %slice3A_2061 : vector<1x256xf32> to vector<256x256xf32>
    %mul3A_2091 = arith.mulf %mul3A_2089, %mul3A_2090 : vector<256x256xf32>
    %mul3A_2092 = arith.mulf %add3A_2078, %add3A_2078 : vector<256x256xf32>
    %sub3A_2093 = arith.subf %mul3A_2091, %mul3A_2092 : vector<256x256xf32>
    %max3A_2094 = arith.constant 9.99999996E-13 : f32
    %max3A_2095 = vector.broadcast %max3A_2094 : f32 to vector<256x256xf32>
    %max3A_2096 = arith.maximumf %sub3A_2093, %max3A_2095 : vector<256x256xf32>
    %div3A_2097 = arith.constant 1.000000e+00 : f32
    %div3A_2098 = vector.broadcast %div3A_2097 : f32 to vector<256x256xf32>
    %div3A_2099 = arith.divf %div3A_2098, %max3A_2096 : vector<256x256xf32>
    %mul3A_2100 = arith.mulf %add3A_2078, %add3A_2088 : vector<256x256xf32>
    %mul3A_2101 = vector.broadcast %slice3A_2061 : vector<1x256xf32> to vector<256x256xf32>
    %mul3A_2102 = arith.mulf %add3A_2083, %mul3A_2101 : vector<256x256xf32>
    %sub3A_2103 = arith.subf %mul3A_2100, %mul3A_2102 : vector<256x256xf32>
    %mul3A_2104 = arith.mulf %sub3A_2103, %div3A_2099 : vector<256x256xf32>
    %jit3A_2105 = arith.constant 0.000000e+00 : f32
    %jit3A_2106 = arith.constant 1.000000e+00 : f32
    %max3A_2107 = vector.broadcast %jit3A_2105 : f32 to vector<256x256xf32>
    %max3A_2108 = arith.maximumf %max3A_2107, %mul3A_2104 : vector<256x256xf32>
    %min3A_2109 = vector.broadcast %jit3A_2106 : f32 to vector<256x256xf32>
    %min3A_2110 = arith.minimumf %min3A_2109, %max3A_2108 : vector<256x256xf32>
    %mul3A_2111 = arith.mulf %add3A_2078, %min3A_2110 : vector<256x256xf32>
    %add3A_2112 = arith.addf %mul3A_2111, %add3A_2088 : vector<256x256xf32>
    %mul3A_2113 = vector.broadcast %slice3A_2062 : vector<1x256xf32> to vector<256x256xf32>
    %mul3A_2114 = arith.mulf %add3A_2112, %mul3A_2113 : vector<256x256xf32>
    %jit3A_2115 = arith.constant 0.000000e+00 : f32
    %jit3A_2116 = arith.constant 1.000000e+00 : f32
    %max3A_2117 = vector.broadcast %jit3A_2115 : f32 to vector<256x256xf32>
    %max3A_2118 = arith.maximumf %max3A_2117, %mul3A_2114 : vector<256x256xf32>
    %min3A_2119 = vector.broadcast %jit3A_2116 : f32 to vector<256x256xf32>
    %min3A_2120 = arith.minimumf %min3A_2119, %max3A_2118 : vector<256x256xf32>
    %mul3A_2121 = arith.mulf %add3A_2078, %min3A_2120 : vector<256x256xf32>
    %sub3A_2122 = arith.subf %mul3A_2121, %add3A_2083 : vector<256x256xf32>
    %mul3A_2123 = vector.broadcast %slice3A_1297 : vector<256x1xf32> to vector<256x256xf32>
    %mul3A_2124 = arith.mulf %sub3A_2122, %mul3A_2123 : vector<256x256xf32>
    %jit3A_2125 = arith.constant 0.000000e+00 : f32
    %jit3A_2126 = arith.constant 1.000000e+00 : f32
    %max3A_2127 = vector.broadcast %jit3A_2125 : f32 to vector<256x256xf32>
    %max3A_2128 = arith.maximumf %max3A_2127, %mul3A_2124 : vector<256x256xf32>
    %min3A_2129 = vector.broadcast %jit3A_2126 : f32 to vector<256x256xf32>
    %min3A_2130 = arith.minimumf %min3A_2129, %max3A_2128 : vector<256x256xf32>
    %mul3A_2131 = vector.broadcast %slice3A_1292 : vector<256x1xf32> to vector<256x256xf32>
    %mul3A_2132 = arith.mulf %min3A_2130, %mul3A_2131 : vector<256x256xf32>
    %add3A_2133 = arith.addf %sub3A_2068, %mul3A_2132 : vector<256x256xf32>
    %mul3A_2134 = vector.broadcast %slice3A_2057 : vector<1x256xf32> to vector<256x256xf32>
    %mul3A_2135 = arith.mulf %min3A_2120, %mul3A_2134 : vector<256x256xf32>
    %sub3A_2136 = arith.subf %add3A_2133, %mul3A_2135 : vector<256x256xf32>
    %mul3A_2137 = vector.broadcast %slice3A_1293 : vector<256x1xf32> to vector<256x256xf32>
    %mul3A_2138 = arith.mulf %min3A_2130, %mul3A_2137 : vector<256x256xf32>
    %add3A_2139 = arith.addf %sub3A_2071, %mul3A_2138 : vector<256x256xf32>
    %mul3A_2140 = vector.broadcast %slice3A_2058 : vector<1x256xf32> to vector<256x256xf32>
    %mul3A_2141 = arith.mulf %min3A_2120, %mul3A_2140 : vector<256x256xf32>
    %sub3A_2142 = arith.subf %add3A_2139, %mul3A_2141 : vector<256x256xf32>
    %mul3A_2143 = arith.mulf %sub3A_2136, %sub3A_2136 : vector<256x256xf32>
    %mul3A_2144 = arith.mulf %sub3A_2142, %sub3A_2142 : vector<256x256xf32>
    %add3A_2145 = arith.addf %mul3A_2143, %mul3A_2144 : vector<256x256xf32>
    %max3A_2146 = arith.constant 1.000000e-24 : f32
    %max3A_2147 = vector.broadcast %max3A_2146 : f32 to vector<256x256xf32>
    %max3A_2148 = arith.maximumf %add3A_2145, %max3A_2147 : vector<256x256xf32>
    %sqrt3A_2149 = math.sqrt %max3A_2148 : vector<256x256xf32>
    %sub3A_2150 = vector.broadcast %slice3A_1294 : vector<256x1xf32> to vector<256x256xf32>
    %sub3A_2151 = vector.broadcast %slice3A_2059 : vector<1x256xf32> to vector<256x256xf32>
    %sub3A_2152 = arith.subf %sub3A_2150, %sub3A_2151 : vector<256x256xf32>
    %sub3A_2153 = vector.broadcast %slice3A_1295 : vector<256x1xf32> to vector<256x256xf32>
    %sub3A_2154 = vector.broadcast %slice3A_2060 : vector<1x256xf32> to vector<256x256xf32>
    %sub3A_2155 = arith.subf %sub3A_2153, %sub3A_2154 : vector<256x256xf32>
    %add3A_2156 = vector.broadcast %slice3A_1298 : vector<256x1xf32> to vector<256x256xf32>
    %add3A_2157 = vector.broadcast %slice3A_2063 : vector<1x256xf32> to vector<256x256xf32>
    %add3A_2158 = arith.addf %add3A_2156, %add3A_2157 : vector<256x256xf32>
    %mul3A_2159 = arith.mulf %sub3A_2152, %sub3A_2152 : vector<256x256xf32>
    %mul3A_2160 = arith.mulf %sub3A_2155, %sub3A_2155 : vector<256x256xf32>
    %add3A_2161 = arith.addf %mul3A_2159, %mul3A_2160 : vector<256x256xf32>
    %mul3A_2162 = arith.mulf %add3A_2158, %add3A_2158 : vector<256x256xf32>
    %lt3A_2163 = arith.cmpf olt, %add3A_2161, %mul3A_2162 : vector<256x256xf32>
    %eq3A_2164 = vector.broadcast %slice3A_1299 : vector<256x1xi32> to vector<256x256xi32>
    %eq3A_2165 = vector.broadcast %slice3A_2064 : vector<1x256xi32> to vector<256x256xi32>
    %eq3A_2166 = arith.cmpi eq, %eq3A_2164, %eq3A_2165 : vector<256x256xi32>
    %eq3A_2167 = vector.broadcast %slice3A_1299 : vector<256x1xi32> to vector<256x256xi32>
    %eq3A_2168 = vector.broadcast %slice3A_2065 : vector<1x256xi32> to vector<256x256xi32>
    %eq3A_2169 = arith.cmpi eq, %eq3A_2167, %eq3A_2168 : vector<256x256xi32>
    %or3A_2170 = arith.ori %eq3A_2166, %eq3A_2169 : vector<256x256xi1>
    %eq3A_2171 = vector.broadcast %slice3A_1300 : vector<256x1xi32> to vector<256x256xi32>
    %eq3A_2172 = vector.broadcast %slice3A_2064 : vector<1x256xi32> to vector<256x256xi32>
    %eq3A_2173 = arith.cmpi eq, %eq3A_2171, %eq3A_2172 : vector<256x256xi32>
    %or3A_2174 = arith.ori %or3A_2170, %eq3A_2173 : vector<256x256xi1>
    %eq3A_2175 = vector.broadcast %slice3A_1300 : vector<256x1xi32> to vector<256x256xi32>
    %eq3A_2176 = vector.broadcast %slice3A_2065 : vector<1x256xi32> to vector<256x256xi32>
    %eq3A_2177 = arith.cmpi eq, %eq3A_2175, %eq3A_2176 : vector<256x256xi32>
    %or3A_2178 = arith.ori %or3A_2174, %eq3A_2177 : vector<256x256xi1>
    %not3A_2179 = arith.constant dense<true> : vector<256x256xi1>
    %not3A_2180 = arith.xori %or3A_2178, %not3A_2179 : vector<256x256xi1>
    %and3A_2181 = arith.andi %lt3A_2163, %not3A_2180 : vector<256x256xi1>
    %sub3A_2182 = arith.constant 1.000000e-03 : f32
    %sub3A_2183 = vector.broadcast %sub3A_2182 : f32 to vector<256x256xf32>
    %sub3A_2184 = arith.subf %sub3A_2183, %sqrt3A_2149 : vector<256x256xf32>
    %max3A_2185 = arith.constant 0.000000e+00 : f32
    %max3A_2186 = vector.broadcast %max3A_2185 : f32 to vector<256x256xf32>
    %max3A_2187 = arith.maximumf %sub3A_2184, %max3A_2186 : vector<256x256xf32>
    %jit3A_2188 = arith.constant 0.000000e+00 : f32
    %broadcast_in_dim3A_2189 = vector.broadcast %jit3A_2188 : f32 to vector<256x256xf32>
    %select_n3A_2190 = arith.select %and3A_2181, %max3A_2187, %broadcast_in_dim3A_2189 : vector<256x256xi1>, vector<256x256xf32>
    %reduce_sum3A_2191 = vector.shape_cast %select_n3A_2190 : vector<256x256xf32> to vector<1x256x256xf32>
    %reduce_sum3A_2192 = arith.constant dense<0.000000e+00> : vector<1xf32>
    %reduce_sum3A_2193 = vector.multi_reduction <add>, %reduce_sum3A_2191, %reduce_sum3A_2192 [1, 2] : vector<1x256x256xf32> to vector<1xf32>
    %reduce_sum3A_2194 = vector.shape_cast %reduce_sum3A_2193 : vector<1xf32> to vector<1x1x1xf32>
    %reduce_sum3A_2195 = vector.extract %reduce_sum3A_2194[0, 0, 0] : f32 from vector<1x1x1xf32>
    %add3A_2196 = arith.addf %add3A_2046, %reduce_sum3A_2195 : f32
    %convert_element_type3A_2197 = arith.extui %and3A_2181 : vector<256x256xi1> to vector<256x256xi32>
    %convert_element_type3A_2198 = arith.sitofp %convert_element_type3A_2197 : vector<256x256xi32> to vector<256x256xf32>
    %reduce_sum3A_2199 = vector.shape_cast %convert_element_type3A_2198 : vector<256x256xf32> to vector<1x256x256xf32>
    %reduce_sum3A_2200 = arith.constant dense<0.000000e+00> : vector<1xf32>
    %reduce_sum3A_2201 = vector.multi_reduction <add>, %reduce_sum3A_2199, %reduce_sum3A_2200 [1, 2] : vector<1x256x256xf32> to vector<1xf32>
    %reduce_sum3A_2202 = vector.shape_cast %reduce_sum3A_2201 : vector<1xf32> to vector<1x1x1xf32>
    %reduce_sum3A_2203 = vector.extract %reduce_sum3A_2202[0, 0, 0] : f32 from vector<1x1x1xf32>
    %add3A_2204 = arith.addf %add3A_2054, %reduce_sum3A_2203 : f32
    %slice3A_2205 = vector.extract_strided_slice %get3A_13 {offsets = [0, 1792], sizes = [1, 256], strides = [1, 1]} : vector<1x2048xf32> to vector<1x256xf32>
    %slice3A_2206 = vector.extract_strided_slice %get3A_16 {offsets = [0, 1792], sizes = [1, 256], strides = [1, 1]} : vector<1x2048xf32> to vector<1x256xf32>
    %slice3A_2207 = vector.extract_strided_slice %sub3A_58 {offsets = [0, 1792], sizes = [1, 256], strides = [1, 1]} : vector<1x2048xf32> to vector<1x256xf32>
    %slice3A_2208 = vector.extract_strided_slice %sub3A_59 {offsets = [0, 1792], sizes = [1, 256], strides = [1, 1]} : vector<1x2048xf32> to vector<1x256xf32>
    %slice3A_2209 = vector.extract_strided_slice %mul3A_63 {offsets = [0, 1792], sizes = [1, 256], strides = [1, 1]} : vector<1x2048xf32> to vector<1x256xf32>
    %slice3A_2210 = vector.extract_strided_slice %mul3A_67 {offsets = [0, 1792], sizes = [1, 256], strides = [1, 1]} : vector<1x2048xf32> to vector<1x256xf32>
    %slice3A_2211 = vector.extract_strided_slice %max3A_73 {offsets = [0, 1792], sizes = [1, 256], strides = [1, 1]} : vector<1x2048xf32> to vector<1x256xf32>
    %slice3A_2212 = vector.extract_strided_slice %div3A_76 {offsets = [0, 1792], sizes = [1, 256], strides = [1, 1]} : vector<1x2048xf32> to vector<1x256xf32>
    %slice3A_2213 = vector.extract_strided_slice %add3A_86 {offsets = [0, 1792], sizes = [1, 256], strides = [1, 1]} : vector<1x2048xf32> to vector<1x256xf32>
    %slice3A_2214 = vector.extract_strided_slice %get3A_31 {offsets = [0, 1792], sizes = [1, 256], strides = [1, 1]} : vector<1x2048xi32> to vector<1x256xi32>
    %slice3A_2215 = vector.extract_strided_slice %get3A_34 {offsets = [0, 1792], sizes = [1, 256], strides = [1, 1]} : vector<1x2048xi32> to vector<1x256xi32>
    %sub3A_2216 = vector.broadcast %slice3A_1290 : vector<256x1xf32> to vector<256x256xf32>
    %sub3A_2217 = vector.broadcast %slice3A_2205 : vector<1x256xf32> to vector<256x256xf32>
    %sub3A_2218 = arith.subf %sub3A_2216, %sub3A_2217 : vector<256x256xf32>
    %sub3A_2219 = vector.broadcast %slice3A_1291 : vector<256x1xf32> to vector<256x256xf32>
    %sub3A_2220 = vector.broadcast %slice3A_2206 : vector<1x256xf32> to vector<256x256xf32>
    %sub3A_2221 = arith.subf %sub3A_2219, %sub3A_2220 : vector<256x256xf32>
    %mul3A_2222 = vector.broadcast %slice3A_1292 : vector<256x1xf32> to vector<256x256xf32>
    %mul3A_2223 = vector.broadcast %slice3A_2207 : vector<1x256xf32> to vector<256x256xf32>
    %mul3A_2224 = arith.mulf %mul3A_2222, %mul3A_2223 : vector<256x256xf32>
    %mul3A_2225 = vector.broadcast %slice3A_1293 : vector<256x1xf32> to vector<256x256xf32>
    %mul3A_2226 = vector.broadcast %slice3A_2208 : vector<1x256xf32> to vector<256x256xf32>
    %mul3A_2227 = arith.mulf %mul3A_2225, %mul3A_2226 : vector<256x256xf32>
    %add3A_2228 = arith.addf %mul3A_2224, %mul3A_2227 : vector<256x256xf32>
    %mul3A_2229 = vector.broadcast %slice3A_1292 : vector<256x1xf32> to vector<256x256xf32>
    %mul3A_2230 = arith.mulf %mul3A_2229, %sub3A_2218 : vector<256x256xf32>
    %mul3A_2231 = vector.broadcast %slice3A_1293 : vector<256x1xf32> to vector<256x256xf32>
    %mul3A_2232 = arith.mulf %mul3A_2231, %sub3A_2221 : vector<256x256xf32>
    %add3A_2233 = arith.addf %mul3A_2230, %mul3A_2232 : vector<256x256xf32>
    %mul3A_2234 = vector.broadcast %slice3A_2207 : vector<1x256xf32> to vector<256x256xf32>
    %mul3A_2235 = arith.mulf %mul3A_2234, %sub3A_2218 : vector<256x256xf32>
    %mul3A_2236 = vector.broadcast %slice3A_2208 : vector<1x256xf32> to vector<256x256xf32>
    %mul3A_2237 = arith.mulf %mul3A_2236, %sub3A_2221 : vector<256x256xf32>
    %add3A_2238 = arith.addf %mul3A_2235, %mul3A_2237 : vector<256x256xf32>
    %mul3A_2239 = vector.broadcast %slice3A_1296 : vector<256x1xf32> to vector<256x256xf32>
    %mul3A_2240 = vector.broadcast %slice3A_2211 : vector<1x256xf32> to vector<256x256xf32>
    %mul3A_2241 = arith.mulf %mul3A_2239, %mul3A_2240 : vector<256x256xf32>
    %mul3A_2242 = arith.mulf %add3A_2228, %add3A_2228 : vector<256x256xf32>
    %sub3A_2243 = arith.subf %mul3A_2241, %mul3A_2242 : vector<256x256xf32>
    %max3A_2244 = arith.constant 9.99999996E-13 : f32
    %max3A_2245 = vector.broadcast %max3A_2244 : f32 to vector<256x256xf32>
    %max3A_2246 = arith.maximumf %sub3A_2243, %max3A_2245 : vector<256x256xf32>
    %div3A_2247 = arith.constant 1.000000e+00 : f32
    %div3A_2248 = vector.broadcast %div3A_2247 : f32 to vector<256x256xf32>
    %div3A_2249 = arith.divf %div3A_2248, %max3A_2246 : vector<256x256xf32>
    %mul3A_2250 = arith.mulf %add3A_2228, %add3A_2238 : vector<256x256xf32>
    %mul3A_2251 = vector.broadcast %slice3A_2211 : vector<1x256xf32> to vector<256x256xf32>
    %mul3A_2252 = arith.mulf %add3A_2233, %mul3A_2251 : vector<256x256xf32>
    %sub3A_2253 = arith.subf %mul3A_2250, %mul3A_2252 : vector<256x256xf32>
    %mul3A_2254 = arith.mulf %sub3A_2253, %div3A_2249 : vector<256x256xf32>
    %jit3A_2255 = arith.constant 0.000000e+00 : f32
    %jit3A_2256 = arith.constant 1.000000e+00 : f32
    %max3A_2257 = vector.broadcast %jit3A_2255 : f32 to vector<256x256xf32>
    %max3A_2258 = arith.maximumf %max3A_2257, %mul3A_2254 : vector<256x256xf32>
    %min3A_2259 = vector.broadcast %jit3A_2256 : f32 to vector<256x256xf32>
    %min3A_2260 = arith.minimumf %min3A_2259, %max3A_2258 : vector<256x256xf32>
    %mul3A_2261 = arith.mulf %add3A_2228, %min3A_2260 : vector<256x256xf32>
    %add3A_2262 = arith.addf %mul3A_2261, %add3A_2238 : vector<256x256xf32>
    %mul3A_2263 = vector.broadcast %slice3A_2212 : vector<1x256xf32> to vector<256x256xf32>
    %mul3A_2264 = arith.mulf %add3A_2262, %mul3A_2263 : vector<256x256xf32>
    %jit3A_2265 = arith.constant 0.000000e+00 : f32
    %jit3A_2266 = arith.constant 1.000000e+00 : f32
    %max3A_2267 = vector.broadcast %jit3A_2265 : f32 to vector<256x256xf32>
    %max3A_2268 = arith.maximumf %max3A_2267, %mul3A_2264 : vector<256x256xf32>
    %min3A_2269 = vector.broadcast %jit3A_2266 : f32 to vector<256x256xf32>
    %min3A_2270 = arith.minimumf %min3A_2269, %max3A_2268 : vector<256x256xf32>
    %mul3A_2271 = arith.mulf %add3A_2228, %min3A_2270 : vector<256x256xf32>
    %sub3A_2272 = arith.subf %mul3A_2271, %add3A_2233 : vector<256x256xf32>
    %mul3A_2273 = vector.broadcast %slice3A_1297 : vector<256x1xf32> to vector<256x256xf32>
    %mul3A_2274 = arith.mulf %sub3A_2272, %mul3A_2273 : vector<256x256xf32>
    %jit3A_2275 = arith.constant 0.000000e+00 : f32
    %jit3A_2276 = arith.constant 1.000000e+00 : f32
    %max3A_2277 = vector.broadcast %jit3A_2275 : f32 to vector<256x256xf32>
    %max3A_2278 = arith.maximumf %max3A_2277, %mul3A_2274 : vector<256x256xf32>
    %min3A_2279 = vector.broadcast %jit3A_2276 : f32 to vector<256x256xf32>
    %min3A_2280 = arith.minimumf %min3A_2279, %max3A_2278 : vector<256x256xf32>
    %mul3A_2281 = vector.broadcast %slice3A_1292 : vector<256x1xf32> to vector<256x256xf32>
    %mul3A_2282 = arith.mulf %min3A_2280, %mul3A_2281 : vector<256x256xf32>
    %add3A_2283 = arith.addf %sub3A_2218, %mul3A_2282 : vector<256x256xf32>
    %mul3A_2284 = vector.broadcast %slice3A_2207 : vector<1x256xf32> to vector<256x256xf32>
    %mul3A_2285 = arith.mulf %min3A_2270, %mul3A_2284 : vector<256x256xf32>
    %sub3A_2286 = arith.subf %add3A_2283, %mul3A_2285 : vector<256x256xf32>
    %mul3A_2287 = vector.broadcast %slice3A_1293 : vector<256x1xf32> to vector<256x256xf32>
    %mul3A_2288 = arith.mulf %min3A_2280, %mul3A_2287 : vector<256x256xf32>
    %add3A_2289 = arith.addf %sub3A_2221, %mul3A_2288 : vector<256x256xf32>
    %mul3A_2290 = vector.broadcast %slice3A_2208 : vector<1x256xf32> to vector<256x256xf32>
    %mul3A_2291 = arith.mulf %min3A_2270, %mul3A_2290 : vector<256x256xf32>
    %sub3A_2292 = arith.subf %add3A_2289, %mul3A_2291 : vector<256x256xf32>
    %mul3A_2293 = arith.mulf %sub3A_2286, %sub3A_2286 : vector<256x256xf32>
    %mul3A_2294 = arith.mulf %sub3A_2292, %sub3A_2292 : vector<256x256xf32>
    %add3A_2295 = arith.addf %mul3A_2293, %mul3A_2294 : vector<256x256xf32>
    %max3A_2296 = arith.constant 1.000000e-24 : f32
    %max3A_2297 = vector.broadcast %max3A_2296 : f32 to vector<256x256xf32>
    %max3A_2298 = arith.maximumf %add3A_2295, %max3A_2297 : vector<256x256xf32>
    %sqrt3A_2299 = math.sqrt %max3A_2298 : vector<256x256xf32>
    %sub3A_2300 = vector.broadcast %slice3A_1294 : vector<256x1xf32> to vector<256x256xf32>
    %sub3A_2301 = vector.broadcast %slice3A_2209 : vector<1x256xf32> to vector<256x256xf32>
    %sub3A_2302 = arith.subf %sub3A_2300, %sub3A_2301 : vector<256x256xf32>
    %sub3A_2303 = vector.broadcast %slice3A_1295 : vector<256x1xf32> to vector<256x256xf32>
    %sub3A_2304 = vector.broadcast %slice3A_2210 : vector<1x256xf32> to vector<256x256xf32>
    %sub3A_2305 = arith.subf %sub3A_2303, %sub3A_2304 : vector<256x256xf32>
    %add3A_2306 = vector.broadcast %slice3A_1298 : vector<256x1xf32> to vector<256x256xf32>
    %add3A_2307 = vector.broadcast %slice3A_2213 : vector<1x256xf32> to vector<256x256xf32>
    %add3A_2308 = arith.addf %add3A_2306, %add3A_2307 : vector<256x256xf32>
    %mul3A_2309 = arith.mulf %sub3A_2302, %sub3A_2302 : vector<256x256xf32>
    %mul3A_2310 = arith.mulf %sub3A_2305, %sub3A_2305 : vector<256x256xf32>
    %add3A_2311 = arith.addf %mul3A_2309, %mul3A_2310 : vector<256x256xf32>
    %mul3A_2312 = arith.mulf %add3A_2308, %add3A_2308 : vector<256x256xf32>
    %lt3A_2313 = arith.cmpf olt, %add3A_2311, %mul3A_2312 : vector<256x256xf32>
    %eq3A_2314 = vector.broadcast %slice3A_1299 : vector<256x1xi32> to vector<256x256xi32>
    %eq3A_2315 = vector.broadcast %slice3A_2214 : vector<1x256xi32> to vector<256x256xi32>
    %eq3A_2316 = arith.cmpi eq, %eq3A_2314, %eq3A_2315 : vector<256x256xi32>
    %eq3A_2317 = vector.broadcast %slice3A_1299 : vector<256x1xi32> to vector<256x256xi32>
    %eq3A_2318 = vector.broadcast %slice3A_2215 : vector<1x256xi32> to vector<256x256xi32>
    %eq3A_2319 = arith.cmpi eq, %eq3A_2317, %eq3A_2318 : vector<256x256xi32>
    %or3A_2320 = arith.ori %eq3A_2316, %eq3A_2319 : vector<256x256xi1>
    %eq3A_2321 = vector.broadcast %slice3A_1300 : vector<256x1xi32> to vector<256x256xi32>
    %eq3A_2322 = vector.broadcast %slice3A_2214 : vector<1x256xi32> to vector<256x256xi32>
    %eq3A_2323 = arith.cmpi eq, %eq3A_2321, %eq3A_2322 : vector<256x256xi32>
    %or3A_2324 = arith.ori %or3A_2320, %eq3A_2323 : vector<256x256xi1>
    %eq3A_2325 = vector.broadcast %slice3A_1300 : vector<256x1xi32> to vector<256x256xi32>
    %eq3A_2326 = vector.broadcast %slice3A_2215 : vector<1x256xi32> to vector<256x256xi32>
    %eq3A_2327 = arith.cmpi eq, %eq3A_2325, %eq3A_2326 : vector<256x256xi32>
    %or3A_2328 = arith.ori %or3A_2324, %eq3A_2327 : vector<256x256xi1>
    %not3A_2329 = arith.constant dense<true> : vector<256x256xi1>
    %not3A_2330 = arith.xori %or3A_2328, %not3A_2329 : vector<256x256xi1>
    %and3A_2331 = arith.andi %lt3A_2313, %not3A_2330 : vector<256x256xi1>
    %sub3A_2332 = arith.constant 1.000000e-03 : f32
    %sub3A_2333 = vector.broadcast %sub3A_2332 : f32 to vector<256x256xf32>
    %sub3A_2334 = arith.subf %sub3A_2333, %sqrt3A_2299 : vector<256x256xf32>
    %max3A_2335 = arith.constant 0.000000e+00 : f32
    %max3A_2336 = vector.broadcast %max3A_2335 : f32 to vector<256x256xf32>
    %max3A_2337 = arith.maximumf %sub3A_2334, %max3A_2336 : vector<256x256xf32>
    %jit3A_2338 = arith.constant 0.000000e+00 : f32
    %broadcast_in_dim3A_2339 = vector.broadcast %jit3A_2338 : f32 to vector<256x256xf32>
    %select_n3A_2340 = arith.select %and3A_2331, %max3A_2337, %broadcast_in_dim3A_2339 : vector<256x256xi1>, vector<256x256xf32>
    %reduce_sum3A_2341 = vector.shape_cast %select_n3A_2340 : vector<256x256xf32> to vector<1x256x256xf32>
    %reduce_sum3A_2342 = arith.constant dense<0.000000e+00> : vector<1xf32>
    %reduce_sum3A_2343 = vector.multi_reduction <add>, %reduce_sum3A_2341, %reduce_sum3A_2342 [1, 2] : vector<1x256x256xf32> to vector<1xf32>
    %reduce_sum3A_2344 = vector.shape_cast %reduce_sum3A_2343 : vector<1xf32> to vector<1x1x1xf32>
    %reduce_sum3A_2345 = vector.extract %reduce_sum3A_2344[0, 0, 0] : f32 from vector<1x1x1xf32>
    %add3A_2346 = arith.addf %add3A_2196, %reduce_sum3A_2345 : f32
    %convert_element_type3A_2347 = arith.extui %and3A_2331 : vector<256x256xi1> to vector<256x256xi32>
    %convert_element_type3A_2348 = arith.sitofp %convert_element_type3A_2347 : vector<256x256xi32> to vector<256x256xf32>
    %reduce_sum3A_2349 = vector.shape_cast %convert_element_type3A_2348 : vector<256x256xf32> to vector<1x256x256xf32>
    %reduce_sum3A_2350 = arith.constant dense<0.000000e+00> : vector<1xf32>
    %reduce_sum3A_2351 = vector.multi_reduction <add>, %reduce_sum3A_2349, %reduce_sum3A_2350 [1, 2] : vector<1x256x256xf32> to vector<1xf32>
    %reduce_sum3A_2352 = vector.shape_cast %reduce_sum3A_2351 : vector<1xf32> to vector<1x1x1xf32>
    %reduce_sum3A_2353 = vector.extract %reduce_sum3A_2352[0, 0, 0] : f32 from vector<1x1x1xf32>
    %add3A_2354 = arith.addf %add3A_2204, %reduce_sum3A_2353 : f32
    %slice3A_2355 = vector.extract_strided_slice %get3A_1 {offsets = [512, 0], sizes = [256, 1], strides = [1, 1]} : vector<2048x1xf32> to vector<256x1xf32>
    %slice3A_2356 = vector.extract_strided_slice %get3A_4 {offsets = [512, 0], sizes = [256, 1], strides = [1, 1]} : vector<2048x1xf32> to vector<256x1xf32>
    %slice3A_2357 = vector.extract_strided_slice %sub3A {offsets = [512, 0], sizes = [256, 1], strides = [1, 1]} : vector<2048x1xf32> to vector<256x1xf32>
    %slice3A_2358 = vector.extract_strided_slice %sub3A_35 {offsets = [512, 0], sizes = [256, 1], strides = [1, 1]} : vector<2048x1xf32> to vector<256x1xf32>
    %slice3A_2359 = vector.extract_strided_slice %mul3A_37 {offsets = [512, 0], sizes = [256, 1], strides = [1, 1]} : vector<2048x1xf32> to vector<256x1xf32>
    %slice3A_2360 = vector.extract_strided_slice %mul3A_41 {offsets = [512, 0], sizes = [256, 1], strides = [1, 1]} : vector<2048x1xf32> to vector<256x1xf32>
    %slice3A_2361 = vector.extract_strided_slice %max3A_46 {offsets = [512, 0], sizes = [256, 1], strides = [1, 1]} : vector<2048x1xf32> to vector<256x1xf32>
    %slice3A_2362 = vector.extract_strided_slice %div3A_48 {offsets = [512, 0], sizes = [256, 1], strides = [1, 1]} : vector<2048x1xf32> to vector<256x1xf32>
    %slice3A_2363 = vector.extract_strided_slice %add3A_57 {offsets = [512, 0], sizes = [256, 1], strides = [1, 1]} : vector<2048x1xf32> to vector<256x1xf32>
    %slice3A_2364 = vector.extract_strided_slice %get3A_25 {offsets = [512, 0], sizes = [256, 1], strides = [1, 1]} : vector<2048x1xi32> to vector<256x1xi32>
    %slice3A_2365 = vector.extract_strided_slice %get3A_28 {offsets = [512, 0], sizes = [256, 1], strides = [1, 1]} : vector<2048x1xi32> to vector<256x1xi32>
    %slice3A_2366 = vector.extract_strided_slice %get3A_13 {offsets = [0, 512], sizes = [1, 256], strides = [1, 1]} : vector<1x2048xf32> to vector<1x256xf32>
    %slice3A_2367 = vector.extract_strided_slice %get3A_16 {offsets = [0, 512], sizes = [1, 256], strides = [1, 1]} : vector<1x2048xf32> to vector<1x256xf32>
    %slice3A_2368 = vector.extract_strided_slice %sub3A_58 {offsets = [0, 512], sizes = [1, 256], strides = [1, 1]} : vector<1x2048xf32> to vector<1x256xf32>
    %slice3A_2369 = vector.extract_strided_slice %sub3A_59 {offsets = [0, 512], sizes = [1, 256], strides = [1, 1]} : vector<1x2048xf32> to vector<1x256xf32>
    %slice3A_2370 = vector.extract_strided_slice %mul3A_63 {offsets = [0, 512], sizes = [1, 256], strides = [1, 1]} : vector<1x2048xf32> to vector<1x256xf32>
    %slice3A_2371 = vector.extract_strided_slice %mul3A_67 {offsets = [0, 512], sizes = [1, 256], strides = [1, 1]} : vector<1x2048xf32> to vector<1x256xf32>
    %slice3A_2372 = vector.extract_strided_slice %max3A_73 {offsets = [0, 512], sizes = [1, 256], strides = [1, 1]} : vector<1x2048xf32> to vector<1x256xf32>
    %slice3A_2373 = vector.extract_strided_slice %div3A_76 {offsets = [0, 512], sizes = [1, 256], strides = [1, 1]} : vector<1x2048xf32> to vector<1x256xf32>
    %slice3A_2374 = vector.extract_strided_slice %add3A_86 {offsets = [0, 512], sizes = [1, 256], strides = [1, 1]} : vector<1x2048xf32> to vector<1x256xf32>
    %slice3A_2375 = vector.extract_strided_slice %get3A_31 {offsets = [0, 512], sizes = [1, 256], strides = [1, 1]} : vector<1x2048xi32> to vector<1x256xi32>
    %slice3A_2376 = vector.extract_strided_slice %get3A_34 {offsets = [0, 512], sizes = [1, 256], strides = [1, 1]} : vector<1x2048xi32> to vector<1x256xi32>
    %sub3A_2377 = vector.broadcast %slice3A_2355 : vector<256x1xf32> to vector<256x256xf32>
    %sub3A_2378 = vector.broadcast %slice3A_2366 : vector<1x256xf32> to vector<256x256xf32>
    %sub3A_2379 = arith.subf %sub3A_2377, %sub3A_2378 : vector<256x256xf32>
    %sub3A_2380 = vector.broadcast %slice3A_2356 : vector<256x1xf32> to vector<256x256xf32>
    %sub3A_2381 = vector.broadcast %slice3A_2367 : vector<1x256xf32> to vector<256x256xf32>
    %sub3A_2382 = arith.subf %sub3A_2380, %sub3A_2381 : vector<256x256xf32>
    %mul3A_2383 = vector.broadcast %slice3A_2357 : vector<256x1xf32> to vector<256x256xf32>
    %mul3A_2384 = vector.broadcast %slice3A_2368 : vector<1x256xf32> to vector<256x256xf32>
    %mul3A_2385 = arith.mulf %mul3A_2383, %mul3A_2384 : vector<256x256xf32>
    %mul3A_2386 = vector.broadcast %slice3A_2358 : vector<256x1xf32> to vector<256x256xf32>
    %mul3A_2387 = vector.broadcast %slice3A_2369 : vector<1x256xf32> to vector<256x256xf32>
    %mul3A_2388 = arith.mulf %mul3A_2386, %mul3A_2387 : vector<256x256xf32>
    %add3A_2389 = arith.addf %mul3A_2385, %mul3A_2388 : vector<256x256xf32>
    %mul3A_2390 = vector.broadcast %slice3A_2357 : vector<256x1xf32> to vector<256x256xf32>
    %mul3A_2391 = arith.mulf %mul3A_2390, %sub3A_2379 : vector<256x256xf32>
    %mul3A_2392 = vector.broadcast %slice3A_2358 : vector<256x1xf32> to vector<256x256xf32>
    %mul3A_2393 = arith.mulf %mul3A_2392, %sub3A_2382 : vector<256x256xf32>
    %add3A_2394 = arith.addf %mul3A_2391, %mul3A_2393 : vector<256x256xf32>
    %mul3A_2395 = vector.broadcast %slice3A_2368 : vector<1x256xf32> to vector<256x256xf32>
    %mul3A_2396 = arith.mulf %mul3A_2395, %sub3A_2379 : vector<256x256xf32>
    %mul3A_2397 = vector.broadcast %slice3A_2369 : vector<1x256xf32> to vector<256x256xf32>
    %mul3A_2398 = arith.mulf %mul3A_2397, %sub3A_2382 : vector<256x256xf32>
    %add3A_2399 = arith.addf %mul3A_2396, %mul3A_2398 : vector<256x256xf32>
    %mul3A_2400 = vector.broadcast %slice3A_2361 : vector<256x1xf32> to vector<256x256xf32>
    %mul3A_2401 = vector.broadcast %slice3A_2372 : vector<1x256xf32> to vector<256x256xf32>
    %mul3A_2402 = arith.mulf %mul3A_2400, %mul3A_2401 : vector<256x256xf32>
    %mul3A_2403 = arith.mulf %add3A_2389, %add3A_2389 : vector<256x256xf32>
    %sub3A_2404 = arith.subf %mul3A_2402, %mul3A_2403 : vector<256x256xf32>
    %max3A_2405 = arith.constant 9.99999996E-13 : f32
    %max3A_2406 = vector.broadcast %max3A_2405 : f32 to vector<256x256xf32>
    %max3A_2407 = arith.maximumf %sub3A_2404, %max3A_2406 : vector<256x256xf32>
    %div3A_2408 = arith.constant 1.000000e+00 : f32
    %div3A_2409 = vector.broadcast %div3A_2408 : f32 to vector<256x256xf32>
    %div3A_2410 = arith.divf %div3A_2409, %max3A_2407 : vector<256x256xf32>
    %mul3A_2411 = arith.mulf %add3A_2389, %add3A_2399 : vector<256x256xf32>
    %mul3A_2412 = vector.broadcast %slice3A_2372 : vector<1x256xf32> to vector<256x256xf32>
    %mul3A_2413 = arith.mulf %add3A_2394, %mul3A_2412 : vector<256x256xf32>
    %sub3A_2414 = arith.subf %mul3A_2411, %mul3A_2413 : vector<256x256xf32>
    %mul3A_2415 = arith.mulf %sub3A_2414, %div3A_2410 : vector<256x256xf32>
    %jit3A_2416 = arith.constant 0.000000e+00 : f32
    %jit3A_2417 = arith.constant 1.000000e+00 : f32
    %max3A_2418 = vector.broadcast %jit3A_2416 : f32 to vector<256x256xf32>
    %max3A_2419 = arith.maximumf %max3A_2418, %mul3A_2415 : vector<256x256xf32>
    %min3A_2420 = vector.broadcast %jit3A_2417 : f32 to vector<256x256xf32>
    %min3A_2421 = arith.minimumf %min3A_2420, %max3A_2419 : vector<256x256xf32>
    %mul3A_2422 = arith.mulf %add3A_2389, %min3A_2421 : vector<256x256xf32>
    %add3A_2423 = arith.addf %mul3A_2422, %add3A_2399 : vector<256x256xf32>
    %mul3A_2424 = vector.broadcast %slice3A_2373 : vector<1x256xf32> to vector<256x256xf32>
    %mul3A_2425 = arith.mulf %add3A_2423, %mul3A_2424 : vector<256x256xf32>
    %jit3A_2426 = arith.constant 0.000000e+00 : f32
    %jit3A_2427 = arith.constant 1.000000e+00 : f32
    %max3A_2428 = vector.broadcast %jit3A_2426 : f32 to vector<256x256xf32>
    %max3A_2429 = arith.maximumf %max3A_2428, %mul3A_2425 : vector<256x256xf32>
    %min3A_2430 = vector.broadcast %jit3A_2427 : f32 to vector<256x256xf32>
    %min3A_2431 = arith.minimumf %min3A_2430, %max3A_2429 : vector<256x256xf32>
    %mul3A_2432 = arith.mulf %add3A_2389, %min3A_2431 : vector<256x256xf32>
    %sub3A_2433 = arith.subf %mul3A_2432, %add3A_2394 : vector<256x256xf32>
    %mul3A_2434 = vector.broadcast %slice3A_2362 : vector<256x1xf32> to vector<256x256xf32>
    %mul3A_2435 = arith.mulf %sub3A_2433, %mul3A_2434 : vector<256x256xf32>
    %jit3A_2436 = arith.constant 0.000000e+00 : f32
    %jit3A_2437 = arith.constant 1.000000e+00 : f32
    %max3A_2438 = vector.broadcast %jit3A_2436 : f32 to vector<256x256xf32>
    %max3A_2439 = arith.maximumf %max3A_2438, %mul3A_2435 : vector<256x256xf32>
    %min3A_2440 = vector.broadcast %jit3A_2437 : f32 to vector<256x256xf32>
    %min3A_2441 = arith.minimumf %min3A_2440, %max3A_2439 : vector<256x256xf32>
    %mul3A_2442 = vector.broadcast %slice3A_2357 : vector<256x1xf32> to vector<256x256xf32>
    %mul3A_2443 = arith.mulf %min3A_2441, %mul3A_2442 : vector<256x256xf32>
    %add3A_2444 = arith.addf %sub3A_2379, %mul3A_2443 : vector<256x256xf32>
    %mul3A_2445 = vector.broadcast %slice3A_2368 : vector<1x256xf32> to vector<256x256xf32>
    %mul3A_2446 = arith.mulf %min3A_2431, %mul3A_2445 : vector<256x256xf32>
    %sub3A_2447 = arith.subf %add3A_2444, %mul3A_2446 : vector<256x256xf32>
    %mul3A_2448 = vector.broadcast %slice3A_2358 : vector<256x1xf32> to vector<256x256xf32>
    %mul3A_2449 = arith.mulf %min3A_2441, %mul3A_2448 : vector<256x256xf32>
    %add3A_2450 = arith.addf %sub3A_2382, %mul3A_2449 : vector<256x256xf32>
    %mul3A_2451 = vector.broadcast %slice3A_2369 : vector<1x256xf32> to vector<256x256xf32>
    %mul3A_2452 = arith.mulf %min3A_2431, %mul3A_2451 : vector<256x256xf32>
    %sub3A_2453 = arith.subf %add3A_2450, %mul3A_2452 : vector<256x256xf32>
    %mul3A_2454 = arith.mulf %sub3A_2447, %sub3A_2447 : vector<256x256xf32>
    %mul3A_2455 = arith.mulf %sub3A_2453, %sub3A_2453 : vector<256x256xf32>
    %add3A_2456 = arith.addf %mul3A_2454, %mul3A_2455 : vector<256x256xf32>
    %max3A_2457 = arith.constant 1.000000e-24 : f32
    %max3A_2458 = vector.broadcast %max3A_2457 : f32 to vector<256x256xf32>
    %max3A_2459 = arith.maximumf %add3A_2456, %max3A_2458 : vector<256x256xf32>
    %sqrt3A_2460 = math.sqrt %max3A_2459 : vector<256x256xf32>
    %sub3A_2461 = vector.broadcast %slice3A_2359 : vector<256x1xf32> to vector<256x256xf32>
    %sub3A_2462 = vector.broadcast %slice3A_2370 : vector<1x256xf32> to vector<256x256xf32>
    %sub3A_2463 = arith.subf %sub3A_2461, %sub3A_2462 : vector<256x256xf32>
    %sub3A_2464 = vector.broadcast %slice3A_2360 : vector<256x1xf32> to vector<256x256xf32>
    %sub3A_2465 = vector.broadcast %slice3A_2371 : vector<1x256xf32> to vector<256x256xf32>
    %sub3A_2466 = arith.subf %sub3A_2464, %sub3A_2465 : vector<256x256xf32>
    %add3A_2467 = vector.broadcast %slice3A_2363 : vector<256x1xf32> to vector<256x256xf32>
    %add3A_2468 = vector.broadcast %slice3A_2374 : vector<1x256xf32> to vector<256x256xf32>
    %add3A_2469 = arith.addf %add3A_2467, %add3A_2468 : vector<256x256xf32>
    %mul3A_2470 = arith.mulf %sub3A_2463, %sub3A_2463 : vector<256x256xf32>
    %mul3A_2471 = arith.mulf %sub3A_2466, %sub3A_2466 : vector<256x256xf32>
    %add3A_2472 = arith.addf %mul3A_2470, %mul3A_2471 : vector<256x256xf32>
    %mul3A_2473 = arith.mulf %add3A_2469, %add3A_2469 : vector<256x256xf32>
    %lt3A_2474 = arith.cmpf olt, %add3A_2472, %mul3A_2473 : vector<256x256xf32>
    %eq3A_2475 = vector.broadcast %slice3A_2364 : vector<256x1xi32> to vector<256x256xi32>
    %eq3A_2476 = vector.broadcast %slice3A_2375 : vector<1x256xi32> to vector<256x256xi32>
    %eq3A_2477 = arith.cmpi eq, %eq3A_2475, %eq3A_2476 : vector<256x256xi32>
    %eq3A_2478 = vector.broadcast %slice3A_2364 : vector<256x1xi32> to vector<256x256xi32>
    %eq3A_2479 = vector.broadcast %slice3A_2376 : vector<1x256xi32> to vector<256x256xi32>
    %eq3A_2480 = arith.cmpi eq, %eq3A_2478, %eq3A_2479 : vector<256x256xi32>
    %or3A_2481 = arith.ori %eq3A_2477, %eq3A_2480 : vector<256x256xi1>
    %eq3A_2482 = vector.broadcast %slice3A_2365 : vector<256x1xi32> to vector<256x256xi32>
    %eq3A_2483 = vector.broadcast %slice3A_2375 : vector<1x256xi32> to vector<256x256xi32>
    %eq3A_2484 = arith.cmpi eq, %eq3A_2482, %eq3A_2483 : vector<256x256xi32>
    %or3A_2485 = arith.ori %or3A_2481, %eq3A_2484 : vector<256x256xi1>
    %eq3A_2486 = vector.broadcast %slice3A_2365 : vector<256x1xi32> to vector<256x256xi32>
    %eq3A_2487 = vector.broadcast %slice3A_2376 : vector<1x256xi32> to vector<256x256xi32>
    %eq3A_2488 = arith.cmpi eq, %eq3A_2486, %eq3A_2487 : vector<256x256xi32>
    %or3A_2489 = arith.ori %or3A_2485, %eq3A_2488 : vector<256x256xi1>
    %not3A_2490 = arith.constant dense<true> : vector<256x256xi1>
    %not3A_2491 = arith.xori %or3A_2489, %not3A_2490 : vector<256x256xi1>
    %and3A_2492 = arith.andi %lt3A_2474, %not3A_2491 : vector<256x256xi1>
    %iota3A_2493 = tpu.iota {dimensions = array<i32: 0>} : vector<256x256xi32>
    %iota3A_2494 = tpu.iota {dimensions = array<i32: 1>} : vector<256x256xi32>
    %gt3A_2495 = arith.cmpi sgt, %iota3A_2494, %iota3A_2493 : vector<256x256xi32>
    %and3A_2496 = arith.andi %and3A_2492, %gt3A_2495 : vector<256x256xi1>
    %sub3A_2497 = arith.constant 1.000000e-03 : f32
    %sub3A_2498 = vector.broadcast %sub3A_2497 : f32 to vector<256x256xf32>
    %sub3A_2499 = arith.subf %sub3A_2498, %sqrt3A_2460 : vector<256x256xf32>
    %max3A_2500 = arith.constant 0.000000e+00 : f32
    %max3A_2501 = vector.broadcast %max3A_2500 : f32 to vector<256x256xf32>
    %max3A_2502 = arith.maximumf %sub3A_2499, %max3A_2501 : vector<256x256xf32>
    %jit3A_2503 = arith.constant 0.000000e+00 : f32
    %broadcast_in_dim3A_2504 = vector.broadcast %jit3A_2503 : f32 to vector<256x256xf32>
    %select_n3A_2505 = arith.select %and3A_2496, %max3A_2502, %broadcast_in_dim3A_2504 : vector<256x256xi1>, vector<256x256xf32>
    %reduce_sum3A_2506 = vector.shape_cast %select_n3A_2505 : vector<256x256xf32> to vector<1x256x256xf32>
    %reduce_sum3A_2507 = arith.constant dense<0.000000e+00> : vector<1xf32>
    %reduce_sum3A_2508 = vector.multi_reduction <add>, %reduce_sum3A_2506, %reduce_sum3A_2507 [1, 2] : vector<1x256x256xf32> to vector<1xf32>
    %reduce_sum3A_2509 = vector.shape_cast %reduce_sum3A_2508 : vector<1xf32> to vector<1x1x1xf32>
    %reduce_sum3A_2510 = vector.extract %reduce_sum3A_2509[0, 0, 0] : f32 from vector<1x1x1xf32>
    %add3A_2511 = arith.addf %add3A_2346, %reduce_sum3A_2510 : f32
    %convert_element_type3A_2512 = arith.extui %and3A_2496 : vector<256x256xi1> to vector<256x256xi32>
    %convert_element_type3A_2513 = arith.sitofp %convert_element_type3A_2512 : vector<256x256xi32> to vector<256x256xf32>
    %reduce_sum3A_2514 = vector.shape_cast %convert_element_type3A_2513 : vector<256x256xf32> to vector<1x256x256xf32>
    %reduce_sum3A_2515 = arith.constant dense<0.000000e+00> : vector<1xf32>
    %reduce_sum3A_2516 = vector.multi_reduction <add>, %reduce_sum3A_2514, %reduce_sum3A_2515 [1, 2] : vector<1x256x256xf32> to vector<1xf32>
    %reduce_sum3A_2517 = vector.shape_cast %reduce_sum3A_2516 : vector<1xf32> to vector<1x1x1xf32>
    %reduce_sum3A_2518 = vector.extract %reduce_sum3A_2517[0, 0, 0] : f32 from vector<1x1x1xf32>
    %add3A_2519 = arith.addf %add3A_2354, %reduce_sum3A_2518 : f32
    %slice3A_2520 = vector.extract_strided_slice %get3A_13 {offsets = [0, 768], sizes = [1, 256], strides = [1, 1]} : vector<1x2048xf32> to vector<1x256xf32>
    %slice3A_2521 = vector.extract_strided_slice %get3A_16 {offsets = [0, 768], sizes = [1, 256], strides = [1, 1]} : vector<1x2048xf32> to vector<1x256xf32>
    %slice3A_2522 = vector.extract_strided_slice %sub3A_58 {offsets = [0, 768], sizes = [1, 256], strides = [1, 1]} : vector<1x2048xf32> to vector<1x256xf32>
    %slice3A_2523 = vector.extract_strided_slice %sub3A_59 {offsets = [0, 768], sizes = [1, 256], strides = [1, 1]} : vector<1x2048xf32> to vector<1x256xf32>
    %slice3A_2524 = vector.extract_strided_slice %mul3A_63 {offsets = [0, 768], sizes = [1, 256], strides = [1, 1]} : vector<1x2048xf32> to vector<1x256xf32>
    %slice3A_2525 = vector.extract_strided_slice %mul3A_67 {offsets = [0, 768], sizes = [1, 256], strides = [1, 1]} : vector<1x2048xf32> to vector<1x256xf32>
    %slice3A_2526 = vector.extract_strided_slice %max3A_73 {offsets = [0, 768], sizes = [1, 256], strides = [1, 1]} : vector<1x2048xf32> to vector<1x256xf32>
    %slice3A_2527 = vector.extract_strided_slice %div3A_76 {offsets = [0, 768], sizes = [1, 256], strides = [1, 1]} : vector<1x2048xf32> to vector<1x256xf32>
    %slice3A_2528 = vector.extract_strided_slice %add3A_86 {offsets = [0, 768], sizes = [1, 256], strides = [1, 1]} : vector<1x2048xf32> to vector<1x256xf32>
    %slice3A_2529 = vector.extract_strided_slice %get3A_31 {offsets = [0, 768], sizes = [1, 256], strides = [1, 1]} : vector<1x2048xi32> to vector<1x256xi32>
    %slice3A_2530 = vector.extract_strided_slice %get3A_34 {offsets = [0, 768], sizes = [1, 256], strides = [1, 1]} : vector<1x2048xi32> to vector<1x256xi32>
    %sub3A_2531 = vector.broadcast %slice3A_2355 : vector<256x1xf32> to vector<256x256xf32>
    %sub3A_2532 = vector.broadcast %slice3A_2520 : vector<1x256xf32> to vector<256x256xf32>
    %sub3A_2533 = arith.subf %sub3A_2531, %sub3A_2532 : vector<256x256xf32>
    %sub3A_2534 = vector.broadcast %slice3A_2356 : vector<256x1xf32> to vector<256x256xf32>
    %sub3A_2535 = vector.broadcast %slice3A_2521 : vector<1x256xf32> to vector<256x256xf32>
    %sub3A_2536 = arith.subf %sub3A_2534, %sub3A_2535 : vector<256x256xf32>
    %mul3A_2537 = vector.broadcast %slice3A_2357 : vector<256x1xf32> to vector<256x256xf32>
    %mul3A_2538 = vector.broadcast %slice3A_2522 : vector<1x256xf32> to vector<256x256xf32>
    %mul3A_2539 = arith.mulf %mul3A_2537, %mul3A_2538 : vector<256x256xf32>
    %mul3A_2540 = vector.broadcast %slice3A_2358 : vector<256x1xf32> to vector<256x256xf32>
    %mul3A_2541 = vector.broadcast %slice3A_2523 : vector<1x256xf32> to vector<256x256xf32>
    %mul3A_2542 = arith.mulf %mul3A_2540, %mul3A_2541 : vector<256x256xf32>
    %add3A_2543 = arith.addf %mul3A_2539, %mul3A_2542 : vector<256x256xf32>
    %mul3A_2544 = vector.broadcast %slice3A_2357 : vector<256x1xf32> to vector<256x256xf32>
    %mul3A_2545 = arith.mulf %mul3A_2544, %sub3A_2533 : vector<256x256xf32>
    %mul3A_2546 = vector.broadcast %slice3A_2358 : vector<256x1xf32> to vector<256x256xf32>
    %mul3A_2547 = arith.mulf %mul3A_2546, %sub3A_2536 : vector<256x256xf32>
    %add3A_2548 = arith.addf %mul3A_2545, %mul3A_2547 : vector<256x256xf32>
    %mul3A_2549 = vector.broadcast %slice3A_2522 : vector<1x256xf32> to vector<256x256xf32>
    %mul3A_2550 = arith.mulf %mul3A_2549, %sub3A_2533 : vector<256x256xf32>
    %mul3A_2551 = vector.broadcast %slice3A_2523 : vector<1x256xf32> to vector<256x256xf32>
    %mul3A_2552 = arith.mulf %mul3A_2551, %sub3A_2536 : vector<256x256xf32>
    %add3A_2553 = arith.addf %mul3A_2550, %mul3A_2552 : vector<256x256xf32>
    %mul3A_2554 = vector.broadcast %slice3A_2361 : vector<256x1xf32> to vector<256x256xf32>
    %mul3A_2555 = vector.broadcast %slice3A_2526 : vector<1x256xf32> to vector<256x256xf32>
    %mul3A_2556 = arith.mulf %mul3A_2554, %mul3A_2555 : vector<256x256xf32>
    %mul3A_2557 = arith.mulf %add3A_2543, %add3A_2543 : vector<256x256xf32>
    %sub3A_2558 = arith.subf %mul3A_2556, %mul3A_2557 : vector<256x256xf32>
    %max3A_2559 = arith.constant 9.99999996E-13 : f32
    %max3A_2560 = vector.broadcast %max3A_2559 : f32 to vector<256x256xf32>
    %max3A_2561 = arith.maximumf %sub3A_2558, %max3A_2560 : vector<256x256xf32>
    %div3A_2562 = arith.constant 1.000000e+00 : f32
    %div3A_2563 = vector.broadcast %div3A_2562 : f32 to vector<256x256xf32>
    %div3A_2564 = arith.divf %div3A_2563, %max3A_2561 : vector<256x256xf32>
    %mul3A_2565 = arith.mulf %add3A_2543, %add3A_2553 : vector<256x256xf32>
    %mul3A_2566 = vector.broadcast %slice3A_2526 : vector<1x256xf32> to vector<256x256xf32>
    %mul3A_2567 = arith.mulf %add3A_2548, %mul3A_2566 : vector<256x256xf32>
    %sub3A_2568 = arith.subf %mul3A_2565, %mul3A_2567 : vector<256x256xf32>
    %mul3A_2569 = arith.mulf %sub3A_2568, %div3A_2564 : vector<256x256xf32>
    %jit3A_2570 = arith.constant 0.000000e+00 : f32
    %jit3A_2571 = arith.constant 1.000000e+00 : f32
    %max3A_2572 = vector.broadcast %jit3A_2570 : f32 to vector<256x256xf32>
    %max3A_2573 = arith.maximumf %max3A_2572, %mul3A_2569 : vector<256x256xf32>
    %min3A_2574 = vector.broadcast %jit3A_2571 : f32 to vector<256x256xf32>
    %min3A_2575 = arith.minimumf %min3A_2574, %max3A_2573 : vector<256x256xf32>
    %mul3A_2576 = arith.mulf %add3A_2543, %min3A_2575 : vector<256x256xf32>
    %add3A_2577 = arith.addf %mul3A_2576, %add3A_2553 : vector<256x256xf32>
    %mul3A_2578 = vector.broadcast %slice3A_2527 : vector<1x256xf32> to vector<256x256xf32>
    %mul3A_2579 = arith.mulf %add3A_2577, %mul3A_2578 : vector<256x256xf32>
    %jit3A_2580 = arith.constant 0.000000e+00 : f32
    %jit3A_2581 = arith.constant 1.000000e+00 : f32
    %max3A_2582 = vector.broadcast %jit3A_2580 : f32 to vector<256x256xf32>
    %max3A_2583 = arith.maximumf %max3A_2582, %mul3A_2579 : vector<256x256xf32>
    %min3A_2584 = vector.broadcast %jit3A_2581 : f32 to vector<256x256xf32>
    %min3A_2585 = arith.minimumf %min3A_2584, %max3A_2583 : vector<256x256xf32>
    %mul3A_2586 = arith.mulf %add3A_2543, %min3A_2585 : vector<256x256xf32>
    %sub3A_2587 = arith.subf %mul3A_2586, %add3A_2548 : vector<256x256xf32>
    %mul3A_2588 = vector.broadcast %slice3A_2362 : vector<256x1xf32> to vector<256x256xf32>
    %mul3A_2589 = arith.mulf %sub3A_2587, %mul3A_2588 : vector<256x256xf32>
    %jit3A_2590 = arith.constant 0.000000e+00 : f32
    %jit3A_2591 = arith.constant 1.000000e+00 : f32
    %max3A_2592 = vector.broadcast %jit3A_2590 : f32 to vector<256x256xf32>
    %max3A_2593 = arith.maximumf %max3A_2592, %mul3A_2589 : vector<256x256xf32>
    %min3A_2594 = vector.broadcast %jit3A_2591 : f32 to vector<256x256xf32>
    %min3A_2595 = arith.minimumf %min3A_2594, %max3A_2593 : vector<256x256xf32>
    %mul3A_2596 = vector.broadcast %slice3A_2357 : vector<256x1xf32> to vector<256x256xf32>
    %mul3A_2597 = arith.mulf %min3A_2595, %mul3A_2596 : vector<256x256xf32>
    %add3A_2598 = arith.addf %sub3A_2533, %mul3A_2597 : vector<256x256xf32>
    %mul3A_2599 = vector.broadcast %slice3A_2522 : vector<1x256xf32> to vector<256x256xf32>
    %mul3A_2600 = arith.mulf %min3A_2585, %mul3A_2599 : vector<256x256xf32>
    %sub3A_2601 = arith.subf %add3A_2598, %mul3A_2600 : vector<256x256xf32>
    %mul3A_2602 = vector.broadcast %slice3A_2358 : vector<256x1xf32> to vector<256x256xf32>
    %mul3A_2603 = arith.mulf %min3A_2595, %mul3A_2602 : vector<256x256xf32>
    %add3A_2604 = arith.addf %sub3A_2536, %mul3A_2603 : vector<256x256xf32>
    %mul3A_2605 = vector.broadcast %slice3A_2523 : vector<1x256xf32> to vector<256x256xf32>
    %mul3A_2606 = arith.mulf %min3A_2585, %mul3A_2605 : vector<256x256xf32>
    %sub3A_2607 = arith.subf %add3A_2604, %mul3A_2606 : vector<256x256xf32>
    %mul3A_2608 = arith.mulf %sub3A_2601, %sub3A_2601 : vector<256x256xf32>
    %mul3A_2609 = arith.mulf %sub3A_2607, %sub3A_2607 : vector<256x256xf32>
    %add3A_2610 = arith.addf %mul3A_2608, %mul3A_2609 : vector<256x256xf32>
    %max3A_2611 = arith.constant 1.000000e-24 : f32
    %max3A_2612 = vector.broadcast %max3A_2611 : f32 to vector<256x256xf32>
    %max3A_2613 = arith.maximumf %add3A_2610, %max3A_2612 : vector<256x256xf32>
    %sqrt3A_2614 = math.sqrt %max3A_2613 : vector<256x256xf32>
    %sub3A_2615 = vector.broadcast %slice3A_2359 : vector<256x1xf32> to vector<256x256xf32>
    %sub3A_2616 = vector.broadcast %slice3A_2524 : vector<1x256xf32> to vector<256x256xf32>
    %sub3A_2617 = arith.subf %sub3A_2615, %sub3A_2616 : vector<256x256xf32>
    %sub3A_2618 = vector.broadcast %slice3A_2360 : vector<256x1xf32> to vector<256x256xf32>
    %sub3A_2619 = vector.broadcast %slice3A_2525 : vector<1x256xf32> to vector<256x256xf32>
    %sub3A_2620 = arith.subf %sub3A_2618, %sub3A_2619 : vector<256x256xf32>
    %add3A_2621 = vector.broadcast %slice3A_2363 : vector<256x1xf32> to vector<256x256xf32>
    %add3A_2622 = vector.broadcast %slice3A_2528 : vector<1x256xf32> to vector<256x256xf32>
    %add3A_2623 = arith.addf %add3A_2621, %add3A_2622 : vector<256x256xf32>
    %mul3A_2624 = arith.mulf %sub3A_2617, %sub3A_2617 : vector<256x256xf32>
    %mul3A_2625 = arith.mulf %sub3A_2620, %sub3A_2620 : vector<256x256xf32>
    %add3A_2626 = arith.addf %mul3A_2624, %mul3A_2625 : vector<256x256xf32>
    %mul3A_2627 = arith.mulf %add3A_2623, %add3A_2623 : vector<256x256xf32>
    %lt3A_2628 = arith.cmpf olt, %add3A_2626, %mul3A_2627 : vector<256x256xf32>
    %eq3A_2629 = vector.broadcast %slice3A_2364 : vector<256x1xi32> to vector<256x256xi32>
    %eq3A_2630 = vector.broadcast %slice3A_2529 : vector<1x256xi32> to vector<256x256xi32>
    %eq3A_2631 = arith.cmpi eq, %eq3A_2629, %eq3A_2630 : vector<256x256xi32>
    %eq3A_2632 = vector.broadcast %slice3A_2364 : vector<256x1xi32> to vector<256x256xi32>
    %eq3A_2633 = vector.broadcast %slice3A_2530 : vector<1x256xi32> to vector<256x256xi32>
    %eq3A_2634 = arith.cmpi eq, %eq3A_2632, %eq3A_2633 : vector<256x256xi32>
    %or3A_2635 = arith.ori %eq3A_2631, %eq3A_2634 : vector<256x256xi1>
    %eq3A_2636 = vector.broadcast %slice3A_2365 : vector<256x1xi32> to vector<256x256xi32>
    %eq3A_2637 = vector.broadcast %slice3A_2529 : vector<1x256xi32> to vector<256x256xi32>
    %eq3A_2638 = arith.cmpi eq, %eq3A_2636, %eq3A_2637 : vector<256x256xi32>
    %or3A_2639 = arith.ori %or3A_2635, %eq3A_2638 : vector<256x256xi1>
    %eq3A_2640 = vector.broadcast %slice3A_2365 : vector<256x1xi32> to vector<256x256xi32>
    %eq3A_2641 = vector.broadcast %slice3A_2530 : vector<1x256xi32> to vector<256x256xi32>
    %eq3A_2642 = arith.cmpi eq, %eq3A_2640, %eq3A_2641 : vector<256x256xi32>
    %or3A_2643 = arith.ori %or3A_2639, %eq3A_2642 : vector<256x256xi1>
    %not3A_2644 = arith.constant dense<true> : vector<256x256xi1>
    %not3A_2645 = arith.xori %or3A_2643, %not3A_2644 : vector<256x256xi1>
    %and3A_2646 = arith.andi %lt3A_2628, %not3A_2645 : vector<256x256xi1>
    %sub3A_2647 = arith.constant 1.000000e-03 : f32
    %sub3A_2648 = vector.broadcast %sub3A_2647 : f32 to vector<256x256xf32>
    %sub3A_2649 = arith.subf %sub3A_2648, %sqrt3A_2614 : vector<256x256xf32>
    %max3A_2650 = arith.constant 0.000000e+00 : f32
    %max3A_2651 = vector.broadcast %max3A_2650 : f32 to vector<256x256xf32>
    %max3A_2652 = arith.maximumf %sub3A_2649, %max3A_2651 : vector<256x256xf32>
    %jit3A_2653 = arith.constant 0.000000e+00 : f32
    %broadcast_in_dim3A_2654 = vector.broadcast %jit3A_2653 : f32 to vector<256x256xf32>
    %select_n3A_2655 = arith.select %and3A_2646, %max3A_2652, %broadcast_in_dim3A_2654 : vector<256x256xi1>, vector<256x256xf32>
    %reduce_sum3A_2656 = vector.shape_cast %select_n3A_2655 : vector<256x256xf32> to vector<1x256x256xf32>
    %reduce_sum3A_2657 = arith.constant dense<0.000000e+00> : vector<1xf32>
    %reduce_sum3A_2658 = vector.multi_reduction <add>, %reduce_sum3A_2656, %reduce_sum3A_2657 [1, 2] : vector<1x256x256xf32> to vector<1xf32>
    %reduce_sum3A_2659 = vector.shape_cast %reduce_sum3A_2658 : vector<1xf32> to vector<1x1x1xf32>
    %reduce_sum3A_2660 = vector.extract %reduce_sum3A_2659[0, 0, 0] : f32 from vector<1x1x1xf32>
    %add3A_2661 = arith.addf %add3A_2511, %reduce_sum3A_2660 : f32
    %convert_element_type3A_2662 = arith.extui %and3A_2646 : vector<256x256xi1> to vector<256x256xi32>
    %convert_element_type3A_2663 = arith.sitofp %convert_element_type3A_2662 : vector<256x256xi32> to vector<256x256xf32>
    %reduce_sum3A_2664 = vector.shape_cast %convert_element_type3A_2663 : vector<256x256xf32> to vector<1x256x256xf32>
    %reduce_sum3A_2665 = arith.constant dense<0.000000e+00> : vector<1xf32>
    %reduce_sum3A_2666 = vector.multi_reduction <add>, %reduce_sum3A_2664, %reduce_sum3A_2665 [1, 2] : vector<1x256x256xf32> to vector<1xf32>
    %reduce_sum3A_2667 = vector.shape_cast %reduce_sum3A_2666 : vector<1xf32> to vector<1x1x1xf32>
    %reduce_sum3A_2668 = vector.extract %reduce_sum3A_2667[0, 0, 0] : f32 from vector<1x1x1xf32>
    %add3A_2669 = arith.addf %add3A_2519, %reduce_sum3A_2668 : f32
    %slice3A_2670 = vector.extract_strided_slice %get3A_13 {offsets = [0, 1024], sizes = [1, 256], strides = [1, 1]} : vector<1x2048xf32> to vector<1x256xf32>
    %slice3A_2671 = vector.extract_strided_slice %get3A_16 {offsets = [0, 1024], sizes = [1, 256], strides = [1, 1]} : vector<1x2048xf32> to vector<1x256xf32>
    %slice3A_2672 = vector.extract_strided_slice %sub3A_58 {offsets = [0, 1024], sizes = [1, 256], strides = [1, 1]} : vector<1x2048xf32> to vector<1x256xf32>
    %slice3A_2673 = vector.extract_strided_slice %sub3A_59 {offsets = [0, 1024], sizes = [1, 256], strides = [1, 1]} : vector<1x2048xf32> to vector<1x256xf32>
    %slice3A_2674 = vector.extract_strided_slice %mul3A_63 {offsets = [0, 1024], sizes = [1, 256], strides = [1, 1]} : vector<1x2048xf32> to vector<1x256xf32>
    %slice3A_2675 = vector.extract_strided_slice %mul3A_67 {offsets = [0, 1024], sizes = [1, 256], strides = [1, 1]} : vector<1x2048xf32> to vector<1x256xf32>
    %slice3A_2676 = vector.extract_strided_slice %max3A_73 {offsets = [0, 1024], sizes = [1, 256], strides = [1, 1]} : vector<1x2048xf32> to vector<1x256xf32>
    %slice3A_2677 = vector.extract_strided_slice %div3A_76 {offsets = [0, 1024], sizes = [1, 256], strides = [1, 1]} : vector<1x2048xf32> to vector<1x256xf32>
    %slice3A_2678 = vector.extract_strided_slice %add3A_86 {offsets = [0, 1024], sizes = [1, 256], strides = [1, 1]} : vector<1x2048xf32> to vector<1x256xf32>
    %slice3A_2679 = vector.extract_strided_slice %get3A_31 {offsets = [0, 1024], sizes = [1, 256], strides = [1, 1]} : vector<1x2048xi32> to vector<1x256xi32>
    %slice3A_2680 = vector.extract_strided_slice %get3A_34 {offsets = [0, 1024], sizes = [1, 256], strides = [1, 1]} : vector<1x2048xi32> to vector<1x256xi32>
    %sub3A_2681 = vector.broadcast %slice3A_2355 : vector<256x1xf32> to vector<256x256xf32>
    %sub3A_2682 = vector.broadcast %slice3A_2670 : vector<1x256xf32> to vector<256x256xf32>
    %sub3A_2683 = arith.subf %sub3A_2681, %sub3A_2682 : vector<256x256xf32>
    %sub3A_2684 = vector.broadcast %slice3A_2356 : vector<256x1xf32> to vector<256x256xf32>
    %sub3A_2685 = vector.broadcast %slice3A_2671 : vector<1x256xf32> to vector<256x256xf32>
    %sub3A_2686 = arith.subf %sub3A_2684, %sub3A_2685 : vector<256x256xf32>
    %mul3A_2687 = vector.broadcast %slice3A_2357 : vector<256x1xf32> to vector<256x256xf32>
    %mul3A_2688 = vector.broadcast %slice3A_2672 : vector<1x256xf32> to vector<256x256xf32>
    %mul3A_2689 = arith.mulf %mul3A_2687, %mul3A_2688 : vector<256x256xf32>
    %mul3A_2690 = vector.broadcast %slice3A_2358 : vector<256x1xf32> to vector<256x256xf32>
    %mul3A_2691 = vector.broadcast %slice3A_2673 : vector<1x256xf32> to vector<256x256xf32>
    %mul3A_2692 = arith.mulf %mul3A_2690, %mul3A_2691 : vector<256x256xf32>
    %add3A_2693 = arith.addf %mul3A_2689, %mul3A_2692 : vector<256x256xf32>
    %mul3A_2694 = vector.broadcast %slice3A_2357 : vector<256x1xf32> to vector<256x256xf32>
    %mul3A_2695 = arith.mulf %mul3A_2694, %sub3A_2683 : vector<256x256xf32>
    %mul3A_2696 = vector.broadcast %slice3A_2358 : vector<256x1xf32> to vector<256x256xf32>
    %mul3A_2697 = arith.mulf %mul3A_2696, %sub3A_2686 : vector<256x256xf32>
    %add3A_2698 = arith.addf %mul3A_2695, %mul3A_2697 : vector<256x256xf32>
    %mul3A_2699 = vector.broadcast %slice3A_2672 : vector<1x256xf32> to vector<256x256xf32>
    %mul3A_2700 = arith.mulf %mul3A_2699, %sub3A_2683 : vector<256x256xf32>
    %mul3A_2701 = vector.broadcast %slice3A_2673 : vector<1x256xf32> to vector<256x256xf32>
    %mul3A_2702 = arith.mulf %mul3A_2701, %sub3A_2686 : vector<256x256xf32>
    %add3A_2703 = arith.addf %mul3A_2700, %mul3A_2702 : vector<256x256xf32>
    %mul3A_2704 = vector.broadcast %slice3A_2361 : vector<256x1xf32> to vector<256x256xf32>
    %mul3A_2705 = vector.broadcast %slice3A_2676 : vector<1x256xf32> to vector<256x256xf32>
    %mul3A_2706 = arith.mulf %mul3A_2704, %mul3A_2705 : vector<256x256xf32>
    %mul3A_2707 = arith.mulf %add3A_2693, %add3A_2693 : vector<256x256xf32>
    %sub3A_2708 = arith.subf %mul3A_2706, %mul3A_2707 : vector<256x256xf32>
    %max3A_2709 = arith.constant 9.99999996E-13 : f32
    %max3A_2710 = vector.broadcast %max3A_2709 : f32 to vector<256x256xf32>
    %max3A_2711 = arith.maximumf %sub3A_2708, %max3A_2710 : vector<256x256xf32>
    %div3A_2712 = arith.constant 1.000000e+00 : f32
    %div3A_2713 = vector.broadcast %div3A_2712 : f32 to vector<256x256xf32>
    %div3A_2714 = arith.divf %div3A_2713, %max3A_2711 : vector<256x256xf32>
    %mul3A_2715 = arith.mulf %add3A_2693, %add3A_2703 : vector<256x256xf32>
    %mul3A_2716 = vector.broadcast %slice3A_2676 : vector<1x256xf32> to vector<256x256xf32>
    %mul3A_2717 = arith.mulf %add3A_2698, %mul3A_2716 : vector<256x256xf32>
    %sub3A_2718 = arith.subf %mul3A_2715, %mul3A_2717 : vector<256x256xf32>
    %mul3A_2719 = arith.mulf %sub3A_2718, %div3A_2714 : vector<256x256xf32>
    %jit3A_2720 = arith.constant 0.000000e+00 : f32
    %jit3A_2721 = arith.constant 1.000000e+00 : f32
    %max3A_2722 = vector.broadcast %jit3A_2720 : f32 to vector<256x256xf32>
    %max3A_2723 = arith.maximumf %max3A_2722, %mul3A_2719 : vector<256x256xf32>
    %min3A_2724 = vector.broadcast %jit3A_2721 : f32 to vector<256x256xf32>
    %min3A_2725 = arith.minimumf %min3A_2724, %max3A_2723 : vector<256x256xf32>
    %mul3A_2726 = arith.mulf %add3A_2693, %min3A_2725 : vector<256x256xf32>
    %add3A_2727 = arith.addf %mul3A_2726, %add3A_2703 : vector<256x256xf32>
    %mul3A_2728 = vector.broadcast %slice3A_2677 : vector<1x256xf32> to vector<256x256xf32>
    %mul3A_2729 = arith.mulf %add3A_2727, %mul3A_2728 : vector<256x256xf32>
    %jit3A_2730 = arith.constant 0.000000e+00 : f32
    %jit3A_2731 = arith.constant 1.000000e+00 : f32
    %max3A_2732 = vector.broadcast %jit3A_2730 : f32 to vector<256x256xf32>
    %max3A_2733 = arith.maximumf %max3A_2732, %mul3A_2729 : vector<256x256xf32>
    %min3A_2734 = vector.broadcast %jit3A_2731 : f32 to vector<256x256xf32>
    %min3A_2735 = arith.minimumf %min3A_2734, %max3A_2733 : vector<256x256xf32>
    %mul3A_2736 = arith.mulf %add3A_2693, %min3A_2735 : vector<256x256xf32>
    %sub3A_2737 = arith.subf %mul3A_2736, %add3A_2698 : vector<256x256xf32>
    %mul3A_2738 = vector.broadcast %slice3A_2362 : vector<256x1xf32> to vector<256x256xf32>
    %mul3A_2739 = arith.mulf %sub3A_2737, %mul3A_2738 : vector<256x256xf32>
    %jit3A_2740 = arith.constant 0.000000e+00 : f32
    %jit3A_2741 = arith.constant 1.000000e+00 : f32
    %max3A_2742 = vector.broadcast %jit3A_2740 : f32 to vector<256x256xf32>
    %max3A_2743 = arith.maximumf %max3A_2742, %mul3A_2739 : vector<256x256xf32>
    %min3A_2744 = vector.broadcast %jit3A_2741 : f32 to vector<256x256xf32>
    %min3A_2745 = arith.minimumf %min3A_2744, %max3A_2743 : vector<256x256xf32>
    %mul3A_2746 = vector.broadcast %slice3A_2357 : vector<256x1xf32> to vector<256x256xf32>
    %mul3A_2747 = arith.mulf %min3A_2745, %mul3A_2746 : vector<256x256xf32>
    %add3A_2748 = arith.addf %sub3A_2683, %mul3A_2747 : vector<256x256xf32>
    %mul3A_2749 = vector.broadcast %slice3A_2672 : vector<1x256xf32> to vector<256x256xf32>
    %mul3A_2750 = arith.mulf %min3A_2735, %mul3A_2749 : vector<256x256xf32>
    %sub3A_2751 = arith.subf %add3A_2748, %mul3A_2750 : vector<256x256xf32>
    %mul3A_2752 = vector.broadcast %slice3A_2358 : vector<256x1xf32> to vector<256x256xf32>
    %mul3A_2753 = arith.mulf %min3A_2745, %mul3A_2752 : vector<256x256xf32>
    %add3A_2754 = arith.addf %sub3A_2686, %mul3A_2753 : vector<256x256xf32>
    %mul3A_2755 = vector.broadcast %slice3A_2673 : vector<1x256xf32> to vector<256x256xf32>
    %mul3A_2756 = arith.mulf %min3A_2735, %mul3A_2755 : vector<256x256xf32>
    %sub3A_2757 = arith.subf %add3A_2754, %mul3A_2756 : vector<256x256xf32>
    %mul3A_2758 = arith.mulf %sub3A_2751, %sub3A_2751 : vector<256x256xf32>
    %mul3A_2759 = arith.mulf %sub3A_2757, %sub3A_2757 : vector<256x256xf32>
    %add3A_2760 = arith.addf %mul3A_2758, %mul3A_2759 : vector<256x256xf32>
    %max3A_2761 = arith.constant 1.000000e-24 : f32
    %max3A_2762 = vector.broadcast %max3A_2761 : f32 to vector<256x256xf32>
    %max3A_2763 = arith.maximumf %add3A_2760, %max3A_2762 : vector<256x256xf32>
    %sqrt3A_2764 = math.sqrt %max3A_2763 : vector<256x256xf32>
    %sub3A_2765 = vector.broadcast %slice3A_2359 : vector<256x1xf32> to vector<256x256xf32>
    %sub3A_2766 = vector.broadcast %slice3A_2674 : vector<1x256xf32> to vector<256x256xf32>
    %sub3A_2767 = arith.subf %sub3A_2765, %sub3A_2766 : vector<256x256xf32>
    %sub3A_2768 = vector.broadcast %slice3A_2360 : vector<256x1xf32> to vector<256x256xf32>
    %sub3A_2769 = vector.broadcast %slice3A_2675 : vector<1x256xf32> to vector<256x256xf32>
    %sub3A_2770 = arith.subf %sub3A_2768, %sub3A_2769 : vector<256x256xf32>
    %add3A_2771 = vector.broadcast %slice3A_2363 : vector<256x1xf32> to vector<256x256xf32>
    %add3A_2772 = vector.broadcast %slice3A_2678 : vector<1x256xf32> to vector<256x256xf32>
    %add3A_2773 = arith.addf %add3A_2771, %add3A_2772 : vector<256x256xf32>
    %mul3A_2774 = arith.mulf %sub3A_2767, %sub3A_2767 : vector<256x256xf32>
    %mul3A_2775 = arith.mulf %sub3A_2770, %sub3A_2770 : vector<256x256xf32>
    %add3A_2776 = arith.addf %mul3A_2774, %mul3A_2775 : vector<256x256xf32>
    %mul3A_2777 = arith.mulf %add3A_2773, %add3A_2773 : vector<256x256xf32>
    %lt3A_2778 = arith.cmpf olt, %add3A_2776, %mul3A_2777 : vector<256x256xf32>
    %eq3A_2779 = vector.broadcast %slice3A_2364 : vector<256x1xi32> to vector<256x256xi32>
    %eq3A_2780 = vector.broadcast %slice3A_2679 : vector<1x256xi32> to vector<256x256xi32>
    %eq3A_2781 = arith.cmpi eq, %eq3A_2779, %eq3A_2780 : vector<256x256xi32>
    %eq3A_2782 = vector.broadcast %slice3A_2364 : vector<256x1xi32> to vector<256x256xi32>
    %eq3A_2783 = vector.broadcast %slice3A_2680 : vector<1x256xi32> to vector<256x256xi32>
    %eq3A_2784 = arith.cmpi eq, %eq3A_2782, %eq3A_2783 : vector<256x256xi32>
    %or3A_2785 = arith.ori %eq3A_2781, %eq3A_2784 : vector<256x256xi1>
    %eq3A_2786 = vector.broadcast %slice3A_2365 : vector<256x1xi32> to vector<256x256xi32>
    %eq3A_2787 = vector.broadcast %slice3A_2679 : vector<1x256xi32> to vector<256x256xi32>
    %eq3A_2788 = arith.cmpi eq, %eq3A_2786, %eq3A_2787 : vector<256x256xi32>
    %or3A_2789 = arith.ori %or3A_2785, %eq3A_2788 : vector<256x256xi1>
    %eq3A_2790 = vector.broadcast %slice3A_2365 : vector<256x1xi32> to vector<256x256xi32>
    %eq3A_2791 = vector.broadcast %slice3A_2680 : vector<1x256xi32> to vector<256x256xi32>
    %eq3A_2792 = arith.cmpi eq, %eq3A_2790, %eq3A_2791 : vector<256x256xi32>
    %or3A_2793 = arith.ori %or3A_2789, %eq3A_2792 : vector<256x256xi1>
    %not3A_2794 = arith.constant dense<true> : vector<256x256xi1>
    %not3A_2795 = arith.xori %or3A_2793, %not3A_2794 : vector<256x256xi1>
    %and3A_2796 = arith.andi %lt3A_2778, %not3A_2795 : vector<256x256xi1>
    %sub3A_2797 = arith.constant 1.000000e-03 : f32
    %sub3A_2798 = vector.broadcast %sub3A_2797 : f32 to vector<256x256xf32>
    %sub3A_2799 = arith.subf %sub3A_2798, %sqrt3A_2764 : vector<256x256xf32>
    %max3A_2800 = arith.constant 0.000000e+00 : f32
    %max3A_2801 = vector.broadcast %max3A_2800 : f32 to vector<256x256xf32>
    %max3A_2802 = arith.maximumf %sub3A_2799, %max3A_2801 : vector<256x256xf32>
    %jit3A_2803 = arith.constant 0.000000e+00 : f32
    %broadcast_in_dim3A_2804 = vector.broadcast %jit3A_2803 : f32 to vector<256x256xf32>
    %select_n3A_2805 = arith.select %and3A_2796, %max3A_2802, %broadcast_in_dim3A_2804 : vector<256x256xi1>, vector<256x256xf32>
    %reduce_sum3A_2806 = vector.shape_cast %select_n3A_2805 : vector<256x256xf32> to vector<1x256x256xf32>
    %reduce_sum3A_2807 = arith.constant dense<0.000000e+00> : vector<1xf32>
    %reduce_sum3A_2808 = vector.multi_reduction <add>, %reduce_sum3A_2806, %reduce_sum3A_2807 [1, 2] : vector<1x256x256xf32> to vector<1xf32>
    %reduce_sum3A_2809 = vector.shape_cast %reduce_sum3A_2808 : vector<1xf32> to vector<1x1x1xf32>
    %reduce_sum3A_2810 = vector.extract %reduce_sum3A_2809[0, 0, 0] : f32 from vector<1x1x1xf32>
    %add3A_2811 = arith.addf %add3A_2661, %reduce_sum3A_2810 : f32
    %convert_element_type3A_2812 = arith.extui %and3A_2796 : vector<256x256xi1> to vector<256x256xi32>
    %convert_element_type3A_2813 = arith.sitofp %convert_element_type3A_2812 : vector<256x256xi32> to vector<256x256xf32>
    %reduce_sum3A_2814 = vector.shape_cast %convert_element_type3A_2813 : vector<256x256xf32> to vector<1x256x256xf32>
    %reduce_sum3A_2815 = arith.constant dense<0.000000e+00> : vector<1xf32>
    %reduce_sum3A_2816 = vector.multi_reduction <add>, %reduce_sum3A_2814, %reduce_sum3A_2815 [1, 2] : vector<1x256x256xf32> to vector<1xf32>
    %reduce_sum3A_2817 = vector.shape_cast %reduce_sum3A_2816 : vector<1xf32> to vector<1x1x1xf32>
    %reduce_sum3A_2818 = vector.extract %reduce_sum3A_2817[0, 0, 0] : f32 from vector<1x1x1xf32>
    %add3A_2819 = arith.addf %add3A_2669, %reduce_sum3A_2818 : f32
    %slice3A_2820 = vector.extract_strided_slice %get3A_13 {offsets = [0, 1280], sizes = [1, 256], strides = [1, 1]} : vector<1x2048xf32> to vector<1x256xf32>
    %slice3A_2821 = vector.extract_strided_slice %get3A_16 {offsets = [0, 1280], sizes = [1, 256], strides = [1, 1]} : vector<1x2048xf32> to vector<1x256xf32>
    %slice3A_2822 = vector.extract_strided_slice %sub3A_58 {offsets = [0, 1280], sizes = [1, 256], strides = [1, 1]} : vector<1x2048xf32> to vector<1x256xf32>
    %slice3A_2823 = vector.extract_strided_slice %sub3A_59 {offsets = [0, 1280], sizes = [1, 256], strides = [1, 1]} : vector<1x2048xf32> to vector<1x256xf32>
    %slice3A_2824 = vector.extract_strided_slice %mul3A_63 {offsets = [0, 1280], sizes = [1, 256], strides = [1, 1]} : vector<1x2048xf32> to vector<1x256xf32>
    %slice3A_2825 = vector.extract_strided_slice %mul3A_67 {offsets = [0, 1280], sizes = [1, 256], strides = [1, 1]} : vector<1x2048xf32> to vector<1x256xf32>
    %slice3A_2826 = vector.extract_strided_slice %max3A_73 {offsets = [0, 1280], sizes = [1, 256], strides = [1, 1]} : vector<1x2048xf32> to vector<1x256xf32>
    %slice3A_2827 = vector.extract_strided_slice %div3A_76 {offsets = [0, 1280], sizes = [1, 256], strides = [1, 1]} : vector<1x2048xf32> to vector<1x256xf32>
    %slice3A_2828 = vector.extract_strided_slice %add3A_86 {offsets = [0, 1280], sizes = [1, 256], strides = [1, 1]} : vector<1x2048xf32> to vector<1x256xf32>
    %slice3A_2829 = vector.extract_strided_slice %get3A_31 {offsets = [0, 1280], sizes = [1, 256], strides = [1, 1]} : vector<1x2048xi32> to vector<1x256xi32>
    %slice3A_2830 = vector.extract_strided_slice %get3A_34 {offsets = [0, 1280], sizes = [1, 256], strides = [1, 1]} : vector<1x2048xi32> to vector<1x256xi32>
    %sub3A_2831 = vector.broadcast %slice3A_2355 : vector<256x1xf32> to vector<256x256xf32>
    %sub3A_2832 = vector.broadcast %slice3A_2820 : vector<1x256xf32> to vector<256x256xf32>
    %sub3A_2833 = arith.subf %sub3A_2831, %sub3A_2832 : vector<256x256xf32>
    %sub3A_2834 = vector.broadcast %slice3A_2356 : vector<256x1xf32> to vector<256x256xf32>
    %sub3A_2835 = vector.broadcast %slice3A_2821 : vector<1x256xf32> to vector<256x256xf32>
    %sub3A_2836 = arith.subf %sub3A_2834, %sub3A_2835 : vector<256x256xf32>
    %mul3A_2837 = vector.broadcast %slice3A_2357 : vector<256x1xf32> to vector<256x256xf32>
    %mul3A_2838 = vector.broadcast %slice3A_2822 : vector<1x256xf32> to vector<256x256xf32>
    %mul3A_2839 = arith.mulf %mul3A_2837, %mul3A_2838 : vector<256x256xf32>
    %mul3A_2840 = vector.broadcast %slice3A_2358 : vector<256x1xf32> to vector<256x256xf32>
    %mul3A_2841 = vector.broadcast %slice3A_2823 : vector<1x256xf32> to vector<256x256xf32>
    %mul3A_2842 = arith.mulf %mul3A_2840, %mul3A_2841 : vector<256x256xf32>
    %add3A_2843 = arith.addf %mul3A_2839, %mul3A_2842 : vector<256x256xf32>
    %mul3A_2844 = vector.broadcast %slice3A_2357 : vector<256x1xf32> to vector<256x256xf32>
    %mul3A_2845 = arith.mulf %mul3A_2844, %sub3A_2833 : vector<256x256xf32>
    %mul3A_2846 = vector.broadcast %slice3A_2358 : vector<256x1xf32> to vector<256x256xf32>
    %mul3A_2847 = arith.mulf %mul3A_2846, %sub3A_2836 : vector<256x256xf32>
    %add3A_2848 = arith.addf %mul3A_2845, %mul3A_2847 : vector<256x256xf32>
    %mul3A_2849 = vector.broadcast %slice3A_2822 : vector<1x256xf32> to vector<256x256xf32>
    %mul3A_2850 = arith.mulf %mul3A_2849, %sub3A_2833 : vector<256x256xf32>
    %mul3A_2851 = vector.broadcast %slice3A_2823 : vector<1x256xf32> to vector<256x256xf32>
    %mul3A_2852 = arith.mulf %mul3A_2851, %sub3A_2836 : vector<256x256xf32>
    %add3A_2853 = arith.addf %mul3A_2850, %mul3A_2852 : vector<256x256xf32>
    %mul3A_2854 = vector.broadcast %slice3A_2361 : vector<256x1xf32> to vector<256x256xf32>
    %mul3A_2855 = vector.broadcast %slice3A_2826 : vector<1x256xf32> to vector<256x256xf32>
    %mul3A_2856 = arith.mulf %mul3A_2854, %mul3A_2855 : vector<256x256xf32>
    %mul3A_2857 = arith.mulf %add3A_2843, %add3A_2843 : vector<256x256xf32>
    %sub3A_2858 = arith.subf %mul3A_2856, %mul3A_2857 : vector<256x256xf32>
    %max3A_2859 = arith.constant 9.99999996E-13 : f32
    %max3A_2860 = vector.broadcast %max3A_2859 : f32 to vector<256x256xf32>
    %max3A_2861 = arith.maximumf %sub3A_2858, %max3A_2860 : vector<256x256xf32>
    %div3A_2862 = arith.constant 1.000000e+00 : f32
    %div3A_2863 = vector.broadcast %div3A_2862 : f32 to vector<256x256xf32>
    %div3A_2864 = arith.divf %div3A_2863, %max3A_2861 : vector<256x256xf32>
    %mul3A_2865 = arith.mulf %add3A_2843, %add3A_2853 : vector<256x256xf32>
    %mul3A_2866 = vector.broadcast %slice3A_2826 : vector<1x256xf32> to vector<256x256xf32>
    %mul3A_2867 = arith.mulf %add3A_2848, %mul3A_2866 : vector<256x256xf32>
    %sub3A_2868 = arith.subf %mul3A_2865, %mul3A_2867 : vector<256x256xf32>
    %mul3A_2869 = arith.mulf %sub3A_2868, %div3A_2864 : vector<256x256xf32>
    %jit3A_2870 = arith.constant 0.000000e+00 : f32
    %jit3A_2871 = arith.constant 1.000000e+00 : f32
    %max3A_2872 = vector.broadcast %jit3A_2870 : f32 to vector<256x256xf32>
    %max3A_2873 = arith.maximumf %max3A_2872, %mul3A_2869 : vector<256x256xf32>
    %min3A_2874 = vector.broadcast %jit3A_2871 : f32 to vector<256x256xf32>
    %min3A_2875 = arith.minimumf %min3A_2874, %max3A_2873 : vector<256x256xf32>
    %mul3A_2876 = arith.mulf %add3A_2843, %min3A_2875 : vector<256x256xf32>
    %add3A_2877 = arith.addf %mul3A_2876, %add3A_2853 : vector<256x256xf32>
    %mul3A_2878 = vector.broadcast %slice3A_2827 : vector<1x256xf32> to vector<256x256xf32>
    %mul3A_2879 = arith.mulf %add3A_2877, %mul3A_2878 : vector<256x256xf32>
    %jit3A_2880 = arith.constant 0.000000e+00 : f32
    %jit3A_2881 = arith.constant 1.000000e+00 : f32
    %max3A_2882 = vector.broadcast %jit3A_2880 : f32 to vector<256x256xf32>
    %max3A_2883 = arith.maximumf %max3A_2882, %mul3A_2879 : vector<256x256xf32>
    %min3A_2884 = vector.broadcast %jit3A_2881 : f32 to vector<256x256xf32>
    %min3A_2885 = arith.minimumf %min3A_2884, %max3A_2883 : vector<256x256xf32>
    %mul3A_2886 = arith.mulf %add3A_2843, %min3A_2885 : vector<256x256xf32>
    %sub3A_2887 = arith.subf %mul3A_2886, %add3A_2848 : vector<256x256xf32>
    %mul3A_2888 = vector.broadcast %slice3A_2362 : vector<256x1xf32> to vector<256x256xf32>
    %mul3A_2889 = arith.mulf %sub3A_2887, %mul3A_2888 : vector<256x256xf32>
    %jit3A_2890 = arith.constant 0.000000e+00 : f32
    %jit3A_2891 = arith.constant 1.000000e+00 : f32
    %max3A_2892 = vector.broadcast %jit3A_2890 : f32 to vector<256x256xf32>
    %max3A_2893 = arith.maximumf %max3A_2892, %mul3A_2889 : vector<256x256xf32>
    %min3A_2894 = vector.broadcast %jit3A_2891 : f32 to vector<256x256xf32>
    %min3A_2895 = arith.minimumf %min3A_2894, %max3A_2893 : vector<256x256xf32>
    %mul3A_2896 = vector.broadcast %slice3A_2357 : vector<256x1xf32> to vector<256x256xf32>
    %mul3A_2897 = arith.mulf %min3A_2895, %mul3A_2896 : vector<256x256xf32>
    %add3A_2898 = arith.addf %sub3A_2833, %mul3A_2897 : vector<256x256xf32>
    %mul3A_2899 = vector.broadcast %slice3A_2822 : vector<1x256xf32> to vector<256x256xf32>
    %mul3A_2900 = arith.mulf %min3A_2885, %mul3A_2899 : vector<256x256xf32>
    %sub3A_2901 = arith.subf %add3A_2898, %mul3A_2900 : vector<256x256xf32>
    %mul3A_2902 = vector.broadcast %slice3A_2358 : vector<256x1xf32> to vector<256x256xf32>
    %mul3A_2903 = arith.mulf %min3A_2895, %mul3A_2902 : vector<256x256xf32>
    %add3A_2904 = arith.addf %sub3A_2836, %mul3A_2903 : vector<256x256xf32>
    %mul3A_2905 = vector.broadcast %slice3A_2823 : vector<1x256xf32> to vector<256x256xf32>
    %mul3A_2906 = arith.mulf %min3A_2885, %mul3A_2905 : vector<256x256xf32>
    %sub3A_2907 = arith.subf %add3A_2904, %mul3A_2906 : vector<256x256xf32>
    %mul3A_2908 = arith.mulf %sub3A_2901, %sub3A_2901 : vector<256x256xf32>
    %mul3A_2909 = arith.mulf %sub3A_2907, %sub3A_2907 : vector<256x256xf32>
    %add3A_2910 = arith.addf %mul3A_2908, %mul3A_2909 : vector<256x256xf32>
    %max3A_2911 = arith.constant 1.000000e-24 : f32
    %max3A_2912 = vector.broadcast %max3A_2911 : f32 to vector<256x256xf32>
    %max3A_2913 = arith.maximumf %add3A_2910, %max3A_2912 : vector<256x256xf32>
    %sqrt3A_2914 = math.sqrt %max3A_2913 : vector<256x256xf32>
    %sub3A_2915 = vector.broadcast %slice3A_2359 : vector<256x1xf32> to vector<256x256xf32>
    %sub3A_2916 = vector.broadcast %slice3A_2824 : vector<1x256xf32> to vector<256x256xf32>
    %sub3A_2917 = arith.subf %sub3A_2915, %sub3A_2916 : vector<256x256xf32>
    %sub3A_2918 = vector.broadcast %slice3A_2360 : vector<256x1xf32> to vector<256x256xf32>
    %sub3A_2919 = vector.broadcast %slice3A_2825 : vector<1x256xf32> to vector<256x256xf32>
    %sub3A_2920 = arith.subf %sub3A_2918, %sub3A_2919 : vector<256x256xf32>
    %add3A_2921 = vector.broadcast %slice3A_2363 : vector<256x1xf32> to vector<256x256xf32>
    %add3A_2922 = vector.broadcast %slice3A_2828 : vector<1x256xf32> to vector<256x256xf32>
    %add3A_2923 = arith.addf %add3A_2921, %add3A_2922 : vector<256x256xf32>
    %mul3A_2924 = arith.mulf %sub3A_2917, %sub3A_2917 : vector<256x256xf32>
    %mul3A_2925 = arith.mulf %sub3A_2920, %sub3A_2920 : vector<256x256xf32>
    %add3A_2926 = arith.addf %mul3A_2924, %mul3A_2925 : vector<256x256xf32>
    %mul3A_2927 = arith.mulf %add3A_2923, %add3A_2923 : vector<256x256xf32>
    %lt3A_2928 = arith.cmpf olt, %add3A_2926, %mul3A_2927 : vector<256x256xf32>
    %eq3A_2929 = vector.broadcast %slice3A_2364 : vector<256x1xi32> to vector<256x256xi32>
    %eq3A_2930 = vector.broadcast %slice3A_2829 : vector<1x256xi32> to vector<256x256xi32>
    %eq3A_2931 = arith.cmpi eq, %eq3A_2929, %eq3A_2930 : vector<256x256xi32>
    %eq3A_2932 = vector.broadcast %slice3A_2364 : vector<256x1xi32> to vector<256x256xi32>
    %eq3A_2933 = vector.broadcast %slice3A_2830 : vector<1x256xi32> to vector<256x256xi32>
    %eq3A_2934 = arith.cmpi eq, %eq3A_2932, %eq3A_2933 : vector<256x256xi32>
    %or3A_2935 = arith.ori %eq3A_2931, %eq3A_2934 : vector<256x256xi1>
    %eq3A_2936 = vector.broadcast %slice3A_2365 : vector<256x1xi32> to vector<256x256xi32>
    %eq3A_2937 = vector.broadcast %slice3A_2829 : vector<1x256xi32> to vector<256x256xi32>
    %eq3A_2938 = arith.cmpi eq, %eq3A_2936, %eq3A_2937 : vector<256x256xi32>
    %or3A_2939 = arith.ori %or3A_2935, %eq3A_2938 : vector<256x256xi1>
    %eq3A_2940 = vector.broadcast %slice3A_2365 : vector<256x1xi32> to vector<256x256xi32>
    %eq3A_2941 = vector.broadcast %slice3A_2830 : vector<1x256xi32> to vector<256x256xi32>
    %eq3A_2942 = arith.cmpi eq, %eq3A_2940, %eq3A_2941 : vector<256x256xi32>
    %or3A_2943 = arith.ori %or3A_2939, %eq3A_2942 : vector<256x256xi1>
    %not3A_2944 = arith.constant dense<true> : vector<256x256xi1>
    %not3A_2945 = arith.xori %or3A_2943, %not3A_2944 : vector<256x256xi1>
    %and3A_2946 = arith.andi %lt3A_2928, %not3A_2945 : vector<256x256xi1>
    %sub3A_2947 = arith.constant 1.000000e-03 : f32
    %sub3A_2948 = vector.broadcast %sub3A_2947 : f32 to vector<256x256xf32>
    %sub3A_2949 = arith.subf %sub3A_2948, %sqrt3A_2914 : vector<256x256xf32>
    %max3A_2950 = arith.constant 0.000000e+00 : f32
    %max3A_2951 = vector.broadcast %max3A_2950 : f32 to vector<256x256xf32>
    %max3A_2952 = arith.maximumf %sub3A_2949, %max3A_2951 : vector<256x256xf32>
    %jit3A_2953 = arith.constant 0.000000e+00 : f32
    %broadcast_in_dim3A_2954 = vector.broadcast %jit3A_2953 : f32 to vector<256x256xf32>
    %select_n3A_2955 = arith.select %and3A_2946, %max3A_2952, %broadcast_in_dim3A_2954 : vector<256x256xi1>, vector<256x256xf32>
    %reduce_sum3A_2956 = vector.shape_cast %select_n3A_2955 : vector<256x256xf32> to vector<1x256x256xf32>
    %reduce_sum3A_2957 = arith.constant dense<0.000000e+00> : vector<1xf32>
    %reduce_sum3A_2958 = vector.multi_reduction <add>, %reduce_sum3A_2956, %reduce_sum3A_2957 [1, 2] : vector<1x256x256xf32> to vector<1xf32>
    %reduce_sum3A_2959 = vector.shape_cast %reduce_sum3A_2958 : vector<1xf32> to vector<1x1x1xf32>
    %reduce_sum3A_2960 = vector.extract %reduce_sum3A_2959[0, 0, 0] : f32 from vector<1x1x1xf32>
    %add3A_2961 = arith.addf %add3A_2811, %reduce_sum3A_2960 : f32
    %convert_element_type3A_2962 = arith.extui %and3A_2946 : vector<256x256xi1> to vector<256x256xi32>
    %convert_element_type3A_2963 = arith.sitofp %convert_element_type3A_2962 : vector<256x256xi32> to vector<256x256xf32>
    %reduce_sum3A_2964 = vector.shape_cast %convert_element_type3A_2963 : vector<256x256xf32> to vector<1x256x256xf32>
    %reduce_sum3A_2965 = arith.constant dense<0.000000e+00> : vector<1xf32>
    %reduce_sum3A_2966 = vector.multi_reduction <add>, %reduce_sum3A_2964, %reduce_sum3A_2965 [1, 2] : vector<1x256x256xf32> to vector<1xf32>
    %reduce_sum3A_2967 = vector.shape_cast %reduce_sum3A_2966 : vector<1xf32> to vector<1x1x1xf32>
    %reduce_sum3A_2968 = vector.extract %reduce_sum3A_2967[0, 0, 0] : f32 from vector<1x1x1xf32>
    %add3A_2969 = arith.addf %add3A_2819, %reduce_sum3A_2968 : f32
    %slice3A_2970 = vector.extract_strided_slice %get3A_13 {offsets = [0, 1536], sizes = [1, 256], strides = [1, 1]} : vector<1x2048xf32> to vector<1x256xf32>
    %slice3A_2971 = vector.extract_strided_slice %get3A_16 {offsets = [0, 1536], sizes = [1, 256], strides = [1, 1]} : vector<1x2048xf32> to vector<1x256xf32>
    %slice3A_2972 = vector.extract_strided_slice %sub3A_58 {offsets = [0, 1536], sizes = [1, 256], strides = [1, 1]} : vector<1x2048xf32> to vector<1x256xf32>
    %slice3A_2973 = vector.extract_strided_slice %sub3A_59 {offsets = [0, 1536], sizes = [1, 256], strides = [1, 1]} : vector<1x2048xf32> to vector<1x256xf32>
    %slice3A_2974 = vector.extract_strided_slice %mul3A_63 {offsets = [0, 1536], sizes = [1, 256], strides = [1, 1]} : vector<1x2048xf32> to vector<1x256xf32>
    %slice3A_2975 = vector.extract_strided_slice %mul3A_67 {offsets = [0, 1536], sizes = [1, 256], strides = [1, 1]} : vector<1x2048xf32> to vector<1x256xf32>
    %slice3A_2976 = vector.extract_strided_slice %max3A_73 {offsets = [0, 1536], sizes = [1, 256], strides = [1, 1]} : vector<1x2048xf32> to vector<1x256xf32>
    %slice3A_2977 = vector.extract_strided_slice %div3A_76 {offsets = [0, 1536], sizes = [1, 256], strides = [1, 1]} : vector<1x2048xf32> to vector<1x256xf32>
    %slice3A_2978 = vector.extract_strided_slice %add3A_86 {offsets = [0, 1536], sizes = [1, 256], strides = [1, 1]} : vector<1x2048xf32> to vector<1x256xf32>
    %slice3A_2979 = vector.extract_strided_slice %get3A_31 {offsets = [0, 1536], sizes = [1, 256], strides = [1, 1]} : vector<1x2048xi32> to vector<1x256xi32>
    %slice3A_2980 = vector.extract_strided_slice %get3A_34 {offsets = [0, 1536], sizes = [1, 256], strides = [1, 1]} : vector<1x2048xi32> to vector<1x256xi32>
    %sub3A_2981 = vector.broadcast %slice3A_2355 : vector<256x1xf32> to vector<256x256xf32>
    %sub3A_2982 = vector.broadcast %slice3A_2970 : vector<1x256xf32> to vector<256x256xf32>
    %sub3A_2983 = arith.subf %sub3A_2981, %sub3A_2982 : vector<256x256xf32>
    %sub3A_2984 = vector.broadcast %slice3A_2356 : vector<256x1xf32> to vector<256x256xf32>
    %sub3A_2985 = vector.broadcast %slice3A_2971 : vector<1x256xf32> to vector<256x256xf32>
    %sub3A_2986 = arith.subf %sub3A_2984, %sub3A_2985 : vector<256x256xf32>
    %mul3A_2987 = vector.broadcast %slice3A_2357 : vector<256x1xf32> to vector<256x256xf32>
    %mul3A_2988 = vector.broadcast %slice3A_2972 : vector<1x256xf32> to vector<256x256xf32>
    %mul3A_2989 = arith.mulf %mul3A_2987, %mul3A_2988 : vector<256x256xf32>
    %mul3A_2990 = vector.broadcast %slice3A_2358 : vector<256x1xf32> to vector<256x256xf32>
    %mul3A_2991 = vector.broadcast %slice3A_2973 : vector<1x256xf32> to vector<256x256xf32>
    %mul3A_2992 = arith.mulf %mul3A_2990, %mul3A_2991 : vector<256x256xf32>
    %add3A_2993 = arith.addf %mul3A_2989, %mul3A_2992 : vector<256x256xf32>
    %mul3A_2994 = vector.broadcast %slice3A_2357 : vector<256x1xf32> to vector<256x256xf32>
    %mul3A_2995 = arith.mulf %mul3A_2994, %sub3A_2983 : vector<256x256xf32>
    %mul3A_2996 = vector.broadcast %slice3A_2358 : vector<256x1xf32> to vector<256x256xf32>
    %mul3A_2997 = arith.mulf %mul3A_2996, %sub3A_2986 : vector<256x256xf32>
    %add3A_2998 = arith.addf %mul3A_2995, %mul3A_2997 : vector<256x256xf32>
    %mul3A_2999 = vector.broadcast %slice3A_2972 : vector<1x256xf32> to vector<256x256xf32>
    %mul3A_3000 = arith.mulf %mul3A_2999, %sub3A_2983 : vector<256x256xf32>
    %mul3A_3001 = vector.broadcast %slice3A_2973 : vector<1x256xf32> to vector<256x256xf32>
    %mul3A_3002 = arith.mulf %mul3A_3001, %sub3A_2986 : vector<256x256xf32>
    %add3A_3003 = arith.addf %mul3A_3000, %mul3A_3002 : vector<256x256xf32>
    %mul3A_3004 = vector.broadcast %slice3A_2361 : vector<256x1xf32> to vector<256x256xf32>
    %mul3A_3005 = vector.broadcast %slice3A_2976 : vector<1x256xf32> to vector<256x256xf32>
    %mul3A_3006 = arith.mulf %mul3A_3004, %mul3A_3005 : vector<256x256xf32>
    %mul3A_3007 = arith.mulf %add3A_2993, %add3A_2993 : vector<256x256xf32>
    %sub3A_3008 = arith.subf %mul3A_3006, %mul3A_3007 : vector<256x256xf32>
    %max3A_3009 = arith.constant 9.99999996E-13 : f32
    %max3A_3010 = vector.broadcast %max3A_3009 : f32 to vector<256x256xf32>
    %max3A_3011 = arith.maximumf %sub3A_3008, %max3A_3010 : vector<256x256xf32>
    %div3A_3012 = arith.constant 1.000000e+00 : f32
    %div3A_3013 = vector.broadcast %div3A_3012 : f32 to vector<256x256xf32>
    %div3A_3014 = arith.divf %div3A_3013, %max3A_3011 : vector<256x256xf32>
    %mul3A_3015 = arith.mulf %add3A_2993, %add3A_3003 : vector<256x256xf32>
    %mul3A_3016 = vector.broadcast %slice3A_2976 : vector<1x256xf32> to vector<256x256xf32>
    %mul3A_3017 = arith.mulf %add3A_2998, %mul3A_3016 : vector<256x256xf32>
    %sub3A_3018 = arith.subf %mul3A_3015, %mul3A_3017 : vector<256x256xf32>
    %mul3A_3019 = arith.mulf %sub3A_3018, %div3A_3014 : vector<256x256xf32>
    %jit3A_3020 = arith.constant 0.000000e+00 : f32
    %jit3A_3021 = arith.constant 1.000000e+00 : f32
    %max3A_3022 = vector.broadcast %jit3A_3020 : f32 to vector<256x256xf32>
    %max3A_3023 = arith.maximumf %max3A_3022, %mul3A_3019 : vector<256x256xf32>
    %min3A_3024 = vector.broadcast %jit3A_3021 : f32 to vector<256x256xf32>
    %min3A_3025 = arith.minimumf %min3A_3024, %max3A_3023 : vector<256x256xf32>
    %mul3A_3026 = arith.mulf %add3A_2993, %min3A_3025 : vector<256x256xf32>
    %add3A_3027 = arith.addf %mul3A_3026, %add3A_3003 : vector<256x256xf32>
    %mul3A_3028 = vector.broadcast %slice3A_2977 : vector<1x256xf32> to vector<256x256xf32>
    %mul3A_3029 = arith.mulf %add3A_3027, %mul3A_3028 : vector<256x256xf32>
    %jit3A_3030 = arith.constant 0.000000e+00 : f32
    %jit3A_3031 = arith.constant 1.000000e+00 : f32
    %max3A_3032 = vector.broadcast %jit3A_3030 : f32 to vector<256x256xf32>
    %max3A_3033 = arith.maximumf %max3A_3032, %mul3A_3029 : vector<256x256xf32>
    %min3A_3034 = vector.broadcast %jit3A_3031 : f32 to vector<256x256xf32>
    %min3A_3035 = arith.minimumf %min3A_3034, %max3A_3033 : vector<256x256xf32>
    %mul3A_3036 = arith.mulf %add3A_2993, %min3A_3035 : vector<256x256xf32>
    %sub3A_3037 = arith.subf %mul3A_3036, %add3A_2998 : vector<256x256xf32>
    %mul3A_3038 = vector.broadcast %slice3A_2362 : vector<256x1xf32> to vector<256x256xf32>
    %mul3A_3039 = arith.mulf %sub3A_3037, %mul3A_3038 : vector<256x256xf32>
    %jit3A_3040 = arith.constant 0.000000e+00 : f32
    %jit3A_3041 = arith.constant 1.000000e+00 : f32
    %max3A_3042 = vector.broadcast %jit3A_3040 : f32 to vector<256x256xf32>
    %max3A_3043 = arith.maximumf %max3A_3042, %mul3A_3039 : vector<256x256xf32>
    %min3A_3044 = vector.broadcast %jit3A_3041 : f32 to vector<256x256xf32>
    %min3A_3045 = arith.minimumf %min3A_3044, %max3A_3043 : vector<256x256xf32>
    %mul3A_3046 = vector.broadcast %slice3A_2357 : vector<256x1xf32> to vector<256x256xf32>
    %mul3A_3047 = arith.mulf %min3A_3045, %mul3A_3046 : vector<256x256xf32>
    %add3A_3048 = arith.addf %sub3A_2983, %mul3A_3047 : vector<256x256xf32>
    %mul3A_3049 = vector.broadcast %slice3A_2972 : vector<1x256xf32> to vector<256x256xf32>
    %mul3A_3050 = arith.mulf %min3A_3035, %mul3A_3049 : vector<256x256xf32>
    %sub3A_3051 = arith.subf %add3A_3048, %mul3A_3050 : vector<256x256xf32>
    %mul3A_3052 = vector.broadcast %slice3A_2358 : vector<256x1xf32> to vector<256x256xf32>
    %mul3A_3053 = arith.mulf %min3A_3045, %mul3A_3052 : vector<256x256xf32>
    %add3A_3054 = arith.addf %sub3A_2986, %mul3A_3053 : vector<256x256xf32>
    %mul3A_3055 = vector.broadcast %slice3A_2973 : vector<1x256xf32> to vector<256x256xf32>
    %mul3A_3056 = arith.mulf %min3A_3035, %mul3A_3055 : vector<256x256xf32>
    %sub3A_3057 = arith.subf %add3A_3054, %mul3A_3056 : vector<256x256xf32>
    %mul3A_3058 = arith.mulf %sub3A_3051, %sub3A_3051 : vector<256x256xf32>
    %mul3A_3059 = arith.mulf %sub3A_3057, %sub3A_3057 : vector<256x256xf32>
    %add3A_3060 = arith.addf %mul3A_3058, %mul3A_3059 : vector<256x256xf32>
    %max3A_3061 = arith.constant 1.000000e-24 : f32
    %max3A_3062 = vector.broadcast %max3A_3061 : f32 to vector<256x256xf32>
    %max3A_3063 = arith.maximumf %add3A_3060, %max3A_3062 : vector<256x256xf32>
    %sqrt3A_3064 = math.sqrt %max3A_3063 : vector<256x256xf32>
    %sub3A_3065 = vector.broadcast %slice3A_2359 : vector<256x1xf32> to vector<256x256xf32>
    %sub3A_3066 = vector.broadcast %slice3A_2974 : vector<1x256xf32> to vector<256x256xf32>
    %sub3A_3067 = arith.subf %sub3A_3065, %sub3A_3066 : vector<256x256xf32>
    %sub3A_3068 = vector.broadcast %slice3A_2360 : vector<256x1xf32> to vector<256x256xf32>
    %sub3A_3069 = vector.broadcast %slice3A_2975 : vector<1x256xf32> to vector<256x256xf32>
    %sub3A_3070 = arith.subf %sub3A_3068, %sub3A_3069 : vector<256x256xf32>
    %add3A_3071 = vector.broadcast %slice3A_2363 : vector<256x1xf32> to vector<256x256xf32>
    %add3A_3072 = vector.broadcast %slice3A_2978 : vector<1x256xf32> to vector<256x256xf32>
    %add3A_3073 = arith.addf %add3A_3071, %add3A_3072 : vector<256x256xf32>
    %mul3A_3074 = arith.mulf %sub3A_3067, %sub3A_3067 : vector<256x256xf32>
    %mul3A_3075 = arith.mulf %sub3A_3070, %sub3A_3070 : vector<256x256xf32>
    %add3A_3076 = arith.addf %mul3A_3074, %mul3A_3075 : vector<256x256xf32>
    %mul3A_3077 = arith.mulf %add3A_3073, %add3A_3073 : vector<256x256xf32>
    %lt3A_3078 = arith.cmpf olt, %add3A_3076, %mul3A_3077 : vector<256x256xf32>
    %eq3A_3079 = vector.broadcast %slice3A_2364 : vector<256x1xi32> to vector<256x256xi32>
    %eq3A_3080 = vector.broadcast %slice3A_2979 : vector<1x256xi32> to vector<256x256xi32>
    %eq3A_3081 = arith.cmpi eq, %eq3A_3079, %eq3A_3080 : vector<256x256xi32>
    %eq3A_3082 = vector.broadcast %slice3A_2364 : vector<256x1xi32> to vector<256x256xi32>
    %eq3A_3083 = vector.broadcast %slice3A_2980 : vector<1x256xi32> to vector<256x256xi32>
    %eq3A_3084 = arith.cmpi eq, %eq3A_3082, %eq3A_3083 : vector<256x256xi32>
    %or3A_3085 = arith.ori %eq3A_3081, %eq3A_3084 : vector<256x256xi1>
    %eq3A_3086 = vector.broadcast %slice3A_2365 : vector<256x1xi32> to vector<256x256xi32>
    %eq3A_3087 = vector.broadcast %slice3A_2979 : vector<1x256xi32> to vector<256x256xi32>
    %eq3A_3088 = arith.cmpi eq, %eq3A_3086, %eq3A_3087 : vector<256x256xi32>
    %or3A_3089 = arith.ori %or3A_3085, %eq3A_3088 : vector<256x256xi1>
    %eq3A_3090 = vector.broadcast %slice3A_2365 : vector<256x1xi32> to vector<256x256xi32>
    %eq3A_3091 = vector.broadcast %slice3A_2980 : vector<1x256xi32> to vector<256x256xi32>
    %eq3A_3092 = arith.cmpi eq, %eq3A_3090, %eq3A_3091 : vector<256x256xi32>
    %or3A_3093 = arith.ori %or3A_3089, %eq3A_3092 : vector<256x256xi1>
    %not3A_3094 = arith.constant dense<true> : vector<256x256xi1>
    %not3A_3095 = arith.xori %or3A_3093, %not3A_3094 : vector<256x256xi1>
    %and3A_3096 = arith.andi %lt3A_3078, %not3A_3095 : vector<256x256xi1>
    %sub3A_3097 = arith.constant 1.000000e-03 : f32
    %sub3A_3098 = vector.broadcast %sub3A_3097 : f32 to vector<256x256xf32>
    %sub3A_3099 = arith.subf %sub3A_3098, %sqrt3A_3064 : vector<256x256xf32>
    %max3A_3100 = arith.constant 0.000000e+00 : f32
    %max3A_3101 = vector.broadcast %max3A_3100 : f32 to vector<256x256xf32>
    %max3A_3102 = arith.maximumf %sub3A_3099, %max3A_3101 : vector<256x256xf32>
    %jit3A_3103 = arith.constant 0.000000e+00 : f32
    %broadcast_in_dim3A_3104 = vector.broadcast %jit3A_3103 : f32 to vector<256x256xf32>
    %select_n3A_3105 = arith.select %and3A_3096, %max3A_3102, %broadcast_in_dim3A_3104 : vector<256x256xi1>, vector<256x256xf32>
    %reduce_sum3A_3106 = vector.shape_cast %select_n3A_3105 : vector<256x256xf32> to vector<1x256x256xf32>
    %reduce_sum3A_3107 = arith.constant dense<0.000000e+00> : vector<1xf32>
    %reduce_sum3A_3108 = vector.multi_reduction <add>, %reduce_sum3A_3106, %reduce_sum3A_3107 [1, 2] : vector<1x256x256xf32> to vector<1xf32>
    %reduce_sum3A_3109 = vector.shape_cast %reduce_sum3A_3108 : vector<1xf32> to vector<1x1x1xf32>
    %reduce_sum3A_3110 = vector.extract %reduce_sum3A_3109[0, 0, 0] : f32 from vector<1x1x1xf32>
    %add3A_3111 = arith.addf %add3A_2961, %reduce_sum3A_3110 : f32
    %convert_element_type3A_3112 = arith.extui %and3A_3096 : vector<256x256xi1> to vector<256x256xi32>
    %convert_element_type3A_3113 = arith.sitofp %convert_element_type3A_3112 : vector<256x256xi32> to vector<256x256xf32>
    %reduce_sum3A_3114 = vector.shape_cast %convert_element_type3A_3113 : vector<256x256xf32> to vector<1x256x256xf32>
    %reduce_sum3A_3115 = arith.constant dense<0.000000e+00> : vector<1xf32>
    %reduce_sum3A_3116 = vector.multi_reduction <add>, %reduce_sum3A_3114, %reduce_sum3A_3115 [1, 2] : vector<1x256x256xf32> to vector<1xf32>
    %reduce_sum3A_3117 = vector.shape_cast %reduce_sum3A_3116 : vector<1xf32> to vector<1x1x1xf32>
    %reduce_sum3A_3118 = vector.extract %reduce_sum3A_3117[0, 0, 0] : f32 from vector<1x1x1xf32>
    %add3A_3119 = arith.addf %add3A_2969, %reduce_sum3A_3118 : f32
    %slice3A_3120 = vector.extract_strided_slice %get3A_13 {offsets = [0, 1792], sizes = [1, 256], strides = [1, 1]} : vector<1x2048xf32> to vector<1x256xf32>
    %slice3A_3121 = vector.extract_strided_slice %get3A_16 {offsets = [0, 1792], sizes = [1, 256], strides = [1, 1]} : vector<1x2048xf32> to vector<1x256xf32>
    %slice3A_3122 = vector.extract_strided_slice %sub3A_58 {offsets = [0, 1792], sizes = [1, 256], strides = [1, 1]} : vector<1x2048xf32> to vector<1x256xf32>
    %slice3A_3123 = vector.extract_strided_slice %sub3A_59 {offsets = [0, 1792], sizes = [1, 256], strides = [1, 1]} : vector<1x2048xf32> to vector<1x256xf32>
    %slice3A_3124 = vector.extract_strided_slice %mul3A_63 {offsets = [0, 1792], sizes = [1, 256], strides = [1, 1]} : vector<1x2048xf32> to vector<1x256xf32>
    %slice3A_3125 = vector.extract_strided_slice %mul3A_67 {offsets = [0, 1792], sizes = [1, 256], strides = [1, 1]} : vector<1x2048xf32> to vector<1x256xf32>
    %slice3A_3126 = vector.extract_strided_slice %max3A_73 {offsets = [0, 1792], sizes = [1, 256], strides = [1, 1]} : vector<1x2048xf32> to vector<1x256xf32>
    %slice3A_3127 = vector.extract_strided_slice %div3A_76 {offsets = [0, 1792], sizes = [1, 256], strides = [1, 1]} : vector<1x2048xf32> to vector<1x256xf32>
    %slice3A_3128 = vector.extract_strided_slice %add3A_86 {offsets = [0, 1792], sizes = [1, 256], strides = [1, 1]} : vector<1x2048xf32> to vector<1x256xf32>
    %slice3A_3129 = vector.extract_strided_slice %get3A_31 {offsets = [0, 1792], sizes = [1, 256], strides = [1, 1]} : vector<1x2048xi32> to vector<1x256xi32>
    %slice3A_3130 = vector.extract_strided_slice %get3A_34 {offsets = [0, 1792], sizes = [1, 256], strides = [1, 1]} : vector<1x2048xi32> to vector<1x256xi32>
    %sub3A_3131 = vector.broadcast %slice3A_2355 : vector<256x1xf32> to vector<256x256xf32>
    %sub3A_3132 = vector.broadcast %slice3A_3120 : vector<1x256xf32> to vector<256x256xf32>
    %sub3A_3133 = arith.subf %sub3A_3131, %sub3A_3132 : vector<256x256xf32>
    %sub3A_3134 = vector.broadcast %slice3A_2356 : vector<256x1xf32> to vector<256x256xf32>
    %sub3A_3135 = vector.broadcast %slice3A_3121 : vector<1x256xf32> to vector<256x256xf32>
    %sub3A_3136 = arith.subf %sub3A_3134, %sub3A_3135 : vector<256x256xf32>
    %mul3A_3137 = vector.broadcast %slice3A_2357 : vector<256x1xf32> to vector<256x256xf32>
    %mul3A_3138 = vector.broadcast %slice3A_3122 : vector<1x256xf32> to vector<256x256xf32>
    %mul3A_3139 = arith.mulf %mul3A_3137, %mul3A_3138 : vector<256x256xf32>
    %mul3A_3140 = vector.broadcast %slice3A_2358 : vector<256x1xf32> to vector<256x256xf32>
    %mul3A_3141 = vector.broadcast %slice3A_3123 : vector<1x256xf32> to vector<256x256xf32>
    %mul3A_3142 = arith.mulf %mul3A_3140, %mul3A_3141 : vector<256x256xf32>
    %add3A_3143 = arith.addf %mul3A_3139, %mul3A_3142 : vector<256x256xf32>
    %mul3A_3144 = vector.broadcast %slice3A_2357 : vector<256x1xf32> to vector<256x256xf32>
    %mul3A_3145 = arith.mulf %mul3A_3144, %sub3A_3133 : vector<256x256xf32>
    %mul3A_3146 = vector.broadcast %slice3A_2358 : vector<256x1xf32> to vector<256x256xf32>
    %mul3A_3147 = arith.mulf %mul3A_3146, %sub3A_3136 : vector<256x256xf32>
    %add3A_3148 = arith.addf %mul3A_3145, %mul3A_3147 : vector<256x256xf32>
    %mul3A_3149 = vector.broadcast %slice3A_3122 : vector<1x256xf32> to vector<256x256xf32>
    %mul3A_3150 = arith.mulf %mul3A_3149, %sub3A_3133 : vector<256x256xf32>
    %mul3A_3151 = vector.broadcast %slice3A_3123 : vector<1x256xf32> to vector<256x256xf32>
    %mul3A_3152 = arith.mulf %mul3A_3151, %sub3A_3136 : vector<256x256xf32>
    %add3A_3153 = arith.addf %mul3A_3150, %mul3A_3152 : vector<256x256xf32>
    %mul3A_3154 = vector.broadcast %slice3A_2361 : vector<256x1xf32> to vector<256x256xf32>
    %mul3A_3155 = vector.broadcast %slice3A_3126 : vector<1x256xf32> to vector<256x256xf32>
    %mul3A_3156 = arith.mulf %mul3A_3154, %mul3A_3155 : vector<256x256xf32>
    %mul3A_3157 = arith.mulf %add3A_3143, %add3A_3143 : vector<256x256xf32>
    %sub3A_3158 = arith.subf %mul3A_3156, %mul3A_3157 : vector<256x256xf32>
    %max3A_3159 = arith.constant 9.99999996E-13 : f32
    %max3A_3160 = vector.broadcast %max3A_3159 : f32 to vector<256x256xf32>
    %max3A_3161 = arith.maximumf %sub3A_3158, %max3A_3160 : vector<256x256xf32>
    %div3A_3162 = arith.constant 1.000000e+00 : f32
    %div3A_3163 = vector.broadcast %div3A_3162 : f32 to vector<256x256xf32>
    %div3A_3164 = arith.divf %div3A_3163, %max3A_3161 : vector<256x256xf32>
    %mul3A_3165 = arith.mulf %add3A_3143, %add3A_3153 : vector<256x256xf32>
    %mul3A_3166 = vector.broadcast %slice3A_3126 : vector<1x256xf32> to vector<256x256xf32>
    %mul3A_3167 = arith.mulf %add3A_3148, %mul3A_3166 : vector<256x256xf32>
    %sub3A_3168 = arith.subf %mul3A_3165, %mul3A_3167 : vector<256x256xf32>
    %mul3A_3169 = arith.mulf %sub3A_3168, %div3A_3164 : vector<256x256xf32>
    %jit3A_3170 = arith.constant 0.000000e+00 : f32
    %jit3A_3171 = arith.constant 1.000000e+00 : f32
    %max3A_3172 = vector.broadcast %jit3A_3170 : f32 to vector<256x256xf32>
    %max3A_3173 = arith.maximumf %max3A_3172, %mul3A_3169 : vector<256x256xf32>
    %min3A_3174 = vector.broadcast %jit3A_3171 : f32 to vector<256x256xf32>
    %min3A_3175 = arith.minimumf %min3A_3174, %max3A_3173 : vector<256x256xf32>
    %mul3A_3176 = arith.mulf %add3A_3143, %min3A_3175 : vector<256x256xf32>
    %add3A_3177 = arith.addf %mul3A_3176, %add3A_3153 : vector<256x256xf32>
    %mul3A_3178 = vector.broadcast %slice3A_3127 : vector<1x256xf32> to vector<256x256xf32>
    %mul3A_3179 = arith.mulf %add3A_3177, %mul3A_3178 : vector<256x256xf32>
    %jit3A_3180 = arith.constant 0.000000e+00 : f32
    %jit3A_3181 = arith.constant 1.000000e+00 : f32
    %max3A_3182 = vector.broadcast %jit3A_3180 : f32 to vector<256x256xf32>
    %max3A_3183 = arith.maximumf %max3A_3182, %mul3A_3179 : vector<256x256xf32>
    %min3A_3184 = vector.broadcast %jit3A_3181 : f32 to vector<256x256xf32>
    %min3A_3185 = arith.minimumf %min3A_3184, %max3A_3183 : vector<256x256xf32>
    %mul3A_3186 = arith.mulf %add3A_3143, %min3A_3185 : vector<256x256xf32>
    %sub3A_3187 = arith.subf %mul3A_3186, %add3A_3148 : vector<256x256xf32>
    %mul3A_3188 = vector.broadcast %slice3A_2362 : vector<256x1xf32> to vector<256x256xf32>
    %mul3A_3189 = arith.mulf %sub3A_3187, %mul3A_3188 : vector<256x256xf32>
    %jit3A_3190 = arith.constant 0.000000e+00 : f32
    %jit3A_3191 = arith.constant 1.000000e+00 : f32
    %max3A_3192 = vector.broadcast %jit3A_3190 : f32 to vector<256x256xf32>
    %max3A_3193 = arith.maximumf %max3A_3192, %mul3A_3189 : vector<256x256xf32>
    %min3A_3194 = vector.broadcast %jit3A_3191 : f32 to vector<256x256xf32>
    %min3A_3195 = arith.minimumf %min3A_3194, %max3A_3193 : vector<256x256xf32>
    %mul3A_3196 = vector.broadcast %slice3A_2357 : vector<256x1xf32> to vector<256x256xf32>
    %mul3A_3197 = arith.mulf %min3A_3195, %mul3A_3196 : vector<256x256xf32>
    %add3A_3198 = arith.addf %sub3A_3133, %mul3A_3197 : vector<256x256xf32>
    %mul3A_3199 = vector.broadcast %slice3A_3122 : vector<1x256xf32> to vector<256x256xf32>
    %mul3A_3200 = arith.mulf %min3A_3185, %mul3A_3199 : vector<256x256xf32>
    %sub3A_3201 = arith.subf %add3A_3198, %mul3A_3200 : vector<256x256xf32>
    %mul3A_3202 = vector.broadcast %slice3A_2358 : vector<256x1xf32> to vector<256x256xf32>
    %mul3A_3203 = arith.mulf %min3A_3195, %mul3A_3202 : vector<256x256xf32>
    %add3A_3204 = arith.addf %sub3A_3136, %mul3A_3203 : vector<256x256xf32>
    %mul3A_3205 = vector.broadcast %slice3A_3123 : vector<1x256xf32> to vector<256x256xf32>
    %mul3A_3206 = arith.mulf %min3A_3185, %mul3A_3205 : vector<256x256xf32>
    %sub3A_3207 = arith.subf %add3A_3204, %mul3A_3206 : vector<256x256xf32>
    %mul3A_3208 = arith.mulf %sub3A_3201, %sub3A_3201 : vector<256x256xf32>
    %mul3A_3209 = arith.mulf %sub3A_3207, %sub3A_3207 : vector<256x256xf32>
    %add3A_3210 = arith.addf %mul3A_3208, %mul3A_3209 : vector<256x256xf32>
    %max3A_3211 = arith.constant 1.000000e-24 : f32
    %max3A_3212 = vector.broadcast %max3A_3211 : f32 to vector<256x256xf32>
    %max3A_3213 = arith.maximumf %add3A_3210, %max3A_3212 : vector<256x256xf32>
    %sqrt3A_3214 = math.sqrt %max3A_3213 : vector<256x256xf32>
    %sub3A_3215 = vector.broadcast %slice3A_2359 : vector<256x1xf32> to vector<256x256xf32>
    %sub3A_3216 = vector.broadcast %slice3A_3124 : vector<1x256xf32> to vector<256x256xf32>
    %sub3A_3217 = arith.subf %sub3A_3215, %sub3A_3216 : vector<256x256xf32>
    %sub3A_3218 = vector.broadcast %slice3A_2360 : vector<256x1xf32> to vector<256x256xf32>
    %sub3A_3219 = vector.broadcast %slice3A_3125 : vector<1x256xf32> to vector<256x256xf32>
    %sub3A_3220 = arith.subf %sub3A_3218, %sub3A_3219 : vector<256x256xf32>
    %add3A_3221 = vector.broadcast %slice3A_2363 : vector<256x1xf32> to vector<256x256xf32>
    %add3A_3222 = vector.broadcast %slice3A_3128 : vector<1x256xf32> to vector<256x256xf32>
    %add3A_3223 = arith.addf %add3A_3221, %add3A_3222 : vector<256x256xf32>
    %mul3A_3224 = arith.mulf %sub3A_3217, %sub3A_3217 : vector<256x256xf32>
    %mul3A_3225 = arith.mulf %sub3A_3220, %sub3A_3220 : vector<256x256xf32>
    %add3A_3226 = arith.addf %mul3A_3224, %mul3A_3225 : vector<256x256xf32>
    %mul3A_3227 = arith.mulf %add3A_3223, %add3A_3223 : vector<256x256xf32>
    %lt3A_3228 = arith.cmpf olt, %add3A_3226, %mul3A_3227 : vector<256x256xf32>
    %eq3A_3229 = vector.broadcast %slice3A_2364 : vector<256x1xi32> to vector<256x256xi32>
    %eq3A_3230 = vector.broadcast %slice3A_3129 : vector<1x256xi32> to vector<256x256xi32>
    %eq3A_3231 = arith.cmpi eq, %eq3A_3229, %eq3A_3230 : vector<256x256xi32>
    %eq3A_3232 = vector.broadcast %slice3A_2364 : vector<256x1xi32> to vector<256x256xi32>
    %eq3A_3233 = vector.broadcast %slice3A_3130 : vector<1x256xi32> to vector<256x256xi32>
    %eq3A_3234 = arith.cmpi eq, %eq3A_3232, %eq3A_3233 : vector<256x256xi32>
    %or3A_3235 = arith.ori %eq3A_3231, %eq3A_3234 : vector<256x256xi1>
    %eq3A_3236 = vector.broadcast %slice3A_2365 : vector<256x1xi32> to vector<256x256xi32>
    %eq3A_3237 = vector.broadcast %slice3A_3129 : vector<1x256xi32> to vector<256x256xi32>
    %eq3A_3238 = arith.cmpi eq, %eq3A_3236, %eq3A_3237 : vector<256x256xi32>
    %or3A_3239 = arith.ori %or3A_3235, %eq3A_3238 : vector<256x256xi1>
    %eq3A_3240 = vector.broadcast %slice3A_2365 : vector<256x1xi32> to vector<256x256xi32>
    %eq3A_3241 = vector.broadcast %slice3A_3130 : vector<1x256xi32> to vector<256x256xi32>
    %eq3A_3242 = arith.cmpi eq, %eq3A_3240, %eq3A_3241 : vector<256x256xi32>
    %or3A_3243 = arith.ori %or3A_3239, %eq3A_3242 : vector<256x256xi1>
    %not3A_3244 = arith.constant dense<true> : vector<256x256xi1>
    %not3A_3245 = arith.xori %or3A_3243, %not3A_3244 : vector<256x256xi1>
    %and3A_3246 = arith.andi %lt3A_3228, %not3A_3245 : vector<256x256xi1>
    %sub3A_3247 = arith.constant 1.000000e-03 : f32
    %sub3A_3248 = vector.broadcast %sub3A_3247 : f32 to vector<256x256xf32>
    %sub3A_3249 = arith.subf %sub3A_3248, %sqrt3A_3214 : vector<256x256xf32>
    %max3A_3250 = arith.constant 0.000000e+00 : f32
    %max3A_3251 = vector.broadcast %max3A_3250 : f32 to vector<256x256xf32>
    %max3A_3252 = arith.maximumf %sub3A_3249, %max3A_3251 : vector<256x256xf32>
    %jit3A_3253 = arith.constant 0.000000e+00 : f32
    %broadcast_in_dim3A_3254 = vector.broadcast %jit3A_3253 : f32 to vector<256x256xf32>
    %select_n3A_3255 = arith.select %and3A_3246, %max3A_3252, %broadcast_in_dim3A_3254 : vector<256x256xi1>, vector<256x256xf32>
    %reduce_sum3A_3256 = vector.shape_cast %select_n3A_3255 : vector<256x256xf32> to vector<1x256x256xf32>
    %reduce_sum3A_3257 = arith.constant dense<0.000000e+00> : vector<1xf32>
    %reduce_sum3A_3258 = vector.multi_reduction <add>, %reduce_sum3A_3256, %reduce_sum3A_3257 [1, 2] : vector<1x256x256xf32> to vector<1xf32>
    %reduce_sum3A_3259 = vector.shape_cast %reduce_sum3A_3258 : vector<1xf32> to vector<1x1x1xf32>
    %reduce_sum3A_3260 = vector.extract %reduce_sum3A_3259[0, 0, 0] : f32 from vector<1x1x1xf32>
    %add3A_3261 = arith.addf %add3A_3111, %reduce_sum3A_3260 : f32
    %convert_element_type3A_3262 = arith.extui %and3A_3246 : vector<256x256xi1> to vector<256x256xi32>
    %convert_element_type3A_3263 = arith.sitofp %convert_element_type3A_3262 : vector<256x256xi32> to vector<256x256xf32>
    %reduce_sum3A_3264 = vector.shape_cast %convert_element_type3A_3263 : vector<256x256xf32> to vector<1x256x256xf32>
    %reduce_sum3A_3265 = arith.constant dense<0.000000e+00> : vector<1xf32>
    %reduce_sum3A_3266 = vector.multi_reduction <add>, %reduce_sum3A_3264, %reduce_sum3A_3265 [1, 2] : vector<1x256x256xf32> to vector<1xf32>
    %reduce_sum3A_3267 = vector.shape_cast %reduce_sum3A_3266 : vector<1xf32> to vector<1x1x1xf32>
    %reduce_sum3A_3268 = vector.extract %reduce_sum3A_3267[0, 0, 0] : f32 from vector<1x1x1xf32>
    %add3A_3269 = arith.addf %add3A_3119, %reduce_sum3A_3268 : f32
    %slice3A_3270 = vector.extract_strided_slice %get3A_1 {offsets = [768, 0], sizes = [256, 1], strides = [1, 1]} : vector<2048x1xf32> to vector<256x1xf32>
    %slice3A_3271 = vector.extract_strided_slice %get3A_4 {offsets = [768, 0], sizes = [256, 1], strides = [1, 1]} : vector<2048x1xf32> to vector<256x1xf32>
    %slice3A_3272 = vector.extract_strided_slice %sub3A {offsets = [768, 0], sizes = [256, 1], strides = [1, 1]} : vector<2048x1xf32> to vector<256x1xf32>
    %slice3A_3273 = vector.extract_strided_slice %sub3A_35 {offsets = [768, 0], sizes = [256, 1], strides = [1, 1]} : vector<2048x1xf32> to vector<256x1xf32>
    %slice3A_3274 = vector.extract_strided_slice %mul3A_37 {offsets = [768, 0], sizes = [256, 1], strides = [1, 1]} : vector<2048x1xf32> to vector<256x1xf32>
    %slice3A_3275 = vector.extract_strided_slice %mul3A_41 {offsets = [768, 0], sizes = [256, 1], strides = [1, 1]} : vector<2048x1xf32> to vector<256x1xf32>
    %slice3A_3276 = vector.extract_strided_slice %max3A_46 {offsets = [768, 0], sizes = [256, 1], strides = [1, 1]} : vector<2048x1xf32> to vector<256x1xf32>
    %slice3A_3277 = vector.extract_strided_slice %div3A_48 {offsets = [768, 0], sizes = [256, 1], strides = [1, 1]} : vector<2048x1xf32> to vector<256x1xf32>
    %slice3A_3278 = vector.extract_strided_slice %add3A_57 {offsets = [768, 0], sizes = [256, 1], strides = [1, 1]} : vector<2048x1xf32> to vector<256x1xf32>
    %slice3A_3279 = vector.extract_strided_slice %get3A_25 {offsets = [768, 0], sizes = [256, 1], strides = [1, 1]} : vector<2048x1xi32> to vector<256x1xi32>
    %slice3A_3280 = vector.extract_strided_slice %get3A_28 {offsets = [768, 0], sizes = [256, 1], strides = [1, 1]} : vector<2048x1xi32> to vector<256x1xi32>
    %slice3A_3281 = vector.extract_strided_slice %get3A_13 {offsets = [0, 768], sizes = [1, 256], strides = [1, 1]} : vector<1x2048xf32> to vector<1x256xf32>
    %slice3A_3282 = vector.extract_strided_slice %get3A_16 {offsets = [0, 768], sizes = [1, 256], strides = [1, 1]} : vector<1x2048xf32> to vector<1x256xf32>
    %slice3A_3283 = vector.extract_strided_slice %sub3A_58 {offsets = [0, 768], sizes = [1, 256], strides = [1, 1]} : vector<1x2048xf32> to vector<1x256xf32>
    %slice3A_3284 = vector.extract_strided_slice %sub3A_59 {offsets = [0, 768], sizes = [1, 256], strides = [1, 1]} : vector<1x2048xf32> to vector<1x256xf32>
    %slice3A_3285 = vector.extract_strided_slice %mul3A_63 {offsets = [0, 768], sizes = [1, 256], strides = [1, 1]} : vector<1x2048xf32> to vector<1x256xf32>
    %slice3A_3286 = vector.extract_strided_slice %mul3A_67 {offsets = [0, 768], sizes = [1, 256], strides = [1, 1]} : vector<1x2048xf32> to vector<1x256xf32>
    %slice3A_3287 = vector.extract_strided_slice %max3A_73 {offsets = [0, 768], sizes = [1, 256], strides = [1, 1]} : vector<1x2048xf32> to vector<1x256xf32>
    %slice3A_3288 = vector.extract_strided_slice %div3A_76 {offsets = [0, 768], sizes = [1, 256], strides = [1, 1]} : vector<1x2048xf32> to vector<1x256xf32>
    %slice3A_3289 = vector.extract_strided_slice %add3A_86 {offsets = [0, 768], sizes = [1, 256], strides = [1, 1]} : vector<1x2048xf32> to vector<1x256xf32>
    %slice3A_3290 = vector.extract_strided_slice %get3A_31 {offsets = [0, 768], sizes = [1, 256], strides = [1, 1]} : vector<1x2048xi32> to vector<1x256xi32>
    %slice3A_3291 = vector.extract_strided_slice %get3A_34 {offsets = [0, 768], sizes = [1, 256], strides = [1, 1]} : vector<1x2048xi32> to vector<1x256xi32>
    %sub3A_3292 = vector.broadcast %slice3A_3270 : vector<256x1xf32> to vector<256x256xf32>
    %sub3A_3293 = vector.broadcast %slice3A_3281 : vector<1x256xf32> to vector<256x256xf32>
    %sub3A_3294 = arith.subf %sub3A_3292, %sub3A_3293 : vector<256x256xf32>
    %sub3A_3295 = vector.broadcast %slice3A_3271 : vector<256x1xf32> to vector<256x256xf32>
    %sub3A_3296 = vector.broadcast %slice3A_3282 : vector<1x256xf32> to vector<256x256xf32>
    %sub3A_3297 = arith.subf %sub3A_3295, %sub3A_3296 : vector<256x256xf32>
    %mul3A_3298 = vector.broadcast %slice3A_3272 : vector<256x1xf32> to vector<256x256xf32>
    %mul3A_3299 = vector.broadcast %slice3A_3283 : vector<1x256xf32> to vector<256x256xf32>
    %mul3A_3300 = arith.mulf %mul3A_3298, %mul3A_3299 : vector<256x256xf32>
    %mul3A_3301 = vector.broadcast %slice3A_3273 : vector<256x1xf32> to vector<256x256xf32>
    %mul3A_3302 = vector.broadcast %slice3A_3284 : vector<1x256xf32> to vector<256x256xf32>
    %mul3A_3303 = arith.mulf %mul3A_3301, %mul3A_3302 : vector<256x256xf32>
    %add3A_3304 = arith.addf %mul3A_3300, %mul3A_3303 : vector<256x256xf32>
    %mul3A_3305 = vector.broadcast %slice3A_3272 : vector<256x1xf32> to vector<256x256xf32>
    %mul3A_3306 = arith.mulf %mul3A_3305, %sub3A_3294 : vector<256x256xf32>
    %mul3A_3307 = vector.broadcast %slice3A_3273 : vector<256x1xf32> to vector<256x256xf32>
    %mul3A_3308 = arith.mulf %mul3A_3307, %sub3A_3297 : vector<256x256xf32>
    %add3A_3309 = arith.addf %mul3A_3306, %mul3A_3308 : vector<256x256xf32>
    %mul3A_3310 = vector.broadcast %slice3A_3283 : vector<1x256xf32> to vector<256x256xf32>
    %mul3A_3311 = arith.mulf %mul3A_3310, %sub3A_3294 : vector<256x256xf32>
    %mul3A_3312 = vector.broadcast %slice3A_3284 : vector<1x256xf32> to vector<256x256xf32>
    %mul3A_3313 = arith.mulf %mul3A_3312, %sub3A_3297 : vector<256x256xf32>
    %add3A_3314 = arith.addf %mul3A_3311, %mul3A_3313 : vector<256x256xf32>
    %mul3A_3315 = vector.broadcast %slice3A_3276 : vector<256x1xf32> to vector<256x256xf32>
    %mul3A_3316 = vector.broadcast %slice3A_3287 : vector<1x256xf32> to vector<256x256xf32>
    %mul3A_3317 = arith.mulf %mul3A_3315, %mul3A_3316 : vector<256x256xf32>
    %mul3A_3318 = arith.mulf %add3A_3304, %add3A_3304 : vector<256x256xf32>
    %sub3A_3319 = arith.subf %mul3A_3317, %mul3A_3318 : vector<256x256xf32>
    %max3A_3320 = arith.constant 9.99999996E-13 : f32
    %max3A_3321 = vector.broadcast %max3A_3320 : f32 to vector<256x256xf32>
    %max3A_3322 = arith.maximumf %sub3A_3319, %max3A_3321 : vector<256x256xf32>
    %div3A_3323 = arith.constant 1.000000e+00 : f32
    %div3A_3324 = vector.broadcast %div3A_3323 : f32 to vector<256x256xf32>
    %div3A_3325 = arith.divf %div3A_3324, %max3A_3322 : vector<256x256xf32>
    %mul3A_3326 = arith.mulf %add3A_3304, %add3A_3314 : vector<256x256xf32>
    %mul3A_3327 = vector.broadcast %slice3A_3287 : vector<1x256xf32> to vector<256x256xf32>
    %mul3A_3328 = arith.mulf %add3A_3309, %mul3A_3327 : vector<256x256xf32>
    %sub3A_3329 = arith.subf %mul3A_3326, %mul3A_3328 : vector<256x256xf32>
    %mul3A_3330 = arith.mulf %sub3A_3329, %div3A_3325 : vector<256x256xf32>
    %jit3A_3331 = arith.constant 0.000000e+00 : f32
    %jit3A_3332 = arith.constant 1.000000e+00 : f32
    %max3A_3333 = vector.broadcast %jit3A_3331 : f32 to vector<256x256xf32>
    %max3A_3334 = arith.maximumf %max3A_3333, %mul3A_3330 : vector<256x256xf32>
    %min3A_3335 = vector.broadcast %jit3A_3332 : f32 to vector<256x256xf32>
    %min3A_3336 = arith.minimumf %min3A_3335, %max3A_3334 : vector<256x256xf32>
    %mul3A_3337 = arith.mulf %add3A_3304, %min3A_3336 : vector<256x256xf32>
    %add3A_3338 = arith.addf %mul3A_3337, %add3A_3314 : vector<256x256xf32>
    %mul3A_3339 = vector.broadcast %slice3A_3288 : vector<1x256xf32> to vector<256x256xf32>
    %mul3A_3340 = arith.mulf %add3A_3338, %mul3A_3339 : vector<256x256xf32>
    %jit3A_3341 = arith.constant 0.000000e+00 : f32
    %jit3A_3342 = arith.constant 1.000000e+00 : f32
    %max3A_3343 = vector.broadcast %jit3A_3341 : f32 to vector<256x256xf32>
    %max3A_3344 = arith.maximumf %max3A_3343, %mul3A_3340 : vector<256x256xf32>
    %min3A_3345 = vector.broadcast %jit3A_3342 : f32 to vector<256x256xf32>
    %min3A_3346 = arith.minimumf %min3A_3345, %max3A_3344 : vector<256x256xf32>
    %mul3A_3347 = arith.mulf %add3A_3304, %min3A_3346 : vector<256x256xf32>
    %sub3A_3348 = arith.subf %mul3A_3347, %add3A_3309 : vector<256x256xf32>
    %mul3A_3349 = vector.broadcast %slice3A_3277 : vector<256x1xf32> to vector<256x256xf32>
    %mul3A_3350 = arith.mulf %sub3A_3348, %mul3A_3349 : vector<256x256xf32>
    %jit3A_3351 = arith.constant 0.000000e+00 : f32
    %jit3A_3352 = arith.constant 1.000000e+00 : f32
    %max3A_3353 = vector.broadcast %jit3A_3351 : f32 to vector<256x256xf32>
    %max3A_3354 = arith.maximumf %max3A_3353, %mul3A_3350 : vector<256x256xf32>
    %min3A_3355 = vector.broadcast %jit3A_3352 : f32 to vector<256x256xf32>
    %min3A_3356 = arith.minimumf %min3A_3355, %max3A_3354 : vector<256x256xf32>
    %mul3A_3357 = vector.broadcast %slice3A_3272 : vector<256x1xf32> to vector<256x256xf32>
    %mul3A_3358 = arith.mulf %min3A_3356, %mul3A_3357 : vector<256x256xf32>
    %add3A_3359 = arith.addf %sub3A_3294, %mul3A_3358 : vector<256x256xf32>
    %mul3A_3360 = vector.broadcast %slice3A_3283 : vector<1x256xf32> to vector<256x256xf32>
    %mul3A_3361 = arith.mulf %min3A_3346, %mul3A_3360 : vector<256x256xf32>
    %sub3A_3362 = arith.subf %add3A_3359, %mul3A_3361 : vector<256x256xf32>
    %mul3A_3363 = vector.broadcast %slice3A_3273 : vector<256x1xf32> to vector<256x256xf32>
    %mul3A_3364 = arith.mulf %min3A_3356, %mul3A_3363 : vector<256x256xf32>
    %add3A_3365 = arith.addf %sub3A_3297, %mul3A_3364 : vector<256x256xf32>
    %mul3A_3366 = vector.broadcast %slice3A_3284 : vector<1x256xf32> to vector<256x256xf32>
    %mul3A_3367 = arith.mulf %min3A_3346, %mul3A_3366 : vector<256x256xf32>
    %sub3A_3368 = arith.subf %add3A_3365, %mul3A_3367 : vector<256x256xf32>
    %mul3A_3369 = arith.mulf %sub3A_3362, %sub3A_3362 : vector<256x256xf32>
    %mul3A_3370 = arith.mulf %sub3A_3368, %sub3A_3368 : vector<256x256xf32>
    %add3A_3371 = arith.addf %mul3A_3369, %mul3A_3370 : vector<256x256xf32>
    %max3A_3372 = arith.constant 1.000000e-24 : f32
    %max3A_3373 = vector.broadcast %max3A_3372 : f32 to vector<256x256xf32>
    %max3A_3374 = arith.maximumf %add3A_3371, %max3A_3373 : vector<256x256xf32>
    %sqrt3A_3375 = math.sqrt %max3A_3374 : vector<256x256xf32>
    %sub3A_3376 = vector.broadcast %slice3A_3274 : vector<256x1xf32> to vector<256x256xf32>
    %sub3A_3377 = vector.broadcast %slice3A_3285 : vector<1x256xf32> to vector<256x256xf32>
    %sub3A_3378 = arith.subf %sub3A_3376, %sub3A_3377 : vector<256x256xf32>
    %sub3A_3379 = vector.broadcast %slice3A_3275 : vector<256x1xf32> to vector<256x256xf32>
    %sub3A_3380 = vector.broadcast %slice3A_3286 : vector<1x256xf32> to vector<256x256xf32>
    %sub3A_3381 = arith.subf %sub3A_3379, %sub3A_3380 : vector<256x256xf32>
    %add3A_3382 = vector.broadcast %slice3A_3278 : vector<256x1xf32> to vector<256x256xf32>
    %add3A_3383 = vector.broadcast %slice3A_3289 : vector<1x256xf32> to vector<256x256xf32>
    %add3A_3384 = arith.addf %add3A_3382, %add3A_3383 : vector<256x256xf32>
    %mul3A_3385 = arith.mulf %sub3A_3378, %sub3A_3378 : vector<256x256xf32>
    %mul3A_3386 = arith.mulf %sub3A_3381, %sub3A_3381 : vector<256x256xf32>
    %add3A_3387 = arith.addf %mul3A_3385, %mul3A_3386 : vector<256x256xf32>
    %mul3A_3388 = arith.mulf %add3A_3384, %add3A_3384 : vector<256x256xf32>
    %lt3A_3389 = arith.cmpf olt, %add3A_3387, %mul3A_3388 : vector<256x256xf32>
    %eq3A_3390 = vector.broadcast %slice3A_3279 : vector<256x1xi32> to vector<256x256xi32>
    %eq3A_3391 = vector.broadcast %slice3A_3290 : vector<1x256xi32> to vector<256x256xi32>
    %eq3A_3392 = arith.cmpi eq, %eq3A_3390, %eq3A_3391 : vector<256x256xi32>
    %eq3A_3393 = vector.broadcast %slice3A_3279 : vector<256x1xi32> to vector<256x256xi32>
    %eq3A_3394 = vector.broadcast %slice3A_3291 : vector<1x256xi32> to vector<256x256xi32>
    %eq3A_3395 = arith.cmpi eq, %eq3A_3393, %eq3A_3394 : vector<256x256xi32>
    %or3A_3396 = arith.ori %eq3A_3392, %eq3A_3395 : vector<256x256xi1>
    %eq3A_3397 = vector.broadcast %slice3A_3280 : vector<256x1xi32> to vector<256x256xi32>
    %eq3A_3398 = vector.broadcast %slice3A_3290 : vector<1x256xi32> to vector<256x256xi32>
    %eq3A_3399 = arith.cmpi eq, %eq3A_3397, %eq3A_3398 : vector<256x256xi32>
    %or3A_3400 = arith.ori %or3A_3396, %eq3A_3399 : vector<256x256xi1>
    %eq3A_3401 = vector.broadcast %slice3A_3280 : vector<256x1xi32> to vector<256x256xi32>
    %eq3A_3402 = vector.broadcast %slice3A_3291 : vector<1x256xi32> to vector<256x256xi32>
    %eq3A_3403 = arith.cmpi eq, %eq3A_3401, %eq3A_3402 : vector<256x256xi32>
    %or3A_3404 = arith.ori %or3A_3400, %eq3A_3403 : vector<256x256xi1>
    %not3A_3405 = arith.constant dense<true> : vector<256x256xi1>
    %not3A_3406 = arith.xori %or3A_3404, %not3A_3405 : vector<256x256xi1>
    %and3A_3407 = arith.andi %lt3A_3389, %not3A_3406 : vector<256x256xi1>
    %iota3A_3408 = tpu.iota {dimensions = array<i32: 0>} : vector<256x256xi32>
    %iota3A_3409 = tpu.iota {dimensions = array<i32: 1>} : vector<256x256xi32>
    %gt3A_3410 = arith.cmpi sgt, %iota3A_3409, %iota3A_3408 : vector<256x256xi32>
    %and3A_3411 = arith.andi %and3A_3407, %gt3A_3410 : vector<256x256xi1>
    %sub3A_3412 = arith.constant 1.000000e-03 : f32
    %sub3A_3413 = vector.broadcast %sub3A_3412 : f32 to vector<256x256xf32>
    %sub3A_3414 = arith.subf %sub3A_3413, %sqrt3A_3375 : vector<256x256xf32>
    %max3A_3415 = arith.constant 0.000000e+00 : f32
    %max3A_3416 = vector.broadcast %max3A_3415 : f32 to vector<256x256xf32>
    %max3A_3417 = arith.maximumf %sub3A_3414, %max3A_3416 : vector<256x256xf32>
    %jit3A_3418 = arith.constant 0.000000e+00 : f32
    %broadcast_in_dim3A_3419 = vector.broadcast %jit3A_3418 : f32 to vector<256x256xf32>
    %select_n3A_3420 = arith.select %and3A_3411, %max3A_3417, %broadcast_in_dim3A_3419 : vector<256x256xi1>, vector<256x256xf32>
    %reduce_sum3A_3421 = vector.shape_cast %select_n3A_3420 : vector<256x256xf32> to vector<1x256x256xf32>
    %reduce_sum3A_3422 = arith.constant dense<0.000000e+00> : vector<1xf32>
    %reduce_sum3A_3423 = vector.multi_reduction <add>, %reduce_sum3A_3421, %reduce_sum3A_3422 [1, 2] : vector<1x256x256xf32> to vector<1xf32>
    %reduce_sum3A_3424 = vector.shape_cast %reduce_sum3A_3423 : vector<1xf32> to vector<1x1x1xf32>
    %reduce_sum3A_3425 = vector.extract %reduce_sum3A_3424[0, 0, 0] : f32 from vector<1x1x1xf32>
    %add3A_3426 = arith.addf %add3A_3261, %reduce_sum3A_3425 : f32
    %convert_element_type3A_3427 = arith.extui %and3A_3411 : vector<256x256xi1> to vector<256x256xi32>
    %convert_element_type3A_3428 = arith.sitofp %convert_element_type3A_3427 : vector<256x256xi32> to vector<256x256xf32>
    %reduce_sum3A_3429 = vector.shape_cast %convert_element_type3A_3428 : vector<256x256xf32> to vector<1x256x256xf32>
    %reduce_sum3A_3430 = arith.constant dense<0.000000e+00> : vector<1xf32>
    %reduce_sum3A_3431 = vector.multi_reduction <add>, %reduce_sum3A_3429, %reduce_sum3A_3430 [1, 2] : vector<1x256x256xf32> to vector<1xf32>
    %reduce_sum3A_3432 = vector.shape_cast %reduce_sum3A_3431 : vector<1xf32> to vector<1x1x1xf32>
    %reduce_sum3A_3433 = vector.extract %reduce_sum3A_3432[0, 0, 0] : f32 from vector<1x1x1xf32>
    %add3A_3434 = arith.addf %add3A_3269, %reduce_sum3A_3433 : f32
    %slice3A_3435 = vector.extract_strided_slice %get3A_13 {offsets = [0, 1024], sizes = [1, 256], strides = [1, 1]} : vector<1x2048xf32> to vector<1x256xf32>
    %slice3A_3436 = vector.extract_strided_slice %get3A_16 {offsets = [0, 1024], sizes = [1, 256], strides = [1, 1]} : vector<1x2048xf32> to vector<1x256xf32>
    %slice3A_3437 = vector.extract_strided_slice %sub3A_58 {offsets = [0, 1024], sizes = [1, 256], strides = [1, 1]} : vector<1x2048xf32> to vector<1x256xf32>
    %slice3A_3438 = vector.extract_strided_slice %sub3A_59 {offsets = [0, 1024], sizes = [1, 256], strides = [1, 1]} : vector<1x2048xf32> to vector<1x256xf32>
    %slice3A_3439 = vector.extract_strided_slice %mul3A_63 {offsets = [0, 1024], sizes = [1, 256], strides = [1, 1]} : vector<1x2048xf32> to vector<1x256xf32>
    %slice3A_3440 = vector.extract_strided_slice %mul3A_67 {offsets = [0, 1024], sizes = [1, 256], strides = [1, 1]} : vector<1x2048xf32> to vector<1x256xf32>
    %slice3A_3441 = vector.extract_strided_slice %max3A_73 {offsets = [0, 1024], sizes = [1, 256], strides = [1, 1]} : vector<1x2048xf32> to vector<1x256xf32>
    %slice3A_3442 = vector.extract_strided_slice %div3A_76 {offsets = [0, 1024], sizes = [1, 256], strides = [1, 1]} : vector<1x2048xf32> to vector<1x256xf32>
    %slice3A_3443 = vector.extract_strided_slice %add3A_86 {offsets = [0, 1024], sizes = [1, 256], strides = [1, 1]} : vector<1x2048xf32> to vector<1x256xf32>
    %slice3A_3444 = vector.extract_strided_slice %get3A_31 {offsets = [0, 1024], sizes = [1, 256], strides = [1, 1]} : vector<1x2048xi32> to vector<1x256xi32>
    %slice3A_3445 = vector.extract_strided_slice %get3A_34 {offsets = [0, 1024], sizes = [1, 256], strides = [1, 1]} : vector<1x2048xi32> to vector<1x256xi32>
    %sub3A_3446 = vector.broadcast %slice3A_3270 : vector<256x1xf32> to vector<256x256xf32>
    %sub3A_3447 = vector.broadcast %slice3A_3435 : vector<1x256xf32> to vector<256x256xf32>
    %sub3A_3448 = arith.subf %sub3A_3446, %sub3A_3447 : vector<256x256xf32>
    %sub3A_3449 = vector.broadcast %slice3A_3271 : vector<256x1xf32> to vector<256x256xf32>
    %sub3A_3450 = vector.broadcast %slice3A_3436 : vector<1x256xf32> to vector<256x256xf32>
    %sub3A_3451 = arith.subf %sub3A_3449, %sub3A_3450 : vector<256x256xf32>
    %mul3A_3452 = vector.broadcast %slice3A_3272 : vector<256x1xf32> to vector<256x256xf32>
    %mul3A_3453 = vector.broadcast %slice3A_3437 : vector<1x256xf32> to vector<256x256xf32>
    %mul3A_3454 = arith.mulf %mul3A_3452, %mul3A_3453 : vector<256x256xf32>
    %mul3A_3455 = vector.broadcast %slice3A_3273 : vector<256x1xf32> to vector<256x256xf32>
    %mul3A_3456 = vector.broadcast %slice3A_3438 : vector<1x256xf32> to vector<256x256xf32>
    %mul3A_3457 = arith.mulf %mul3A_3455, %mul3A_3456 : vector<256x256xf32>
    %add3A_3458 = arith.addf %mul3A_3454, %mul3A_3457 : vector<256x256xf32>
    %mul3A_3459 = vector.broadcast %slice3A_3272 : vector<256x1xf32> to vector<256x256xf32>
    %mul3A_3460 = arith.mulf %mul3A_3459, %sub3A_3448 : vector<256x256xf32>
    %mul3A_3461 = vector.broadcast %slice3A_3273 : vector<256x1xf32> to vector<256x256xf32>
    %mul3A_3462 = arith.mulf %mul3A_3461, %sub3A_3451 : vector<256x256xf32>
    %add3A_3463 = arith.addf %mul3A_3460, %mul3A_3462 : vector<256x256xf32>
    %mul3A_3464 = vector.broadcast %slice3A_3437 : vector<1x256xf32> to vector<256x256xf32>
    %mul3A_3465 = arith.mulf %mul3A_3464, %sub3A_3448 : vector<256x256xf32>
    %mul3A_3466 = vector.broadcast %slice3A_3438 : vector<1x256xf32> to vector<256x256xf32>
    %mul3A_3467 = arith.mulf %mul3A_3466, %sub3A_3451 : vector<256x256xf32>
    %add3A_3468 = arith.addf %mul3A_3465, %mul3A_3467 : vector<256x256xf32>
    %mul3A_3469 = vector.broadcast %slice3A_3276 : vector<256x1xf32> to vector<256x256xf32>
    %mul3A_3470 = vector.broadcast %slice3A_3441 : vector<1x256xf32> to vector<256x256xf32>
    %mul3A_3471 = arith.mulf %mul3A_3469, %mul3A_3470 : vector<256x256xf32>
    %mul3A_3472 = arith.mulf %add3A_3458, %add3A_3458 : vector<256x256xf32>
    %sub3A_3473 = arith.subf %mul3A_3471, %mul3A_3472 : vector<256x256xf32>
    %max3A_3474 = arith.constant 9.99999996E-13 : f32
    %max3A_3475 = vector.broadcast %max3A_3474 : f32 to vector<256x256xf32>
    %max3A_3476 = arith.maximumf %sub3A_3473, %max3A_3475 : vector<256x256xf32>
    %div3A_3477 = arith.constant 1.000000e+00 : f32
    %div3A_3478 = vector.broadcast %div3A_3477 : f32 to vector<256x256xf32>
    %div3A_3479 = arith.divf %div3A_3478, %max3A_3476 : vector<256x256xf32>
    %mul3A_3480 = arith.mulf %add3A_3458, %add3A_3468 : vector<256x256xf32>
    %mul3A_3481 = vector.broadcast %slice3A_3441 : vector<1x256xf32> to vector<256x256xf32>
    %mul3A_3482 = arith.mulf %add3A_3463, %mul3A_3481 : vector<256x256xf32>
    %sub3A_3483 = arith.subf %mul3A_3480, %mul3A_3482 : vector<256x256xf32>
    %mul3A_3484 = arith.mulf %sub3A_3483, %div3A_3479 : vector<256x256xf32>
    %jit3A_3485 = arith.constant 0.000000e+00 : f32
    %jit3A_3486 = arith.constant 1.000000e+00 : f32
    %max3A_3487 = vector.broadcast %jit3A_3485 : f32 to vector<256x256xf32>
    %max3A_3488 = arith.maximumf %max3A_3487, %mul3A_3484 : vector<256x256xf32>
    %min3A_3489 = vector.broadcast %jit3A_3486 : f32 to vector<256x256xf32>
    %min3A_3490 = arith.minimumf %min3A_3489, %max3A_3488 : vector<256x256xf32>
    %mul3A_3491 = arith.mulf %add3A_3458, %min3A_3490 : vector<256x256xf32>
    %add3A_3492 = arith.addf %mul3A_3491, %add3A_3468 : vector<256x256xf32>
    %mul3A_3493 = vector.broadcast %slice3A_3442 : vector<1x256xf32> to vector<256x256xf32>
    %mul3A_3494 = arith.mulf %add3A_3492, %mul3A_3493 : vector<256x256xf32>
    %jit3A_3495 = arith.constant 0.000000e+00 : f32
    %jit3A_3496 = arith.constant 1.000000e+00 : f32
    %max3A_3497 = vector.broadcast %jit3A_3495 : f32 to vector<256x256xf32>
    %max3A_3498 = arith.maximumf %max3A_3497, %mul3A_3494 : vector<256x256xf32>
    %min3A_3499 = vector.broadcast %jit3A_3496 : f32 to vector<256x256xf32>
    %min3A_3500 = arith.minimumf %min3A_3499, %max3A_3498 : vector<256x256xf32>
    %mul3A_3501 = arith.mulf %add3A_3458, %min3A_3500 : vector<256x256xf32>
    %sub3A_3502 = arith.subf %mul3A_3501, %add3A_3463 : vector<256x256xf32>
    %mul3A_3503 = vector.broadcast %slice3A_3277 : vector<256x1xf32> to vector<256x256xf32>
    %mul3A_3504 = arith.mulf %sub3A_3502, %mul3A_3503 : vector<256x256xf32>
    %jit3A_3505 = arith.constant 0.000000e+00 : f32
    %jit3A_3506 = arith.constant 1.000000e+00 : f32
    %max3A_3507 = vector.broadcast %jit3A_3505 : f32 to vector<256x256xf32>
    %max3A_3508 = arith.maximumf %max3A_3507, %mul3A_3504 : vector<256x256xf32>
    %min3A_3509 = vector.broadcast %jit3A_3506 : f32 to vector<256x256xf32>
    %min3A_3510 = arith.minimumf %min3A_3509, %max3A_3508 : vector<256x256xf32>
    %mul3A_3511 = vector.broadcast %slice3A_3272 : vector<256x1xf32> to vector<256x256xf32>
    %mul3A_3512 = arith.mulf %min3A_3510, %mul3A_3511 : vector<256x256xf32>
    %add3A_3513 = arith.addf %sub3A_3448, %mul3A_3512 : vector<256x256xf32>
    %mul3A_3514 = vector.broadcast %slice3A_3437 : vector<1x256xf32> to vector<256x256xf32>
    %mul3A_3515 = arith.mulf %min3A_3500, %mul3A_3514 : vector<256x256xf32>
    %sub3A_3516 = arith.subf %add3A_3513, %mul3A_3515 : vector<256x256xf32>
    %mul3A_3517 = vector.broadcast %slice3A_3273 : vector<256x1xf32> to vector<256x256xf32>
    %mul3A_3518 = arith.mulf %min3A_3510, %mul3A_3517 : vector<256x256xf32>
    %add3A_3519 = arith.addf %sub3A_3451, %mul3A_3518 : vector<256x256xf32>
    %mul3A_3520 = vector.broadcast %slice3A_3438 : vector<1x256xf32> to vector<256x256xf32>
    %mul3A_3521 = arith.mulf %min3A_3500, %mul3A_3520 : vector<256x256xf32>
    %sub3A_3522 = arith.subf %add3A_3519, %mul3A_3521 : vector<256x256xf32>
    %mul3A_3523 = arith.mulf %sub3A_3516, %sub3A_3516 : vector<256x256xf32>
    %mul3A_3524 = arith.mulf %sub3A_3522, %sub3A_3522 : vector<256x256xf32>
    %add3A_3525 = arith.addf %mul3A_3523, %mul3A_3524 : vector<256x256xf32>
    %max3A_3526 = arith.constant 1.000000e-24 : f32
    %max3A_3527 = vector.broadcast %max3A_3526 : f32 to vector<256x256xf32>
    %max3A_3528 = arith.maximumf %add3A_3525, %max3A_3527 : vector<256x256xf32>
    %sqrt3A_3529 = math.sqrt %max3A_3528 : vector<256x256xf32>
    %sub3A_3530 = vector.broadcast %slice3A_3274 : vector<256x1xf32> to vector<256x256xf32>
    %sub3A_3531 = vector.broadcast %slice3A_3439 : vector<1x256xf32> to vector<256x256xf32>
    %sub3A_3532 = arith.subf %sub3A_3530, %sub3A_3531 : vector<256x256xf32>
    %sub3A_3533 = vector.broadcast %slice3A_3275 : vector<256x1xf32> to vector<256x256xf32>
    %sub3A_3534 = vector.broadcast %slice3A_3440 : vector<1x256xf32> to vector<256x256xf32>
    %sub3A_3535 = arith.subf %sub3A_3533, %sub3A_3534 : vector<256x256xf32>
    %add3A_3536 = vector.broadcast %slice3A_3278 : vector<256x1xf32> to vector<256x256xf32>
    %add3A_3537 = vector.broadcast %slice3A_3443 : vector<1x256xf32> to vector<256x256xf32>
    %add3A_3538 = arith.addf %add3A_3536, %add3A_3537 : vector<256x256xf32>
    %mul3A_3539 = arith.mulf %sub3A_3532, %sub3A_3532 : vector<256x256xf32>
    %mul3A_3540 = arith.mulf %sub3A_3535, %sub3A_3535 : vector<256x256xf32>
    %add3A_3541 = arith.addf %mul3A_3539, %mul3A_3540 : vector<256x256xf32>
    %mul3A_3542 = arith.mulf %add3A_3538, %add3A_3538 : vector<256x256xf32>
    %lt3A_3543 = arith.cmpf olt, %add3A_3541, %mul3A_3542 : vector<256x256xf32>
    %eq3A_3544 = vector.broadcast %slice3A_3279 : vector<256x1xi32> to vector<256x256xi32>
    %eq3A_3545 = vector.broadcast %slice3A_3444 : vector<1x256xi32> to vector<256x256xi32>
    %eq3A_3546 = arith.cmpi eq, %eq3A_3544, %eq3A_3545 : vector<256x256xi32>
    %eq3A_3547 = vector.broadcast %slice3A_3279 : vector<256x1xi32> to vector<256x256xi32>
    %eq3A_3548 = vector.broadcast %slice3A_3445 : vector<1x256xi32> to vector<256x256xi32>
    %eq3A_3549 = arith.cmpi eq, %eq3A_3547, %eq3A_3548 : vector<256x256xi32>
    %or3A_3550 = arith.ori %eq3A_3546, %eq3A_3549 : vector<256x256xi1>
    %eq3A_3551 = vector.broadcast %slice3A_3280 : vector<256x1xi32> to vector<256x256xi32>
    %eq3A_3552 = vector.broadcast %slice3A_3444 : vector<1x256xi32> to vector<256x256xi32>
    %eq3A_3553 = arith.cmpi eq, %eq3A_3551, %eq3A_3552 : vector<256x256xi32>
    %or3A_3554 = arith.ori %or3A_3550, %eq3A_3553 : vector<256x256xi1>
    %eq3A_3555 = vector.broadcast %slice3A_3280 : vector<256x1xi32> to vector<256x256xi32>
    %eq3A_3556 = vector.broadcast %slice3A_3445 : vector<1x256xi32> to vector<256x256xi32>
    %eq3A_3557 = arith.cmpi eq, %eq3A_3555, %eq3A_3556 : vector<256x256xi32>
    %or3A_3558 = arith.ori %or3A_3554, %eq3A_3557 : vector<256x256xi1>
    %not3A_3559 = arith.constant dense<true> : vector<256x256xi1>
    %not3A_3560 = arith.xori %or3A_3558, %not3A_3559 : vector<256x256xi1>
    %and3A_3561 = arith.andi %lt3A_3543, %not3A_3560 : vector<256x256xi1>
    %sub3A_3562 = arith.constant 1.000000e-03 : f32
    %sub3A_3563 = vector.broadcast %sub3A_3562 : f32 to vector<256x256xf32>
    %sub3A_3564 = arith.subf %sub3A_3563, %sqrt3A_3529 : vector<256x256xf32>
    %max3A_3565 = arith.constant 0.000000e+00 : f32
    %max3A_3566 = vector.broadcast %max3A_3565 : f32 to vector<256x256xf32>
    %max3A_3567 = arith.maximumf %sub3A_3564, %max3A_3566 : vector<256x256xf32>
    %jit3A_3568 = arith.constant 0.000000e+00 : f32
    %broadcast_in_dim3A_3569 = vector.broadcast %jit3A_3568 : f32 to vector<256x256xf32>
    %select_n3A_3570 = arith.select %and3A_3561, %max3A_3567, %broadcast_in_dim3A_3569 : vector<256x256xi1>, vector<256x256xf32>
    %reduce_sum3A_3571 = vector.shape_cast %select_n3A_3570 : vector<256x256xf32> to vector<1x256x256xf32>
    %reduce_sum3A_3572 = arith.constant dense<0.000000e+00> : vector<1xf32>
    %reduce_sum3A_3573 = vector.multi_reduction <add>, %reduce_sum3A_3571, %reduce_sum3A_3572 [1, 2] : vector<1x256x256xf32> to vector<1xf32>
    %reduce_sum3A_3574 = vector.shape_cast %reduce_sum3A_3573 : vector<1xf32> to vector<1x1x1xf32>
    %reduce_sum3A_3575 = vector.extract %reduce_sum3A_3574[0, 0, 0] : f32 from vector<1x1x1xf32>
    %add3A_3576 = arith.addf %add3A_3426, %reduce_sum3A_3575 : f32
    %convert_element_type3A_3577 = arith.extui %and3A_3561 : vector<256x256xi1> to vector<256x256xi32>
    %convert_element_type3A_3578 = arith.sitofp %convert_element_type3A_3577 : vector<256x256xi32> to vector<256x256xf32>
    %reduce_sum3A_3579 = vector.shape_cast %convert_element_type3A_3578 : vector<256x256xf32> to vector<1x256x256xf32>
    %reduce_sum3A_3580 = arith.constant dense<0.000000e+00> : vector<1xf32>
    %reduce_sum3A_3581 = vector.multi_reduction <add>, %reduce_sum3A_3579, %reduce_sum3A_3580 [1, 2] : vector<1x256x256xf32> to vector<1xf32>
    %reduce_sum3A_3582 = vector.shape_cast %reduce_sum3A_3581 : vector<1xf32> to vector<1x1x1xf32>
    %reduce_sum3A_3583 = vector.extract %reduce_sum3A_3582[0, 0, 0] : f32 from vector<1x1x1xf32>
    %add3A_3584 = arith.addf %add3A_3434, %reduce_sum3A_3583 : f32
    %slice3A_3585 = vector.extract_strided_slice %get3A_13 {offsets = [0, 1280], sizes = [1, 256], strides = [1, 1]} : vector<1x2048xf32> to vector<1x256xf32>
    %slice3A_3586 = vector.extract_strided_slice %get3A_16 {offsets = [0, 1280], sizes = [1, 256], strides = [1, 1]} : vector<1x2048xf32> to vector<1x256xf32>
    %slice3A_3587 = vector.extract_strided_slice %sub3A_58 {offsets = [0, 1280], sizes = [1, 256], strides = [1, 1]} : vector<1x2048xf32> to vector<1x256xf32>
    %slice3A_3588 = vector.extract_strided_slice %sub3A_59 {offsets = [0, 1280], sizes = [1, 256], strides = [1, 1]} : vector<1x2048xf32> to vector<1x256xf32>
    %slice3A_3589 = vector.extract_strided_slice %mul3A_63 {offsets = [0, 1280], sizes = [1, 256], strides = [1, 1]} : vector<1x2048xf32> to vector<1x256xf32>
    %slice3A_3590 = vector.extract_strided_slice %mul3A_67 {offsets = [0, 1280], sizes = [1, 256], strides = [1, 1]} : vector<1x2048xf32> to vector<1x256xf32>
    %slice3A_3591 = vector.extract_strided_slice %max3A_73 {offsets = [0, 1280], sizes = [1, 256], strides = [1, 1]} : vector<1x2048xf32> to vector<1x256xf32>
    %slice3A_3592 = vector.extract_strided_slice %div3A_76 {offsets = [0, 1280], sizes = [1, 256], strides = [1, 1]} : vector<1x2048xf32> to vector<1x256xf32>
    %slice3A_3593 = vector.extract_strided_slice %add3A_86 {offsets = [0, 1280], sizes = [1, 256], strides = [1, 1]} : vector<1x2048xf32> to vector<1x256xf32>
    %slice3A_3594 = vector.extract_strided_slice %get3A_31 {offsets = [0, 1280], sizes = [1, 256], strides = [1, 1]} : vector<1x2048xi32> to vector<1x256xi32>
    %slice3A_3595 = vector.extract_strided_slice %get3A_34 {offsets = [0, 1280], sizes = [1, 256], strides = [1, 1]} : vector<1x2048xi32> to vector<1x256xi32>
    %sub3A_3596 = vector.broadcast %slice3A_3270 : vector<256x1xf32> to vector<256x256xf32>
    %sub3A_3597 = vector.broadcast %slice3A_3585 : vector<1x256xf32> to vector<256x256xf32>
    %sub3A_3598 = arith.subf %sub3A_3596, %sub3A_3597 : vector<256x256xf32>
    %sub3A_3599 = vector.broadcast %slice3A_3271 : vector<256x1xf32> to vector<256x256xf32>
    %sub3A_3600 = vector.broadcast %slice3A_3586 : vector<1x256xf32> to vector<256x256xf32>
    %sub3A_3601 = arith.subf %sub3A_3599, %sub3A_3600 : vector<256x256xf32>
    %mul3A_3602 = vector.broadcast %slice3A_3272 : vector<256x1xf32> to vector<256x256xf32>
    %mul3A_3603 = vector.broadcast %slice3A_3587 : vector<1x256xf32> to vector<256x256xf32>
    %mul3A_3604 = arith.mulf %mul3A_3602, %mul3A_3603 : vector<256x256xf32>
    %mul3A_3605 = vector.broadcast %slice3A_3273 : vector<256x1xf32> to vector<256x256xf32>
    %mul3A_3606 = vector.broadcast %slice3A_3588 : vector<1x256xf32> to vector<256x256xf32>
    %mul3A_3607 = arith.mulf %mul3A_3605, %mul3A_3606 : vector<256x256xf32>
    %add3A_3608 = arith.addf %mul3A_3604, %mul3A_3607 : vector<256x256xf32>
    %mul3A_3609 = vector.broadcast %slice3A_3272 : vector<256x1xf32> to vector<256x256xf32>
    %mul3A_3610 = arith.mulf %mul3A_3609, %sub3A_3598 : vector<256x256xf32>
    %mul3A_3611 = vector.broadcast %slice3A_3273 : vector<256x1xf32> to vector<256x256xf32>
    %mul3A_3612 = arith.mulf %mul3A_3611, %sub3A_3601 : vector<256x256xf32>
    %add3A_3613 = arith.addf %mul3A_3610, %mul3A_3612 : vector<256x256xf32>
    %mul3A_3614 = vector.broadcast %slice3A_3587 : vector<1x256xf32> to vector<256x256xf32>
    %mul3A_3615 = arith.mulf %mul3A_3614, %sub3A_3598 : vector<256x256xf32>
    %mul3A_3616 = vector.broadcast %slice3A_3588 : vector<1x256xf32> to vector<256x256xf32>
    %mul3A_3617 = arith.mulf %mul3A_3616, %sub3A_3601 : vector<256x256xf32>
    %add3A_3618 = arith.addf %mul3A_3615, %mul3A_3617 : vector<256x256xf32>
    %mul3A_3619 = vector.broadcast %slice3A_3276 : vector<256x1xf32> to vector<256x256xf32>
    %mul3A_3620 = vector.broadcast %slice3A_3591 : vector<1x256xf32> to vector<256x256xf32>
    %mul3A_3621 = arith.mulf %mul3A_3619, %mul3A_3620 : vector<256x256xf32>
    %mul3A_3622 = arith.mulf %add3A_3608, %add3A_3608 : vector<256x256xf32>
    %sub3A_3623 = arith.subf %mul3A_3621, %mul3A_3622 : vector<256x256xf32>
    %max3A_3624 = arith.constant 9.99999996E-13 : f32
    %max3A_3625 = vector.broadcast %max3A_3624 : f32 to vector<256x256xf32>
    %max3A_3626 = arith.maximumf %sub3A_3623, %max3A_3625 : vector<256x256xf32>
    %div3A_3627 = arith.constant 1.000000e+00 : f32
    %div3A_3628 = vector.broadcast %div3A_3627 : f32 to vector<256x256xf32>
    %div3A_3629 = arith.divf %div3A_3628, %max3A_3626 : vector<256x256xf32>
    %mul3A_3630 = arith.mulf %add3A_3608, %add3A_3618 : vector<256x256xf32>
    %mul3A_3631 = vector.broadcast %slice3A_3591 : vector<1x256xf32> to vector<256x256xf32>
    %mul3A_3632 = arith.mulf %add3A_3613, %mul3A_3631 : vector<256x256xf32>
    %sub3A_3633 = arith.subf %mul3A_3630, %mul3A_3632 : vector<256x256xf32>
    %mul3A_3634 = arith.mulf %sub3A_3633, %div3A_3629 : vector<256x256xf32>
    %jit3A_3635 = arith.constant 0.000000e+00 : f32
    %jit3A_3636 = arith.constant 1.000000e+00 : f32
    %max3A_3637 = vector.broadcast %jit3A_3635 : f32 to vector<256x256xf32>
    %max3A_3638 = arith.maximumf %max3A_3637, %mul3A_3634 : vector<256x256xf32>
    %min3A_3639 = vector.broadcast %jit3A_3636 : f32 to vector<256x256xf32>
    %min3A_3640 = arith.minimumf %min3A_3639, %max3A_3638 : vector<256x256xf32>
    %mul3A_3641 = arith.mulf %add3A_3608, %min3A_3640 : vector<256x256xf32>
    %add3A_3642 = arith.addf %mul3A_3641, %add3A_3618 : vector<256x256xf32>
    %mul3A_3643 = vector.broadcast %slice3A_3592 : vector<1x256xf32> to vector<256x256xf32>
    %mul3A_3644 = arith.mulf %add3A_3642, %mul3A_3643 : vector<256x256xf32>
    %jit3A_3645 = arith.constant 0.000000e+00 : f32
    %jit3A_3646 = arith.constant 1.000000e+00 : f32
    %max3A_3647 = vector.broadcast %jit3A_3645 : f32 to vector<256x256xf32>
    %max3A_3648 = arith.maximumf %max3A_3647, %mul3A_3644 : vector<256x256xf32>
    %min3A_3649 = vector.broadcast %jit3A_3646 : f32 to vector<256x256xf32>
    %min3A_3650 = arith.minimumf %min3A_3649, %max3A_3648 : vector<256x256xf32>
    %mul3A_3651 = arith.mulf %add3A_3608, %min3A_3650 : vector<256x256xf32>
    %sub3A_3652 = arith.subf %mul3A_3651, %add3A_3613 : vector<256x256xf32>
    %mul3A_3653 = vector.broadcast %slice3A_3277 : vector<256x1xf32> to vector<256x256xf32>
    %mul3A_3654 = arith.mulf %sub3A_3652, %mul3A_3653 : vector<256x256xf32>
    %jit3A_3655 = arith.constant 0.000000e+00 : f32
    %jit3A_3656 = arith.constant 1.000000e+00 : f32
    %max3A_3657 = vector.broadcast %jit3A_3655 : f32 to vector<256x256xf32>
    %max3A_3658 = arith.maximumf %max3A_3657, %mul3A_3654 : vector<256x256xf32>
    %min3A_3659 = vector.broadcast %jit3A_3656 : f32 to vector<256x256xf32>
    %min3A_3660 = arith.minimumf %min3A_3659, %max3A_3658 : vector<256x256xf32>
    %mul3A_3661 = vector.broadcast %slice3A_3272 : vector<256x1xf32> to vector<256x256xf32>
    %mul3A_3662 = arith.mulf %min3A_3660, %mul3A_3661 : vector<256x256xf32>
    %add3A_3663 = arith.addf %sub3A_3598, %mul3A_3662 : vector<256x256xf32>
    %mul3A_3664 = vector.broadcast %slice3A_3587 : vector<1x256xf32> to vector<256x256xf32>
    %mul3A_3665 = arith.mulf %min3A_3650, %mul3A_3664 : vector<256x256xf32>
    %sub3A_3666 = arith.subf %add3A_3663, %mul3A_3665 : vector<256x256xf32>
    %mul3A_3667 = vector.broadcast %slice3A_3273 : vector<256x1xf32> to vector<256x256xf32>
    %mul3A_3668 = arith.mulf %min3A_3660, %mul3A_3667 : vector<256x256xf32>
    %add3A_3669 = arith.addf %sub3A_3601, %mul3A_3668 : vector<256x256xf32>
    %mul3A_3670 = vector.broadcast %slice3A_3588 : vector<1x256xf32> to vector<256x256xf32>
    %mul3A_3671 = arith.mulf %min3A_3650, %mul3A_3670 : vector<256x256xf32>
    %sub3A_3672 = arith.subf %add3A_3669, %mul3A_3671 : vector<256x256xf32>
    %mul3A_3673 = arith.mulf %sub3A_3666, %sub3A_3666 : vector<256x256xf32>
    %mul3A_3674 = arith.mulf %sub3A_3672, %sub3A_3672 : vector<256x256xf32>
    %add3A_3675 = arith.addf %mul3A_3673, %mul3A_3674 : vector<256x256xf32>
    %max3A_3676 = arith.constant 1.000000e-24 : f32
    %max3A_3677 = vector.broadcast %max3A_3676 : f32 to vector<256x256xf32>
    %max3A_3678 = arith.maximumf %add3A_3675, %max3A_3677 : vector<256x256xf32>
    %sqrt3A_3679 = math.sqrt %max3A_3678 : vector<256x256xf32>
    %sub3A_3680 = vector.broadcast %slice3A_3274 : vector<256x1xf32> to vector<256x256xf32>
    %sub3A_3681 = vector.broadcast %slice3A_3589 : vector<1x256xf32> to vector<256x256xf32>
    %sub3A_3682 = arith.subf %sub3A_3680, %sub3A_3681 : vector<256x256xf32>
    %sub3A_3683 = vector.broadcast %slice3A_3275 : vector<256x1xf32> to vector<256x256xf32>
    %sub3A_3684 = vector.broadcast %slice3A_3590 : vector<1x256xf32> to vector<256x256xf32>
    %sub3A_3685 = arith.subf %sub3A_3683, %sub3A_3684 : vector<256x256xf32>
    %add3A_3686 = vector.broadcast %slice3A_3278 : vector<256x1xf32> to vector<256x256xf32>
    %add3A_3687 = vector.broadcast %slice3A_3593 : vector<1x256xf32> to vector<256x256xf32>
    %add3A_3688 = arith.addf %add3A_3686, %add3A_3687 : vector<256x256xf32>
    %mul3A_3689 = arith.mulf %sub3A_3682, %sub3A_3682 : vector<256x256xf32>
    %mul3A_3690 = arith.mulf %sub3A_3685, %sub3A_3685 : vector<256x256xf32>
    %add3A_3691 = arith.addf %mul3A_3689, %mul3A_3690 : vector<256x256xf32>
    %mul3A_3692 = arith.mulf %add3A_3688, %add3A_3688 : vector<256x256xf32>
    %lt3A_3693 = arith.cmpf olt, %add3A_3691, %mul3A_3692 : vector<256x256xf32>
    %eq3A_3694 = vector.broadcast %slice3A_3279 : vector<256x1xi32> to vector<256x256xi32>
    %eq3A_3695 = vector.broadcast %slice3A_3594 : vector<1x256xi32> to vector<256x256xi32>
    %eq3A_3696 = arith.cmpi eq, %eq3A_3694, %eq3A_3695 : vector<256x256xi32>
    %eq3A_3697 = vector.broadcast %slice3A_3279 : vector<256x1xi32> to vector<256x256xi32>
    %eq3A_3698 = vector.broadcast %slice3A_3595 : vector<1x256xi32> to vector<256x256xi32>
    %eq3A_3699 = arith.cmpi eq, %eq3A_3697, %eq3A_3698 : vector<256x256xi32>
    %or3A_3700 = arith.ori %eq3A_3696, %eq3A_3699 : vector<256x256xi1>
    %eq3A_3701 = vector.broadcast %slice3A_3280 : vector<256x1xi32> to vector<256x256xi32>
    %eq3A_3702 = vector.broadcast %slice3A_3594 : vector<1x256xi32> to vector<256x256xi32>
    %eq3A_3703 = arith.cmpi eq, %eq3A_3701, %eq3A_3702 : vector<256x256xi32>
    %or3A_3704 = arith.ori %or3A_3700, %eq3A_3703 : vector<256x256xi1>
    %eq3A_3705 = vector.broadcast %slice3A_3280 : vector<256x1xi32> to vector<256x256xi32>
    %eq3A_3706 = vector.broadcast %slice3A_3595 : vector<1x256xi32> to vector<256x256xi32>
    %eq3A_3707 = arith.cmpi eq, %eq3A_3705, %eq3A_3706 : vector<256x256xi32>
    %or3A_3708 = arith.ori %or3A_3704, %eq3A_3707 : vector<256x256xi1>
    %not3A_3709 = arith.constant dense<true> : vector<256x256xi1>
    %not3A_3710 = arith.xori %or3A_3708, %not3A_3709 : vector<256x256xi1>
    %and3A_3711 = arith.andi %lt3A_3693, %not3A_3710 : vector<256x256xi1>
    %sub3A_3712 = arith.constant 1.000000e-03 : f32
    %sub3A_3713 = vector.broadcast %sub3A_3712 : f32 to vector<256x256xf32>
    %sub3A_3714 = arith.subf %sub3A_3713, %sqrt3A_3679 : vector<256x256xf32>
    %max3A_3715 = arith.constant 0.000000e+00 : f32
    %max3A_3716 = vector.broadcast %max3A_3715 : f32 to vector<256x256xf32>
    %max3A_3717 = arith.maximumf %sub3A_3714, %max3A_3716 : vector<256x256xf32>
    %jit3A_3718 = arith.constant 0.000000e+00 : f32
    %broadcast_in_dim3A_3719 = vector.broadcast %jit3A_3718 : f32 to vector<256x256xf32>
    %select_n3A_3720 = arith.select %and3A_3711, %max3A_3717, %broadcast_in_dim3A_3719 : vector<256x256xi1>, vector<256x256xf32>
    %reduce_sum3A_3721 = vector.shape_cast %select_n3A_3720 : vector<256x256xf32> to vector<1x256x256xf32>
    %reduce_sum3A_3722 = arith.constant dense<0.000000e+00> : vector<1xf32>
    %reduce_sum3A_3723 = vector.multi_reduction <add>, %reduce_sum3A_3721, %reduce_sum3A_3722 [1, 2] : vector<1x256x256xf32> to vector<1xf32>
    %reduce_sum3A_3724 = vector.shape_cast %reduce_sum3A_3723 : vector<1xf32> to vector<1x1x1xf32>
    %reduce_sum3A_3725 = vector.extract %reduce_sum3A_3724[0, 0, 0] : f32 from vector<1x1x1xf32>
    %add3A_3726 = arith.addf %add3A_3576, %reduce_sum3A_3725 : f32
    %convert_element_type3A_3727 = arith.extui %and3A_3711 : vector<256x256xi1> to vector<256x256xi32>
    %convert_element_type3A_3728 = arith.sitofp %convert_element_type3A_3727 : vector<256x256xi32> to vector<256x256xf32>
    %reduce_sum3A_3729 = vector.shape_cast %convert_element_type3A_3728 : vector<256x256xf32> to vector<1x256x256xf32>
    %reduce_sum3A_3730 = arith.constant dense<0.000000e+00> : vector<1xf32>
    %reduce_sum3A_3731 = vector.multi_reduction <add>, %reduce_sum3A_3729, %reduce_sum3A_3730 [1, 2] : vector<1x256x256xf32> to vector<1xf32>
    %reduce_sum3A_3732 = vector.shape_cast %reduce_sum3A_3731 : vector<1xf32> to vector<1x1x1xf32>
    %reduce_sum3A_3733 = vector.extract %reduce_sum3A_3732[0, 0, 0] : f32 from vector<1x1x1xf32>
    %add3A_3734 = arith.addf %add3A_3584, %reduce_sum3A_3733 : f32
    %slice3A_3735 = vector.extract_strided_slice %get3A_13 {offsets = [0, 1536], sizes = [1, 256], strides = [1, 1]} : vector<1x2048xf32> to vector<1x256xf32>
    %slice3A_3736 = vector.extract_strided_slice %get3A_16 {offsets = [0, 1536], sizes = [1, 256], strides = [1, 1]} : vector<1x2048xf32> to vector<1x256xf32>
    %slice3A_3737 = vector.extract_strided_slice %sub3A_58 {offsets = [0, 1536], sizes = [1, 256], strides = [1, 1]} : vector<1x2048xf32> to vector<1x256xf32>
    %slice3A_3738 = vector.extract_strided_slice %sub3A_59 {offsets = [0, 1536], sizes = [1, 256], strides = [1, 1]} : vector<1x2048xf32> to vector<1x256xf32>
    %slice3A_3739 = vector.extract_strided_slice %mul3A_63 {offsets = [0, 1536], sizes = [1, 256], strides = [1, 1]} : vector<1x2048xf32> to vector<1x256xf32>
    %slice3A_3740 = vector.extract_strided_slice %mul3A_67 {offsets = [0, 1536], sizes = [1, 256], strides = [1, 1]} : vector<1x2048xf32> to vector<1x256xf32>
    %slice3A_3741 = vector.extract_strided_slice %max3A_73 {offsets = [0, 1536], sizes = [1, 256], strides = [1, 1]} : vector<1x2048xf32> to vector<1x256xf32>
    %slice3A_3742 = vector.extract_strided_slice %div3A_76 {offsets = [0, 1536], sizes = [1, 256], strides = [1, 1]} : vector<1x2048xf32> to vector<1x256xf32>
    %slice3A_3743 = vector.extract_strided_slice %add3A_86 {offsets = [0, 1536], sizes = [1, 256], strides = [1, 1]} : vector<1x2048xf32> to vector<1x256xf32>
    %slice3A_3744 = vector.extract_strided_slice %get3A_31 {offsets = [0, 1536], sizes = [1, 256], strides = [1, 1]} : vector<1x2048xi32> to vector<1x256xi32>
    %slice3A_3745 = vector.extract_strided_slice %get3A_34 {offsets = [0, 1536], sizes = [1, 256], strides = [1, 1]} : vector<1x2048xi32> to vector<1x256xi32>
    %sub3A_3746 = vector.broadcast %slice3A_3270 : vector<256x1xf32> to vector<256x256xf32>
    %sub3A_3747 = vector.broadcast %slice3A_3735 : vector<1x256xf32> to vector<256x256xf32>
    %sub3A_3748 = arith.subf %sub3A_3746, %sub3A_3747 : vector<256x256xf32>
    %sub3A_3749 = vector.broadcast %slice3A_3271 : vector<256x1xf32> to vector<256x256xf32>
    %sub3A_3750 = vector.broadcast %slice3A_3736 : vector<1x256xf32> to vector<256x256xf32>
    %sub3A_3751 = arith.subf %sub3A_3749, %sub3A_3750 : vector<256x256xf32>
    %mul3A_3752 = vector.broadcast %slice3A_3272 : vector<256x1xf32> to vector<256x256xf32>
    %mul3A_3753 = vector.broadcast %slice3A_3737 : vector<1x256xf32> to vector<256x256xf32>
    %mul3A_3754 = arith.mulf %mul3A_3752, %mul3A_3753 : vector<256x256xf32>
    %mul3A_3755 = vector.broadcast %slice3A_3273 : vector<256x1xf32> to vector<256x256xf32>
    %mul3A_3756 = vector.broadcast %slice3A_3738 : vector<1x256xf32> to vector<256x256xf32>
    %mul3A_3757 = arith.mulf %mul3A_3755, %mul3A_3756 : vector<256x256xf32>
    %add3A_3758 = arith.addf %mul3A_3754, %mul3A_3757 : vector<256x256xf32>
    %mul3A_3759 = vector.broadcast %slice3A_3272 : vector<256x1xf32> to vector<256x256xf32>
    %mul3A_3760 = arith.mulf %mul3A_3759, %sub3A_3748 : vector<256x256xf32>
    %mul3A_3761 = vector.broadcast %slice3A_3273 : vector<256x1xf32> to vector<256x256xf32>
    %mul3A_3762 = arith.mulf %mul3A_3761, %sub3A_3751 : vector<256x256xf32>
    %add3A_3763 = arith.addf %mul3A_3760, %mul3A_3762 : vector<256x256xf32>
    %mul3A_3764 = vector.broadcast %slice3A_3737 : vector<1x256xf32> to vector<256x256xf32>
    %mul3A_3765 = arith.mulf %mul3A_3764, %sub3A_3748 : vector<256x256xf32>
    %mul3A_3766 = vector.broadcast %slice3A_3738 : vector<1x256xf32> to vector<256x256xf32>
    %mul3A_3767 = arith.mulf %mul3A_3766, %sub3A_3751 : vector<256x256xf32>
    %add3A_3768 = arith.addf %mul3A_3765, %mul3A_3767 : vector<256x256xf32>
    %mul3A_3769 = vector.broadcast %slice3A_3276 : vector<256x1xf32> to vector<256x256xf32>
    %mul3A_3770 = vector.broadcast %slice3A_3741 : vector<1x256xf32> to vector<256x256xf32>
    %mul3A_3771 = arith.mulf %mul3A_3769, %mul3A_3770 : vector<256x256xf32>
    %mul3A_3772 = arith.mulf %add3A_3758, %add3A_3758 : vector<256x256xf32>
    %sub3A_3773 = arith.subf %mul3A_3771, %mul3A_3772 : vector<256x256xf32>
    %max3A_3774 = arith.constant 9.99999996E-13 : f32
    %max3A_3775 = vector.broadcast %max3A_3774 : f32 to vector<256x256xf32>
    %max3A_3776 = arith.maximumf %sub3A_3773, %max3A_3775 : vector<256x256xf32>
    %div3A_3777 = arith.constant 1.000000e+00 : f32
    %div3A_3778 = vector.broadcast %div3A_3777 : f32 to vector<256x256xf32>
    %div3A_3779 = arith.divf %div3A_3778, %max3A_3776 : vector<256x256xf32>
    %mul3A_3780 = arith.mulf %add3A_3758, %add3A_3768 : vector<256x256xf32>
    %mul3A_3781 = vector.broadcast %slice3A_3741 : vector<1x256xf32> to vector<256x256xf32>
    %mul3A_3782 = arith.mulf %add3A_3763, %mul3A_3781 : vector<256x256xf32>
    %sub3A_3783 = arith.subf %mul3A_3780, %mul3A_3782 : vector<256x256xf32>
    %mul3A_3784 = arith.mulf %sub3A_3783, %div3A_3779 : vector<256x256xf32>
    %jit3A_3785 = arith.constant 0.000000e+00 : f32
    %jit3A_3786 = arith.constant 1.000000e+00 : f32
    %max3A_3787 = vector.broadcast %jit3A_3785 : f32 to vector<256x256xf32>
    %max3A_3788 = arith.maximumf %max3A_3787, %mul3A_3784 : vector<256x256xf32>
    %min3A_3789 = vector.broadcast %jit3A_3786 : f32 to vector<256x256xf32>
    %min3A_3790 = arith.minimumf %min3A_3789, %max3A_3788 : vector<256x256xf32>
    %mul3A_3791 = arith.mulf %add3A_3758, %min3A_3790 : vector<256x256xf32>
    %add3A_3792 = arith.addf %mul3A_3791, %add3A_3768 : vector<256x256xf32>
    %mul3A_3793 = vector.broadcast %slice3A_3742 : vector<1x256xf32> to vector<256x256xf32>
    %mul3A_3794 = arith.mulf %add3A_3792, %mul3A_3793 : vector<256x256xf32>
    %jit3A_3795 = arith.constant 0.000000e+00 : f32
    %jit3A_3796 = arith.constant 1.000000e+00 : f32
    %max3A_3797 = vector.broadcast %jit3A_3795 : f32 to vector<256x256xf32>
    %max3A_3798 = arith.maximumf %max3A_3797, %mul3A_3794 : vector<256x256xf32>
    %min3A_3799 = vector.broadcast %jit3A_3796 : f32 to vector<256x256xf32>
    %min3A_3800 = arith.minimumf %min3A_3799, %max3A_3798 : vector<256x256xf32>
    %mul3A_3801 = arith.mulf %add3A_3758, %min3A_3800 : vector<256x256xf32>
    %sub3A_3802 = arith.subf %mul3A_3801, %add3A_3763 : vector<256x256xf32>
    %mul3A_3803 = vector.broadcast %slice3A_3277 : vector<256x1xf32> to vector<256x256xf32>
    %mul3A_3804 = arith.mulf %sub3A_3802, %mul3A_3803 : vector<256x256xf32>
    %jit3A_3805 = arith.constant 0.000000e+00 : f32
    %jit3A_3806 = arith.constant 1.000000e+00 : f32
    %max3A_3807 = vector.broadcast %jit3A_3805 : f32 to vector<256x256xf32>
    %max3A_3808 = arith.maximumf %max3A_3807, %mul3A_3804 : vector<256x256xf32>
    %min3A_3809 = vector.broadcast %jit3A_3806 : f32 to vector<256x256xf32>
    %min3A_3810 = arith.minimumf %min3A_3809, %max3A_3808 : vector<256x256xf32>
    %mul3A_3811 = vector.broadcast %slice3A_3272 : vector<256x1xf32> to vector<256x256xf32>
    %mul3A_3812 = arith.mulf %min3A_3810, %mul3A_3811 : vector<256x256xf32>
    %add3A_3813 = arith.addf %sub3A_3748, %mul3A_3812 : vector<256x256xf32>
    %mul3A_3814 = vector.broadcast %slice3A_3737 : vector<1x256xf32> to vector<256x256xf32>
    %mul3A_3815 = arith.mulf %min3A_3800, %mul3A_3814 : vector<256x256xf32>
    %sub3A_3816 = arith.subf %add3A_3813, %mul3A_3815 : vector<256x256xf32>
    %mul3A_3817 = vector.broadcast %slice3A_3273 : vector<256x1xf32> to vector<256x256xf32>
    %mul3A_3818 = arith.mulf %min3A_3810, %mul3A_3817 : vector<256x256xf32>
    %add3A_3819 = arith.addf %sub3A_3751, %mul3A_3818 : vector<256x256xf32>
    %mul3A_3820 = vector.broadcast %slice3A_3738 : vector<1x256xf32> to vector<256x256xf32>
    %mul3A_3821 = arith.mulf %min3A_3800, %mul3A_3820 : vector<256x256xf32>
    %sub3A_3822 = arith.subf %add3A_3819, %mul3A_3821 : vector<256x256xf32>
    %mul3A_3823 = arith.mulf %sub3A_3816, %sub3A_3816 : vector<256x256xf32>
    %mul3A_3824 = arith.mulf %sub3A_3822, %sub3A_3822 : vector<256x256xf32>
    %add3A_3825 = arith.addf %mul3A_3823, %mul3A_3824 : vector<256x256xf32>
    %max3A_3826 = arith.constant 1.000000e-24 : f32
    %max3A_3827 = vector.broadcast %max3A_3826 : f32 to vector<256x256xf32>
    %max3A_3828 = arith.maximumf %add3A_3825, %max3A_3827 : vector<256x256xf32>
    %sqrt3A_3829 = math.sqrt %max3A_3828 : vector<256x256xf32>
    %sub3A_3830 = vector.broadcast %slice3A_3274 : vector<256x1xf32> to vector<256x256xf32>
    %sub3A_3831 = vector.broadcast %slice3A_3739 : vector<1x256xf32> to vector<256x256xf32>
    %sub3A_3832 = arith.subf %sub3A_3830, %sub3A_3831 : vector<256x256xf32>
    %sub3A_3833 = vector.broadcast %slice3A_3275 : vector<256x1xf32> to vector<256x256xf32>
    %sub3A_3834 = vector.broadcast %slice3A_3740 : vector<1x256xf32> to vector<256x256xf32>
    %sub3A_3835 = arith.subf %sub3A_3833, %sub3A_3834 : vector<256x256xf32>
    %add3A_3836 = vector.broadcast %slice3A_3278 : vector<256x1xf32> to vector<256x256xf32>
    %add3A_3837 = vector.broadcast %slice3A_3743 : vector<1x256xf32> to vector<256x256xf32>
    %add3A_3838 = arith.addf %add3A_3836, %add3A_3837 : vector<256x256xf32>
    %mul3A_3839 = arith.mulf %sub3A_3832, %sub3A_3832 : vector<256x256xf32>
    %mul3A_3840 = arith.mulf %sub3A_3835, %sub3A_3835 : vector<256x256xf32>
    %add3A_3841 = arith.addf %mul3A_3839, %mul3A_3840 : vector<256x256xf32>
    %mul3A_3842 = arith.mulf %add3A_3838, %add3A_3838 : vector<256x256xf32>
    %lt3A_3843 = arith.cmpf olt, %add3A_3841, %mul3A_3842 : vector<256x256xf32>
    %eq3A_3844 = vector.broadcast %slice3A_3279 : vector<256x1xi32> to vector<256x256xi32>
    %eq3A_3845 = vector.broadcast %slice3A_3744 : vector<1x256xi32> to vector<256x256xi32>
    %eq3A_3846 = arith.cmpi eq, %eq3A_3844, %eq3A_3845 : vector<256x256xi32>
    %eq3A_3847 = vector.broadcast %slice3A_3279 : vector<256x1xi32> to vector<256x256xi32>
    %eq3A_3848 = vector.broadcast %slice3A_3745 : vector<1x256xi32> to vector<256x256xi32>
    %eq3A_3849 = arith.cmpi eq, %eq3A_3847, %eq3A_3848 : vector<256x256xi32>
    %or3A_3850 = arith.ori %eq3A_3846, %eq3A_3849 : vector<256x256xi1>
    %eq3A_3851 = vector.broadcast %slice3A_3280 : vector<256x1xi32> to vector<256x256xi32>
    %eq3A_3852 = vector.broadcast %slice3A_3744 : vector<1x256xi32> to vector<256x256xi32>
    %eq3A_3853 = arith.cmpi eq, %eq3A_3851, %eq3A_3852 : vector<256x256xi32>
    %or3A_3854 = arith.ori %or3A_3850, %eq3A_3853 : vector<256x256xi1>
    %eq3A_3855 = vector.broadcast %slice3A_3280 : vector<256x1xi32> to vector<256x256xi32>
    %eq3A_3856 = vector.broadcast %slice3A_3745 : vector<1x256xi32> to vector<256x256xi32>
    %eq3A_3857 = arith.cmpi eq, %eq3A_3855, %eq3A_3856 : vector<256x256xi32>
    %or3A_3858 = arith.ori %or3A_3854, %eq3A_3857 : vector<256x256xi1>
    %not3A_3859 = arith.constant dense<true> : vector<256x256xi1>
    %not3A_3860 = arith.xori %or3A_3858, %not3A_3859 : vector<256x256xi1>
    %and3A_3861 = arith.andi %lt3A_3843, %not3A_3860 : vector<256x256xi1>
    %sub3A_3862 = arith.constant 1.000000e-03 : f32
    %sub3A_3863 = vector.broadcast %sub3A_3862 : f32 to vector<256x256xf32>
    %sub3A_3864 = arith.subf %sub3A_3863, %sqrt3A_3829 : vector<256x256xf32>
    %max3A_3865 = arith.constant 0.000000e+00 : f32
    %max3A_3866 = vector.broadcast %max3A_3865 : f32 to vector<256x256xf32>
    %max3A_3867 = arith.maximumf %sub3A_3864, %max3A_3866 : vector<256x256xf32>
    %jit3A_3868 = arith.constant 0.000000e+00 : f32
    %broadcast_in_dim3A_3869 = vector.broadcast %jit3A_3868 : f32 to vector<256x256xf32>
    %select_n3A_3870 = arith.select %and3A_3861, %max3A_3867, %broadcast_in_dim3A_3869 : vector<256x256xi1>, vector<256x256xf32>
    %reduce_sum3A_3871 = vector.shape_cast %select_n3A_3870 : vector<256x256xf32> to vector<1x256x256xf32>
    %reduce_sum3A_3872 = arith.constant dense<0.000000e+00> : vector<1xf32>
    %reduce_sum3A_3873 = vector.multi_reduction <add>, %reduce_sum3A_3871, %reduce_sum3A_3872 [1, 2] : vector<1x256x256xf32> to vector<1xf32>
    %reduce_sum3A_3874 = vector.shape_cast %reduce_sum3A_3873 : vector<1xf32> to vector<1x1x1xf32>
    %reduce_sum3A_3875 = vector.extract %reduce_sum3A_3874[0, 0, 0] : f32 from vector<1x1x1xf32>
    %add3A_3876 = arith.addf %add3A_3726, %reduce_sum3A_3875 : f32
    %convert_element_type3A_3877 = arith.extui %and3A_3861 : vector<256x256xi1> to vector<256x256xi32>
    %convert_element_type3A_3878 = arith.sitofp %convert_element_type3A_3877 : vector<256x256xi32> to vector<256x256xf32>
    %reduce_sum3A_3879 = vector.shape_cast %convert_element_type3A_3878 : vector<256x256xf32> to vector<1x256x256xf32>
    %reduce_sum3A_3880 = arith.constant dense<0.000000e+00> : vector<1xf32>
    %reduce_sum3A_3881 = vector.multi_reduction <add>, %reduce_sum3A_3879, %reduce_sum3A_3880 [1, 2] : vector<1x256x256xf32> to vector<1xf32>
    %reduce_sum3A_3882 = vector.shape_cast %reduce_sum3A_3881 : vector<1xf32> to vector<1x1x1xf32>
    %reduce_sum3A_3883 = vector.extract %reduce_sum3A_3882[0, 0, 0] : f32 from vector<1x1x1xf32>
    %add3A_3884 = arith.addf %add3A_3734, %reduce_sum3A_3883 : f32
    %slice3A_3885 = vector.extract_strided_slice %get3A_13 {offsets = [0, 1792], sizes = [1, 256], strides = [1, 1]} : vector<1x2048xf32> to vector<1x256xf32>
    %slice3A_3886 = vector.extract_strided_slice %get3A_16 {offsets = [0, 1792], sizes = [1, 256], strides = [1, 1]} : vector<1x2048xf32> to vector<1x256xf32>
    %slice3A_3887 = vector.extract_strided_slice %sub3A_58 {offsets = [0, 1792], sizes = [1, 256], strides = [1, 1]} : vector<1x2048xf32> to vector<1x256xf32>
    %slice3A_3888 = vector.extract_strided_slice %sub3A_59 {offsets = [0, 1792], sizes = [1, 256], strides = [1, 1]} : vector<1x2048xf32> to vector<1x256xf32>
    %slice3A_3889 = vector.extract_strided_slice %mul3A_63 {offsets = [0, 1792], sizes = [1, 256], strides = [1, 1]} : vector<1x2048xf32> to vector<1x256xf32>
    %slice3A_3890 = vector.extract_strided_slice %mul3A_67 {offsets = [0, 1792], sizes = [1, 256], strides = [1, 1]} : vector<1x2048xf32> to vector<1x256xf32>
    %slice3A_3891 = vector.extract_strided_slice %max3A_73 {offsets = [0, 1792], sizes = [1, 256], strides = [1, 1]} : vector<1x2048xf32> to vector<1x256xf32>
    %slice3A_3892 = vector.extract_strided_slice %div3A_76 {offsets = [0, 1792], sizes = [1, 256], strides = [1, 1]} : vector<1x2048xf32> to vector<1x256xf32>
    %slice3A_3893 = vector.extract_strided_slice %add3A_86 {offsets = [0, 1792], sizes = [1, 256], strides = [1, 1]} : vector<1x2048xf32> to vector<1x256xf32>
    %slice3A_3894 = vector.extract_strided_slice %get3A_31 {offsets = [0, 1792], sizes = [1, 256], strides = [1, 1]} : vector<1x2048xi32> to vector<1x256xi32>
    %slice3A_3895 = vector.extract_strided_slice %get3A_34 {offsets = [0, 1792], sizes = [1, 256], strides = [1, 1]} : vector<1x2048xi32> to vector<1x256xi32>
    %sub3A_3896 = vector.broadcast %slice3A_3270 : vector<256x1xf32> to vector<256x256xf32>
    %sub3A_3897 = vector.broadcast %slice3A_3885 : vector<1x256xf32> to vector<256x256xf32>
    %sub3A_3898 = arith.subf %sub3A_3896, %sub3A_3897 : vector<256x256xf32>
    %sub3A_3899 = vector.broadcast %slice3A_3271 : vector<256x1xf32> to vector<256x256xf32>
    %sub3A_3900 = vector.broadcast %slice3A_3886 : vector<1x256xf32> to vector<256x256xf32>
    %sub3A_3901 = arith.subf %sub3A_3899, %sub3A_3900 : vector<256x256xf32>
    %mul3A_3902 = vector.broadcast %slice3A_3272 : vector<256x1xf32> to vector<256x256xf32>
    %mul3A_3903 = vector.broadcast %slice3A_3887 : vector<1x256xf32> to vector<256x256xf32>
    %mul3A_3904 = arith.mulf %mul3A_3902, %mul3A_3903 : vector<256x256xf32>
    %mul3A_3905 = vector.broadcast %slice3A_3273 : vector<256x1xf32> to vector<256x256xf32>
    %mul3A_3906 = vector.broadcast %slice3A_3888 : vector<1x256xf32> to vector<256x256xf32>
    %mul3A_3907 = arith.mulf %mul3A_3905, %mul3A_3906 : vector<256x256xf32>
    %add3A_3908 = arith.addf %mul3A_3904, %mul3A_3907 : vector<256x256xf32>
    %mul3A_3909 = vector.broadcast %slice3A_3272 : vector<256x1xf32> to vector<256x256xf32>
    %mul3A_3910 = arith.mulf %mul3A_3909, %sub3A_3898 : vector<256x256xf32>
    %mul3A_3911 = vector.broadcast %slice3A_3273 : vector<256x1xf32> to vector<256x256xf32>
    %mul3A_3912 = arith.mulf %mul3A_3911, %sub3A_3901 : vector<256x256xf32>
    %add3A_3913 = arith.addf %mul3A_3910, %mul3A_3912 : vector<256x256xf32>
    %mul3A_3914 = vector.broadcast %slice3A_3887 : vector<1x256xf32> to vector<256x256xf32>
    %mul3A_3915 = arith.mulf %mul3A_3914, %sub3A_3898 : vector<256x256xf32>
    %mul3A_3916 = vector.broadcast %slice3A_3888 : vector<1x256xf32> to vector<256x256xf32>
    %mul3A_3917 = arith.mulf %mul3A_3916, %sub3A_3901 : vector<256x256xf32>
    %add3A_3918 = arith.addf %mul3A_3915, %mul3A_3917 : vector<256x256xf32>
    %mul3A_3919 = vector.broadcast %slice3A_3276 : vector<256x1xf32> to vector<256x256xf32>
    %mul3A_3920 = vector.broadcast %slice3A_3891 : vector<1x256xf32> to vector<256x256xf32>
    %mul3A_3921 = arith.mulf %mul3A_3919, %mul3A_3920 : vector<256x256xf32>
    %mul3A_3922 = arith.mulf %add3A_3908, %add3A_3908 : vector<256x256xf32>
    %sub3A_3923 = arith.subf %mul3A_3921, %mul3A_3922 : vector<256x256xf32>
    %max3A_3924 = arith.constant 9.99999996E-13 : f32
    %max3A_3925 = vector.broadcast %max3A_3924 : f32 to vector<256x256xf32>
    %max3A_3926 = arith.maximumf %sub3A_3923, %max3A_3925 : vector<256x256xf32>
    %div3A_3927 = arith.constant 1.000000e+00 : f32
    %div3A_3928 = vector.broadcast %div3A_3927 : f32 to vector<256x256xf32>
    %div3A_3929 = arith.divf %div3A_3928, %max3A_3926 : vector<256x256xf32>
    %mul3A_3930 = arith.mulf %add3A_3908, %add3A_3918 : vector<256x256xf32>
    %mul3A_3931 = vector.broadcast %slice3A_3891 : vector<1x256xf32> to vector<256x256xf32>
    %mul3A_3932 = arith.mulf %add3A_3913, %mul3A_3931 : vector<256x256xf32>
    %sub3A_3933 = arith.subf %mul3A_3930, %mul3A_3932 : vector<256x256xf32>
    %mul3A_3934 = arith.mulf %sub3A_3933, %div3A_3929 : vector<256x256xf32>
    %jit3A_3935 = arith.constant 0.000000e+00 : f32
    %jit3A_3936 = arith.constant 1.000000e+00 : f32
    %max3A_3937 = vector.broadcast %jit3A_3935 : f32 to vector<256x256xf32>
    %max3A_3938 = arith.maximumf %max3A_3937, %mul3A_3934 : vector<256x256xf32>
    %min3A_3939 = vector.broadcast %jit3A_3936 : f32 to vector<256x256xf32>
    %min3A_3940 = arith.minimumf %min3A_3939, %max3A_3938 : vector<256x256xf32>
    %mul3A_3941 = arith.mulf %add3A_3908, %min3A_3940 : vector<256x256xf32>
    %add3A_3942 = arith.addf %mul3A_3941, %add3A_3918 : vector<256x256xf32>
    %mul3A_3943 = vector.broadcast %slice3A_3892 : vector<1x256xf32> to vector<256x256xf32>
    %mul3A_3944 = arith.mulf %add3A_3942, %mul3A_3943 : vector<256x256xf32>
    %jit3A_3945 = arith.constant 0.000000e+00 : f32
    %jit3A_3946 = arith.constant 1.000000e+00 : f32
    %max3A_3947 = vector.broadcast %jit3A_3945 : f32 to vector<256x256xf32>
    %max3A_3948 = arith.maximumf %max3A_3947, %mul3A_3944 : vector<256x256xf32>
    %min3A_3949 = vector.broadcast %jit3A_3946 : f32 to vector<256x256xf32>
    %min3A_3950 = arith.minimumf %min3A_3949, %max3A_3948 : vector<256x256xf32>
    %mul3A_3951 = arith.mulf %add3A_3908, %min3A_3950 : vector<256x256xf32>
    %sub3A_3952 = arith.subf %mul3A_3951, %add3A_3913 : vector<256x256xf32>
    %mul3A_3953 = vector.broadcast %slice3A_3277 : vector<256x1xf32> to vector<256x256xf32>
    %mul3A_3954 = arith.mulf %sub3A_3952, %mul3A_3953 : vector<256x256xf32>
    %jit3A_3955 = arith.constant 0.000000e+00 : f32
    %jit3A_3956 = arith.constant 1.000000e+00 : f32
    %max3A_3957 = vector.broadcast %jit3A_3955 : f32 to vector<256x256xf32>
    %max3A_3958 = arith.maximumf %max3A_3957, %mul3A_3954 : vector<256x256xf32>
    %min3A_3959 = vector.broadcast %jit3A_3956 : f32 to vector<256x256xf32>
    %min3A_3960 = arith.minimumf %min3A_3959, %max3A_3958 : vector<256x256xf32>
    %mul3A_3961 = vector.broadcast %slice3A_3272 : vector<256x1xf32> to vector<256x256xf32>
    %mul3A_3962 = arith.mulf %min3A_3960, %mul3A_3961 : vector<256x256xf32>
    %add3A_3963 = arith.addf %sub3A_3898, %mul3A_3962 : vector<256x256xf32>
    %mul3A_3964 = vector.broadcast %slice3A_3887 : vector<1x256xf32> to vector<256x256xf32>
    %mul3A_3965 = arith.mulf %min3A_3950, %mul3A_3964 : vector<256x256xf32>
    %sub3A_3966 = arith.subf %add3A_3963, %mul3A_3965 : vector<256x256xf32>
    %mul3A_3967 = vector.broadcast %slice3A_3273 : vector<256x1xf32> to vector<256x256xf32>
    %mul3A_3968 = arith.mulf %min3A_3960, %mul3A_3967 : vector<256x256xf32>
    %add3A_3969 = arith.addf %sub3A_3901, %mul3A_3968 : vector<256x256xf32>
    %mul3A_3970 = vector.broadcast %slice3A_3888 : vector<1x256xf32> to vector<256x256xf32>
    %mul3A_3971 = arith.mulf %min3A_3950, %mul3A_3970 : vector<256x256xf32>
    %sub3A_3972 = arith.subf %add3A_3969, %mul3A_3971 : vector<256x256xf32>
    %mul3A_3973 = arith.mulf %sub3A_3966, %sub3A_3966 : vector<256x256xf32>
    %mul3A_3974 = arith.mulf %sub3A_3972, %sub3A_3972 : vector<256x256xf32>
    %add3A_3975 = arith.addf %mul3A_3973, %mul3A_3974 : vector<256x256xf32>
    %max3A_3976 = arith.constant 1.000000e-24 : f32
    %max3A_3977 = vector.broadcast %max3A_3976 : f32 to vector<256x256xf32>
    %max3A_3978 = arith.maximumf %add3A_3975, %max3A_3977 : vector<256x256xf32>
    %sqrt3A_3979 = math.sqrt %max3A_3978 : vector<256x256xf32>
    %sub3A_3980 = vector.broadcast %slice3A_3274 : vector<256x1xf32> to vector<256x256xf32>
    %sub3A_3981 = vector.broadcast %slice3A_3889 : vector<1x256xf32> to vector<256x256xf32>
    %sub3A_3982 = arith.subf %sub3A_3980, %sub3A_3981 : vector<256x256xf32>
    %sub3A_3983 = vector.broadcast %slice3A_3275 : vector<256x1xf32> to vector<256x256xf32>
    %sub3A_3984 = vector.broadcast %slice3A_3890 : vector<1x256xf32> to vector<256x256xf32>
    %sub3A_3985 = arith.subf %sub3A_3983, %sub3A_3984 : vector<256x256xf32>
    %add3A_3986 = vector.broadcast %slice3A_3278 : vector<256x1xf32> to vector<256x256xf32>
    %add3A_3987 = vector.broadcast %slice3A_3893 : vector<1x256xf32> to vector<256x256xf32>
    %add3A_3988 = arith.addf %add3A_3986, %add3A_3987 : vector<256x256xf32>
    %mul3A_3989 = arith.mulf %sub3A_3982, %sub3A_3982 : vector<256x256xf32>
    %mul3A_3990 = arith.mulf %sub3A_3985, %sub3A_3985 : vector<256x256xf32>
    %add3A_3991 = arith.addf %mul3A_3989, %mul3A_3990 : vector<256x256xf32>
    %mul3A_3992 = arith.mulf %add3A_3988, %add3A_3988 : vector<256x256xf32>
    %lt3A_3993 = arith.cmpf olt, %add3A_3991, %mul3A_3992 : vector<256x256xf32>
    %eq3A_3994 = vector.broadcast %slice3A_3279 : vector<256x1xi32> to vector<256x256xi32>
    %eq3A_3995 = vector.broadcast %slice3A_3894 : vector<1x256xi32> to vector<256x256xi32>
    %eq3A_3996 = arith.cmpi eq, %eq3A_3994, %eq3A_3995 : vector<256x256xi32>
    %eq3A_3997 = vector.broadcast %slice3A_3279 : vector<256x1xi32> to vector<256x256xi32>
    %eq3A_3998 = vector.broadcast %slice3A_3895 : vector<1x256xi32> to vector<256x256xi32>
    %eq3A_3999 = arith.cmpi eq, %eq3A_3997, %eq3A_3998 : vector<256x256xi32>
    %or3A_4000 = arith.ori %eq3A_3996, %eq3A_3999 : vector<256x256xi1>
    %eq3A_4001 = vector.broadcast %slice3A_3280 : vector<256x1xi32> to vector<256x256xi32>
    %eq3A_4002 = vector.broadcast %slice3A_3894 : vector<1x256xi32> to vector<256x256xi32>
    %eq3A_4003 = arith.cmpi eq, %eq3A_4001, %eq3A_4002 : vector<256x256xi32>
    %or3A_4004 = arith.ori %or3A_4000, %eq3A_4003 : vector<256x256xi1>
    %eq3A_4005 = vector.broadcast %slice3A_3280 : vector<256x1xi32> to vector<256x256xi32>
    %eq3A_4006 = vector.broadcast %slice3A_3895 : vector<1x256xi32> to vector<256x256xi32>
    %eq3A_4007 = arith.cmpi eq, %eq3A_4005, %eq3A_4006 : vector<256x256xi32>
    %or3A_4008 = arith.ori %or3A_4004, %eq3A_4007 : vector<256x256xi1>
    %not3A_4009 = arith.constant dense<true> : vector<256x256xi1>
    %not3A_4010 = arith.xori %or3A_4008, %not3A_4009 : vector<256x256xi1>
    %and3A_4011 = arith.andi %lt3A_3993, %not3A_4010 : vector<256x256xi1>
    %sub3A_4012 = arith.constant 1.000000e-03 : f32
    %sub3A_4013 = vector.broadcast %sub3A_4012 : f32 to vector<256x256xf32>
    %sub3A_4014 = arith.subf %sub3A_4013, %sqrt3A_3979 : vector<256x256xf32>
    %max3A_4015 = arith.constant 0.000000e+00 : f32
    %max3A_4016 = vector.broadcast %max3A_4015 : f32 to vector<256x256xf32>
    %max3A_4017 = arith.maximumf %sub3A_4014, %max3A_4016 : vector<256x256xf32>
    %jit3A_4018 = arith.constant 0.000000e+00 : f32
    %broadcast_in_dim3A_4019 = vector.broadcast %jit3A_4018 : f32 to vector<256x256xf32>
    %select_n3A_4020 = arith.select %and3A_4011, %max3A_4017, %broadcast_in_dim3A_4019 : vector<256x256xi1>, vector<256x256xf32>
    %reduce_sum3A_4021 = vector.shape_cast %select_n3A_4020 : vector<256x256xf32> to vector<1x256x256xf32>
    %reduce_sum3A_4022 = arith.constant dense<0.000000e+00> : vector<1xf32>
    %reduce_sum3A_4023 = vector.multi_reduction <add>, %reduce_sum3A_4021, %reduce_sum3A_4022 [1, 2] : vector<1x256x256xf32> to vector<1xf32>
    %reduce_sum3A_4024 = vector.shape_cast %reduce_sum3A_4023 : vector<1xf32> to vector<1x1x1xf32>
    %reduce_sum3A_4025 = vector.extract %reduce_sum3A_4024[0, 0, 0] : f32 from vector<1x1x1xf32>
    %add3A_4026 = arith.addf %add3A_3876, %reduce_sum3A_4025 : f32
    %convert_element_type3A_4027 = arith.extui %and3A_4011 : vector<256x256xi1> to vector<256x256xi32>
    %convert_element_type3A_4028 = arith.sitofp %convert_element_type3A_4027 : vector<256x256xi32> to vector<256x256xf32>
    %reduce_sum3A_4029 = vector.shape_cast %convert_element_type3A_4028 : vector<256x256xf32> to vector<1x256x256xf32>
    %reduce_sum3A_4030 = arith.constant dense<0.000000e+00> : vector<1xf32>
    %reduce_sum3A_4031 = vector.multi_reduction <add>, %reduce_sum3A_4029, %reduce_sum3A_4030 [1, 2] : vector<1x256x256xf32> to vector<1xf32>
    %reduce_sum3A_4032 = vector.shape_cast %reduce_sum3A_4031 : vector<1xf32> to vector<1x1x1xf32>
    %reduce_sum3A_4033 = vector.extract %reduce_sum3A_4032[0, 0, 0] : f32 from vector<1x1x1xf32>
    %add3A_4034 = arith.addf %add3A_3884, %reduce_sum3A_4033 : f32
    %slice3A_4035 = vector.extract_strided_slice %get3A_1 {offsets = [1024, 0], sizes = [256, 1], strides = [1, 1]} : vector<2048x1xf32> to vector<256x1xf32>
    %slice3A_4036 = vector.extract_strided_slice %get3A_4 {offsets = [1024, 0], sizes = [256, 1], strides = [1, 1]} : vector<2048x1xf32> to vector<256x1xf32>
    %slice3A_4037 = vector.extract_strided_slice %sub3A {offsets = [1024, 0], sizes = [256, 1], strides = [1, 1]} : vector<2048x1xf32> to vector<256x1xf32>
    %slice3A_4038 = vector.extract_strided_slice %sub3A_35 {offsets = [1024, 0], sizes = [256, 1], strides = [1, 1]} : vector<2048x1xf32> to vector<256x1xf32>
    %slice3A_4039 = vector.extract_strided_slice %mul3A_37 {offsets = [1024, 0], sizes = [256, 1], strides = [1, 1]} : vector<2048x1xf32> to vector<256x1xf32>
    %slice3A_4040 = vector.extract_strided_slice %mul3A_41 {offsets = [1024, 0], sizes = [256, 1], strides = [1, 1]} : vector<2048x1xf32> to vector<256x1xf32>
    %slice3A_4041 = vector.extract_strided_slice %max3A_46 {offsets = [1024, 0], sizes = [256, 1], strides = [1, 1]} : vector<2048x1xf32> to vector<256x1xf32>
    %slice3A_4042 = vector.extract_strided_slice %div3A_48 {offsets = [1024, 0], sizes = [256, 1], strides = [1, 1]} : vector<2048x1xf32> to vector<256x1xf32>
    %slice3A_4043 = vector.extract_strided_slice %add3A_57 {offsets = [1024, 0], sizes = [256, 1], strides = [1, 1]} : vector<2048x1xf32> to vector<256x1xf32>
    %slice3A_4044 = vector.extract_strided_slice %get3A_25 {offsets = [1024, 0], sizes = [256, 1], strides = [1, 1]} : vector<2048x1xi32> to vector<256x1xi32>
    %slice3A_4045 = vector.extract_strided_slice %get3A_28 {offsets = [1024, 0], sizes = [256, 1], strides = [1, 1]} : vector<2048x1xi32> to vector<256x1xi32>
    %slice3A_4046 = vector.extract_strided_slice %get3A_13 {offsets = [0, 1024], sizes = [1, 256], strides = [1, 1]} : vector<1x2048xf32> to vector<1x256xf32>
    %slice3A_4047 = vector.extract_strided_slice %get3A_16 {offsets = [0, 1024], sizes = [1, 256], strides = [1, 1]} : vector<1x2048xf32> to vector<1x256xf32>
    %slice3A_4048 = vector.extract_strided_slice %sub3A_58 {offsets = [0, 1024], sizes = [1, 256], strides = [1, 1]} : vector<1x2048xf32> to vector<1x256xf32>
    %slice3A_4049 = vector.extract_strided_slice %sub3A_59 {offsets = [0, 1024], sizes = [1, 256], strides = [1, 1]} : vector<1x2048xf32> to vector<1x256xf32>
    %slice3A_4050 = vector.extract_strided_slice %mul3A_63 {offsets = [0, 1024], sizes = [1, 256], strides = [1, 1]} : vector<1x2048xf32> to vector<1x256xf32>
    %slice3A_4051 = vector.extract_strided_slice %mul3A_67 {offsets = [0, 1024], sizes = [1, 256], strides = [1, 1]} : vector<1x2048xf32> to vector<1x256xf32>
    %slice3A_4052 = vector.extract_strided_slice %max3A_73 {offsets = [0, 1024], sizes = [1, 256], strides = [1, 1]} : vector<1x2048xf32> to vector<1x256xf32>
    %slice3A_4053 = vector.extract_strided_slice %div3A_76 {offsets = [0, 1024], sizes = [1, 256], strides = [1, 1]} : vector<1x2048xf32> to vector<1x256xf32>
    %slice3A_4054 = vector.extract_strided_slice %add3A_86 {offsets = [0, 1024], sizes = [1, 256], strides = [1, 1]} : vector<1x2048xf32> to vector<1x256xf32>
    %slice3A_4055 = vector.extract_strided_slice %get3A_31 {offsets = [0, 1024], sizes = [1, 256], strides = [1, 1]} : vector<1x2048xi32> to vector<1x256xi32>
    %slice3A_4056 = vector.extract_strided_slice %get3A_34 {offsets = [0, 1024], sizes = [1, 256], strides = [1, 1]} : vector<1x2048xi32> to vector<1x256xi32>
    %sub3A_4057 = vector.broadcast %slice3A_4035 : vector<256x1xf32> to vector<256x256xf32>
    %sub3A_4058 = vector.broadcast %slice3A_4046 : vector<1x256xf32> to vector<256x256xf32>
    %sub3A_4059 = arith.subf %sub3A_4057, %sub3A_4058 : vector<256x256xf32>
    %sub3A_4060 = vector.broadcast %slice3A_4036 : vector<256x1xf32> to vector<256x256xf32>
    %sub3A_4061 = vector.broadcast %slice3A_4047 : vector<1x256xf32> to vector<256x256xf32>
    %sub3A_4062 = arith.subf %sub3A_4060, %sub3A_4061 : vector<256x256xf32>
    %mul3A_4063 = vector.broadcast %slice3A_4037 : vector<256x1xf32> to vector<256x256xf32>
    %mul3A_4064 = vector.broadcast %slice3A_4048 : vector<1x256xf32> to vector<256x256xf32>
    %mul3A_4065 = arith.mulf %mul3A_4063, %mul3A_4064 : vector<256x256xf32>
    %mul3A_4066 = vector.broadcast %slice3A_4038 : vector<256x1xf32> to vector<256x256xf32>
    %mul3A_4067 = vector.broadcast %slice3A_4049 : vector<1x256xf32> to vector<256x256xf32>
    %mul3A_4068 = arith.mulf %mul3A_4066, %mul3A_4067 : vector<256x256xf32>
    %add3A_4069 = arith.addf %mul3A_4065, %mul3A_4068 : vector<256x256xf32>
    %mul3A_4070 = vector.broadcast %slice3A_4037 : vector<256x1xf32> to vector<256x256xf32>
    %mul3A_4071 = arith.mulf %mul3A_4070, %sub3A_4059 : vector<256x256xf32>
    %mul3A_4072 = vector.broadcast %slice3A_4038 : vector<256x1xf32> to vector<256x256xf32>
    %mul3A_4073 = arith.mulf %mul3A_4072, %sub3A_4062 : vector<256x256xf32>
    %add3A_4074 = arith.addf %mul3A_4071, %mul3A_4073 : vector<256x256xf32>
    %mul3A_4075 = vector.broadcast %slice3A_4048 : vector<1x256xf32> to vector<256x256xf32>
    %mul3A_4076 = arith.mulf %mul3A_4075, %sub3A_4059 : vector<256x256xf32>
    %mul3A_4077 = vector.broadcast %slice3A_4049 : vector<1x256xf32> to vector<256x256xf32>
    %mul3A_4078 = arith.mulf %mul3A_4077, %sub3A_4062 : vector<256x256xf32>
    %add3A_4079 = arith.addf %mul3A_4076, %mul3A_4078 : vector<256x256xf32>
    %mul3A_4080 = vector.broadcast %slice3A_4041 : vector<256x1xf32> to vector<256x256xf32>
    %mul3A_4081 = vector.broadcast %slice3A_4052 : vector<1x256xf32> to vector<256x256xf32>
    %mul3A_4082 = arith.mulf %mul3A_4080, %mul3A_4081 : vector<256x256xf32>
    %mul3A_4083 = arith.mulf %add3A_4069, %add3A_4069 : vector<256x256xf32>
    %sub3A_4084 = arith.subf %mul3A_4082, %mul3A_4083 : vector<256x256xf32>
    %max3A_4085 = arith.constant 9.99999996E-13 : f32
    %max3A_4086 = vector.broadcast %max3A_4085 : f32 to vector<256x256xf32>
    %max3A_4087 = arith.maximumf %sub3A_4084, %max3A_4086 : vector<256x256xf32>
    %div3A_4088 = arith.constant 1.000000e+00 : f32
    %div3A_4089 = vector.broadcast %div3A_4088 : f32 to vector<256x256xf32>
    %div3A_4090 = arith.divf %div3A_4089, %max3A_4087 : vector<256x256xf32>
    %mul3A_4091 = arith.mulf %add3A_4069, %add3A_4079 : vector<256x256xf32>
    %mul3A_4092 = vector.broadcast %slice3A_4052 : vector<1x256xf32> to vector<256x256xf32>
    %mul3A_4093 = arith.mulf %add3A_4074, %mul3A_4092 : vector<256x256xf32>
    %sub3A_4094 = arith.subf %mul3A_4091, %mul3A_4093 : vector<256x256xf32>
    %mul3A_4095 = arith.mulf %sub3A_4094, %div3A_4090 : vector<256x256xf32>
    %jit3A_4096 = arith.constant 0.000000e+00 : f32
    %jit3A_4097 = arith.constant 1.000000e+00 : f32
    %max3A_4098 = vector.broadcast %jit3A_4096 : f32 to vector<256x256xf32>
    %max3A_4099 = arith.maximumf %max3A_4098, %mul3A_4095 : vector<256x256xf32>
    %min3A_4100 = vector.broadcast %jit3A_4097 : f32 to vector<256x256xf32>
    %min3A_4101 = arith.minimumf %min3A_4100, %max3A_4099 : vector<256x256xf32>
    %mul3A_4102 = arith.mulf %add3A_4069, %min3A_4101 : vector<256x256xf32>
    %add3A_4103 = arith.addf %mul3A_4102, %add3A_4079 : vector<256x256xf32>
    %mul3A_4104 = vector.broadcast %slice3A_4053 : vector<1x256xf32> to vector<256x256xf32>
    %mul3A_4105 = arith.mulf %add3A_4103, %mul3A_4104 : vector<256x256xf32>
    %jit3A_4106 = arith.constant 0.000000e+00 : f32
    %jit3A_4107 = arith.constant 1.000000e+00 : f32
    %max3A_4108 = vector.broadcast %jit3A_4106 : f32 to vector<256x256xf32>
    %max3A_4109 = arith.maximumf %max3A_4108, %mul3A_4105 : vector<256x256xf32>
    %min3A_4110 = vector.broadcast %jit3A_4107 : f32 to vector<256x256xf32>
    %min3A_4111 = arith.minimumf %min3A_4110, %max3A_4109 : vector<256x256xf32>
    %mul3A_4112 = arith.mulf %add3A_4069, %min3A_4111 : vector<256x256xf32>
    %sub3A_4113 = arith.subf %mul3A_4112, %add3A_4074 : vector<256x256xf32>
    %mul3A_4114 = vector.broadcast %slice3A_4042 : vector<256x1xf32> to vector<256x256xf32>
    %mul3A_4115 = arith.mulf %sub3A_4113, %mul3A_4114 : vector<256x256xf32>
    %jit3A_4116 = arith.constant 0.000000e+00 : f32
    %jit3A_4117 = arith.constant 1.000000e+00 : f32
    %max3A_4118 = vector.broadcast %jit3A_4116 : f32 to vector<256x256xf32>
    %max3A_4119 = arith.maximumf %max3A_4118, %mul3A_4115 : vector<256x256xf32>
    %min3A_4120 = vector.broadcast %jit3A_4117 : f32 to vector<256x256xf32>
    %min3A_4121 = arith.minimumf %min3A_4120, %max3A_4119 : vector<256x256xf32>
    %mul3A_4122 = vector.broadcast %slice3A_4037 : vector<256x1xf32> to vector<256x256xf32>
    %mul3A_4123 = arith.mulf %min3A_4121, %mul3A_4122 : vector<256x256xf32>
    %add3A_4124 = arith.addf %sub3A_4059, %mul3A_4123 : vector<256x256xf32>
    %mul3A_4125 = vector.broadcast %slice3A_4048 : vector<1x256xf32> to vector<256x256xf32>
    %mul3A_4126 = arith.mulf %min3A_4111, %mul3A_4125 : vector<256x256xf32>
    %sub3A_4127 = arith.subf %add3A_4124, %mul3A_4126 : vector<256x256xf32>
    %mul3A_4128 = vector.broadcast %slice3A_4038 : vector<256x1xf32> to vector<256x256xf32>
    %mul3A_4129 = arith.mulf %min3A_4121, %mul3A_4128 : vector<256x256xf32>
    %add3A_4130 = arith.addf %sub3A_4062, %mul3A_4129 : vector<256x256xf32>
    %mul3A_4131 = vector.broadcast %slice3A_4049 : vector<1x256xf32> to vector<256x256xf32>
    %mul3A_4132 = arith.mulf %min3A_4111, %mul3A_4131 : vector<256x256xf32>
    %sub3A_4133 = arith.subf %add3A_4130, %mul3A_4132 : vector<256x256xf32>
    %mul3A_4134 = arith.mulf %sub3A_4127, %sub3A_4127 : vector<256x256xf32>
    %mul3A_4135 = arith.mulf %sub3A_4133, %sub3A_4133 : vector<256x256xf32>
    %add3A_4136 = arith.addf %mul3A_4134, %mul3A_4135 : vector<256x256xf32>
    %max3A_4137 = arith.constant 1.000000e-24 : f32
    %max3A_4138 = vector.broadcast %max3A_4137 : f32 to vector<256x256xf32>
    %max3A_4139 = arith.maximumf %add3A_4136, %max3A_4138 : vector<256x256xf32>
    %sqrt3A_4140 = math.sqrt %max3A_4139 : vector<256x256xf32>
    %sub3A_4141 = vector.broadcast %slice3A_4039 : vector<256x1xf32> to vector<256x256xf32>
    %sub3A_4142 = vector.broadcast %slice3A_4050 : vector<1x256xf32> to vector<256x256xf32>
    %sub3A_4143 = arith.subf %sub3A_4141, %sub3A_4142 : vector<256x256xf32>
    %sub3A_4144 = vector.broadcast %slice3A_4040 : vector<256x1xf32> to vector<256x256xf32>
    %sub3A_4145 = vector.broadcast %slice3A_4051 : vector<1x256xf32> to vector<256x256xf32>
    %sub3A_4146 = arith.subf %sub3A_4144, %sub3A_4145 : vector<256x256xf32>
    %add3A_4147 = vector.broadcast %slice3A_4043 : vector<256x1xf32> to vector<256x256xf32>
    %add3A_4148 = vector.broadcast %slice3A_4054 : vector<1x256xf32> to vector<256x256xf32>
    %add3A_4149 = arith.addf %add3A_4147, %add3A_4148 : vector<256x256xf32>
    %mul3A_4150 = arith.mulf %sub3A_4143, %sub3A_4143 : vector<256x256xf32>
    %mul3A_4151 = arith.mulf %sub3A_4146, %sub3A_4146 : vector<256x256xf32>
    %add3A_4152 = arith.addf %mul3A_4150, %mul3A_4151 : vector<256x256xf32>
    %mul3A_4153 = arith.mulf %add3A_4149, %add3A_4149 : vector<256x256xf32>
    %lt3A_4154 = arith.cmpf olt, %add3A_4152, %mul3A_4153 : vector<256x256xf32>
    %eq3A_4155 = vector.broadcast %slice3A_4044 : vector<256x1xi32> to vector<256x256xi32>
    %eq3A_4156 = vector.broadcast %slice3A_4055 : vector<1x256xi32> to vector<256x256xi32>
    %eq3A_4157 = arith.cmpi eq, %eq3A_4155, %eq3A_4156 : vector<256x256xi32>
    %eq3A_4158 = vector.broadcast %slice3A_4044 : vector<256x1xi32> to vector<256x256xi32>
    %eq3A_4159 = vector.broadcast %slice3A_4056 : vector<1x256xi32> to vector<256x256xi32>
    %eq3A_4160 = arith.cmpi eq, %eq3A_4158, %eq3A_4159 : vector<256x256xi32>
    %or3A_4161 = arith.ori %eq3A_4157, %eq3A_4160 : vector<256x256xi1>
    %eq3A_4162 = vector.broadcast %slice3A_4045 : vector<256x1xi32> to vector<256x256xi32>
    %eq3A_4163 = vector.broadcast %slice3A_4055 : vector<1x256xi32> to vector<256x256xi32>
    %eq3A_4164 = arith.cmpi eq, %eq3A_4162, %eq3A_4163 : vector<256x256xi32>
    %or3A_4165 = arith.ori %or3A_4161, %eq3A_4164 : vector<256x256xi1>
    %eq3A_4166 = vector.broadcast %slice3A_4045 : vector<256x1xi32> to vector<256x256xi32>
    %eq3A_4167 = vector.broadcast %slice3A_4056 : vector<1x256xi32> to vector<256x256xi32>
    %eq3A_4168 = arith.cmpi eq, %eq3A_4166, %eq3A_4167 : vector<256x256xi32>
    %or3A_4169 = arith.ori %or3A_4165, %eq3A_4168 : vector<256x256xi1>
    %not3A_4170 = arith.constant dense<true> : vector<256x256xi1>
    %not3A_4171 = arith.xori %or3A_4169, %not3A_4170 : vector<256x256xi1>
    %and3A_4172 = arith.andi %lt3A_4154, %not3A_4171 : vector<256x256xi1>
    %iota3A_4173 = tpu.iota {dimensions = array<i32: 0>} : vector<256x256xi32>
    %iota3A_4174 = tpu.iota {dimensions = array<i32: 1>} : vector<256x256xi32>
    %gt3A_4175 = arith.cmpi sgt, %iota3A_4174, %iota3A_4173 : vector<256x256xi32>
    %and3A_4176 = arith.andi %and3A_4172, %gt3A_4175 : vector<256x256xi1>
    %sub3A_4177 = arith.constant 1.000000e-03 : f32
    %sub3A_4178 = vector.broadcast %sub3A_4177 : f32 to vector<256x256xf32>
    %sub3A_4179 = arith.subf %sub3A_4178, %sqrt3A_4140 : vector<256x256xf32>
    %max3A_4180 = arith.constant 0.000000e+00 : f32
    %max3A_4181 = vector.broadcast %max3A_4180 : f32 to vector<256x256xf32>
    %max3A_4182 = arith.maximumf %sub3A_4179, %max3A_4181 : vector<256x256xf32>
    %jit3A_4183 = arith.constant 0.000000e+00 : f32
    %broadcast_in_dim3A_4184 = vector.broadcast %jit3A_4183 : f32 to vector<256x256xf32>
    %select_n3A_4185 = arith.select %and3A_4176, %max3A_4182, %broadcast_in_dim3A_4184 : vector<256x256xi1>, vector<256x256xf32>
    %reduce_sum3A_4186 = vector.shape_cast %select_n3A_4185 : vector<256x256xf32> to vector<1x256x256xf32>
    %reduce_sum3A_4187 = arith.constant dense<0.000000e+00> : vector<1xf32>
    %reduce_sum3A_4188 = vector.multi_reduction <add>, %reduce_sum3A_4186, %reduce_sum3A_4187 [1, 2] : vector<1x256x256xf32> to vector<1xf32>
    %reduce_sum3A_4189 = vector.shape_cast %reduce_sum3A_4188 : vector<1xf32> to vector<1x1x1xf32>
    %reduce_sum3A_4190 = vector.extract %reduce_sum3A_4189[0, 0, 0] : f32 from vector<1x1x1xf32>
    %add3A_4191 = arith.addf %add3A_4026, %reduce_sum3A_4190 : f32
    %convert_element_type3A_4192 = arith.extui %and3A_4176 : vector<256x256xi1> to vector<256x256xi32>
    %convert_element_type3A_4193 = arith.sitofp %convert_element_type3A_4192 : vector<256x256xi32> to vector<256x256xf32>
    %reduce_sum3A_4194 = vector.shape_cast %convert_element_type3A_4193 : vector<256x256xf32> to vector<1x256x256xf32>
    %reduce_sum3A_4195 = arith.constant dense<0.000000e+00> : vector<1xf32>
    %reduce_sum3A_4196 = vector.multi_reduction <add>, %reduce_sum3A_4194, %reduce_sum3A_4195 [1, 2] : vector<1x256x256xf32> to vector<1xf32>
    %reduce_sum3A_4197 = vector.shape_cast %reduce_sum3A_4196 : vector<1xf32> to vector<1x1x1xf32>
    %reduce_sum3A_4198 = vector.extract %reduce_sum3A_4197[0, 0, 0] : f32 from vector<1x1x1xf32>
    %add3A_4199 = arith.addf %add3A_4034, %reduce_sum3A_4198 : f32
    %slice3A_4200 = vector.extract_strided_slice %get3A_13 {offsets = [0, 1280], sizes = [1, 256], strides = [1, 1]} : vector<1x2048xf32> to vector<1x256xf32>
    %slice3A_4201 = vector.extract_strided_slice %get3A_16 {offsets = [0, 1280], sizes = [1, 256], strides = [1, 1]} : vector<1x2048xf32> to vector<1x256xf32>
    %slice3A_4202 = vector.extract_strided_slice %sub3A_58 {offsets = [0, 1280], sizes = [1, 256], strides = [1, 1]} : vector<1x2048xf32> to vector<1x256xf32>
    %slice3A_4203 = vector.extract_strided_slice %sub3A_59 {offsets = [0, 1280], sizes = [1, 256], strides = [1, 1]} : vector<1x2048xf32> to vector<1x256xf32>
    %slice3A_4204 = vector.extract_strided_slice %mul3A_63 {offsets = [0, 1280], sizes = [1, 256], strides = [1, 1]} : vector<1x2048xf32> to vector<1x256xf32>
    %slice3A_4205 = vector.extract_strided_slice %mul3A_67 {offsets = [0, 1280], sizes = [1, 256], strides = [1, 1]} : vector<1x2048xf32> to vector<1x256xf32>
    %slice3A_4206 = vector.extract_strided_slice %max3A_73 {offsets = [0, 1280], sizes = [1, 256], strides = [1, 1]} : vector<1x2048xf32> to vector<1x256xf32>
    %slice3A_4207 = vector.extract_strided_slice %div3A_76 {offsets = [0, 1280], sizes = [1, 256], strides = [1, 1]} : vector<1x2048xf32> to vector<1x256xf32>
    %slice3A_4208 = vector.extract_strided_slice %add3A_86 {offsets = [0, 1280], sizes = [1, 256], strides = [1, 1]} : vector<1x2048xf32> to vector<1x256xf32>
    %slice3A_4209 = vector.extract_strided_slice %get3A_31 {offsets = [0, 1280], sizes = [1, 256], strides = [1, 1]} : vector<1x2048xi32> to vector<1x256xi32>
    %slice3A_4210 = vector.extract_strided_slice %get3A_34 {offsets = [0, 1280], sizes = [1, 256], strides = [1, 1]} : vector<1x2048xi32> to vector<1x256xi32>
    %sub3A_4211 = vector.broadcast %slice3A_4035 : vector<256x1xf32> to vector<256x256xf32>
    %sub3A_4212 = vector.broadcast %slice3A_4200 : vector<1x256xf32> to vector<256x256xf32>
    %sub3A_4213 = arith.subf %sub3A_4211, %sub3A_4212 : vector<256x256xf32>
    %sub3A_4214 = vector.broadcast %slice3A_4036 : vector<256x1xf32> to vector<256x256xf32>
    %sub3A_4215 = vector.broadcast %slice3A_4201 : vector<1x256xf32> to vector<256x256xf32>
    %sub3A_4216 = arith.subf %sub3A_4214, %sub3A_4215 : vector<256x256xf32>
    %mul3A_4217 = vector.broadcast %slice3A_4037 : vector<256x1xf32> to vector<256x256xf32>
    %mul3A_4218 = vector.broadcast %slice3A_4202 : vector<1x256xf32> to vector<256x256xf32>
    %mul3A_4219 = arith.mulf %mul3A_4217, %mul3A_4218 : vector<256x256xf32>
    %mul3A_4220 = vector.broadcast %slice3A_4038 : vector<256x1xf32> to vector<256x256xf32>
    %mul3A_4221 = vector.broadcast %slice3A_4203 : vector<1x256xf32> to vector<256x256xf32>
    %mul3A_4222 = arith.mulf %mul3A_4220, %mul3A_4221 : vector<256x256xf32>
    %add3A_4223 = arith.addf %mul3A_4219, %mul3A_4222 : vector<256x256xf32>
    %mul3A_4224 = vector.broadcast %slice3A_4037 : vector<256x1xf32> to vector<256x256xf32>
    %mul3A_4225 = arith.mulf %mul3A_4224, %sub3A_4213 : vector<256x256xf32>
    %mul3A_4226 = vector.broadcast %slice3A_4038 : vector<256x1xf32> to vector<256x256xf32>
    %mul3A_4227 = arith.mulf %mul3A_4226, %sub3A_4216 : vector<256x256xf32>
    %add3A_4228 = arith.addf %mul3A_4225, %mul3A_4227 : vector<256x256xf32>
    %mul3A_4229 = vector.broadcast %slice3A_4202 : vector<1x256xf32> to vector<256x256xf32>
    %mul3A_4230 = arith.mulf %mul3A_4229, %sub3A_4213 : vector<256x256xf32>
    %mul3A_4231 = vector.broadcast %slice3A_4203 : vector<1x256xf32> to vector<256x256xf32>
    %mul3A_4232 = arith.mulf %mul3A_4231, %sub3A_4216 : vector<256x256xf32>
    %add3A_4233 = arith.addf %mul3A_4230, %mul3A_4232 : vector<256x256xf32>
    %mul3A_4234 = vector.broadcast %slice3A_4041 : vector<256x1xf32> to vector<256x256xf32>
    %mul3A_4235 = vector.broadcast %slice3A_4206 : vector<1x256xf32> to vector<256x256xf32>
    %mul3A_4236 = arith.mulf %mul3A_4234, %mul3A_4235 : vector<256x256xf32>
    %mul3A_4237 = arith.mulf %add3A_4223, %add3A_4223 : vector<256x256xf32>
    %sub3A_4238 = arith.subf %mul3A_4236, %mul3A_4237 : vector<256x256xf32>
    %max3A_4239 = arith.constant 9.99999996E-13 : f32
    %max3A_4240 = vector.broadcast %max3A_4239 : f32 to vector<256x256xf32>
    %max3A_4241 = arith.maximumf %sub3A_4238, %max3A_4240 : vector<256x256xf32>
    %div3A_4242 = arith.constant 1.000000e+00 : f32
    %div3A_4243 = vector.broadcast %div3A_4242 : f32 to vector<256x256xf32>
    %div3A_4244 = arith.divf %div3A_4243, %max3A_4241 : vector<256x256xf32>
    %mul3A_4245 = arith.mulf %add3A_4223, %add3A_4233 : vector<256x256xf32>
    %mul3A_4246 = vector.broadcast %slice3A_4206 : vector<1x256xf32> to vector<256x256xf32>
    %mul3A_4247 = arith.mulf %add3A_4228, %mul3A_4246 : vector<256x256xf32>
    %sub3A_4248 = arith.subf %mul3A_4245, %mul3A_4247 : vector<256x256xf32>
    %mul3A_4249 = arith.mulf %sub3A_4248, %div3A_4244 : vector<256x256xf32>
    %jit3A_4250 = arith.constant 0.000000e+00 : f32
    %jit3A_4251 = arith.constant 1.000000e+00 : f32
    %max3A_4252 = vector.broadcast %jit3A_4250 : f32 to vector<256x256xf32>
    %max3A_4253 = arith.maximumf %max3A_4252, %mul3A_4249 : vector<256x256xf32>
    %min3A_4254 = vector.broadcast %jit3A_4251 : f32 to vector<256x256xf32>
    %min3A_4255 = arith.minimumf %min3A_4254, %max3A_4253 : vector<256x256xf32>
    %mul3A_4256 = arith.mulf %add3A_4223, %min3A_4255 : vector<256x256xf32>
    %add3A_4257 = arith.addf %mul3A_4256, %add3A_4233 : vector<256x256xf32>
    %mul3A_4258 = vector.broadcast %slice3A_4207 : vector<1x256xf32> to vector<256x256xf32>
    %mul3A_4259 = arith.mulf %add3A_4257, %mul3A_4258 : vector<256x256xf32>
    %jit3A_4260 = arith.constant 0.000000e+00 : f32
    %jit3A_4261 = arith.constant 1.000000e+00 : f32
    %max3A_4262 = vector.broadcast %jit3A_4260 : f32 to vector<256x256xf32>
    %max3A_4263 = arith.maximumf %max3A_4262, %mul3A_4259 : vector<256x256xf32>
    %min3A_4264 = vector.broadcast %jit3A_4261 : f32 to vector<256x256xf32>
    %min3A_4265 = arith.minimumf %min3A_4264, %max3A_4263 : vector<256x256xf32>
    %mul3A_4266 = arith.mulf %add3A_4223, %min3A_4265 : vector<256x256xf32>
    %sub3A_4267 = arith.subf %mul3A_4266, %add3A_4228 : vector<256x256xf32>
    %mul3A_4268 = vector.broadcast %slice3A_4042 : vector<256x1xf32> to vector<256x256xf32>
    %mul3A_4269 = arith.mulf %sub3A_4267, %mul3A_4268 : vector<256x256xf32>
    %jit3A_4270 = arith.constant 0.000000e+00 : f32
    %jit3A_4271 = arith.constant 1.000000e+00 : f32
    %max3A_4272 = vector.broadcast %jit3A_4270 : f32 to vector<256x256xf32>
    %max3A_4273 = arith.maximumf %max3A_4272, %mul3A_4269 : vector<256x256xf32>
    %min3A_4274 = vector.broadcast %jit3A_4271 : f32 to vector<256x256xf32>
    %min3A_4275 = arith.minimumf %min3A_4274, %max3A_4273 : vector<256x256xf32>
    %mul3A_4276 = vector.broadcast %slice3A_4037 : vector<256x1xf32> to vector<256x256xf32>
    %mul3A_4277 = arith.mulf %min3A_4275, %mul3A_4276 : vector<256x256xf32>
    %add3A_4278 = arith.addf %sub3A_4213, %mul3A_4277 : vector<256x256xf32>
    %mul3A_4279 = vector.broadcast %slice3A_4202 : vector<1x256xf32> to vector<256x256xf32>
    %mul3A_4280 = arith.mulf %min3A_4265, %mul3A_4279 : vector<256x256xf32>
    %sub3A_4281 = arith.subf %add3A_4278, %mul3A_4280 : vector<256x256xf32>
    %mul3A_4282 = vector.broadcast %slice3A_4038 : vector<256x1xf32> to vector<256x256xf32>
    %mul3A_4283 = arith.mulf %min3A_4275, %mul3A_4282 : vector<256x256xf32>
    %add3A_4284 = arith.addf %sub3A_4216, %mul3A_4283 : vector<256x256xf32>
    %mul3A_4285 = vector.broadcast %slice3A_4203 : vector<1x256xf32> to vector<256x256xf32>
    %mul3A_4286 = arith.mulf %min3A_4265, %mul3A_4285 : vector<256x256xf32>
    %sub3A_4287 = arith.subf %add3A_4284, %mul3A_4286 : vector<256x256xf32>
    %mul3A_4288 = arith.mulf %sub3A_4281, %sub3A_4281 : vector<256x256xf32>
    %mul3A_4289 = arith.mulf %sub3A_4287, %sub3A_4287 : vector<256x256xf32>
    %add3A_4290 = arith.addf %mul3A_4288, %mul3A_4289 : vector<256x256xf32>
    %max3A_4291 = arith.constant 1.000000e-24 : f32
    %max3A_4292 = vector.broadcast %max3A_4291 : f32 to vector<256x256xf32>
    %max3A_4293 = arith.maximumf %add3A_4290, %max3A_4292 : vector<256x256xf32>
    %sqrt3A_4294 = math.sqrt %max3A_4293 : vector<256x256xf32>
    %sub3A_4295 = vector.broadcast %slice3A_4039 : vector<256x1xf32> to vector<256x256xf32>
    %sub3A_4296 = vector.broadcast %slice3A_4204 : vector<1x256xf32> to vector<256x256xf32>
    %sub3A_4297 = arith.subf %sub3A_4295, %sub3A_4296 : vector<256x256xf32>
    %sub3A_4298 = vector.broadcast %slice3A_4040 : vector<256x1xf32> to vector<256x256xf32>
    %sub3A_4299 = vector.broadcast %slice3A_4205 : vector<1x256xf32> to vector<256x256xf32>
    %sub3A_4300 = arith.subf %sub3A_4298, %sub3A_4299 : vector<256x256xf32>
    %add3A_4301 = vector.broadcast %slice3A_4043 : vector<256x1xf32> to vector<256x256xf32>
    %add3A_4302 = vector.broadcast %slice3A_4208 : vector<1x256xf32> to vector<256x256xf32>
    %add3A_4303 = arith.addf %add3A_4301, %add3A_4302 : vector<256x256xf32>
    %mul3A_4304 = arith.mulf %sub3A_4297, %sub3A_4297 : vector<256x256xf32>
    %mul3A_4305 = arith.mulf %sub3A_4300, %sub3A_4300 : vector<256x256xf32>
    %add3A_4306 = arith.addf %mul3A_4304, %mul3A_4305 : vector<256x256xf32>
    %mul3A_4307 = arith.mulf %add3A_4303, %add3A_4303 : vector<256x256xf32>
    %lt3A_4308 = arith.cmpf olt, %add3A_4306, %mul3A_4307 : vector<256x256xf32>
    %eq3A_4309 = vector.broadcast %slice3A_4044 : vector<256x1xi32> to vector<256x256xi32>
    %eq3A_4310 = vector.broadcast %slice3A_4209 : vector<1x256xi32> to vector<256x256xi32>
    %eq3A_4311 = arith.cmpi eq, %eq3A_4309, %eq3A_4310 : vector<256x256xi32>
    %eq3A_4312 = vector.broadcast %slice3A_4044 : vector<256x1xi32> to vector<256x256xi32>
    %eq3A_4313 = vector.broadcast %slice3A_4210 : vector<1x256xi32> to vector<256x256xi32>
    %eq3A_4314 = arith.cmpi eq, %eq3A_4312, %eq3A_4313 : vector<256x256xi32>
    %or3A_4315 = arith.ori %eq3A_4311, %eq3A_4314 : vector<256x256xi1>
    %eq3A_4316 = vector.broadcast %slice3A_4045 : vector<256x1xi32> to vector<256x256xi32>
    %eq3A_4317 = vector.broadcast %slice3A_4209 : vector<1x256xi32> to vector<256x256xi32>
    %eq3A_4318 = arith.cmpi eq, %eq3A_4316, %eq3A_4317 : vector<256x256xi32>
    %or3A_4319 = arith.ori %or3A_4315, %eq3A_4318 : vector<256x256xi1>
    %eq3A_4320 = vector.broadcast %slice3A_4045 : vector<256x1xi32> to vector<256x256xi32>
    %eq3A_4321 = vector.broadcast %slice3A_4210 : vector<1x256xi32> to vector<256x256xi32>
    %eq3A_4322 = arith.cmpi eq, %eq3A_4320, %eq3A_4321 : vector<256x256xi32>
    %or3A_4323 = arith.ori %or3A_4319, %eq3A_4322 : vector<256x256xi1>
    %not3A_4324 = arith.constant dense<true> : vector<256x256xi1>
    %not3A_4325 = arith.xori %or3A_4323, %not3A_4324 : vector<256x256xi1>
    %and3A_4326 = arith.andi %lt3A_4308, %not3A_4325 : vector<256x256xi1>
    %sub3A_4327 = arith.constant 1.000000e-03 : f32
    %sub3A_4328 = vector.broadcast %sub3A_4327 : f32 to vector<256x256xf32>
    %sub3A_4329 = arith.subf %sub3A_4328, %sqrt3A_4294 : vector<256x256xf32>
    %max3A_4330 = arith.constant 0.000000e+00 : f32
    %max3A_4331 = vector.broadcast %max3A_4330 : f32 to vector<256x256xf32>
    %max3A_4332 = arith.maximumf %sub3A_4329, %max3A_4331 : vector<256x256xf32>
    %jit3A_4333 = arith.constant 0.000000e+00 : f32
    %broadcast_in_dim3A_4334 = vector.broadcast %jit3A_4333 : f32 to vector<256x256xf32>
    %select_n3A_4335 = arith.select %and3A_4326, %max3A_4332, %broadcast_in_dim3A_4334 : vector<256x256xi1>, vector<256x256xf32>
    %reduce_sum3A_4336 = vector.shape_cast %select_n3A_4335 : vector<256x256xf32> to vector<1x256x256xf32>
    %reduce_sum3A_4337 = arith.constant dense<0.000000e+00> : vector<1xf32>
    %reduce_sum3A_4338 = vector.multi_reduction <add>, %reduce_sum3A_4336, %reduce_sum3A_4337 [1, 2] : vector<1x256x256xf32> to vector<1xf32>
    %reduce_sum3A_4339 = vector.shape_cast %reduce_sum3A_4338 : vector<1xf32> to vector<1x1x1xf32>
    %reduce_sum3A_4340 = vector.extract %reduce_sum3A_4339[0, 0, 0] : f32 from vector<1x1x1xf32>
    %add3A_4341 = arith.addf %add3A_4191, %reduce_sum3A_4340 : f32
    %convert_element_type3A_4342 = arith.extui %and3A_4326 : vector<256x256xi1> to vector<256x256xi32>
    %convert_element_type3A_4343 = arith.sitofp %convert_element_type3A_4342 : vector<256x256xi32> to vector<256x256xf32>
    %reduce_sum3A_4344 = vector.shape_cast %convert_element_type3A_4343 : vector<256x256xf32> to vector<1x256x256xf32>
    %reduce_sum3A_4345 = arith.constant dense<0.000000e+00> : vector<1xf32>
    %reduce_sum3A_4346 = vector.multi_reduction <add>, %reduce_sum3A_4344, %reduce_sum3A_4345 [1, 2] : vector<1x256x256xf32> to vector<1xf32>
    %reduce_sum3A_4347 = vector.shape_cast %reduce_sum3A_4346 : vector<1xf32> to vector<1x1x1xf32>
    %reduce_sum3A_4348 = vector.extract %reduce_sum3A_4347[0, 0, 0] : f32 from vector<1x1x1xf32>
    %add3A_4349 = arith.addf %add3A_4199, %reduce_sum3A_4348 : f32
    %slice3A_4350 = vector.extract_strided_slice %get3A_13 {offsets = [0, 1536], sizes = [1, 256], strides = [1, 1]} : vector<1x2048xf32> to vector<1x256xf32>
    %slice3A_4351 = vector.extract_strided_slice %get3A_16 {offsets = [0, 1536], sizes = [1, 256], strides = [1, 1]} : vector<1x2048xf32> to vector<1x256xf32>
    %slice3A_4352 = vector.extract_strided_slice %sub3A_58 {offsets = [0, 1536], sizes = [1, 256], strides = [1, 1]} : vector<1x2048xf32> to vector<1x256xf32>
    %slice3A_4353 = vector.extract_strided_slice %sub3A_59 {offsets = [0, 1536], sizes = [1, 256], strides = [1, 1]} : vector<1x2048xf32> to vector<1x256xf32>
    %slice3A_4354 = vector.extract_strided_slice %mul3A_63 {offsets = [0, 1536], sizes = [1, 256], strides = [1, 1]} : vector<1x2048xf32> to vector<1x256xf32>
    %slice3A_4355 = vector.extract_strided_slice %mul3A_67 {offsets = [0, 1536], sizes = [1, 256], strides = [1, 1]} : vector<1x2048xf32> to vector<1x256xf32>
    %slice3A_4356 = vector.extract_strided_slice %max3A_73 {offsets = [0, 1536], sizes = [1, 256], strides = [1, 1]} : vector<1x2048xf32> to vector<1x256xf32>
    %slice3A_4357 = vector.extract_strided_slice %div3A_76 {offsets = [0, 1536], sizes = [1, 256], strides = [1, 1]} : vector<1x2048xf32> to vector<1x256xf32>
    %slice3A_4358 = vector.extract_strided_slice %add3A_86 {offsets = [0, 1536], sizes = [1, 256], strides = [1, 1]} : vector<1x2048xf32> to vector<1x256xf32>
    %slice3A_4359 = vector.extract_strided_slice %get3A_31 {offsets = [0, 1536], sizes = [1, 256], strides = [1, 1]} : vector<1x2048xi32> to vector<1x256xi32>
    %slice3A_4360 = vector.extract_strided_slice %get3A_34 {offsets = [0, 1536], sizes = [1, 256], strides = [1, 1]} : vector<1x2048xi32> to vector<1x256xi32>
    %sub3A_4361 = vector.broadcast %slice3A_4035 : vector<256x1xf32> to vector<256x256xf32>
    %sub3A_4362 = vector.broadcast %slice3A_4350 : vector<1x256xf32> to vector<256x256xf32>
    %sub3A_4363 = arith.subf %sub3A_4361, %sub3A_4362 : vector<256x256xf32>
    %sub3A_4364 = vector.broadcast %slice3A_4036 : vector<256x1xf32> to vector<256x256xf32>
    %sub3A_4365 = vector.broadcast %slice3A_4351 : vector<1x256xf32> to vector<256x256xf32>
    %sub3A_4366 = arith.subf %sub3A_4364, %sub3A_4365 : vector<256x256xf32>
    %mul3A_4367 = vector.broadcast %slice3A_4037 : vector<256x1xf32> to vector<256x256xf32>
    %mul3A_4368 = vector.broadcast %slice3A_4352 : vector<1x256xf32> to vector<256x256xf32>
    %mul3A_4369 = arith.mulf %mul3A_4367, %mul3A_4368 : vector<256x256xf32>
    %mul3A_4370 = vector.broadcast %slice3A_4038 : vector<256x1xf32> to vector<256x256xf32>
    %mul3A_4371 = vector.broadcast %slice3A_4353 : vector<1x256xf32> to vector<256x256xf32>
    %mul3A_4372 = arith.mulf %mul3A_4370, %mul3A_4371 : vector<256x256xf32>
    %add3A_4373 = arith.addf %mul3A_4369, %mul3A_4372 : vector<256x256xf32>
    %mul3A_4374 = vector.broadcast %slice3A_4037 : vector<256x1xf32> to vector<256x256xf32>
    %mul3A_4375 = arith.mulf %mul3A_4374, %sub3A_4363 : vector<256x256xf32>
    %mul3A_4376 = vector.broadcast %slice3A_4038 : vector<256x1xf32> to vector<256x256xf32>
    %mul3A_4377 = arith.mulf %mul3A_4376, %sub3A_4366 : vector<256x256xf32>
    %add3A_4378 = arith.addf %mul3A_4375, %mul3A_4377 : vector<256x256xf32>
    %mul3A_4379 = vector.broadcast %slice3A_4352 : vector<1x256xf32> to vector<256x256xf32>
    %mul3A_4380 = arith.mulf %mul3A_4379, %sub3A_4363 : vector<256x256xf32>
    %mul3A_4381 = vector.broadcast %slice3A_4353 : vector<1x256xf32> to vector<256x256xf32>
    %mul3A_4382 = arith.mulf %mul3A_4381, %sub3A_4366 : vector<256x256xf32>
    %add3A_4383 = arith.addf %mul3A_4380, %mul3A_4382 : vector<256x256xf32>
    %mul3A_4384 = vector.broadcast %slice3A_4041 : vector<256x1xf32> to vector<256x256xf32>
    %mul3A_4385 = vector.broadcast %slice3A_4356 : vector<1x256xf32> to vector<256x256xf32>
    %mul3A_4386 = arith.mulf %mul3A_4384, %mul3A_4385 : vector<256x256xf32>
    %mul3A_4387 = arith.mulf %add3A_4373, %add3A_4373 : vector<256x256xf32>
    %sub3A_4388 = arith.subf %mul3A_4386, %mul3A_4387 : vector<256x256xf32>
    %max3A_4389 = arith.constant 9.99999996E-13 : f32
    %max3A_4390 = vector.broadcast %max3A_4389 : f32 to vector<256x256xf32>
    %max3A_4391 = arith.maximumf %sub3A_4388, %max3A_4390 : vector<256x256xf32>
    %div3A_4392 = arith.constant 1.000000e+00 : f32
    %div3A_4393 = vector.broadcast %div3A_4392 : f32 to vector<256x256xf32>
    %div3A_4394 = arith.divf %div3A_4393, %max3A_4391 : vector<256x256xf32>
    %mul3A_4395 = arith.mulf %add3A_4373, %add3A_4383 : vector<256x256xf32>
    %mul3A_4396 = vector.broadcast %slice3A_4356 : vector<1x256xf32> to vector<256x256xf32>
    %mul3A_4397 = arith.mulf %add3A_4378, %mul3A_4396 : vector<256x256xf32>
    %sub3A_4398 = arith.subf %mul3A_4395, %mul3A_4397 : vector<256x256xf32>
    %mul3A_4399 = arith.mulf %sub3A_4398, %div3A_4394 : vector<256x256xf32>
    %jit3A_4400 = arith.constant 0.000000e+00 : f32
    %jit3A_4401 = arith.constant 1.000000e+00 : f32
    %max3A_4402 = vector.broadcast %jit3A_4400 : f32 to vector<256x256xf32>
    %max3A_4403 = arith.maximumf %max3A_4402, %mul3A_4399 : vector<256x256xf32>
    %min3A_4404 = vector.broadcast %jit3A_4401 : f32 to vector<256x256xf32>
    %min3A_4405 = arith.minimumf %min3A_4404, %max3A_4403 : vector<256x256xf32>
    %mul3A_4406 = arith.mulf %add3A_4373, %min3A_4405 : vector<256x256xf32>
    %add3A_4407 = arith.addf %mul3A_4406, %add3A_4383 : vector<256x256xf32>
    %mul3A_4408 = vector.broadcast %slice3A_4357 : vector<1x256xf32> to vector<256x256xf32>
    %mul3A_4409 = arith.mulf %add3A_4407, %mul3A_4408 : vector<256x256xf32>
    %jit3A_4410 = arith.constant 0.000000e+00 : f32
    %jit3A_4411 = arith.constant 1.000000e+00 : f32
    %max3A_4412 = vector.broadcast %jit3A_4410 : f32 to vector<256x256xf32>
    %max3A_4413 = arith.maximumf %max3A_4412, %mul3A_4409 : vector<256x256xf32>
    %min3A_4414 = vector.broadcast %jit3A_4411 : f32 to vector<256x256xf32>
    %min3A_4415 = arith.minimumf %min3A_4414, %max3A_4413 : vector<256x256xf32>
    %mul3A_4416 = arith.mulf %add3A_4373, %min3A_4415 : vector<256x256xf32>
    %sub3A_4417 = arith.subf %mul3A_4416, %add3A_4378 : vector<256x256xf32>
    %mul3A_4418 = vector.broadcast %slice3A_4042 : vector<256x1xf32> to vector<256x256xf32>
    %mul3A_4419 = arith.mulf %sub3A_4417, %mul3A_4418 : vector<256x256xf32>
    %jit3A_4420 = arith.constant 0.000000e+00 : f32
    %jit3A_4421 = arith.constant 1.000000e+00 : f32
    %max3A_4422 = vector.broadcast %jit3A_4420 : f32 to vector<256x256xf32>
    %max3A_4423 = arith.maximumf %max3A_4422, %mul3A_4419 : vector<256x256xf32>
    %min3A_4424 = vector.broadcast %jit3A_4421 : f32 to vector<256x256xf32>
    %min3A_4425 = arith.minimumf %min3A_4424, %max3A_4423 : vector<256x256xf32>
    %mul3A_4426 = vector.broadcast %slice3A_4037 : vector<256x1xf32> to vector<256x256xf32>
    %mul3A_4427 = arith.mulf %min3A_4425, %mul3A_4426 : vector<256x256xf32>
    %add3A_4428 = arith.addf %sub3A_4363, %mul3A_4427 : vector<256x256xf32>
    %mul3A_4429 = vector.broadcast %slice3A_4352 : vector<1x256xf32> to vector<256x256xf32>
    %mul3A_4430 = arith.mulf %min3A_4415, %mul3A_4429 : vector<256x256xf32>
    %sub3A_4431 = arith.subf %add3A_4428, %mul3A_4430 : vector<256x256xf32>
    %mul3A_4432 = vector.broadcast %slice3A_4038 : vector<256x1xf32> to vector<256x256xf32>
    %mul3A_4433 = arith.mulf %min3A_4425, %mul3A_4432 : vector<256x256xf32>
    %add3A_4434 = arith.addf %sub3A_4366, %mul3A_4433 : vector<256x256xf32>
    %mul3A_4435 = vector.broadcast %slice3A_4353 : vector<1x256xf32> to vector<256x256xf32>
    %mul3A_4436 = arith.mulf %min3A_4415, %mul3A_4435 : vector<256x256xf32>
    %sub3A_4437 = arith.subf %add3A_4434, %mul3A_4436 : vector<256x256xf32>
    %mul3A_4438 = arith.mulf %sub3A_4431, %sub3A_4431 : vector<256x256xf32>
    %mul3A_4439 = arith.mulf %sub3A_4437, %sub3A_4437 : vector<256x256xf32>
    %add3A_4440 = arith.addf %mul3A_4438, %mul3A_4439 : vector<256x256xf32>
    %max3A_4441 = arith.constant 1.000000e-24 : f32
    %max3A_4442 = vector.broadcast %max3A_4441 : f32 to vector<256x256xf32>
    %max3A_4443 = arith.maximumf %add3A_4440, %max3A_4442 : vector<256x256xf32>
    %sqrt3A_4444 = math.sqrt %max3A_4443 : vector<256x256xf32>
    %sub3A_4445 = vector.broadcast %slice3A_4039 : vector<256x1xf32> to vector<256x256xf32>
    %sub3A_4446 = vector.broadcast %slice3A_4354 : vector<1x256xf32> to vector<256x256xf32>
    %sub3A_4447 = arith.subf %sub3A_4445, %sub3A_4446 : vector<256x256xf32>
    %sub3A_4448 = vector.broadcast %slice3A_4040 : vector<256x1xf32> to vector<256x256xf32>
    %sub3A_4449 = vector.broadcast %slice3A_4355 : vector<1x256xf32> to vector<256x256xf32>
    %sub3A_4450 = arith.subf %sub3A_4448, %sub3A_4449 : vector<256x256xf32>
    %add3A_4451 = vector.broadcast %slice3A_4043 : vector<256x1xf32> to vector<256x256xf32>
    %add3A_4452 = vector.broadcast %slice3A_4358 : vector<1x256xf32> to vector<256x256xf32>
    %add3A_4453 = arith.addf %add3A_4451, %add3A_4452 : vector<256x256xf32>
    %mul3A_4454 = arith.mulf %sub3A_4447, %sub3A_4447 : vector<256x256xf32>
    %mul3A_4455 = arith.mulf %sub3A_4450, %sub3A_4450 : vector<256x256xf32>
    %add3A_4456 = arith.addf %mul3A_4454, %mul3A_4455 : vector<256x256xf32>
    %mul3A_4457 = arith.mulf %add3A_4453, %add3A_4453 : vector<256x256xf32>
    %lt3A_4458 = arith.cmpf olt, %add3A_4456, %mul3A_4457 : vector<256x256xf32>
    %eq3A_4459 = vector.broadcast %slice3A_4044 : vector<256x1xi32> to vector<256x256xi32>
    %eq3A_4460 = vector.broadcast %slice3A_4359 : vector<1x256xi32> to vector<256x256xi32>
    %eq3A_4461 = arith.cmpi eq, %eq3A_4459, %eq3A_4460 : vector<256x256xi32>
    %eq3A_4462 = vector.broadcast %slice3A_4044 : vector<256x1xi32> to vector<256x256xi32>
    %eq3A_4463 = vector.broadcast %slice3A_4360 : vector<1x256xi32> to vector<256x256xi32>
    %eq3A_4464 = arith.cmpi eq, %eq3A_4462, %eq3A_4463 : vector<256x256xi32>
    %or3A_4465 = arith.ori %eq3A_4461, %eq3A_4464 : vector<256x256xi1>
    %eq3A_4466 = vector.broadcast %slice3A_4045 : vector<256x1xi32> to vector<256x256xi32>
    %eq3A_4467 = vector.broadcast %slice3A_4359 : vector<1x256xi32> to vector<256x256xi32>
    %eq3A_4468 = arith.cmpi eq, %eq3A_4466, %eq3A_4467 : vector<256x256xi32>
    %or3A_4469 = arith.ori %or3A_4465, %eq3A_4468 : vector<256x256xi1>
    %eq3A_4470 = vector.broadcast %slice3A_4045 : vector<256x1xi32> to vector<256x256xi32>
    %eq3A_4471 = vector.broadcast %slice3A_4360 : vector<1x256xi32> to vector<256x256xi32>
    %eq3A_4472 = arith.cmpi eq, %eq3A_4470, %eq3A_4471 : vector<256x256xi32>
    %or3A_4473 = arith.ori %or3A_4469, %eq3A_4472 : vector<256x256xi1>
    %not3A_4474 = arith.constant dense<true> : vector<256x256xi1>
    %not3A_4475 = arith.xori %or3A_4473, %not3A_4474 : vector<256x256xi1>
    %and3A_4476 = arith.andi %lt3A_4458, %not3A_4475 : vector<256x256xi1>
    %sub3A_4477 = arith.constant 1.000000e-03 : f32
    %sub3A_4478 = vector.broadcast %sub3A_4477 : f32 to vector<256x256xf32>
    %sub3A_4479 = arith.subf %sub3A_4478, %sqrt3A_4444 : vector<256x256xf32>
    %max3A_4480 = arith.constant 0.000000e+00 : f32
    %max3A_4481 = vector.broadcast %max3A_4480 : f32 to vector<256x256xf32>
    %max3A_4482 = arith.maximumf %sub3A_4479, %max3A_4481 : vector<256x256xf32>
    %jit3A_4483 = arith.constant 0.000000e+00 : f32
    %broadcast_in_dim3A_4484 = vector.broadcast %jit3A_4483 : f32 to vector<256x256xf32>
    %select_n3A_4485 = arith.select %and3A_4476, %max3A_4482, %broadcast_in_dim3A_4484 : vector<256x256xi1>, vector<256x256xf32>
    %reduce_sum3A_4486 = vector.shape_cast %select_n3A_4485 : vector<256x256xf32> to vector<1x256x256xf32>
    %reduce_sum3A_4487 = arith.constant dense<0.000000e+00> : vector<1xf32>
    %reduce_sum3A_4488 = vector.multi_reduction <add>, %reduce_sum3A_4486, %reduce_sum3A_4487 [1, 2] : vector<1x256x256xf32> to vector<1xf32>
    %reduce_sum3A_4489 = vector.shape_cast %reduce_sum3A_4488 : vector<1xf32> to vector<1x1x1xf32>
    %reduce_sum3A_4490 = vector.extract %reduce_sum3A_4489[0, 0, 0] : f32 from vector<1x1x1xf32>
    %add3A_4491 = arith.addf %add3A_4341, %reduce_sum3A_4490 : f32
    %convert_element_type3A_4492 = arith.extui %and3A_4476 : vector<256x256xi1> to vector<256x256xi32>
    %convert_element_type3A_4493 = arith.sitofp %convert_element_type3A_4492 : vector<256x256xi32> to vector<256x256xf32>
    %reduce_sum3A_4494 = vector.shape_cast %convert_element_type3A_4493 : vector<256x256xf32> to vector<1x256x256xf32>
    %reduce_sum3A_4495 = arith.constant dense<0.000000e+00> : vector<1xf32>
    %reduce_sum3A_4496 = vector.multi_reduction <add>, %reduce_sum3A_4494, %reduce_sum3A_4495 [1, 2] : vector<1x256x256xf32> to vector<1xf32>
    %reduce_sum3A_4497 = vector.shape_cast %reduce_sum3A_4496 : vector<1xf32> to vector<1x1x1xf32>
    %reduce_sum3A_4498 = vector.extract %reduce_sum3A_4497[0, 0, 0] : f32 from vector<1x1x1xf32>
    %add3A_4499 = arith.addf %add3A_4349, %reduce_sum3A_4498 : f32
    %slice3A_4500 = vector.extract_strided_slice %get3A_13 {offsets = [0, 1792], sizes = [1, 256], strides = [1, 1]} : vector<1x2048xf32> to vector<1x256xf32>
    %slice3A_4501 = vector.extract_strided_slice %get3A_16 {offsets = [0, 1792], sizes = [1, 256], strides = [1, 1]} : vector<1x2048xf32> to vector<1x256xf32>
    %slice3A_4502 = vector.extract_strided_slice %sub3A_58 {offsets = [0, 1792], sizes = [1, 256], strides = [1, 1]} : vector<1x2048xf32> to vector<1x256xf32>
    %slice3A_4503 = vector.extract_strided_slice %sub3A_59 {offsets = [0, 1792], sizes = [1, 256], strides = [1, 1]} : vector<1x2048xf32> to vector<1x256xf32>
    %slice3A_4504 = vector.extract_strided_slice %mul3A_63 {offsets = [0, 1792], sizes = [1, 256], strides = [1, 1]} : vector<1x2048xf32> to vector<1x256xf32>
    %slice3A_4505 = vector.extract_strided_slice %mul3A_67 {offsets = [0, 1792], sizes = [1, 256], strides = [1, 1]} : vector<1x2048xf32> to vector<1x256xf32>
    %slice3A_4506 = vector.extract_strided_slice %max3A_73 {offsets = [0, 1792], sizes = [1, 256], strides = [1, 1]} : vector<1x2048xf32> to vector<1x256xf32>
    %slice3A_4507 = vector.extract_strided_slice %div3A_76 {offsets = [0, 1792], sizes = [1, 256], strides = [1, 1]} : vector<1x2048xf32> to vector<1x256xf32>
    %slice3A_4508 = vector.extract_strided_slice %add3A_86 {offsets = [0, 1792], sizes = [1, 256], strides = [1, 1]} : vector<1x2048xf32> to vector<1x256xf32>
    %slice3A_4509 = vector.extract_strided_slice %get3A_31 {offsets = [0, 1792], sizes = [1, 256], strides = [1, 1]} : vector<1x2048xi32> to vector<1x256xi32>
    %slice3A_4510 = vector.extract_strided_slice %get3A_34 {offsets = [0, 1792], sizes = [1, 256], strides = [1, 1]} : vector<1x2048xi32> to vector<1x256xi32>
    %sub3A_4511 = vector.broadcast %slice3A_4035 : vector<256x1xf32> to vector<256x256xf32>
    %sub3A_4512 = vector.broadcast %slice3A_4500 : vector<1x256xf32> to vector<256x256xf32>
    %sub3A_4513 = arith.subf %sub3A_4511, %sub3A_4512 : vector<256x256xf32>
    %sub3A_4514 = vector.broadcast %slice3A_4036 : vector<256x1xf32> to vector<256x256xf32>
    %sub3A_4515 = vector.broadcast %slice3A_4501 : vector<1x256xf32> to vector<256x256xf32>
    %sub3A_4516 = arith.subf %sub3A_4514, %sub3A_4515 : vector<256x256xf32>
    %mul3A_4517 = vector.broadcast %slice3A_4037 : vector<256x1xf32> to vector<256x256xf32>
    %mul3A_4518 = vector.broadcast %slice3A_4502 : vector<1x256xf32> to vector<256x256xf32>
    %mul3A_4519 = arith.mulf %mul3A_4517, %mul3A_4518 : vector<256x256xf32>
    %mul3A_4520 = vector.broadcast %slice3A_4038 : vector<256x1xf32> to vector<256x256xf32>
    %mul3A_4521 = vector.broadcast %slice3A_4503 : vector<1x256xf32> to vector<256x256xf32>
    %mul3A_4522 = arith.mulf %mul3A_4520, %mul3A_4521 : vector<256x256xf32>
    %add3A_4523 = arith.addf %mul3A_4519, %mul3A_4522 : vector<256x256xf32>
    %mul3A_4524 = vector.broadcast %slice3A_4037 : vector<256x1xf32> to vector<256x256xf32>
    %mul3A_4525 = arith.mulf %mul3A_4524, %sub3A_4513 : vector<256x256xf32>
    %mul3A_4526 = vector.broadcast %slice3A_4038 : vector<256x1xf32> to vector<256x256xf32>
    %mul3A_4527 = arith.mulf %mul3A_4526, %sub3A_4516 : vector<256x256xf32>
    %add3A_4528 = arith.addf %mul3A_4525, %mul3A_4527 : vector<256x256xf32>
    %mul3A_4529 = vector.broadcast %slice3A_4502 : vector<1x256xf32> to vector<256x256xf32>
    %mul3A_4530 = arith.mulf %mul3A_4529, %sub3A_4513 : vector<256x256xf32>
    %mul3A_4531 = vector.broadcast %slice3A_4503 : vector<1x256xf32> to vector<256x256xf32>
    %mul3A_4532 = arith.mulf %mul3A_4531, %sub3A_4516 : vector<256x256xf32>
    %add3A_4533 = arith.addf %mul3A_4530, %mul3A_4532 : vector<256x256xf32>
    %mul3A_4534 = vector.broadcast %slice3A_4041 : vector<256x1xf32> to vector<256x256xf32>
    %mul3A_4535 = vector.broadcast %slice3A_4506 : vector<1x256xf32> to vector<256x256xf32>
    %mul3A_4536 = arith.mulf %mul3A_4534, %mul3A_4535 : vector<256x256xf32>
    %mul3A_4537 = arith.mulf %add3A_4523, %add3A_4523 : vector<256x256xf32>
    %sub3A_4538 = arith.subf %mul3A_4536, %mul3A_4537 : vector<256x256xf32>
    %max3A_4539 = arith.constant 9.99999996E-13 : f32
    %max3A_4540 = vector.broadcast %max3A_4539 : f32 to vector<256x256xf32>
    %max3A_4541 = arith.maximumf %sub3A_4538, %max3A_4540 : vector<256x256xf32>
    %div3A_4542 = arith.constant 1.000000e+00 : f32
    %div3A_4543 = vector.broadcast %div3A_4542 : f32 to vector<256x256xf32>
    %div3A_4544 = arith.divf %div3A_4543, %max3A_4541 : vector<256x256xf32>
    %mul3A_4545 = arith.mulf %add3A_4523, %add3A_4533 : vector<256x256xf32>
    %mul3A_4546 = vector.broadcast %slice3A_4506 : vector<1x256xf32> to vector<256x256xf32>
    %mul3A_4547 = arith.mulf %add3A_4528, %mul3A_4546 : vector<256x256xf32>
    %sub3A_4548 = arith.subf %mul3A_4545, %mul3A_4547 : vector<256x256xf32>
    %mul3A_4549 = arith.mulf %sub3A_4548, %div3A_4544 : vector<256x256xf32>
    %jit3A_4550 = arith.constant 0.000000e+00 : f32
    %jit3A_4551 = arith.constant 1.000000e+00 : f32
    %max3A_4552 = vector.broadcast %jit3A_4550 : f32 to vector<256x256xf32>
    %max3A_4553 = arith.maximumf %max3A_4552, %mul3A_4549 : vector<256x256xf32>
    %min3A_4554 = vector.broadcast %jit3A_4551 : f32 to vector<256x256xf32>
    %min3A_4555 = arith.minimumf %min3A_4554, %max3A_4553 : vector<256x256xf32>
    %mul3A_4556 = arith.mulf %add3A_4523, %min3A_4555 : vector<256x256xf32>
    %add3A_4557 = arith.addf %mul3A_4556, %add3A_4533 : vector<256x256xf32>
    %mul3A_4558 = vector.broadcast %slice3A_4507 : vector<1x256xf32> to vector<256x256xf32>
    %mul3A_4559 = arith.mulf %add3A_4557, %mul3A_4558 : vector<256x256xf32>
    %jit3A_4560 = arith.constant 0.000000e+00 : f32
    %jit3A_4561 = arith.constant 1.000000e+00 : f32
    %max3A_4562 = vector.broadcast %jit3A_4560 : f32 to vector<256x256xf32>
    %max3A_4563 = arith.maximumf %max3A_4562, %mul3A_4559 : vector<256x256xf32>
    %min3A_4564 = vector.broadcast %jit3A_4561 : f32 to vector<256x256xf32>
    %min3A_4565 = arith.minimumf %min3A_4564, %max3A_4563 : vector<256x256xf32>
    %mul3A_4566 = arith.mulf %add3A_4523, %min3A_4565 : vector<256x256xf32>
    %sub3A_4567 = arith.subf %mul3A_4566, %add3A_4528 : vector<256x256xf32>
    %mul3A_4568 = vector.broadcast %slice3A_4042 : vector<256x1xf32> to vector<256x256xf32>
    %mul3A_4569 = arith.mulf %sub3A_4567, %mul3A_4568 : vector<256x256xf32>
    %jit3A_4570 = arith.constant 0.000000e+00 : f32
    %jit3A_4571 = arith.constant 1.000000e+00 : f32
    %max3A_4572 = vector.broadcast %jit3A_4570 : f32 to vector<256x256xf32>
    %max3A_4573 = arith.maximumf %max3A_4572, %mul3A_4569 : vector<256x256xf32>
    %min3A_4574 = vector.broadcast %jit3A_4571 : f32 to vector<256x256xf32>
    %min3A_4575 = arith.minimumf %min3A_4574, %max3A_4573 : vector<256x256xf32>
    %mul3A_4576 = vector.broadcast %slice3A_4037 : vector<256x1xf32> to vector<256x256xf32>
    %mul3A_4577 = arith.mulf %min3A_4575, %mul3A_4576 : vector<256x256xf32>
    %add3A_4578 = arith.addf %sub3A_4513, %mul3A_4577 : vector<256x256xf32>
    %mul3A_4579 = vector.broadcast %slice3A_4502 : vector<1x256xf32> to vector<256x256xf32>
    %mul3A_4580 = arith.mulf %min3A_4565, %mul3A_4579 : vector<256x256xf32>
    %sub3A_4581 = arith.subf %add3A_4578, %mul3A_4580 : vector<256x256xf32>
    %mul3A_4582 = vector.broadcast %slice3A_4038 : vector<256x1xf32> to vector<256x256xf32>
    %mul3A_4583 = arith.mulf %min3A_4575, %mul3A_4582 : vector<256x256xf32>
    %add3A_4584 = arith.addf %sub3A_4516, %mul3A_4583 : vector<256x256xf32>
    %mul3A_4585 = vector.broadcast %slice3A_4503 : vector<1x256xf32> to vector<256x256xf32>
    %mul3A_4586 = arith.mulf %min3A_4565, %mul3A_4585 : vector<256x256xf32>
    %sub3A_4587 = arith.subf %add3A_4584, %mul3A_4586 : vector<256x256xf32>
    %mul3A_4588 = arith.mulf %sub3A_4581, %sub3A_4581 : vector<256x256xf32>
    %mul3A_4589 = arith.mulf %sub3A_4587, %sub3A_4587 : vector<256x256xf32>
    %add3A_4590 = arith.addf %mul3A_4588, %mul3A_4589 : vector<256x256xf32>
    %max3A_4591 = arith.constant 1.000000e-24 : f32
    %max3A_4592 = vector.broadcast %max3A_4591 : f32 to vector<256x256xf32>
    %max3A_4593 = arith.maximumf %add3A_4590, %max3A_4592 : vector<256x256xf32>
    %sqrt3A_4594 = math.sqrt %max3A_4593 : vector<256x256xf32>
    %sub3A_4595 = vector.broadcast %slice3A_4039 : vector<256x1xf32> to vector<256x256xf32>
    %sub3A_4596 = vector.broadcast %slice3A_4504 : vector<1x256xf32> to vector<256x256xf32>
    %sub3A_4597 = arith.subf %sub3A_4595, %sub3A_4596 : vector<256x256xf32>
    %sub3A_4598 = vector.broadcast %slice3A_4040 : vector<256x1xf32> to vector<256x256xf32>
    %sub3A_4599 = vector.broadcast %slice3A_4505 : vector<1x256xf32> to vector<256x256xf32>
    %sub3A_4600 = arith.subf %sub3A_4598, %sub3A_4599 : vector<256x256xf32>
    %add3A_4601 = vector.broadcast %slice3A_4043 : vector<256x1xf32> to vector<256x256xf32>
    %add3A_4602 = vector.broadcast %slice3A_4508 : vector<1x256xf32> to vector<256x256xf32>
    %add3A_4603 = arith.addf %add3A_4601, %add3A_4602 : vector<256x256xf32>
    %mul3A_4604 = arith.mulf %sub3A_4597, %sub3A_4597 : vector<256x256xf32>
    %mul3A_4605 = arith.mulf %sub3A_4600, %sub3A_4600 : vector<256x256xf32>
    %add3A_4606 = arith.addf %mul3A_4604, %mul3A_4605 : vector<256x256xf32>
    %mul3A_4607 = arith.mulf %add3A_4603, %add3A_4603 : vector<256x256xf32>
    %lt3A_4608 = arith.cmpf olt, %add3A_4606, %mul3A_4607 : vector<256x256xf32>
    %eq3A_4609 = vector.broadcast %slice3A_4044 : vector<256x1xi32> to vector<256x256xi32>
    %eq3A_4610 = vector.broadcast %slice3A_4509 : vector<1x256xi32> to vector<256x256xi32>
    %eq3A_4611 = arith.cmpi eq, %eq3A_4609, %eq3A_4610 : vector<256x256xi32>
    %eq3A_4612 = vector.broadcast %slice3A_4044 : vector<256x1xi32> to vector<256x256xi32>
    %eq3A_4613 = vector.broadcast %slice3A_4510 : vector<1x256xi32> to vector<256x256xi32>
    %eq3A_4614 = arith.cmpi eq, %eq3A_4612, %eq3A_4613 : vector<256x256xi32>
    %or3A_4615 = arith.ori %eq3A_4611, %eq3A_4614 : vector<256x256xi1>
    %eq3A_4616 = vector.broadcast %slice3A_4045 : vector<256x1xi32> to vector<256x256xi32>
    %eq3A_4617 = vector.broadcast %slice3A_4509 : vector<1x256xi32> to vector<256x256xi32>
    %eq3A_4618 = arith.cmpi eq, %eq3A_4616, %eq3A_4617 : vector<256x256xi32>
    %or3A_4619 = arith.ori %or3A_4615, %eq3A_4618 : vector<256x256xi1>
    %eq3A_4620 = vector.broadcast %slice3A_4045 : vector<256x1xi32> to vector<256x256xi32>
    %eq3A_4621 = vector.broadcast %slice3A_4510 : vector<1x256xi32> to vector<256x256xi32>
    %eq3A_4622 = arith.cmpi eq, %eq3A_4620, %eq3A_4621 : vector<256x256xi32>
    %or3A_4623 = arith.ori %or3A_4619, %eq3A_4622 : vector<256x256xi1>
    %not3A_4624 = arith.constant dense<true> : vector<256x256xi1>
    %not3A_4625 = arith.xori %or3A_4623, %not3A_4624 : vector<256x256xi1>
    %and3A_4626 = arith.andi %lt3A_4608, %not3A_4625 : vector<256x256xi1>
    %sub3A_4627 = arith.constant 1.000000e-03 : f32
    %sub3A_4628 = vector.broadcast %sub3A_4627 : f32 to vector<256x256xf32>
    %sub3A_4629 = arith.subf %sub3A_4628, %sqrt3A_4594 : vector<256x256xf32>
    %max3A_4630 = arith.constant 0.000000e+00 : f32
    %max3A_4631 = vector.broadcast %max3A_4630 : f32 to vector<256x256xf32>
    %max3A_4632 = arith.maximumf %sub3A_4629, %max3A_4631 : vector<256x256xf32>
    %jit3A_4633 = arith.constant 0.000000e+00 : f32
    %broadcast_in_dim3A_4634 = vector.broadcast %jit3A_4633 : f32 to vector<256x256xf32>
    %select_n3A_4635 = arith.select %and3A_4626, %max3A_4632, %broadcast_in_dim3A_4634 : vector<256x256xi1>, vector<256x256xf32>
    %reduce_sum3A_4636 = vector.shape_cast %select_n3A_4635 : vector<256x256xf32> to vector<1x256x256xf32>
    %reduce_sum3A_4637 = arith.constant dense<0.000000e+00> : vector<1xf32>
    %reduce_sum3A_4638 = vector.multi_reduction <add>, %reduce_sum3A_4636, %reduce_sum3A_4637 [1, 2] : vector<1x256x256xf32> to vector<1xf32>
    %reduce_sum3A_4639 = vector.shape_cast %reduce_sum3A_4638 : vector<1xf32> to vector<1x1x1xf32>
    %reduce_sum3A_4640 = vector.extract %reduce_sum3A_4639[0, 0, 0] : f32 from vector<1x1x1xf32>
    %add3A_4641 = arith.addf %add3A_4491, %reduce_sum3A_4640 : f32
    %convert_element_type3A_4642 = arith.extui %and3A_4626 : vector<256x256xi1> to vector<256x256xi32>
    %convert_element_type3A_4643 = arith.sitofp %convert_element_type3A_4642 : vector<256x256xi32> to vector<256x256xf32>
    %reduce_sum3A_4644 = vector.shape_cast %convert_element_type3A_4643 : vector<256x256xf32> to vector<1x256x256xf32>
    %reduce_sum3A_4645 = arith.constant dense<0.000000e+00> : vector<1xf32>
    %reduce_sum3A_4646 = vector.multi_reduction <add>, %reduce_sum3A_4644, %reduce_sum3A_4645 [1, 2] : vector<1x256x256xf32> to vector<1xf32>
    %reduce_sum3A_4647 = vector.shape_cast %reduce_sum3A_4646 : vector<1xf32> to vector<1x1x1xf32>
    %reduce_sum3A_4648 = vector.extract %reduce_sum3A_4647[0, 0, 0] : f32 from vector<1x1x1xf32>
    %add3A_4649 = arith.addf %add3A_4499, %reduce_sum3A_4648 : f32
    %slice3A_4650 = vector.extract_strided_slice %get3A_1 {offsets = [1280, 0], sizes = [256, 1], strides = [1, 1]} : vector<2048x1xf32> to vector<256x1xf32>
    %slice3A_4651 = vector.extract_strided_slice %get3A_4 {offsets = [1280, 0], sizes = [256, 1], strides = [1, 1]} : vector<2048x1xf32> to vector<256x1xf32>
    %slice3A_4652 = vector.extract_strided_slice %sub3A {offsets = [1280, 0], sizes = [256, 1], strides = [1, 1]} : vector<2048x1xf32> to vector<256x1xf32>
    %slice3A_4653 = vector.extract_strided_slice %sub3A_35 {offsets = [1280, 0], sizes = [256, 1], strides = [1, 1]} : vector<2048x1xf32> to vector<256x1xf32>
    %slice3A_4654 = vector.extract_strided_slice %mul3A_37 {offsets = [1280, 0], sizes = [256, 1], strides = [1, 1]} : vector<2048x1xf32> to vector<256x1xf32>
    %slice3A_4655 = vector.extract_strided_slice %mul3A_41 {offsets = [1280, 0], sizes = [256, 1], strides = [1, 1]} : vector<2048x1xf32> to vector<256x1xf32>
    %slice3A_4656 = vector.extract_strided_slice %max3A_46 {offsets = [1280, 0], sizes = [256, 1], strides = [1, 1]} : vector<2048x1xf32> to vector<256x1xf32>
    %slice3A_4657 = vector.extract_strided_slice %div3A_48 {offsets = [1280, 0], sizes = [256, 1], strides = [1, 1]} : vector<2048x1xf32> to vector<256x1xf32>
    %slice3A_4658 = vector.extract_strided_slice %add3A_57 {offsets = [1280, 0], sizes = [256, 1], strides = [1, 1]} : vector<2048x1xf32> to vector<256x1xf32>
    %slice3A_4659 = vector.extract_strided_slice %get3A_25 {offsets = [1280, 0], sizes = [256, 1], strides = [1, 1]} : vector<2048x1xi32> to vector<256x1xi32>
    %slice3A_4660 = vector.extract_strided_slice %get3A_28 {offsets = [1280, 0], sizes = [256, 1], strides = [1, 1]} : vector<2048x1xi32> to vector<256x1xi32>
    %slice3A_4661 = vector.extract_strided_slice %get3A_13 {offsets = [0, 1280], sizes = [1, 256], strides = [1, 1]} : vector<1x2048xf32> to vector<1x256xf32>
    %slice3A_4662 = vector.extract_strided_slice %get3A_16 {offsets = [0, 1280], sizes = [1, 256], strides = [1, 1]} : vector<1x2048xf32> to vector<1x256xf32>
    %slice3A_4663 = vector.extract_strided_slice %sub3A_58 {offsets = [0, 1280], sizes = [1, 256], strides = [1, 1]} : vector<1x2048xf32> to vector<1x256xf32>
    %slice3A_4664 = vector.extract_strided_slice %sub3A_59 {offsets = [0, 1280], sizes = [1, 256], strides = [1, 1]} : vector<1x2048xf32> to vector<1x256xf32>
    %slice3A_4665 = vector.extract_strided_slice %mul3A_63 {offsets = [0, 1280], sizes = [1, 256], strides = [1, 1]} : vector<1x2048xf32> to vector<1x256xf32>
    %slice3A_4666 = vector.extract_strided_slice %mul3A_67 {offsets = [0, 1280], sizes = [1, 256], strides = [1, 1]} : vector<1x2048xf32> to vector<1x256xf32>
    %slice3A_4667 = vector.extract_strided_slice %max3A_73 {offsets = [0, 1280], sizes = [1, 256], strides = [1, 1]} : vector<1x2048xf32> to vector<1x256xf32>
    %slice3A_4668 = vector.extract_strided_slice %div3A_76 {offsets = [0, 1280], sizes = [1, 256], strides = [1, 1]} : vector<1x2048xf32> to vector<1x256xf32>
    %slice3A_4669 = vector.extract_strided_slice %add3A_86 {offsets = [0, 1280], sizes = [1, 256], strides = [1, 1]} : vector<1x2048xf32> to vector<1x256xf32>
    %slice3A_4670 = vector.extract_strided_slice %get3A_31 {offsets = [0, 1280], sizes = [1, 256], strides = [1, 1]} : vector<1x2048xi32> to vector<1x256xi32>
    %slice3A_4671 = vector.extract_strided_slice %get3A_34 {offsets = [0, 1280], sizes = [1, 256], strides = [1, 1]} : vector<1x2048xi32> to vector<1x256xi32>
    %sub3A_4672 = vector.broadcast %slice3A_4650 : vector<256x1xf32> to vector<256x256xf32>
    %sub3A_4673 = vector.broadcast %slice3A_4661 : vector<1x256xf32> to vector<256x256xf32>
    %sub3A_4674 = arith.subf %sub3A_4672, %sub3A_4673 : vector<256x256xf32>
    %sub3A_4675 = vector.broadcast %slice3A_4651 : vector<256x1xf32> to vector<256x256xf32>
    %sub3A_4676 = vector.broadcast %slice3A_4662 : vector<1x256xf32> to vector<256x256xf32>
    %sub3A_4677 = arith.subf %sub3A_4675, %sub3A_4676 : vector<256x256xf32>
    %mul3A_4678 = vector.broadcast %slice3A_4652 : vector<256x1xf32> to vector<256x256xf32>
    %mul3A_4679 = vector.broadcast %slice3A_4663 : vector<1x256xf32> to vector<256x256xf32>
    %mul3A_4680 = arith.mulf %mul3A_4678, %mul3A_4679 : vector<256x256xf32>
    %mul3A_4681 = vector.broadcast %slice3A_4653 : vector<256x1xf32> to vector<256x256xf32>
    %mul3A_4682 = vector.broadcast %slice3A_4664 : vector<1x256xf32> to vector<256x256xf32>
    %mul3A_4683 = arith.mulf %mul3A_4681, %mul3A_4682 : vector<256x256xf32>
    %add3A_4684 = arith.addf %mul3A_4680, %mul3A_4683 : vector<256x256xf32>
    %mul3A_4685 = vector.broadcast %slice3A_4652 : vector<256x1xf32> to vector<256x256xf32>
    %mul3A_4686 = arith.mulf %mul3A_4685, %sub3A_4674 : vector<256x256xf32>
    %mul3A_4687 = vector.broadcast %slice3A_4653 : vector<256x1xf32> to vector<256x256xf32>
    %mul3A_4688 = arith.mulf %mul3A_4687, %sub3A_4677 : vector<256x256xf32>
    %add3A_4689 = arith.addf %mul3A_4686, %mul3A_4688 : vector<256x256xf32>
    %mul3A_4690 = vector.broadcast %slice3A_4663 : vector<1x256xf32> to vector<256x256xf32>
    %mul3A_4691 = arith.mulf %mul3A_4690, %sub3A_4674 : vector<256x256xf32>
    %mul3A_4692 = vector.broadcast %slice3A_4664 : vector<1x256xf32> to vector<256x256xf32>
    %mul3A_4693 = arith.mulf %mul3A_4692, %sub3A_4677 : vector<256x256xf32>
    %add3A_4694 = arith.addf %mul3A_4691, %mul3A_4693 : vector<256x256xf32>
    %mul3A_4695 = vector.broadcast %slice3A_4656 : vector<256x1xf32> to vector<256x256xf32>
    %mul3A_4696 = vector.broadcast %slice3A_4667 : vector<1x256xf32> to vector<256x256xf32>
    %mul3A_4697 = arith.mulf %mul3A_4695, %mul3A_4696 : vector<256x256xf32>
    %mul3A_4698 = arith.mulf %add3A_4684, %add3A_4684 : vector<256x256xf32>
    %sub3A_4699 = arith.subf %mul3A_4697, %mul3A_4698 : vector<256x256xf32>
    %max3A_4700 = arith.constant 9.99999996E-13 : f32
    %max3A_4701 = vector.broadcast %max3A_4700 : f32 to vector<256x256xf32>
    %max3A_4702 = arith.maximumf %sub3A_4699, %max3A_4701 : vector<256x256xf32>
    %div3A_4703 = arith.constant 1.000000e+00 : f32
    %div3A_4704 = vector.broadcast %div3A_4703 : f32 to vector<256x256xf32>
    %div3A_4705 = arith.divf %div3A_4704, %max3A_4702 : vector<256x256xf32>
    %mul3A_4706 = arith.mulf %add3A_4684, %add3A_4694 : vector<256x256xf32>
    %mul3A_4707 = vector.broadcast %slice3A_4667 : vector<1x256xf32> to vector<256x256xf32>
    %mul3A_4708 = arith.mulf %add3A_4689, %mul3A_4707 : vector<256x256xf32>
    %sub3A_4709 = arith.subf %mul3A_4706, %mul3A_4708 : vector<256x256xf32>
    %mul3A_4710 = arith.mulf %sub3A_4709, %div3A_4705 : vector<256x256xf32>
    %jit3A_4711 = arith.constant 0.000000e+00 : f32
    %jit3A_4712 = arith.constant 1.000000e+00 : f32
    %max3A_4713 = vector.broadcast %jit3A_4711 : f32 to vector<256x256xf32>
    %max3A_4714 = arith.maximumf %max3A_4713, %mul3A_4710 : vector<256x256xf32>
    %min3A_4715 = vector.broadcast %jit3A_4712 : f32 to vector<256x256xf32>
    %min3A_4716 = arith.minimumf %min3A_4715, %max3A_4714 : vector<256x256xf32>
    %mul3A_4717 = arith.mulf %add3A_4684, %min3A_4716 : vector<256x256xf32>
    %add3A_4718 = arith.addf %mul3A_4717, %add3A_4694 : vector<256x256xf32>
    %mul3A_4719 = vector.broadcast %slice3A_4668 : vector<1x256xf32> to vector<256x256xf32>
    %mul3A_4720 = arith.mulf %add3A_4718, %mul3A_4719 : vector<256x256xf32>
    %jit3A_4721 = arith.constant 0.000000e+00 : f32
    %jit3A_4722 = arith.constant 1.000000e+00 : f32
    %max3A_4723 = vector.broadcast %jit3A_4721 : f32 to vector<256x256xf32>
    %max3A_4724 = arith.maximumf %max3A_4723, %mul3A_4720 : vector<256x256xf32>
    %min3A_4725 = vector.broadcast %jit3A_4722 : f32 to vector<256x256xf32>
    %min3A_4726 = arith.minimumf %min3A_4725, %max3A_4724 : vector<256x256xf32>
    %mul3A_4727 = arith.mulf %add3A_4684, %min3A_4726 : vector<256x256xf32>
    %sub3A_4728 = arith.subf %mul3A_4727, %add3A_4689 : vector<256x256xf32>
    %mul3A_4729 = vector.broadcast %slice3A_4657 : vector<256x1xf32> to vector<256x256xf32>
    %mul3A_4730 = arith.mulf %sub3A_4728, %mul3A_4729 : vector<256x256xf32>
    %jit3A_4731 = arith.constant 0.000000e+00 : f32
    %jit3A_4732 = arith.constant 1.000000e+00 : f32
    %max3A_4733 = vector.broadcast %jit3A_4731 : f32 to vector<256x256xf32>
    %max3A_4734 = arith.maximumf %max3A_4733, %mul3A_4730 : vector<256x256xf32>
    %min3A_4735 = vector.broadcast %jit3A_4732 : f32 to vector<256x256xf32>
    %min3A_4736 = arith.minimumf %min3A_4735, %max3A_4734 : vector<256x256xf32>
    %mul3A_4737 = vector.broadcast %slice3A_4652 : vector<256x1xf32> to vector<256x256xf32>
    %mul3A_4738 = arith.mulf %min3A_4736, %mul3A_4737 : vector<256x256xf32>
    %add3A_4739 = arith.addf %sub3A_4674, %mul3A_4738 : vector<256x256xf32>
    %mul3A_4740 = vector.broadcast %slice3A_4663 : vector<1x256xf32> to vector<256x256xf32>
    %mul3A_4741 = arith.mulf %min3A_4726, %mul3A_4740 : vector<256x256xf32>
    %sub3A_4742 = arith.subf %add3A_4739, %mul3A_4741 : vector<256x256xf32>
    %mul3A_4743 = vector.broadcast %slice3A_4653 : vector<256x1xf32> to vector<256x256xf32>
    %mul3A_4744 = arith.mulf %min3A_4736, %mul3A_4743 : vector<256x256xf32>
    %add3A_4745 = arith.addf %sub3A_4677, %mul3A_4744 : vector<256x256xf32>
    %mul3A_4746 = vector.broadcast %slice3A_4664 : vector<1x256xf32> to vector<256x256xf32>
    %mul3A_4747 = arith.mulf %min3A_4726, %mul3A_4746 : vector<256x256xf32>
    %sub3A_4748 = arith.subf %add3A_4745, %mul3A_4747 : vector<256x256xf32>
    %mul3A_4749 = arith.mulf %sub3A_4742, %sub3A_4742 : vector<256x256xf32>
    %mul3A_4750 = arith.mulf %sub3A_4748, %sub3A_4748 : vector<256x256xf32>
    %add3A_4751 = arith.addf %mul3A_4749, %mul3A_4750 : vector<256x256xf32>
    %max3A_4752 = arith.constant 1.000000e-24 : f32
    %max3A_4753 = vector.broadcast %max3A_4752 : f32 to vector<256x256xf32>
    %max3A_4754 = arith.maximumf %add3A_4751, %max3A_4753 : vector<256x256xf32>
    %sqrt3A_4755 = math.sqrt %max3A_4754 : vector<256x256xf32>
    %sub3A_4756 = vector.broadcast %slice3A_4654 : vector<256x1xf32> to vector<256x256xf32>
    %sub3A_4757 = vector.broadcast %slice3A_4665 : vector<1x256xf32> to vector<256x256xf32>
    %sub3A_4758 = arith.subf %sub3A_4756, %sub3A_4757 : vector<256x256xf32>
    %sub3A_4759 = vector.broadcast %slice3A_4655 : vector<256x1xf32> to vector<256x256xf32>
    %sub3A_4760 = vector.broadcast %slice3A_4666 : vector<1x256xf32> to vector<256x256xf32>
    %sub3A_4761 = arith.subf %sub3A_4759, %sub3A_4760 : vector<256x256xf32>
    %add3A_4762 = vector.broadcast %slice3A_4658 : vector<256x1xf32> to vector<256x256xf32>
    %add3A_4763 = vector.broadcast %slice3A_4669 : vector<1x256xf32> to vector<256x256xf32>
    %add3A_4764 = arith.addf %add3A_4762, %add3A_4763 : vector<256x256xf32>
    %mul3A_4765 = arith.mulf %sub3A_4758, %sub3A_4758 : vector<256x256xf32>
    %mul3A_4766 = arith.mulf %sub3A_4761, %sub3A_4761 : vector<256x256xf32>
    %add3A_4767 = arith.addf %mul3A_4765, %mul3A_4766 : vector<256x256xf32>
    %mul3A_4768 = arith.mulf %add3A_4764, %add3A_4764 : vector<256x256xf32>
    %lt3A_4769 = arith.cmpf olt, %add3A_4767, %mul3A_4768 : vector<256x256xf32>
    %eq3A_4770 = vector.broadcast %slice3A_4659 : vector<256x1xi32> to vector<256x256xi32>
    %eq3A_4771 = vector.broadcast %slice3A_4670 : vector<1x256xi32> to vector<256x256xi32>
    %eq3A_4772 = arith.cmpi eq, %eq3A_4770, %eq3A_4771 : vector<256x256xi32>
    %eq3A_4773 = vector.broadcast %slice3A_4659 : vector<256x1xi32> to vector<256x256xi32>
    %eq3A_4774 = vector.broadcast %slice3A_4671 : vector<1x256xi32> to vector<256x256xi32>
    %eq3A_4775 = arith.cmpi eq, %eq3A_4773, %eq3A_4774 : vector<256x256xi32>
    %or3A_4776 = arith.ori %eq3A_4772, %eq3A_4775 : vector<256x256xi1>
    %eq3A_4777 = vector.broadcast %slice3A_4660 : vector<256x1xi32> to vector<256x256xi32>
    %eq3A_4778 = vector.broadcast %slice3A_4670 : vector<1x256xi32> to vector<256x256xi32>
    %eq3A_4779 = arith.cmpi eq, %eq3A_4777, %eq3A_4778 : vector<256x256xi32>
    %or3A_4780 = arith.ori %or3A_4776, %eq3A_4779 : vector<256x256xi1>
    %eq3A_4781 = vector.broadcast %slice3A_4660 : vector<256x1xi32> to vector<256x256xi32>
    %eq3A_4782 = vector.broadcast %slice3A_4671 : vector<1x256xi32> to vector<256x256xi32>
    %eq3A_4783 = arith.cmpi eq, %eq3A_4781, %eq3A_4782 : vector<256x256xi32>
    %or3A_4784 = arith.ori %or3A_4780, %eq3A_4783 : vector<256x256xi1>
    %not3A_4785 = arith.constant dense<true> : vector<256x256xi1>
    %not3A_4786 = arith.xori %or3A_4784, %not3A_4785 : vector<256x256xi1>
    %and3A_4787 = arith.andi %lt3A_4769, %not3A_4786 : vector<256x256xi1>
    %iota3A_4788 = tpu.iota {dimensions = array<i32: 0>} : vector<256x256xi32>
    %iota3A_4789 = tpu.iota {dimensions = array<i32: 1>} : vector<256x256xi32>
    %gt3A_4790 = arith.cmpi sgt, %iota3A_4789, %iota3A_4788 : vector<256x256xi32>
    %and3A_4791 = arith.andi %and3A_4787, %gt3A_4790 : vector<256x256xi1>
    %sub3A_4792 = arith.constant 1.000000e-03 : f32
    %sub3A_4793 = vector.broadcast %sub3A_4792 : f32 to vector<256x256xf32>
    %sub3A_4794 = arith.subf %sub3A_4793, %sqrt3A_4755 : vector<256x256xf32>
    %max3A_4795 = arith.constant 0.000000e+00 : f32
    %max3A_4796 = vector.broadcast %max3A_4795 : f32 to vector<256x256xf32>
    %max3A_4797 = arith.maximumf %sub3A_4794, %max3A_4796 : vector<256x256xf32>
    %jit3A_4798 = arith.constant 0.000000e+00 : f32
    %broadcast_in_dim3A_4799 = vector.broadcast %jit3A_4798 : f32 to vector<256x256xf32>
    %select_n3A_4800 = arith.select %and3A_4791, %max3A_4797, %broadcast_in_dim3A_4799 : vector<256x256xi1>, vector<256x256xf32>
    %reduce_sum3A_4801 = vector.shape_cast %select_n3A_4800 : vector<256x256xf32> to vector<1x256x256xf32>
    %reduce_sum3A_4802 = arith.constant dense<0.000000e+00> : vector<1xf32>
    %reduce_sum3A_4803 = vector.multi_reduction <add>, %reduce_sum3A_4801, %reduce_sum3A_4802 [1, 2] : vector<1x256x256xf32> to vector<1xf32>
    %reduce_sum3A_4804 = vector.shape_cast %reduce_sum3A_4803 : vector<1xf32> to vector<1x1x1xf32>
    %reduce_sum3A_4805 = vector.extract %reduce_sum3A_4804[0, 0, 0] : f32 from vector<1x1x1xf32>
    %add3A_4806 = arith.addf %add3A_4641, %reduce_sum3A_4805 : f32
    %convert_element_type3A_4807 = arith.extui %and3A_4791 : vector<256x256xi1> to vector<256x256xi32>
    %convert_element_type3A_4808 = arith.sitofp %convert_element_type3A_4807 : vector<256x256xi32> to vector<256x256xf32>
    %reduce_sum3A_4809 = vector.shape_cast %convert_element_type3A_4808 : vector<256x256xf32> to vector<1x256x256xf32>
    %reduce_sum3A_4810 = arith.constant dense<0.000000e+00> : vector<1xf32>
    %reduce_sum3A_4811 = vector.multi_reduction <add>, %reduce_sum3A_4809, %reduce_sum3A_4810 [1, 2] : vector<1x256x256xf32> to vector<1xf32>
    %reduce_sum3A_4812 = vector.shape_cast %reduce_sum3A_4811 : vector<1xf32> to vector<1x1x1xf32>
    %reduce_sum3A_4813 = vector.extract %reduce_sum3A_4812[0, 0, 0] : f32 from vector<1x1x1xf32>
    %add3A_4814 = arith.addf %add3A_4649, %reduce_sum3A_4813 : f32
    %slice3A_4815 = vector.extract_strided_slice %get3A_13 {offsets = [0, 1536], sizes = [1, 256], strides = [1, 1]} : vector<1x2048xf32> to vector<1x256xf32>
    %slice3A_4816 = vector.extract_strided_slice %get3A_16 {offsets = [0, 1536], sizes = [1, 256], strides = [1, 1]} : vector<1x2048xf32> to vector<1x256xf32>
    %slice3A_4817 = vector.extract_strided_slice %sub3A_58 {offsets = [0, 1536], sizes = [1, 256], strides = [1, 1]} : vector<1x2048xf32> to vector<1x256xf32>
    %slice3A_4818 = vector.extract_strided_slice %sub3A_59 {offsets = [0, 1536], sizes = [1, 256], strides = [1, 1]} : vector<1x2048xf32> to vector<1x256xf32>
    %slice3A_4819 = vector.extract_strided_slice %mul3A_63 {offsets = [0, 1536], sizes = [1, 256], strides = [1, 1]} : vector<1x2048xf32> to vector<1x256xf32>
    %slice3A_4820 = vector.extract_strided_slice %mul3A_67 {offsets = [0, 1536], sizes = [1, 256], strides = [1, 1]} : vector<1x2048xf32> to vector<1x256xf32>
    %slice3A_4821 = vector.extract_strided_slice %max3A_73 {offsets = [0, 1536], sizes = [1, 256], strides = [1, 1]} : vector<1x2048xf32> to vector<1x256xf32>
    %slice3A_4822 = vector.extract_strided_slice %div3A_76 {offsets = [0, 1536], sizes = [1, 256], strides = [1, 1]} : vector<1x2048xf32> to vector<1x256xf32>
    %slice3A_4823 = vector.extract_strided_slice %add3A_86 {offsets = [0, 1536], sizes = [1, 256], strides = [1, 1]} : vector<1x2048xf32> to vector<1x256xf32>
    %slice3A_4824 = vector.extract_strided_slice %get3A_31 {offsets = [0, 1536], sizes = [1, 256], strides = [1, 1]} : vector<1x2048xi32> to vector<1x256xi32>
    %slice3A_4825 = vector.extract_strided_slice %get3A_34 {offsets = [0, 1536], sizes = [1, 256], strides = [1, 1]} : vector<1x2048xi32> to vector<1x256xi32>
    %sub3A_4826 = vector.broadcast %slice3A_4650 : vector<256x1xf32> to vector<256x256xf32>
    %sub3A_4827 = vector.broadcast %slice3A_4815 : vector<1x256xf32> to vector<256x256xf32>
    %sub3A_4828 = arith.subf %sub3A_4826, %sub3A_4827 : vector<256x256xf32>
    %sub3A_4829 = vector.broadcast %slice3A_4651 : vector<256x1xf32> to vector<256x256xf32>
    %sub3A_4830 = vector.broadcast %slice3A_4816 : vector<1x256xf32> to vector<256x256xf32>
    %sub3A_4831 = arith.subf %sub3A_4829, %sub3A_4830 : vector<256x256xf32>
    %mul3A_4832 = vector.broadcast %slice3A_4652 : vector<256x1xf32> to vector<256x256xf32>
    %mul3A_4833 = vector.broadcast %slice3A_4817 : vector<1x256xf32> to vector<256x256xf32>
    %mul3A_4834 = arith.mulf %mul3A_4832, %mul3A_4833 : vector<256x256xf32>
    %mul3A_4835 = vector.broadcast %slice3A_4653 : vector<256x1xf32> to vector<256x256xf32>
    %mul3A_4836 = vector.broadcast %slice3A_4818 : vector<1x256xf32> to vector<256x256xf32>
    %mul3A_4837 = arith.mulf %mul3A_4835, %mul3A_4836 : vector<256x256xf32>
    %add3A_4838 = arith.addf %mul3A_4834, %mul3A_4837 : vector<256x256xf32>
    %mul3A_4839 = vector.broadcast %slice3A_4652 : vector<256x1xf32> to vector<256x256xf32>
    %mul3A_4840 = arith.mulf %mul3A_4839, %sub3A_4828 : vector<256x256xf32>
    %mul3A_4841 = vector.broadcast %slice3A_4653 : vector<256x1xf32> to vector<256x256xf32>
    %mul3A_4842 = arith.mulf %mul3A_4841, %sub3A_4831 : vector<256x256xf32>
    %add3A_4843 = arith.addf %mul3A_4840, %mul3A_4842 : vector<256x256xf32>
    %mul3A_4844 = vector.broadcast %slice3A_4817 : vector<1x256xf32> to vector<256x256xf32>
    %mul3A_4845 = arith.mulf %mul3A_4844, %sub3A_4828 : vector<256x256xf32>
    %mul3A_4846 = vector.broadcast %slice3A_4818 : vector<1x256xf32> to vector<256x256xf32>
    %mul3A_4847 = arith.mulf %mul3A_4846, %sub3A_4831 : vector<256x256xf32>
    %add3A_4848 = arith.addf %mul3A_4845, %mul3A_4847 : vector<256x256xf32>
    %mul3A_4849 = vector.broadcast %slice3A_4656 : vector<256x1xf32> to vector<256x256xf32>
    %mul3A_4850 = vector.broadcast %slice3A_4821 : vector<1x256xf32> to vector<256x256xf32>
    %mul3A_4851 = arith.mulf %mul3A_4849, %mul3A_4850 : vector<256x256xf32>
    %mul3A_4852 = arith.mulf %add3A_4838, %add3A_4838 : vector<256x256xf32>
    %sub3A_4853 = arith.subf %mul3A_4851, %mul3A_4852 : vector<256x256xf32>
    %max3A_4854 = arith.constant 9.99999996E-13 : f32
    %max3A_4855 = vector.broadcast %max3A_4854 : f32 to vector<256x256xf32>
    %max3A_4856 = arith.maximumf %sub3A_4853, %max3A_4855 : vector<256x256xf32>
    %div3A_4857 = arith.constant 1.000000e+00 : f32
    %div3A_4858 = vector.broadcast %div3A_4857 : f32 to vector<256x256xf32>
    %div3A_4859 = arith.divf %div3A_4858, %max3A_4856 : vector<256x256xf32>
    %mul3A_4860 = arith.mulf %add3A_4838, %add3A_4848 : vector<256x256xf32>
    %mul3A_4861 = vector.broadcast %slice3A_4821 : vector<1x256xf32> to vector<256x256xf32>
    %mul3A_4862 = arith.mulf %add3A_4843, %mul3A_4861 : vector<256x256xf32>
    %sub3A_4863 = arith.subf %mul3A_4860, %mul3A_4862 : vector<256x256xf32>
    %mul3A_4864 = arith.mulf %sub3A_4863, %div3A_4859 : vector<256x256xf32>
    %jit3A_4865 = arith.constant 0.000000e+00 : f32
    %jit3A_4866 = arith.constant 1.000000e+00 : f32
    %max3A_4867 = vector.broadcast %jit3A_4865 : f32 to vector<256x256xf32>
    %max3A_4868 = arith.maximumf %max3A_4867, %mul3A_4864 : vector<256x256xf32>
    %min3A_4869 = vector.broadcast %jit3A_4866 : f32 to vector<256x256xf32>
    %min3A_4870 = arith.minimumf %min3A_4869, %max3A_4868 : vector<256x256xf32>
    %mul3A_4871 = arith.mulf %add3A_4838, %min3A_4870 : vector<256x256xf32>
    %add3A_4872 = arith.addf %mul3A_4871, %add3A_4848 : vector<256x256xf32>
    %mul3A_4873 = vector.broadcast %slice3A_4822 : vector<1x256xf32> to vector<256x256xf32>
    %mul3A_4874 = arith.mulf %add3A_4872, %mul3A_4873 : vector<256x256xf32>
    %jit3A_4875 = arith.constant 0.000000e+00 : f32
    %jit3A_4876 = arith.constant 1.000000e+00 : f32
    %max3A_4877 = vector.broadcast %jit3A_4875 : f32 to vector<256x256xf32>
    %max3A_4878 = arith.maximumf %max3A_4877, %mul3A_4874 : vector<256x256xf32>
    %min3A_4879 = vector.broadcast %jit3A_4876 : f32 to vector<256x256xf32>
    %min3A_4880 = arith.minimumf %min3A_4879, %max3A_4878 : vector<256x256xf32>
    %mul3A_4881 = arith.mulf %add3A_4838, %min3A_4880 : vector<256x256xf32>
    %sub3A_4882 = arith.subf %mul3A_4881, %add3A_4843 : vector<256x256xf32>
    %mul3A_4883 = vector.broadcast %slice3A_4657 : vector<256x1xf32> to vector<256x256xf32>
    %mul3A_4884 = arith.mulf %sub3A_4882, %mul3A_4883 : vector<256x256xf32>
    %jit3A_4885 = arith.constant 0.000000e+00 : f32
    %jit3A_4886 = arith.constant 1.000000e+00 : f32
    %max3A_4887 = vector.broadcast %jit3A_4885 : f32 to vector<256x256xf32>
    %max3A_4888 = arith.maximumf %max3A_4887, %mul3A_4884 : vector<256x256xf32>
    %min3A_4889 = vector.broadcast %jit3A_4886 : f32 to vector<256x256xf32>
    %min3A_4890 = arith.minimumf %min3A_4889, %max3A_4888 : vector<256x256xf32>
    %mul3A_4891 = vector.broadcast %slice3A_4652 : vector<256x1xf32> to vector<256x256xf32>
    %mul3A_4892 = arith.mulf %min3A_4890, %mul3A_4891 : vector<256x256xf32>
    %add3A_4893 = arith.addf %sub3A_4828, %mul3A_4892 : vector<256x256xf32>
    %mul3A_4894 = vector.broadcast %slice3A_4817 : vector<1x256xf32> to vector<256x256xf32>
    %mul3A_4895 = arith.mulf %min3A_4880, %mul3A_4894 : vector<256x256xf32>
    %sub3A_4896 = arith.subf %add3A_4893, %mul3A_4895 : vector<256x256xf32>
    %mul3A_4897 = vector.broadcast %slice3A_4653 : vector<256x1xf32> to vector<256x256xf32>
    %mul3A_4898 = arith.mulf %min3A_4890, %mul3A_4897 : vector<256x256xf32>
    %add3A_4899 = arith.addf %sub3A_4831, %mul3A_4898 : vector<256x256xf32>
    %mul3A_4900 = vector.broadcast %slice3A_4818 : vector<1x256xf32> to vector<256x256xf32>
    %mul3A_4901 = arith.mulf %min3A_4880, %mul3A_4900 : vector<256x256xf32>
    %sub3A_4902 = arith.subf %add3A_4899, %mul3A_4901 : vector<256x256xf32>
    %mul3A_4903 = arith.mulf %sub3A_4896, %sub3A_4896 : vector<256x256xf32>
    %mul3A_4904 = arith.mulf %sub3A_4902, %sub3A_4902 : vector<256x256xf32>
    %add3A_4905 = arith.addf %mul3A_4903, %mul3A_4904 : vector<256x256xf32>
    %max3A_4906 = arith.constant 1.000000e-24 : f32
    %max3A_4907 = vector.broadcast %max3A_4906 : f32 to vector<256x256xf32>
    %max3A_4908 = arith.maximumf %add3A_4905, %max3A_4907 : vector<256x256xf32>
    %sqrt3A_4909 = math.sqrt %max3A_4908 : vector<256x256xf32>
    %sub3A_4910 = vector.broadcast %slice3A_4654 : vector<256x1xf32> to vector<256x256xf32>
    %sub3A_4911 = vector.broadcast %slice3A_4819 : vector<1x256xf32> to vector<256x256xf32>
    %sub3A_4912 = arith.subf %sub3A_4910, %sub3A_4911 : vector<256x256xf32>
    %sub3A_4913 = vector.broadcast %slice3A_4655 : vector<256x1xf32> to vector<256x256xf32>
    %sub3A_4914 = vector.broadcast %slice3A_4820 : vector<1x256xf32> to vector<256x256xf32>
    %sub3A_4915 = arith.subf %sub3A_4913, %sub3A_4914 : vector<256x256xf32>
    %add3A_4916 = vector.broadcast %slice3A_4658 : vector<256x1xf32> to vector<256x256xf32>
    %add3A_4917 = vector.broadcast %slice3A_4823 : vector<1x256xf32> to vector<256x256xf32>
    %add3A_4918 = arith.addf %add3A_4916, %add3A_4917 : vector<256x256xf32>
    %mul3A_4919 = arith.mulf %sub3A_4912, %sub3A_4912 : vector<256x256xf32>
    %mul3A_4920 = arith.mulf %sub3A_4915, %sub3A_4915 : vector<256x256xf32>
    %add3A_4921 = arith.addf %mul3A_4919, %mul3A_4920 : vector<256x256xf32>
    %mul3A_4922 = arith.mulf %add3A_4918, %add3A_4918 : vector<256x256xf32>
    %lt3A_4923 = arith.cmpf olt, %add3A_4921, %mul3A_4922 : vector<256x256xf32>
    %eq3A_4924 = vector.broadcast %slice3A_4659 : vector<256x1xi32> to vector<256x256xi32>
    %eq3A_4925 = vector.broadcast %slice3A_4824 : vector<1x256xi32> to vector<256x256xi32>
    %eq3A_4926 = arith.cmpi eq, %eq3A_4924, %eq3A_4925 : vector<256x256xi32>
    %eq3A_4927 = vector.broadcast %slice3A_4659 : vector<256x1xi32> to vector<256x256xi32>
    %eq3A_4928 = vector.broadcast %slice3A_4825 : vector<1x256xi32> to vector<256x256xi32>
    %eq3A_4929 = arith.cmpi eq, %eq3A_4927, %eq3A_4928 : vector<256x256xi32>
    %or3A_4930 = arith.ori %eq3A_4926, %eq3A_4929 : vector<256x256xi1>
    %eq3A_4931 = vector.broadcast %slice3A_4660 : vector<256x1xi32> to vector<256x256xi32>
    %eq3A_4932 = vector.broadcast %slice3A_4824 : vector<1x256xi32> to vector<256x256xi32>
    %eq3A_4933 = arith.cmpi eq, %eq3A_4931, %eq3A_4932 : vector<256x256xi32>
    %or3A_4934 = arith.ori %or3A_4930, %eq3A_4933 : vector<256x256xi1>
    %eq3A_4935 = vector.broadcast %slice3A_4660 : vector<256x1xi32> to vector<256x256xi32>
    %eq3A_4936 = vector.broadcast %slice3A_4825 : vector<1x256xi32> to vector<256x256xi32>
    %eq3A_4937 = arith.cmpi eq, %eq3A_4935, %eq3A_4936 : vector<256x256xi32>
    %or3A_4938 = arith.ori %or3A_4934, %eq3A_4937 : vector<256x256xi1>
    %not3A_4939 = arith.constant dense<true> : vector<256x256xi1>
    %not3A_4940 = arith.xori %or3A_4938, %not3A_4939 : vector<256x256xi1>
    %and3A_4941 = arith.andi %lt3A_4923, %not3A_4940 : vector<256x256xi1>
    %sub3A_4942 = arith.constant 1.000000e-03 : f32
    %sub3A_4943 = vector.broadcast %sub3A_4942 : f32 to vector<256x256xf32>
    %sub3A_4944 = arith.subf %sub3A_4943, %sqrt3A_4909 : vector<256x256xf32>
    %max3A_4945 = arith.constant 0.000000e+00 : f32
    %max3A_4946 = vector.broadcast %max3A_4945 : f32 to vector<256x256xf32>
    %max3A_4947 = arith.maximumf %sub3A_4944, %max3A_4946 : vector<256x256xf32>
    %jit3A_4948 = arith.constant 0.000000e+00 : f32
    %broadcast_in_dim3A_4949 = vector.broadcast %jit3A_4948 : f32 to vector<256x256xf32>
    %select_n3A_4950 = arith.select %and3A_4941, %max3A_4947, %broadcast_in_dim3A_4949 : vector<256x256xi1>, vector<256x256xf32>
    %reduce_sum3A_4951 = vector.shape_cast %select_n3A_4950 : vector<256x256xf32> to vector<1x256x256xf32>
    %reduce_sum3A_4952 = arith.constant dense<0.000000e+00> : vector<1xf32>
    %reduce_sum3A_4953 = vector.multi_reduction <add>, %reduce_sum3A_4951, %reduce_sum3A_4952 [1, 2] : vector<1x256x256xf32> to vector<1xf32>
    %reduce_sum3A_4954 = vector.shape_cast %reduce_sum3A_4953 : vector<1xf32> to vector<1x1x1xf32>
    %reduce_sum3A_4955 = vector.extract %reduce_sum3A_4954[0, 0, 0] : f32 from vector<1x1x1xf32>
    %add3A_4956 = arith.addf %add3A_4806, %reduce_sum3A_4955 : f32
    %convert_element_type3A_4957 = arith.extui %and3A_4941 : vector<256x256xi1> to vector<256x256xi32>
    %convert_element_type3A_4958 = arith.sitofp %convert_element_type3A_4957 : vector<256x256xi32> to vector<256x256xf32>
    %reduce_sum3A_4959 = vector.shape_cast %convert_element_type3A_4958 : vector<256x256xf32> to vector<1x256x256xf32>
    %reduce_sum3A_4960 = arith.constant dense<0.000000e+00> : vector<1xf32>
    %reduce_sum3A_4961 = vector.multi_reduction <add>, %reduce_sum3A_4959, %reduce_sum3A_4960 [1, 2] : vector<1x256x256xf32> to vector<1xf32>
    %reduce_sum3A_4962 = vector.shape_cast %reduce_sum3A_4961 : vector<1xf32> to vector<1x1x1xf32>
    %reduce_sum3A_4963 = vector.extract %reduce_sum3A_4962[0, 0, 0] : f32 from vector<1x1x1xf32>
    %add3A_4964 = arith.addf %add3A_4814, %reduce_sum3A_4963 : f32
    %slice3A_4965 = vector.extract_strided_slice %get3A_13 {offsets = [0, 1792], sizes = [1, 256], strides = [1, 1]} : vector<1x2048xf32> to vector<1x256xf32>
    %slice3A_4966 = vector.extract_strided_slice %get3A_16 {offsets = [0, 1792], sizes = [1, 256], strides = [1, 1]} : vector<1x2048xf32> to vector<1x256xf32>
    %slice3A_4967 = vector.extract_strided_slice %sub3A_58 {offsets = [0, 1792], sizes = [1, 256], strides = [1, 1]} : vector<1x2048xf32> to vector<1x256xf32>
    %slice3A_4968 = vector.extract_strided_slice %sub3A_59 {offsets = [0, 1792], sizes = [1, 256], strides = [1, 1]} : vector<1x2048xf32> to vector<1x256xf32>
    %slice3A_4969 = vector.extract_strided_slice %mul3A_63 {offsets = [0, 1792], sizes = [1, 256], strides = [1, 1]} : vector<1x2048xf32> to vector<1x256xf32>
    %slice3A_4970 = vector.extract_strided_slice %mul3A_67 {offsets = [0, 1792], sizes = [1, 256], strides = [1, 1]} : vector<1x2048xf32> to vector<1x256xf32>
    %slice3A_4971 = vector.extract_strided_slice %max3A_73 {offsets = [0, 1792], sizes = [1, 256], strides = [1, 1]} : vector<1x2048xf32> to vector<1x256xf32>
    %slice3A_4972 = vector.extract_strided_slice %div3A_76 {offsets = [0, 1792], sizes = [1, 256], strides = [1, 1]} : vector<1x2048xf32> to vector<1x256xf32>
    %slice3A_4973 = vector.extract_strided_slice %add3A_86 {offsets = [0, 1792], sizes = [1, 256], strides = [1, 1]} : vector<1x2048xf32> to vector<1x256xf32>
    %slice3A_4974 = vector.extract_strided_slice %get3A_31 {offsets = [0, 1792], sizes = [1, 256], strides = [1, 1]} : vector<1x2048xi32> to vector<1x256xi32>
    %slice3A_4975 = vector.extract_strided_slice %get3A_34 {offsets = [0, 1792], sizes = [1, 256], strides = [1, 1]} : vector<1x2048xi32> to vector<1x256xi32>
    %sub3A_4976 = vector.broadcast %slice3A_4650 : vector<256x1xf32> to vector<256x256xf32>
    %sub3A_4977 = vector.broadcast %slice3A_4965 : vector<1x256xf32> to vector<256x256xf32>
    %sub3A_4978 = arith.subf %sub3A_4976, %sub3A_4977 : vector<256x256xf32>
    %sub3A_4979 = vector.broadcast %slice3A_4651 : vector<256x1xf32> to vector<256x256xf32>
    %sub3A_4980 = vector.broadcast %slice3A_4966 : vector<1x256xf32> to vector<256x256xf32>
    %sub3A_4981 = arith.subf %sub3A_4979, %sub3A_4980 : vector<256x256xf32>
    %mul3A_4982 = vector.broadcast %slice3A_4652 : vector<256x1xf32> to vector<256x256xf32>
    %mul3A_4983 = vector.broadcast %slice3A_4967 : vector<1x256xf32> to vector<256x256xf32>
    %mul3A_4984 = arith.mulf %mul3A_4982, %mul3A_4983 : vector<256x256xf32>
    %mul3A_4985 = vector.broadcast %slice3A_4653 : vector<256x1xf32> to vector<256x256xf32>
    %mul3A_4986 = vector.broadcast %slice3A_4968 : vector<1x256xf32> to vector<256x256xf32>
    %mul3A_4987 = arith.mulf %mul3A_4985, %mul3A_4986 : vector<256x256xf32>
    %add3A_4988 = arith.addf %mul3A_4984, %mul3A_4987 : vector<256x256xf32>
    %mul3A_4989 = vector.broadcast %slice3A_4652 : vector<256x1xf32> to vector<256x256xf32>
    %mul3A_4990 = arith.mulf %mul3A_4989, %sub3A_4978 : vector<256x256xf32>
    %mul3A_4991 = vector.broadcast %slice3A_4653 : vector<256x1xf32> to vector<256x256xf32>
    %mul3A_4992 = arith.mulf %mul3A_4991, %sub3A_4981 : vector<256x256xf32>
    %add3A_4993 = arith.addf %mul3A_4990, %mul3A_4992 : vector<256x256xf32>
    %mul3A_4994 = vector.broadcast %slice3A_4967 : vector<1x256xf32> to vector<256x256xf32>
    %mul3A_4995 = arith.mulf %mul3A_4994, %sub3A_4978 : vector<256x256xf32>
    %mul3A_4996 = vector.broadcast %slice3A_4968 : vector<1x256xf32> to vector<256x256xf32>
    %mul3A_4997 = arith.mulf %mul3A_4996, %sub3A_4981 : vector<256x256xf32>
    %add3A_4998 = arith.addf %mul3A_4995, %mul3A_4997 : vector<256x256xf32>
    %mul3A_4999 = vector.broadcast %slice3A_4656 : vector<256x1xf32> to vector<256x256xf32>
    %mul3A_5000 = vector.broadcast %slice3A_4971 : vector<1x256xf32> to vector<256x256xf32>
    %mul3A_5001 = arith.mulf %mul3A_4999, %mul3A_5000 : vector<256x256xf32>
    %mul3A_5002 = arith.mulf %add3A_4988, %add3A_4988 : vector<256x256xf32>
    %sub3A_5003 = arith.subf %mul3A_5001, %mul3A_5002 : vector<256x256xf32>
    %max3A_5004 = arith.constant 9.99999996E-13 : f32
    %max3A_5005 = vector.broadcast %max3A_5004 : f32 to vector<256x256xf32>
    %max3A_5006 = arith.maximumf %sub3A_5003, %max3A_5005 : vector<256x256xf32>
    %div3A_5007 = arith.constant 1.000000e+00 : f32
    %div3A_5008 = vector.broadcast %div3A_5007 : f32 to vector<256x256xf32>
    %div3A_5009 = arith.divf %div3A_5008, %max3A_5006 : vector<256x256xf32>
    %mul3A_5010 = arith.mulf %add3A_4988, %add3A_4998 : vector<256x256xf32>
    %mul3A_5011 = vector.broadcast %slice3A_4971 : vector<1x256xf32> to vector<256x256xf32>
    %mul3A_5012 = arith.mulf %add3A_4993, %mul3A_5011 : vector<256x256xf32>
    %sub3A_5013 = arith.subf %mul3A_5010, %mul3A_5012 : vector<256x256xf32>
    %mul3A_5014 = arith.mulf %sub3A_5013, %div3A_5009 : vector<256x256xf32>
    %jit3A_5015 = arith.constant 0.000000e+00 : f32
    %jit3A_5016 = arith.constant 1.000000e+00 : f32
    %max3A_5017 = vector.broadcast %jit3A_5015 : f32 to vector<256x256xf32>
    %max3A_5018 = arith.maximumf %max3A_5017, %mul3A_5014 : vector<256x256xf32>
    %min3A_5019 = vector.broadcast %jit3A_5016 : f32 to vector<256x256xf32>
    %min3A_5020 = arith.minimumf %min3A_5019, %max3A_5018 : vector<256x256xf32>
    %mul3A_5021 = arith.mulf %add3A_4988, %min3A_5020 : vector<256x256xf32>
    %add3A_5022 = arith.addf %mul3A_5021, %add3A_4998 : vector<256x256xf32>
    %mul3A_5023 = vector.broadcast %slice3A_4972 : vector<1x256xf32> to vector<256x256xf32>
    %mul3A_5024 = arith.mulf %add3A_5022, %mul3A_5023 : vector<256x256xf32>
    %jit3A_5025 = arith.constant 0.000000e+00 : f32
    %jit3A_5026 = arith.constant 1.000000e+00 : f32
    %max3A_5027 = vector.broadcast %jit3A_5025 : f32 to vector<256x256xf32>
    %max3A_5028 = arith.maximumf %max3A_5027, %mul3A_5024 : vector<256x256xf32>
    %min3A_5029 = vector.broadcast %jit3A_5026 : f32 to vector<256x256xf32>
    %min3A_5030 = arith.minimumf %min3A_5029, %max3A_5028 : vector<256x256xf32>
    %mul3A_5031 = arith.mulf %add3A_4988, %min3A_5030 : vector<256x256xf32>
    %sub3A_5032 = arith.subf %mul3A_5031, %add3A_4993 : vector<256x256xf32>
    %mul3A_5033 = vector.broadcast %slice3A_4657 : vector<256x1xf32> to vector<256x256xf32>
    %mul3A_5034 = arith.mulf %sub3A_5032, %mul3A_5033 : vector<256x256xf32>
    %jit3A_5035 = arith.constant 0.000000e+00 : f32
    %jit3A_5036 = arith.constant 1.000000e+00 : f32
    %max3A_5037 = vector.broadcast %jit3A_5035 : f32 to vector<256x256xf32>
    %max3A_5038 = arith.maximumf %max3A_5037, %mul3A_5034 : vector<256x256xf32>
    %min3A_5039 = vector.broadcast %jit3A_5036 : f32 to vector<256x256xf32>
    %min3A_5040 = arith.minimumf %min3A_5039, %max3A_5038 : vector<256x256xf32>
    %mul3A_5041 = vector.broadcast %slice3A_4652 : vector<256x1xf32> to vector<256x256xf32>
    %mul3A_5042 = arith.mulf %min3A_5040, %mul3A_5041 : vector<256x256xf32>
    %add3A_5043 = arith.addf %sub3A_4978, %mul3A_5042 : vector<256x256xf32>
    %mul3A_5044 = vector.broadcast %slice3A_4967 : vector<1x256xf32> to vector<256x256xf32>
    %mul3A_5045 = arith.mulf %min3A_5030, %mul3A_5044 : vector<256x256xf32>
    %sub3A_5046 = arith.subf %add3A_5043, %mul3A_5045 : vector<256x256xf32>
    %mul3A_5047 = vector.broadcast %slice3A_4653 : vector<256x1xf32> to vector<256x256xf32>
    %mul3A_5048 = arith.mulf %min3A_5040, %mul3A_5047 : vector<256x256xf32>
    %add3A_5049 = arith.addf %sub3A_4981, %mul3A_5048 : vector<256x256xf32>
    %mul3A_5050 = vector.broadcast %slice3A_4968 : vector<1x256xf32> to vector<256x256xf32>
    %mul3A_5051 = arith.mulf %min3A_5030, %mul3A_5050 : vector<256x256xf32>
    %sub3A_5052 = arith.subf %add3A_5049, %mul3A_5051 : vector<256x256xf32>
    %mul3A_5053 = arith.mulf %sub3A_5046, %sub3A_5046 : vector<256x256xf32>
    %mul3A_5054 = arith.mulf %sub3A_5052, %sub3A_5052 : vector<256x256xf32>
    %add3A_5055 = arith.addf %mul3A_5053, %mul3A_5054 : vector<256x256xf32>
    %max3A_5056 = arith.constant 1.000000e-24 : f32
    %max3A_5057 = vector.broadcast %max3A_5056 : f32 to vector<256x256xf32>
    %max3A_5058 = arith.maximumf %add3A_5055, %max3A_5057 : vector<256x256xf32>
    %sqrt3A_5059 = math.sqrt %max3A_5058 : vector<256x256xf32>
    %sub3A_5060 = vector.broadcast %slice3A_4654 : vector<256x1xf32> to vector<256x256xf32>
    %sub3A_5061 = vector.broadcast %slice3A_4969 : vector<1x256xf32> to vector<256x256xf32>
    %sub3A_5062 = arith.subf %sub3A_5060, %sub3A_5061 : vector<256x256xf32>
    %sub3A_5063 = vector.broadcast %slice3A_4655 : vector<256x1xf32> to vector<256x256xf32>
    %sub3A_5064 = vector.broadcast %slice3A_4970 : vector<1x256xf32> to vector<256x256xf32>
    %sub3A_5065 = arith.subf %sub3A_5063, %sub3A_5064 : vector<256x256xf32>
    %add3A_5066 = vector.broadcast %slice3A_4658 : vector<256x1xf32> to vector<256x256xf32>
    %add3A_5067 = vector.broadcast %slice3A_4973 : vector<1x256xf32> to vector<256x256xf32>
    %add3A_5068 = arith.addf %add3A_5066, %add3A_5067 : vector<256x256xf32>
    %mul3A_5069 = arith.mulf %sub3A_5062, %sub3A_5062 : vector<256x256xf32>
    %mul3A_5070 = arith.mulf %sub3A_5065, %sub3A_5065 : vector<256x256xf32>
    %add3A_5071 = arith.addf %mul3A_5069, %mul3A_5070 : vector<256x256xf32>
    %mul3A_5072 = arith.mulf %add3A_5068, %add3A_5068 : vector<256x256xf32>
    %lt3A_5073 = arith.cmpf olt, %add3A_5071, %mul3A_5072 : vector<256x256xf32>
    %eq3A_5074 = vector.broadcast %slice3A_4659 : vector<256x1xi32> to vector<256x256xi32>
    %eq3A_5075 = vector.broadcast %slice3A_4974 : vector<1x256xi32> to vector<256x256xi32>
    %eq3A_5076 = arith.cmpi eq, %eq3A_5074, %eq3A_5075 : vector<256x256xi32>
    %eq3A_5077 = vector.broadcast %slice3A_4659 : vector<256x1xi32> to vector<256x256xi32>
    %eq3A_5078 = vector.broadcast %slice3A_4975 : vector<1x256xi32> to vector<256x256xi32>
    %eq3A_5079 = arith.cmpi eq, %eq3A_5077, %eq3A_5078 : vector<256x256xi32>
    %or3A_5080 = arith.ori %eq3A_5076, %eq3A_5079 : vector<256x256xi1>
    %eq3A_5081 = vector.broadcast %slice3A_4660 : vector<256x1xi32> to vector<256x256xi32>
    %eq3A_5082 = vector.broadcast %slice3A_4974 : vector<1x256xi32> to vector<256x256xi32>
    %eq3A_5083 = arith.cmpi eq, %eq3A_5081, %eq3A_5082 : vector<256x256xi32>
    %or3A_5084 = arith.ori %or3A_5080, %eq3A_5083 : vector<256x256xi1>
    %eq3A_5085 = vector.broadcast %slice3A_4660 : vector<256x1xi32> to vector<256x256xi32>
    %eq3A_5086 = vector.broadcast %slice3A_4975 : vector<1x256xi32> to vector<256x256xi32>
    %eq3A_5087 = arith.cmpi eq, %eq3A_5085, %eq3A_5086 : vector<256x256xi32>
    %or3A_5088 = arith.ori %or3A_5084, %eq3A_5087 : vector<256x256xi1>
    %not3A_5089 = arith.constant dense<true> : vector<256x256xi1>
    %not3A_5090 = arith.xori %or3A_5088, %not3A_5089 : vector<256x256xi1>
    %and3A_5091 = arith.andi %lt3A_5073, %not3A_5090 : vector<256x256xi1>
    %sub3A_5092 = arith.constant 1.000000e-03 : f32
    %sub3A_5093 = vector.broadcast %sub3A_5092 : f32 to vector<256x256xf32>
    %sub3A_5094 = arith.subf %sub3A_5093, %sqrt3A_5059 : vector<256x256xf32>
    %max3A_5095 = arith.constant 0.000000e+00 : f32
    %max3A_5096 = vector.broadcast %max3A_5095 : f32 to vector<256x256xf32>
    %max3A_5097 = arith.maximumf %sub3A_5094, %max3A_5096 : vector<256x256xf32>
    %jit3A_5098 = arith.constant 0.000000e+00 : f32
    %broadcast_in_dim3A_5099 = vector.broadcast %jit3A_5098 : f32 to vector<256x256xf32>
    %select_n3A_5100 = arith.select %and3A_5091, %max3A_5097, %broadcast_in_dim3A_5099 : vector<256x256xi1>, vector<256x256xf32>
    %reduce_sum3A_5101 = vector.shape_cast %select_n3A_5100 : vector<256x256xf32> to vector<1x256x256xf32>
    %reduce_sum3A_5102 = arith.constant dense<0.000000e+00> : vector<1xf32>
    %reduce_sum3A_5103 = vector.multi_reduction <add>, %reduce_sum3A_5101, %reduce_sum3A_5102 [1, 2] : vector<1x256x256xf32> to vector<1xf32>
    %reduce_sum3A_5104 = vector.shape_cast %reduce_sum3A_5103 : vector<1xf32> to vector<1x1x1xf32>
    %reduce_sum3A_5105 = vector.extract %reduce_sum3A_5104[0, 0, 0] : f32 from vector<1x1x1xf32>
    %add3A_5106 = arith.addf %add3A_4956, %reduce_sum3A_5105 : f32
    %convert_element_type3A_5107 = arith.extui %and3A_5091 : vector<256x256xi1> to vector<256x256xi32>
    %convert_element_type3A_5108 = arith.sitofp %convert_element_type3A_5107 : vector<256x256xi32> to vector<256x256xf32>
    %reduce_sum3A_5109 = vector.shape_cast %convert_element_type3A_5108 : vector<256x256xf32> to vector<1x256x256xf32>
    %reduce_sum3A_5110 = arith.constant dense<0.000000e+00> : vector<1xf32>
    %reduce_sum3A_5111 = vector.multi_reduction <add>, %reduce_sum3A_5109, %reduce_sum3A_5110 [1, 2] : vector<1x256x256xf32> to vector<1xf32>
    %reduce_sum3A_5112 = vector.shape_cast %reduce_sum3A_5111 : vector<1xf32> to vector<1x1x1xf32>
    %reduce_sum3A_5113 = vector.extract %reduce_sum3A_5112[0, 0, 0] : f32 from vector<1x1x1xf32>
    %add3A_5114 = arith.addf %add3A_4964, %reduce_sum3A_5113 : f32
    %slice3A_5115 = vector.extract_strided_slice %get3A_1 {offsets = [1536, 0], sizes = [256, 1], strides = [1, 1]} : vector<2048x1xf32> to vector<256x1xf32>
    %slice3A_5116 = vector.extract_strided_slice %get3A_4 {offsets = [1536, 0], sizes = [256, 1], strides = [1, 1]} : vector<2048x1xf32> to vector<256x1xf32>
    %slice3A_5117 = vector.extract_strided_slice %sub3A {offsets = [1536, 0], sizes = [256, 1], strides = [1, 1]} : vector<2048x1xf32> to vector<256x1xf32>
    %slice3A_5118 = vector.extract_strided_slice %sub3A_35 {offsets = [1536, 0], sizes = [256, 1], strides = [1, 1]} : vector<2048x1xf32> to vector<256x1xf32>
    %slice3A_5119 = vector.extract_strided_slice %mul3A_37 {offsets = [1536, 0], sizes = [256, 1], strides = [1, 1]} : vector<2048x1xf32> to vector<256x1xf32>
    %slice3A_5120 = vector.extract_strided_slice %mul3A_41 {offsets = [1536, 0], sizes = [256, 1], strides = [1, 1]} : vector<2048x1xf32> to vector<256x1xf32>
    %slice3A_5121 = vector.extract_strided_slice %max3A_46 {offsets = [1536, 0], sizes = [256, 1], strides = [1, 1]} : vector<2048x1xf32> to vector<256x1xf32>
    %slice3A_5122 = vector.extract_strided_slice %div3A_48 {offsets = [1536, 0], sizes = [256, 1], strides = [1, 1]} : vector<2048x1xf32> to vector<256x1xf32>
    %slice3A_5123 = vector.extract_strided_slice %add3A_57 {offsets = [1536, 0], sizes = [256, 1], strides = [1, 1]} : vector<2048x1xf32> to vector<256x1xf32>
    %slice3A_5124 = vector.extract_strided_slice %get3A_25 {offsets = [1536, 0], sizes = [256, 1], strides = [1, 1]} : vector<2048x1xi32> to vector<256x1xi32>
    %slice3A_5125 = vector.extract_strided_slice %get3A_28 {offsets = [1536, 0], sizes = [256, 1], strides = [1, 1]} : vector<2048x1xi32> to vector<256x1xi32>
    %slice3A_5126 = vector.extract_strided_slice %get3A_13 {offsets = [0, 1536], sizes = [1, 256], strides = [1, 1]} : vector<1x2048xf32> to vector<1x256xf32>
    %slice3A_5127 = vector.extract_strided_slice %get3A_16 {offsets = [0, 1536], sizes = [1, 256], strides = [1, 1]} : vector<1x2048xf32> to vector<1x256xf32>
    %slice3A_5128 = vector.extract_strided_slice %sub3A_58 {offsets = [0, 1536], sizes = [1, 256], strides = [1, 1]} : vector<1x2048xf32> to vector<1x256xf32>
    %slice3A_5129 = vector.extract_strided_slice %sub3A_59 {offsets = [0, 1536], sizes = [1, 256], strides = [1, 1]} : vector<1x2048xf32> to vector<1x256xf32>
    %slice3A_5130 = vector.extract_strided_slice %mul3A_63 {offsets = [0, 1536], sizes = [1, 256], strides = [1, 1]} : vector<1x2048xf32> to vector<1x256xf32>
    %slice3A_5131 = vector.extract_strided_slice %mul3A_67 {offsets = [0, 1536], sizes = [1, 256], strides = [1, 1]} : vector<1x2048xf32> to vector<1x256xf32>
    %slice3A_5132 = vector.extract_strided_slice %max3A_73 {offsets = [0, 1536], sizes = [1, 256], strides = [1, 1]} : vector<1x2048xf32> to vector<1x256xf32>
    %slice3A_5133 = vector.extract_strided_slice %div3A_76 {offsets = [0, 1536], sizes = [1, 256], strides = [1, 1]} : vector<1x2048xf32> to vector<1x256xf32>
    %slice3A_5134 = vector.extract_strided_slice %add3A_86 {offsets = [0, 1536], sizes = [1, 256], strides = [1, 1]} : vector<1x2048xf32> to vector<1x256xf32>
    %slice3A_5135 = vector.extract_strided_slice %get3A_31 {offsets = [0, 1536], sizes = [1, 256], strides = [1, 1]} : vector<1x2048xi32> to vector<1x256xi32>
    %slice3A_5136 = vector.extract_strided_slice %get3A_34 {offsets = [0, 1536], sizes = [1, 256], strides = [1, 1]} : vector<1x2048xi32> to vector<1x256xi32>
    %sub3A_5137 = vector.broadcast %slice3A_5115 : vector<256x1xf32> to vector<256x256xf32>
    %sub3A_5138 = vector.broadcast %slice3A_5126 : vector<1x256xf32> to vector<256x256xf32>
    %sub3A_5139 = arith.subf %sub3A_5137, %sub3A_5138 : vector<256x256xf32>
    %sub3A_5140 = vector.broadcast %slice3A_5116 : vector<256x1xf32> to vector<256x256xf32>
    %sub3A_5141 = vector.broadcast %slice3A_5127 : vector<1x256xf32> to vector<256x256xf32>
    %sub3A_5142 = arith.subf %sub3A_5140, %sub3A_5141 : vector<256x256xf32>
    %mul3A_5143 = vector.broadcast %slice3A_5117 : vector<256x1xf32> to vector<256x256xf32>
    %mul3A_5144 = vector.broadcast %slice3A_5128 : vector<1x256xf32> to vector<256x256xf32>
    %mul3A_5145 = arith.mulf %mul3A_5143, %mul3A_5144 : vector<256x256xf32>
    %mul3A_5146 = vector.broadcast %slice3A_5118 : vector<256x1xf32> to vector<256x256xf32>
    %mul3A_5147 = vector.broadcast %slice3A_5129 : vector<1x256xf32> to vector<256x256xf32>
    %mul3A_5148 = arith.mulf %mul3A_5146, %mul3A_5147 : vector<256x256xf32>
    %add3A_5149 = arith.addf %mul3A_5145, %mul3A_5148 : vector<256x256xf32>
    %mul3A_5150 = vector.broadcast %slice3A_5117 : vector<256x1xf32> to vector<256x256xf32>
    %mul3A_5151 = arith.mulf %mul3A_5150, %sub3A_5139 : vector<256x256xf32>
    %mul3A_5152 = vector.broadcast %slice3A_5118 : vector<256x1xf32> to vector<256x256xf32>
    %mul3A_5153 = arith.mulf %mul3A_5152, %sub3A_5142 : vector<256x256xf32>
    %add3A_5154 = arith.addf %mul3A_5151, %mul3A_5153 : vector<256x256xf32>
    %mul3A_5155 = vector.broadcast %slice3A_5128 : vector<1x256xf32> to vector<256x256xf32>
    %mul3A_5156 = arith.mulf %mul3A_5155, %sub3A_5139 : vector<256x256xf32>
    %mul3A_5157 = vector.broadcast %slice3A_5129 : vector<1x256xf32> to vector<256x256xf32>
    %mul3A_5158 = arith.mulf %mul3A_5157, %sub3A_5142 : vector<256x256xf32>
    %add3A_5159 = arith.addf %mul3A_5156, %mul3A_5158 : vector<256x256xf32>
    %mul3A_5160 = vector.broadcast %slice3A_5121 : vector<256x1xf32> to vector<256x256xf32>
    %mul3A_5161 = vector.broadcast %slice3A_5132 : vector<1x256xf32> to vector<256x256xf32>
    %mul3A_5162 = arith.mulf %mul3A_5160, %mul3A_5161 : vector<256x256xf32>
    %mul3A_5163 = arith.mulf %add3A_5149, %add3A_5149 : vector<256x256xf32>
    %sub3A_5164 = arith.subf %mul3A_5162, %mul3A_5163 : vector<256x256xf32>
    %max3A_5165 = arith.constant 9.99999996E-13 : f32
    %max3A_5166 = vector.broadcast %max3A_5165 : f32 to vector<256x256xf32>
    %max3A_5167 = arith.maximumf %sub3A_5164, %max3A_5166 : vector<256x256xf32>
    %div3A_5168 = arith.constant 1.000000e+00 : f32
    %div3A_5169 = vector.broadcast %div3A_5168 : f32 to vector<256x256xf32>
    %div3A_5170 = arith.divf %div3A_5169, %max3A_5167 : vector<256x256xf32>
    %mul3A_5171 = arith.mulf %add3A_5149, %add3A_5159 : vector<256x256xf32>
    %mul3A_5172 = vector.broadcast %slice3A_5132 : vector<1x256xf32> to vector<256x256xf32>
    %mul3A_5173 = arith.mulf %add3A_5154, %mul3A_5172 : vector<256x256xf32>
    %sub3A_5174 = arith.subf %mul3A_5171, %mul3A_5173 : vector<256x256xf32>
    %mul3A_5175 = arith.mulf %sub3A_5174, %div3A_5170 : vector<256x256xf32>
    %jit3A_5176 = arith.constant 0.000000e+00 : f32
    %jit3A_5177 = arith.constant 1.000000e+00 : f32
    %max3A_5178 = vector.broadcast %jit3A_5176 : f32 to vector<256x256xf32>
    %max3A_5179 = arith.maximumf %max3A_5178, %mul3A_5175 : vector<256x256xf32>
    %min3A_5180 = vector.broadcast %jit3A_5177 : f32 to vector<256x256xf32>
    %min3A_5181 = arith.minimumf %min3A_5180, %max3A_5179 : vector<256x256xf32>
    %mul3A_5182 = arith.mulf %add3A_5149, %min3A_5181 : vector<256x256xf32>
    %add3A_5183 = arith.addf %mul3A_5182, %add3A_5159 : vector<256x256xf32>
    %mul3A_5184 = vector.broadcast %slice3A_5133 : vector<1x256xf32> to vector<256x256xf32>
    %mul3A_5185 = arith.mulf %add3A_5183, %mul3A_5184 : vector<256x256xf32>
    %jit3A_5186 = arith.constant 0.000000e+00 : f32
    %jit3A_5187 = arith.constant 1.000000e+00 : f32
    %max3A_5188 = vector.broadcast %jit3A_5186 : f32 to vector<256x256xf32>
    %max3A_5189 = arith.maximumf %max3A_5188, %mul3A_5185 : vector<256x256xf32>
    %min3A_5190 = vector.broadcast %jit3A_5187 : f32 to vector<256x256xf32>
    %min3A_5191 = arith.minimumf %min3A_5190, %max3A_5189 : vector<256x256xf32>
    %mul3A_5192 = arith.mulf %add3A_5149, %min3A_5191 : vector<256x256xf32>
    %sub3A_5193 = arith.subf %mul3A_5192, %add3A_5154 : vector<256x256xf32>
    %mul3A_5194 = vector.broadcast %slice3A_5122 : vector<256x1xf32> to vector<256x256xf32>
    %mul3A_5195 = arith.mulf %sub3A_5193, %mul3A_5194 : vector<256x256xf32>
    %jit3A_5196 = arith.constant 0.000000e+00 : f32
    %jit3A_5197 = arith.constant 1.000000e+00 : f32
    %max3A_5198 = vector.broadcast %jit3A_5196 : f32 to vector<256x256xf32>
    %max3A_5199 = arith.maximumf %max3A_5198, %mul3A_5195 : vector<256x256xf32>
    %min3A_5200 = vector.broadcast %jit3A_5197 : f32 to vector<256x256xf32>
    %min3A_5201 = arith.minimumf %min3A_5200, %max3A_5199 : vector<256x256xf32>
    %mul3A_5202 = vector.broadcast %slice3A_5117 : vector<256x1xf32> to vector<256x256xf32>
    %mul3A_5203 = arith.mulf %min3A_5201, %mul3A_5202 : vector<256x256xf32>
    %add3A_5204 = arith.addf %sub3A_5139, %mul3A_5203 : vector<256x256xf32>
    %mul3A_5205 = vector.broadcast %slice3A_5128 : vector<1x256xf32> to vector<256x256xf32>
    %mul3A_5206 = arith.mulf %min3A_5191, %mul3A_5205 : vector<256x256xf32>
    %sub3A_5207 = arith.subf %add3A_5204, %mul3A_5206 : vector<256x256xf32>
    %mul3A_5208 = vector.broadcast %slice3A_5118 : vector<256x1xf32> to vector<256x256xf32>
    %mul3A_5209 = arith.mulf %min3A_5201, %mul3A_5208 : vector<256x256xf32>
    %add3A_5210 = arith.addf %sub3A_5142, %mul3A_5209 : vector<256x256xf32>
    %mul3A_5211 = vector.broadcast %slice3A_5129 : vector<1x256xf32> to vector<256x256xf32>
    %mul3A_5212 = arith.mulf %min3A_5191, %mul3A_5211 : vector<256x256xf32>
    %sub3A_5213 = arith.subf %add3A_5210, %mul3A_5212 : vector<256x256xf32>
    %mul3A_5214 = arith.mulf %sub3A_5207, %sub3A_5207 : vector<256x256xf32>
    %mul3A_5215 = arith.mulf %sub3A_5213, %sub3A_5213 : vector<256x256xf32>
    %add3A_5216 = arith.addf %mul3A_5214, %mul3A_5215 : vector<256x256xf32>
    %max3A_5217 = arith.constant 1.000000e-24 : f32
    %max3A_5218 = vector.broadcast %max3A_5217 : f32 to vector<256x256xf32>
    %max3A_5219 = arith.maximumf %add3A_5216, %max3A_5218 : vector<256x256xf32>
    %sqrt3A_5220 = math.sqrt %max3A_5219 : vector<256x256xf32>
    %sub3A_5221 = vector.broadcast %slice3A_5119 : vector<256x1xf32> to vector<256x256xf32>
    %sub3A_5222 = vector.broadcast %slice3A_5130 : vector<1x256xf32> to vector<256x256xf32>
    %sub3A_5223 = arith.subf %sub3A_5221, %sub3A_5222 : vector<256x256xf32>
    %sub3A_5224 = vector.broadcast %slice3A_5120 : vector<256x1xf32> to vector<256x256xf32>
    %sub3A_5225 = vector.broadcast %slice3A_5131 : vector<1x256xf32> to vector<256x256xf32>
    %sub3A_5226 = arith.subf %sub3A_5224, %sub3A_5225 : vector<256x256xf32>
    %add3A_5227 = vector.broadcast %slice3A_5123 : vector<256x1xf32> to vector<256x256xf32>
    %add3A_5228 = vector.broadcast %slice3A_5134 : vector<1x256xf32> to vector<256x256xf32>
    %add3A_5229 = arith.addf %add3A_5227, %add3A_5228 : vector<256x256xf32>
    %mul3A_5230 = arith.mulf %sub3A_5223, %sub3A_5223 : vector<256x256xf32>
    %mul3A_5231 = arith.mulf %sub3A_5226, %sub3A_5226 : vector<256x256xf32>
    %add3A_5232 = arith.addf %mul3A_5230, %mul3A_5231 : vector<256x256xf32>
    %mul3A_5233 = arith.mulf %add3A_5229, %add3A_5229 : vector<256x256xf32>
    %lt3A_5234 = arith.cmpf olt, %add3A_5232, %mul3A_5233 : vector<256x256xf32>
    %eq3A_5235 = vector.broadcast %slice3A_5124 : vector<256x1xi32> to vector<256x256xi32>
    %eq3A_5236 = vector.broadcast %slice3A_5135 : vector<1x256xi32> to vector<256x256xi32>
    %eq3A_5237 = arith.cmpi eq, %eq3A_5235, %eq3A_5236 : vector<256x256xi32>
    %eq3A_5238 = vector.broadcast %slice3A_5124 : vector<256x1xi32> to vector<256x256xi32>
    %eq3A_5239 = vector.broadcast %slice3A_5136 : vector<1x256xi32> to vector<256x256xi32>
    %eq3A_5240 = arith.cmpi eq, %eq3A_5238, %eq3A_5239 : vector<256x256xi32>
    %or3A_5241 = arith.ori %eq3A_5237, %eq3A_5240 : vector<256x256xi1>
    %eq3A_5242 = vector.broadcast %slice3A_5125 : vector<256x1xi32> to vector<256x256xi32>
    %eq3A_5243 = vector.broadcast %slice3A_5135 : vector<1x256xi32> to vector<256x256xi32>
    %eq3A_5244 = arith.cmpi eq, %eq3A_5242, %eq3A_5243 : vector<256x256xi32>
    %or3A_5245 = arith.ori %or3A_5241, %eq3A_5244 : vector<256x256xi1>
    %eq3A_5246 = vector.broadcast %slice3A_5125 : vector<256x1xi32> to vector<256x256xi32>
    %eq3A_5247 = vector.broadcast %slice3A_5136 : vector<1x256xi32> to vector<256x256xi32>
    %eq3A_5248 = arith.cmpi eq, %eq3A_5246, %eq3A_5247 : vector<256x256xi32>
    %or3A_5249 = arith.ori %or3A_5245, %eq3A_5248 : vector<256x256xi1>
    %not3A_5250 = arith.constant dense<true> : vector<256x256xi1>
    %not3A_5251 = arith.xori %or3A_5249, %not3A_5250 : vector<256x256xi1>
    %and3A_5252 = arith.andi %lt3A_5234, %not3A_5251 : vector<256x256xi1>
    %iota3A_5253 = tpu.iota {dimensions = array<i32: 0>} : vector<256x256xi32>
    %iota3A_5254 = tpu.iota {dimensions = array<i32: 1>} : vector<256x256xi32>
    %gt3A_5255 = arith.cmpi sgt, %iota3A_5254, %iota3A_5253 : vector<256x256xi32>
    %and3A_5256 = arith.andi %and3A_5252, %gt3A_5255 : vector<256x256xi1>
    %sub3A_5257 = arith.constant 1.000000e-03 : f32
    %sub3A_5258 = vector.broadcast %sub3A_5257 : f32 to vector<256x256xf32>
    %sub3A_5259 = arith.subf %sub3A_5258, %sqrt3A_5220 : vector<256x256xf32>
    %max3A_5260 = arith.constant 0.000000e+00 : f32
    %max3A_5261 = vector.broadcast %max3A_5260 : f32 to vector<256x256xf32>
    %max3A_5262 = arith.maximumf %sub3A_5259, %max3A_5261 : vector<256x256xf32>
    %jit3A_5263 = arith.constant 0.000000e+00 : f32
    %broadcast_in_dim3A_5264 = vector.broadcast %jit3A_5263 : f32 to vector<256x256xf32>
    %select_n3A_5265 = arith.select %and3A_5256, %max3A_5262, %broadcast_in_dim3A_5264 : vector<256x256xi1>, vector<256x256xf32>
    %reduce_sum3A_5266 = vector.shape_cast %select_n3A_5265 : vector<256x256xf32> to vector<1x256x256xf32>
    %reduce_sum3A_5267 = arith.constant dense<0.000000e+00> : vector<1xf32>
    %reduce_sum3A_5268 = vector.multi_reduction <add>, %reduce_sum3A_5266, %reduce_sum3A_5267 [1, 2] : vector<1x256x256xf32> to vector<1xf32>
    %reduce_sum3A_5269 = vector.shape_cast %reduce_sum3A_5268 : vector<1xf32> to vector<1x1x1xf32>
    %reduce_sum3A_5270 = vector.extract %reduce_sum3A_5269[0, 0, 0] : f32 from vector<1x1x1xf32>
    %add3A_5271 = arith.addf %add3A_5106, %reduce_sum3A_5270 : f32
    %convert_element_type3A_5272 = arith.extui %and3A_5256 : vector<256x256xi1> to vector<256x256xi32>
    %convert_element_type3A_5273 = arith.sitofp %convert_element_type3A_5272 : vector<256x256xi32> to vector<256x256xf32>
    %reduce_sum3A_5274 = vector.shape_cast %convert_element_type3A_5273 : vector<256x256xf32> to vector<1x256x256xf32>
    %reduce_sum3A_5275 = arith.constant dense<0.000000e+00> : vector<1xf32>
    %reduce_sum3A_5276 = vector.multi_reduction <add>, %reduce_sum3A_5274, %reduce_sum3A_5275 [1, 2] : vector<1x256x256xf32> to vector<1xf32>
    %reduce_sum3A_5277 = vector.shape_cast %reduce_sum3A_5276 : vector<1xf32> to vector<1x1x1xf32>
    %reduce_sum3A_5278 = vector.extract %reduce_sum3A_5277[0, 0, 0] : f32 from vector<1x1x1xf32>
    %add3A_5279 = arith.addf %add3A_5114, %reduce_sum3A_5278 : f32
    %slice3A_5280 = vector.extract_strided_slice %get3A_13 {offsets = [0, 1792], sizes = [1, 256], strides = [1, 1]} : vector<1x2048xf32> to vector<1x256xf32>
    %slice3A_5281 = vector.extract_strided_slice %get3A_16 {offsets = [0, 1792], sizes = [1, 256], strides = [1, 1]} : vector<1x2048xf32> to vector<1x256xf32>
    %slice3A_5282 = vector.extract_strided_slice %sub3A_58 {offsets = [0, 1792], sizes = [1, 256], strides = [1, 1]} : vector<1x2048xf32> to vector<1x256xf32>
    %slice3A_5283 = vector.extract_strided_slice %sub3A_59 {offsets = [0, 1792], sizes = [1, 256], strides = [1, 1]} : vector<1x2048xf32> to vector<1x256xf32>
    %slice3A_5284 = vector.extract_strided_slice %mul3A_63 {offsets = [0, 1792], sizes = [1, 256], strides = [1, 1]} : vector<1x2048xf32> to vector<1x256xf32>
    %slice3A_5285 = vector.extract_strided_slice %mul3A_67 {offsets = [0, 1792], sizes = [1, 256], strides = [1, 1]} : vector<1x2048xf32> to vector<1x256xf32>
    %slice3A_5286 = vector.extract_strided_slice %max3A_73 {offsets = [0, 1792], sizes = [1, 256], strides = [1, 1]} : vector<1x2048xf32> to vector<1x256xf32>
    %slice3A_5287 = vector.extract_strided_slice %div3A_76 {offsets = [0, 1792], sizes = [1, 256], strides = [1, 1]} : vector<1x2048xf32> to vector<1x256xf32>
    %slice3A_5288 = vector.extract_strided_slice %add3A_86 {offsets = [0, 1792], sizes = [1, 256], strides = [1, 1]} : vector<1x2048xf32> to vector<1x256xf32>
    %slice3A_5289 = vector.extract_strided_slice %get3A_31 {offsets = [0, 1792], sizes = [1, 256], strides = [1, 1]} : vector<1x2048xi32> to vector<1x256xi32>
    %slice3A_5290 = vector.extract_strided_slice %get3A_34 {offsets = [0, 1792], sizes = [1, 256], strides = [1, 1]} : vector<1x2048xi32> to vector<1x256xi32>
    %sub3A_5291 = vector.broadcast %slice3A_5115 : vector<256x1xf32> to vector<256x256xf32>
    %sub3A_5292 = vector.broadcast %slice3A_5280 : vector<1x256xf32> to vector<256x256xf32>
    %sub3A_5293 = arith.subf %sub3A_5291, %sub3A_5292 : vector<256x256xf32>
    %sub3A_5294 = vector.broadcast %slice3A_5116 : vector<256x1xf32> to vector<256x256xf32>
    %sub3A_5295 = vector.broadcast %slice3A_5281 : vector<1x256xf32> to vector<256x256xf32>
    %sub3A_5296 = arith.subf %sub3A_5294, %sub3A_5295 : vector<256x256xf32>
    %mul3A_5297 = vector.broadcast %slice3A_5117 : vector<256x1xf32> to vector<256x256xf32>
    %mul3A_5298 = vector.broadcast %slice3A_5282 : vector<1x256xf32> to vector<256x256xf32>
    %mul3A_5299 = arith.mulf %mul3A_5297, %mul3A_5298 : vector<256x256xf32>
    %mul3A_5300 = vector.broadcast %slice3A_5118 : vector<256x1xf32> to vector<256x256xf32>
    %mul3A_5301 = vector.broadcast %slice3A_5283 : vector<1x256xf32> to vector<256x256xf32>
    %mul3A_5302 = arith.mulf %mul3A_5300, %mul3A_5301 : vector<256x256xf32>
    %add3A_5303 = arith.addf %mul3A_5299, %mul3A_5302 : vector<256x256xf32>
    %mul3A_5304 = vector.broadcast %slice3A_5117 : vector<256x1xf32> to vector<256x256xf32>
    %mul3A_5305 = arith.mulf %mul3A_5304, %sub3A_5293 : vector<256x256xf32>
    %mul3A_5306 = vector.broadcast %slice3A_5118 : vector<256x1xf32> to vector<256x256xf32>
    %mul3A_5307 = arith.mulf %mul3A_5306, %sub3A_5296 : vector<256x256xf32>
    %add3A_5308 = arith.addf %mul3A_5305, %mul3A_5307 : vector<256x256xf32>
    %mul3A_5309 = vector.broadcast %slice3A_5282 : vector<1x256xf32> to vector<256x256xf32>
    %mul3A_5310 = arith.mulf %mul3A_5309, %sub3A_5293 : vector<256x256xf32>
    %mul3A_5311 = vector.broadcast %slice3A_5283 : vector<1x256xf32> to vector<256x256xf32>
    %mul3A_5312 = arith.mulf %mul3A_5311, %sub3A_5296 : vector<256x256xf32>
    %add3A_5313 = arith.addf %mul3A_5310, %mul3A_5312 : vector<256x256xf32>
    %mul3A_5314 = vector.broadcast %slice3A_5121 : vector<256x1xf32> to vector<256x256xf32>
    %mul3A_5315 = vector.broadcast %slice3A_5286 : vector<1x256xf32> to vector<256x256xf32>
    %mul3A_5316 = arith.mulf %mul3A_5314, %mul3A_5315 : vector<256x256xf32>
    %mul3A_5317 = arith.mulf %add3A_5303, %add3A_5303 : vector<256x256xf32>
    %sub3A_5318 = arith.subf %mul3A_5316, %mul3A_5317 : vector<256x256xf32>
    %max3A_5319 = arith.constant 9.99999996E-13 : f32
    %max3A_5320 = vector.broadcast %max3A_5319 : f32 to vector<256x256xf32>
    %max3A_5321 = arith.maximumf %sub3A_5318, %max3A_5320 : vector<256x256xf32>
    %div3A_5322 = arith.constant 1.000000e+00 : f32
    %div3A_5323 = vector.broadcast %div3A_5322 : f32 to vector<256x256xf32>
    %div3A_5324 = arith.divf %div3A_5323, %max3A_5321 : vector<256x256xf32>
    %mul3A_5325 = arith.mulf %add3A_5303, %add3A_5313 : vector<256x256xf32>
    %mul3A_5326 = vector.broadcast %slice3A_5286 : vector<1x256xf32> to vector<256x256xf32>
    %mul3A_5327 = arith.mulf %add3A_5308, %mul3A_5326 : vector<256x256xf32>
    %sub3A_5328 = arith.subf %mul3A_5325, %mul3A_5327 : vector<256x256xf32>
    %mul3A_5329 = arith.mulf %sub3A_5328, %div3A_5324 : vector<256x256xf32>
    %jit3A_5330 = arith.constant 0.000000e+00 : f32
    %jit3A_5331 = arith.constant 1.000000e+00 : f32
    %max3A_5332 = vector.broadcast %jit3A_5330 : f32 to vector<256x256xf32>
    %max3A_5333 = arith.maximumf %max3A_5332, %mul3A_5329 : vector<256x256xf32>
    %min3A_5334 = vector.broadcast %jit3A_5331 : f32 to vector<256x256xf32>
    %min3A_5335 = arith.minimumf %min3A_5334, %max3A_5333 : vector<256x256xf32>
    %mul3A_5336 = arith.mulf %add3A_5303, %min3A_5335 : vector<256x256xf32>
    %add3A_5337 = arith.addf %mul3A_5336, %add3A_5313 : vector<256x256xf32>
    %mul3A_5338 = vector.broadcast %slice3A_5287 : vector<1x256xf32> to vector<256x256xf32>
    %mul3A_5339 = arith.mulf %add3A_5337, %mul3A_5338 : vector<256x256xf32>
    %jit3A_5340 = arith.constant 0.000000e+00 : f32
    %jit3A_5341 = arith.constant 1.000000e+00 : f32
    %max3A_5342 = vector.broadcast %jit3A_5340 : f32 to vector<256x256xf32>
    %max3A_5343 = arith.maximumf %max3A_5342, %mul3A_5339 : vector<256x256xf32>
    %min3A_5344 = vector.broadcast %jit3A_5341 : f32 to vector<256x256xf32>
    %min3A_5345 = arith.minimumf %min3A_5344, %max3A_5343 : vector<256x256xf32>
    %mul3A_5346 = arith.mulf %add3A_5303, %min3A_5345 : vector<256x256xf32>
    %sub3A_5347 = arith.subf %mul3A_5346, %add3A_5308 : vector<256x256xf32>
    %mul3A_5348 = vector.broadcast %slice3A_5122 : vector<256x1xf32> to vector<256x256xf32>
    %mul3A_5349 = arith.mulf %sub3A_5347, %mul3A_5348 : vector<256x256xf32>
    %jit3A_5350 = arith.constant 0.000000e+00 : f32
    %jit3A_5351 = arith.constant 1.000000e+00 : f32
    %max3A_5352 = vector.broadcast %jit3A_5350 : f32 to vector<256x256xf32>
    %max3A_5353 = arith.maximumf %max3A_5352, %mul3A_5349 : vector<256x256xf32>
    %min3A_5354 = vector.broadcast %jit3A_5351 : f32 to vector<256x256xf32>
    %min3A_5355 = arith.minimumf %min3A_5354, %max3A_5353 : vector<256x256xf32>
    %mul3A_5356 = vector.broadcast %slice3A_5117 : vector<256x1xf32> to vector<256x256xf32>
    %mul3A_5357 = arith.mulf %min3A_5355, %mul3A_5356 : vector<256x256xf32>
    %add3A_5358 = arith.addf %sub3A_5293, %mul3A_5357 : vector<256x256xf32>
    %mul3A_5359 = vector.broadcast %slice3A_5282 : vector<1x256xf32> to vector<256x256xf32>
    %mul3A_5360 = arith.mulf %min3A_5345, %mul3A_5359 : vector<256x256xf32>
    %sub3A_5361 = arith.subf %add3A_5358, %mul3A_5360 : vector<256x256xf32>
    %mul3A_5362 = vector.broadcast %slice3A_5118 : vector<256x1xf32> to vector<256x256xf32>
    %mul3A_5363 = arith.mulf %min3A_5355, %mul3A_5362 : vector<256x256xf32>
    %add3A_5364 = arith.addf %sub3A_5296, %mul3A_5363 : vector<256x256xf32>
    %mul3A_5365 = vector.broadcast %slice3A_5283 : vector<1x256xf32> to vector<256x256xf32>
    %mul3A_5366 = arith.mulf %min3A_5345, %mul3A_5365 : vector<256x256xf32>
    %sub3A_5367 = arith.subf %add3A_5364, %mul3A_5366 : vector<256x256xf32>
    %mul3A_5368 = arith.mulf %sub3A_5361, %sub3A_5361 : vector<256x256xf32>
    %mul3A_5369 = arith.mulf %sub3A_5367, %sub3A_5367 : vector<256x256xf32>
    %add3A_5370 = arith.addf %mul3A_5368, %mul3A_5369 : vector<256x256xf32>
    %max3A_5371 = arith.constant 1.000000e-24 : f32
    %max3A_5372 = vector.broadcast %max3A_5371 : f32 to vector<256x256xf32>
    %max3A_5373 = arith.maximumf %add3A_5370, %max3A_5372 : vector<256x256xf32>
    %sqrt3A_5374 = math.sqrt %max3A_5373 : vector<256x256xf32>
    %sub3A_5375 = vector.broadcast %slice3A_5119 : vector<256x1xf32> to vector<256x256xf32>
    %sub3A_5376 = vector.broadcast %slice3A_5284 : vector<1x256xf32> to vector<256x256xf32>
    %sub3A_5377 = arith.subf %sub3A_5375, %sub3A_5376 : vector<256x256xf32>
    %sub3A_5378 = vector.broadcast %slice3A_5120 : vector<256x1xf32> to vector<256x256xf32>
    %sub3A_5379 = vector.broadcast %slice3A_5285 : vector<1x256xf32> to vector<256x256xf32>
    %sub3A_5380 = arith.subf %sub3A_5378, %sub3A_5379 : vector<256x256xf32>
    %add3A_5381 = vector.broadcast %slice3A_5123 : vector<256x1xf32> to vector<256x256xf32>
    %add3A_5382 = vector.broadcast %slice3A_5288 : vector<1x256xf32> to vector<256x256xf32>
    %add3A_5383 = arith.addf %add3A_5381, %add3A_5382 : vector<256x256xf32>
    %mul3A_5384 = arith.mulf %sub3A_5377, %sub3A_5377 : vector<256x256xf32>
    %mul3A_5385 = arith.mulf %sub3A_5380, %sub3A_5380 : vector<256x256xf32>
    %add3A_5386 = arith.addf %mul3A_5384, %mul3A_5385 : vector<256x256xf32>
    %mul3A_5387 = arith.mulf %add3A_5383, %add3A_5383 : vector<256x256xf32>
    %lt3A_5388 = arith.cmpf olt, %add3A_5386, %mul3A_5387 : vector<256x256xf32>
    %eq3A_5389 = vector.broadcast %slice3A_5124 : vector<256x1xi32> to vector<256x256xi32>
    %eq3A_5390 = vector.broadcast %slice3A_5289 : vector<1x256xi32> to vector<256x256xi32>
    %eq3A_5391 = arith.cmpi eq, %eq3A_5389, %eq3A_5390 : vector<256x256xi32>
    %eq3A_5392 = vector.broadcast %slice3A_5124 : vector<256x1xi32> to vector<256x256xi32>
    %eq3A_5393 = vector.broadcast %slice3A_5290 : vector<1x256xi32> to vector<256x256xi32>
    %eq3A_5394 = arith.cmpi eq, %eq3A_5392, %eq3A_5393 : vector<256x256xi32>
    %or3A_5395 = arith.ori %eq3A_5391, %eq3A_5394 : vector<256x256xi1>
    %eq3A_5396 = vector.broadcast %slice3A_5125 : vector<256x1xi32> to vector<256x256xi32>
    %eq3A_5397 = vector.broadcast %slice3A_5289 : vector<1x256xi32> to vector<256x256xi32>
    %eq3A_5398 = arith.cmpi eq, %eq3A_5396, %eq3A_5397 : vector<256x256xi32>
    %or3A_5399 = arith.ori %or3A_5395, %eq3A_5398 : vector<256x256xi1>
    %eq3A_5400 = vector.broadcast %slice3A_5125 : vector<256x1xi32> to vector<256x256xi32>
    %eq3A_5401 = vector.broadcast %slice3A_5290 : vector<1x256xi32> to vector<256x256xi32>
    %eq3A_5402 = arith.cmpi eq, %eq3A_5400, %eq3A_5401 : vector<256x256xi32>
    %or3A_5403 = arith.ori %or3A_5399, %eq3A_5402 : vector<256x256xi1>
    %not3A_5404 = arith.constant dense<true> : vector<256x256xi1>
    %not3A_5405 = arith.xori %or3A_5403, %not3A_5404 : vector<256x256xi1>
    %and3A_5406 = arith.andi %lt3A_5388, %not3A_5405 : vector<256x256xi1>
    %sub3A_5407 = arith.constant 1.000000e-03 : f32
    %sub3A_5408 = vector.broadcast %sub3A_5407 : f32 to vector<256x256xf32>
    %sub3A_5409 = arith.subf %sub3A_5408, %sqrt3A_5374 : vector<256x256xf32>
    %max3A_5410 = arith.constant 0.000000e+00 : f32
    %max3A_5411 = vector.broadcast %max3A_5410 : f32 to vector<256x256xf32>
    %max3A_5412 = arith.maximumf %sub3A_5409, %max3A_5411 : vector<256x256xf32>
    %jit3A_5413 = arith.constant 0.000000e+00 : f32
    %broadcast_in_dim3A_5414 = vector.broadcast %jit3A_5413 : f32 to vector<256x256xf32>
    %select_n3A_5415 = arith.select %and3A_5406, %max3A_5412, %broadcast_in_dim3A_5414 : vector<256x256xi1>, vector<256x256xf32>
    %reduce_sum3A_5416 = vector.shape_cast %select_n3A_5415 : vector<256x256xf32> to vector<1x256x256xf32>
    %reduce_sum3A_5417 = arith.constant dense<0.000000e+00> : vector<1xf32>
    %reduce_sum3A_5418 = vector.multi_reduction <add>, %reduce_sum3A_5416, %reduce_sum3A_5417 [1, 2] : vector<1x256x256xf32> to vector<1xf32>
    %reduce_sum3A_5419 = vector.shape_cast %reduce_sum3A_5418 : vector<1xf32> to vector<1x1x1xf32>
    %reduce_sum3A_5420 = vector.extract %reduce_sum3A_5419[0, 0, 0] : f32 from vector<1x1x1xf32>
    %add3A_5421 = arith.addf %add3A_5271, %reduce_sum3A_5420 : f32
    %convert_element_type3A_5422 = arith.extui %and3A_5406 : vector<256x256xi1> to vector<256x256xi32>
    %convert_element_type3A_5423 = arith.sitofp %convert_element_type3A_5422 : vector<256x256xi32> to vector<256x256xf32>
    %reduce_sum3A_5424 = vector.shape_cast %convert_element_type3A_5423 : vector<256x256xf32> to vector<1x256x256xf32>
    %reduce_sum3A_5425 = arith.constant dense<0.000000e+00> : vector<1xf32>
    %reduce_sum3A_5426 = vector.multi_reduction <add>, %reduce_sum3A_5424, %reduce_sum3A_5425 [1, 2] : vector<1x256x256xf32> to vector<1xf32>
    %reduce_sum3A_5427 = vector.shape_cast %reduce_sum3A_5426 : vector<1xf32> to vector<1x1x1xf32>
    %reduce_sum3A_5428 = vector.extract %reduce_sum3A_5427[0, 0, 0] : f32 from vector<1x1x1xf32>
    %add3A_5429 = arith.addf %add3A_5279, %reduce_sum3A_5428 : f32
    %slice3A_5430 = vector.extract_strided_slice %get3A_1 {offsets = [1792, 0], sizes = [256, 1], strides = [1, 1]} : vector<2048x1xf32> to vector<256x1xf32>
    %slice3A_5431 = vector.extract_strided_slice %get3A_4 {offsets = [1792, 0], sizes = [256, 1], strides = [1, 1]} : vector<2048x1xf32> to vector<256x1xf32>
    %slice3A_5432 = vector.extract_strided_slice %sub3A {offsets = [1792, 0], sizes = [256, 1], strides = [1, 1]} : vector<2048x1xf32> to vector<256x1xf32>
    %slice3A_5433 = vector.extract_strided_slice %sub3A_35 {offsets = [1792, 0], sizes = [256, 1], strides = [1, 1]} : vector<2048x1xf32> to vector<256x1xf32>
    %slice3A_5434 = vector.extract_strided_slice %mul3A_37 {offsets = [1792, 0], sizes = [256, 1], strides = [1, 1]} : vector<2048x1xf32> to vector<256x1xf32>
    %slice3A_5435 = vector.extract_strided_slice %mul3A_41 {offsets = [1792, 0], sizes = [256, 1], strides = [1, 1]} : vector<2048x1xf32> to vector<256x1xf32>
    %slice3A_5436 = vector.extract_strided_slice %max3A_46 {offsets = [1792, 0], sizes = [256, 1], strides = [1, 1]} : vector<2048x1xf32> to vector<256x1xf32>
    %slice3A_5437 = vector.extract_strided_slice %div3A_48 {offsets = [1792, 0], sizes = [256, 1], strides = [1, 1]} : vector<2048x1xf32> to vector<256x1xf32>
    %slice3A_5438 = vector.extract_strided_slice %add3A_57 {offsets = [1792, 0], sizes = [256, 1], strides = [1, 1]} : vector<2048x1xf32> to vector<256x1xf32>
    %slice3A_5439 = vector.extract_strided_slice %get3A_25 {offsets = [1792, 0], sizes = [256, 1], strides = [1, 1]} : vector<2048x1xi32> to vector<256x1xi32>
    %slice3A_5440 = vector.extract_strided_slice %get3A_28 {offsets = [1792, 0], sizes = [256, 1], strides = [1, 1]} : vector<2048x1xi32> to vector<256x1xi32>
    %slice3A_5441 = vector.extract_strided_slice %get3A_13 {offsets = [0, 1792], sizes = [1, 256], strides = [1, 1]} : vector<1x2048xf32> to vector<1x256xf32>
    %slice3A_5442 = vector.extract_strided_slice %get3A_16 {offsets = [0, 1792], sizes = [1, 256], strides = [1, 1]} : vector<1x2048xf32> to vector<1x256xf32>
    %slice3A_5443 = vector.extract_strided_slice %sub3A_58 {offsets = [0, 1792], sizes = [1, 256], strides = [1, 1]} : vector<1x2048xf32> to vector<1x256xf32>
    %slice3A_5444 = vector.extract_strided_slice %sub3A_59 {offsets = [0, 1792], sizes = [1, 256], strides = [1, 1]} : vector<1x2048xf32> to vector<1x256xf32>
    %slice3A_5445 = vector.extract_strided_slice %mul3A_63 {offsets = [0, 1792], sizes = [1, 256], strides = [1, 1]} : vector<1x2048xf32> to vector<1x256xf32>
    %slice3A_5446 = vector.extract_strided_slice %mul3A_67 {offsets = [0, 1792], sizes = [1, 256], strides = [1, 1]} : vector<1x2048xf32> to vector<1x256xf32>
    %slice3A_5447 = vector.extract_strided_slice %max3A_73 {offsets = [0, 1792], sizes = [1, 256], strides = [1, 1]} : vector<1x2048xf32> to vector<1x256xf32>
    %slice3A_5448 = vector.extract_strided_slice %div3A_76 {offsets = [0, 1792], sizes = [1, 256], strides = [1, 1]} : vector<1x2048xf32> to vector<1x256xf32>
    %slice3A_5449 = vector.extract_strided_slice %add3A_86 {offsets = [0, 1792], sizes = [1, 256], strides = [1, 1]} : vector<1x2048xf32> to vector<1x256xf32>
    %slice3A_5450 = vector.extract_strided_slice %get3A_31 {offsets = [0, 1792], sizes = [1, 256], strides = [1, 1]} : vector<1x2048xi32> to vector<1x256xi32>
    %slice3A_5451 = vector.extract_strided_slice %get3A_34 {offsets = [0, 1792], sizes = [1, 256], strides = [1, 1]} : vector<1x2048xi32> to vector<1x256xi32>
    %sub3A_5452 = vector.broadcast %slice3A_5430 : vector<256x1xf32> to vector<256x256xf32>
    %sub3A_5453 = vector.broadcast %slice3A_5441 : vector<1x256xf32> to vector<256x256xf32>
    %sub3A_5454 = arith.subf %sub3A_5452, %sub3A_5453 : vector<256x256xf32>
    %sub3A_5455 = vector.broadcast %slice3A_5431 : vector<256x1xf32> to vector<256x256xf32>
    %sub3A_5456 = vector.broadcast %slice3A_5442 : vector<1x256xf32> to vector<256x256xf32>
    %sub3A_5457 = arith.subf %sub3A_5455, %sub3A_5456 : vector<256x256xf32>
    %mul3A_5458 = vector.broadcast %slice3A_5432 : vector<256x1xf32> to vector<256x256xf32>
    %mul3A_5459 = vector.broadcast %slice3A_5443 : vector<1x256xf32> to vector<256x256xf32>
    %mul3A_5460 = arith.mulf %mul3A_5458, %mul3A_5459 : vector<256x256xf32>
    %mul3A_5461 = vector.broadcast %slice3A_5433 : vector<256x1xf32> to vector<256x256xf32>
    %mul3A_5462 = vector.broadcast %slice3A_5444 : vector<1x256xf32> to vector<256x256xf32>
    %mul3A_5463 = arith.mulf %mul3A_5461, %mul3A_5462 : vector<256x256xf32>
    %add3A_5464 = arith.addf %mul3A_5460, %mul3A_5463 : vector<256x256xf32>
    %mul3A_5465 = vector.broadcast %slice3A_5432 : vector<256x1xf32> to vector<256x256xf32>
    %mul3A_5466 = arith.mulf %mul3A_5465, %sub3A_5454 : vector<256x256xf32>
    %mul3A_5467 = vector.broadcast %slice3A_5433 : vector<256x1xf32> to vector<256x256xf32>
    %mul3A_5468 = arith.mulf %mul3A_5467, %sub3A_5457 : vector<256x256xf32>
    %add3A_5469 = arith.addf %mul3A_5466, %mul3A_5468 : vector<256x256xf32>
    %mul3A_5470 = vector.broadcast %slice3A_5443 : vector<1x256xf32> to vector<256x256xf32>
    %mul3A_5471 = arith.mulf %mul3A_5470, %sub3A_5454 : vector<256x256xf32>
    %mul3A_5472 = vector.broadcast %slice3A_5444 : vector<1x256xf32> to vector<256x256xf32>
    %mul3A_5473 = arith.mulf %mul3A_5472, %sub3A_5457 : vector<256x256xf32>
    %add3A_5474 = arith.addf %mul3A_5471, %mul3A_5473 : vector<256x256xf32>
    %mul3A_5475 = vector.broadcast %slice3A_5436 : vector<256x1xf32> to vector<256x256xf32>
    %mul3A_5476 = vector.broadcast %slice3A_5447 : vector<1x256xf32> to vector<256x256xf32>
    %mul3A_5477 = arith.mulf %mul3A_5475, %mul3A_5476 : vector<256x256xf32>
    %mul3A_5478 = arith.mulf %add3A_5464, %add3A_5464 : vector<256x256xf32>
    %sub3A_5479 = arith.subf %mul3A_5477, %mul3A_5478 : vector<256x256xf32>
    %max3A_5480 = arith.constant 9.99999996E-13 : f32
    %max3A_5481 = vector.broadcast %max3A_5480 : f32 to vector<256x256xf32>
    %max3A_5482 = arith.maximumf %sub3A_5479, %max3A_5481 : vector<256x256xf32>
    %div3A_5483 = arith.constant 1.000000e+00 : f32
    %div3A_5484 = vector.broadcast %div3A_5483 : f32 to vector<256x256xf32>
    %div3A_5485 = arith.divf %div3A_5484, %max3A_5482 : vector<256x256xf32>
    %mul3A_5486 = arith.mulf %add3A_5464, %add3A_5474 : vector<256x256xf32>
    %mul3A_5487 = vector.broadcast %slice3A_5447 : vector<1x256xf32> to vector<256x256xf32>
    %mul3A_5488 = arith.mulf %add3A_5469, %mul3A_5487 : vector<256x256xf32>
    %sub3A_5489 = arith.subf %mul3A_5486, %mul3A_5488 : vector<256x256xf32>
    %mul3A_5490 = arith.mulf %sub3A_5489, %div3A_5485 : vector<256x256xf32>
    %jit3A_5491 = arith.constant 0.000000e+00 : f32
    %jit3A_5492 = arith.constant 1.000000e+00 : f32
    %max3A_5493 = vector.broadcast %jit3A_5491 : f32 to vector<256x256xf32>
    %max3A_5494 = arith.maximumf %max3A_5493, %mul3A_5490 : vector<256x256xf32>
    %min3A_5495 = vector.broadcast %jit3A_5492 : f32 to vector<256x256xf32>
    %min3A_5496 = arith.minimumf %min3A_5495, %max3A_5494 : vector<256x256xf32>
    %mul3A_5497 = arith.mulf %add3A_5464, %min3A_5496 : vector<256x256xf32>
    %add3A_5498 = arith.addf %mul3A_5497, %add3A_5474 : vector<256x256xf32>
    %mul3A_5499 = vector.broadcast %slice3A_5448 : vector<1x256xf32> to vector<256x256xf32>
    %mul3A_5500 = arith.mulf %add3A_5498, %mul3A_5499 : vector<256x256xf32>
    %jit3A_5501 = arith.constant 0.000000e+00 : f32
    %jit3A_5502 = arith.constant 1.000000e+00 : f32
    %max3A_5503 = vector.broadcast %jit3A_5501 : f32 to vector<256x256xf32>
    %max3A_5504 = arith.maximumf %max3A_5503, %mul3A_5500 : vector<256x256xf32>
    %min3A_5505 = vector.broadcast %jit3A_5502 : f32 to vector<256x256xf32>
    %min3A_5506 = arith.minimumf %min3A_5505, %max3A_5504 : vector<256x256xf32>
    %mul3A_5507 = arith.mulf %add3A_5464, %min3A_5506 : vector<256x256xf32>
    %sub3A_5508 = arith.subf %mul3A_5507, %add3A_5469 : vector<256x256xf32>
    %mul3A_5509 = vector.broadcast %slice3A_5437 : vector<256x1xf32> to vector<256x256xf32>
    %mul3A_5510 = arith.mulf %sub3A_5508, %mul3A_5509 : vector<256x256xf32>
    %jit3A_5511 = arith.constant 0.000000e+00 : f32
    %jit3A_5512 = arith.constant 1.000000e+00 : f32
    %max3A_5513 = vector.broadcast %jit3A_5511 : f32 to vector<256x256xf32>
    %max3A_5514 = arith.maximumf %max3A_5513, %mul3A_5510 : vector<256x256xf32>
    %min3A_5515 = vector.broadcast %jit3A_5512 : f32 to vector<256x256xf32>
    %min3A_5516 = arith.minimumf %min3A_5515, %max3A_5514 : vector<256x256xf32>
    %mul3A_5517 = vector.broadcast %slice3A_5432 : vector<256x1xf32> to vector<256x256xf32>
    %mul3A_5518 = arith.mulf %min3A_5516, %mul3A_5517 : vector<256x256xf32>
    %add3A_5519 = arith.addf %sub3A_5454, %mul3A_5518 : vector<256x256xf32>
    %mul3A_5520 = vector.broadcast %slice3A_5443 : vector<1x256xf32> to vector<256x256xf32>
    %mul3A_5521 = arith.mulf %min3A_5506, %mul3A_5520 : vector<256x256xf32>
    %sub3A_5522 = arith.subf %add3A_5519, %mul3A_5521 : vector<256x256xf32>
    %mul3A_5523 = vector.broadcast %slice3A_5433 : vector<256x1xf32> to vector<256x256xf32>
    %mul3A_5524 = arith.mulf %min3A_5516, %mul3A_5523 : vector<256x256xf32>
    %add3A_5525 = arith.addf %sub3A_5457, %mul3A_5524 : vector<256x256xf32>
    %mul3A_5526 = vector.broadcast %slice3A_5444 : vector<1x256xf32> to vector<256x256xf32>
    %mul3A_5527 = arith.mulf %min3A_5506, %mul3A_5526 : vector<256x256xf32>
    %sub3A_5528 = arith.subf %add3A_5525, %mul3A_5527 : vector<256x256xf32>
    %mul3A_5529 = arith.mulf %sub3A_5522, %sub3A_5522 : vector<256x256xf32>
    %mul3A_5530 = arith.mulf %sub3A_5528, %sub3A_5528 : vector<256x256xf32>
    %add3A_5531 = arith.addf %mul3A_5529, %mul3A_5530 : vector<256x256xf32>
    %max3A_5532 = arith.constant 1.000000e-24 : f32
    %max3A_5533 = vector.broadcast %max3A_5532 : f32 to vector<256x256xf32>
    %max3A_5534 = arith.maximumf %add3A_5531, %max3A_5533 : vector<256x256xf32>
    %sqrt3A_5535 = math.sqrt %max3A_5534 : vector<256x256xf32>
    %sub3A_5536 = vector.broadcast %slice3A_5434 : vector<256x1xf32> to vector<256x256xf32>
    %sub3A_5537 = vector.broadcast %slice3A_5445 : vector<1x256xf32> to vector<256x256xf32>
    %sub3A_5538 = arith.subf %sub3A_5536, %sub3A_5537 : vector<256x256xf32>
    %sub3A_5539 = vector.broadcast %slice3A_5435 : vector<256x1xf32> to vector<256x256xf32>
    %sub3A_5540 = vector.broadcast %slice3A_5446 : vector<1x256xf32> to vector<256x256xf32>
    %sub3A_5541 = arith.subf %sub3A_5539, %sub3A_5540 : vector<256x256xf32>
    %add3A_5542 = vector.broadcast %slice3A_5438 : vector<256x1xf32> to vector<256x256xf32>
    %add3A_5543 = vector.broadcast %slice3A_5449 : vector<1x256xf32> to vector<256x256xf32>
    %add3A_5544 = arith.addf %add3A_5542, %add3A_5543 : vector<256x256xf32>
    %mul3A_5545 = arith.mulf %sub3A_5538, %sub3A_5538 : vector<256x256xf32>
    %mul3A_5546 = arith.mulf %sub3A_5541, %sub3A_5541 : vector<256x256xf32>
    %add3A_5547 = arith.addf %mul3A_5545, %mul3A_5546 : vector<256x256xf32>
    %mul3A_5548 = arith.mulf %add3A_5544, %add3A_5544 : vector<256x256xf32>
    %lt3A_5549 = arith.cmpf olt, %add3A_5547, %mul3A_5548 : vector<256x256xf32>
    %eq3A_5550 = vector.broadcast %slice3A_5439 : vector<256x1xi32> to vector<256x256xi32>
    %eq3A_5551 = vector.broadcast %slice3A_5450 : vector<1x256xi32> to vector<256x256xi32>
    %eq3A_5552 = arith.cmpi eq, %eq3A_5550, %eq3A_5551 : vector<256x256xi32>
    %eq3A_5553 = vector.broadcast %slice3A_5439 : vector<256x1xi32> to vector<256x256xi32>
    %eq3A_5554 = vector.broadcast %slice3A_5451 : vector<1x256xi32> to vector<256x256xi32>
    %eq3A_5555 = arith.cmpi eq, %eq3A_5553, %eq3A_5554 : vector<256x256xi32>
    %or3A_5556 = arith.ori %eq3A_5552, %eq3A_5555 : vector<256x256xi1>
    %eq3A_5557 = vector.broadcast %slice3A_5440 : vector<256x1xi32> to vector<256x256xi32>
    %eq3A_5558 = vector.broadcast %slice3A_5450 : vector<1x256xi32> to vector<256x256xi32>
    %eq3A_5559 = arith.cmpi eq, %eq3A_5557, %eq3A_5558 : vector<256x256xi32>
    %or3A_5560 = arith.ori %or3A_5556, %eq3A_5559 : vector<256x256xi1>
    %eq3A_5561 = vector.broadcast %slice3A_5440 : vector<256x1xi32> to vector<256x256xi32>
    %eq3A_5562 = vector.broadcast %slice3A_5451 : vector<1x256xi32> to vector<256x256xi32>
    %eq3A_5563 = arith.cmpi eq, %eq3A_5561, %eq3A_5562 : vector<256x256xi32>
    %or3A_5564 = arith.ori %or3A_5560, %eq3A_5563 : vector<256x256xi1>
    %not3A_5565 = arith.constant dense<true> : vector<256x256xi1>
    %not3A_5566 = arith.xori %or3A_5564, %not3A_5565 : vector<256x256xi1>
    %and3A_5567 = arith.andi %lt3A_5549, %not3A_5566 : vector<256x256xi1>
    %iota3A_5568 = tpu.iota {dimensions = array<i32: 0>} : vector<256x256xi32>
    %iota3A_5569 = tpu.iota {dimensions = array<i32: 1>} : vector<256x256xi32>
    %gt3A_5570 = arith.cmpi sgt, %iota3A_5569, %iota3A_5568 : vector<256x256xi32>
    %and3A_5571 = arith.andi %and3A_5567, %gt3A_5570 : vector<256x256xi1>
    %sub3A_5572 = arith.constant 1.000000e-03 : f32
    %sub3A_5573 = vector.broadcast %sub3A_5572 : f32 to vector<256x256xf32>
    %sub3A_5574 = arith.subf %sub3A_5573, %sqrt3A_5535 : vector<256x256xf32>
    %max3A_5575 = arith.constant 0.000000e+00 : f32
    %max3A_5576 = vector.broadcast %max3A_5575 : f32 to vector<256x256xf32>
    %max3A_5577 = arith.maximumf %sub3A_5574, %max3A_5576 : vector<256x256xf32>
    %jit3A_5578 = arith.constant 0.000000e+00 : f32
    %broadcast_in_dim3A_5579 = vector.broadcast %jit3A_5578 : f32 to vector<256x256xf32>
    %select_n3A_5580 = arith.select %and3A_5571, %max3A_5577, %broadcast_in_dim3A_5579 : vector<256x256xi1>, vector<256x256xf32>
    %reduce_sum3A_5581 = vector.shape_cast %select_n3A_5580 : vector<256x256xf32> to vector<1x256x256xf32>
    %reduce_sum3A_5582 = arith.constant dense<0.000000e+00> : vector<1xf32>
    %reduce_sum3A_5583 = vector.multi_reduction <add>, %reduce_sum3A_5581, %reduce_sum3A_5582 [1, 2] : vector<1x256x256xf32> to vector<1xf32>
    %reduce_sum3A_5584 = vector.shape_cast %reduce_sum3A_5583 : vector<1xf32> to vector<1x1x1xf32>
    %reduce_sum3A_5585 = vector.extract %reduce_sum3A_5584[0, 0, 0] : f32 from vector<1x1x1xf32>
    %add3A_5586 = arith.addf %add3A_5421, %reduce_sum3A_5585 : f32
    %convert_element_type3A_5587 = arith.extui %and3A_5571 : vector<256x256xi1> to vector<256x256xi32>
    %convert_element_type3A_5588 = arith.sitofp %convert_element_type3A_5587 : vector<256x256xi32> to vector<256x256xf32>
    %reduce_sum3A_5589 = vector.shape_cast %convert_element_type3A_5588 : vector<256x256xf32> to vector<1x256x256xf32>
    %reduce_sum3A_5590 = arith.constant dense<0.000000e+00> : vector<1xf32>
    %reduce_sum3A_5591 = vector.multi_reduction <add>, %reduce_sum3A_5589, %reduce_sum3A_5590 [1, 2] : vector<1x256x256xf32> to vector<1xf32>
    %reduce_sum3A_5592 = vector.shape_cast %reduce_sum3A_5591 : vector<1xf32> to vector<1x1x1xf32>
    %reduce_sum3A_5593 = vector.extract %reduce_sum3A_5592[0, 0, 0] : f32 from vector<1x1x1xf32>
    %add3A_5594 = arith.addf %add3A_5429, %reduce_sum3A_5593 : f32
    %max3A_5595 = arith.constant 1.000000e+00 : f32
    %max3A_5596 = arith.maximumf %add3A_5594, %max3A_5595 : f32
    %div3A_5597 = arith.divf %add3A_5586, %max3A_5596 : f32
    %swap3A = arith.constant 0 : index
    %swap3A_5598 = arith.constant 0 : index
    %swap3A_5599 = memref.load %arg12[%swap3A, %swap3A_5598] : memref<1x1xf32, #tpu.memory_space<smem>>
    memref.store %div3A_5597, %arg12[%swap3A, %swap3A_5598] : memref<1x1xf32, #tpu.memory_space<smem>>
    return
  }
}

</mosaic_0001>

<sc_bundles>
// kernel: kernel.4.cloned.1.call-start
scs
__scs_entry_jumppad:
0x0: {  	(pc) =	sbr.rel $0x88, $3  }
0x1: {  	(tag) =	ssettag $0x0;
	lr =	simm.s32 $0x1  }
0x2: {  	[smem:$0x3F9F] =	sst lr;
	_ =	strace $0xD0000000  }
0x3: {  	_ = 	snop  }
0x4: {  	_ = 	snop  }
0x5: {  	_ = 	snop  }
0x6: {  	_ = 	snop  }
0x7: {  	_ = 	snop  }
__scs_overlays_trampoline_lowered:
0x8: {  	[smem:$0x3FAE] =	sst s0  }
0x9: {  	[smem:$0x3FAF] =	sst s1  }
0xa: {  	[smem:$0x3FB0] =	sst s2  }
0xb: {  	[smem:$0x3FB1] =	sst s3  }
0xc: {  	[smem:$0x3FB2] =	sst s4  }
0xd: {  	[smem:$0x3FB3] =	sst s5  }
0xe: {  	[smem:$0x3FB4] =	sst s6  }
0xf: {  	[smem:$0x3FB5] =	sst s7  }
0x10: {  	[smem:$0x3FB6] =	sst s8  }
0x11: {  	[smem:$0x3FB7] =	sst s9;
	s0 =	simm.s32 @!p0 $0x0  }
0x12: {  	s1 =	sld [smem:$0x3F9D];
	s0 =	simm.s32 @p0 $0x1  }
0x13: {  	[smem:$0x3FB8] =	sst s0;
	s0 =	simm.s32 @!p1 $0x0  }
0x14: {  	s2 =	sld [smem:$0x3F9C];
	s0 =	simm.s32 @p1 $0x1  }
0x15: {  	[smem:$0x3FB9] =	sst s0;
	s0 =	simm.s32 @!p2 $0x0  }
0x16: {  	s3 =	sld [smem:$0x3FDB];
	s0 =	simm.s32 @p2 $0x1  }
0x17: {  	s4 =	simm.s32 $0x1BF5;
	[smem:$0x3FBB] =	sst s0  }
0x18: {  	s0 =	sld [smem:$0x3F9E];
	_ =	swait.ge [sflag:s4], $0x0  }
0x19: {  	s7 =	sld [smem:$0x3F9F]  }
0x1a: {  	s8 =	sadd.s32 $0xFFFFE003, lr  }
0x1b: {  	s9 =	sadd.s32 $0xFFFFFEF7, lr;
	s5 =	simm.s32 $0xFFFFFFFF;
	p2 =	slt.u32 s8, $0xFFFFF086  }
0x1c: {  	p1 =	slt.u32 s9, $0xF7A;
	s5 =	simm.s32 @!p2 $0x0  }
0x1d: {  	s5 =	simm.s32 @p1 $0x1;
	p0 =	seq.s32 s7, s2  }
0x1e: {  	s7 =	smul.u32 @!p0 $0xF7A, s2;
	p2 =	seq.s32 @!p0 s5, $0x0  }
0x1f: {  	s9 =	smul.u32 $0xF7A, s1;
	s8 =	simm.s32 @!p0 $0x1BF5;
	p2 =	por !p2, p0  }
0x20: {  	[sflag:s8] =	ssyncset.s32 @!p0 $0xFFFFF086;
	s6 =	sadd.s32 @!p0 s3, s7;
	s7 =	simm.s32 @!p0 $0x108  }
0x21: {  	s3 =	sadd.s32 s3, s9;
	s6 =	sadd.s32 @!p0 $0x88, s6;
	s7 =	simm.s32 @p2 $0x1082  }
0x22: {  	[simem:s7], [sflag:s8] =	dma.local @!p0 [hbm:s6], $0xF7A  }
0x23: {  	s9 =	sor.u32 $0xD0000000, s2;
	s6 =	simm.s32 $0x108;
	_ =	swait.ge @!p0 [sflag:s8], $0x0  }
0x24: {  	s3 =	sadd.s32 $0x88, s3;
	s6 =	simm.s32 @!p1 $0x1082;
	[sflag:s4] =	ssyncset.s32 $0xFFFFF086  }
0x25: {  	[simem:s6], [sflag:s4] =	dma.local [hbm:s3], $0xF7A  }
0x26: {  	[smem:$0x3F9F] =	sst s1;
	(tag) =	ssettag s2;
	_ =	strace s9  }
0x27: {  	s1 =	sld [smem:$0x3FAF]  }
0x28: {  	s2 =	sld [smem:$0x3FB0]  }
0x29: {  	s4 =	sld [smem:$0x3FB2]  }
0x2a: {  	p0 =	seq.s32 s5, $0x0;
	s5 =	sld [smem:$0x3FB3]  }
0x2b: {  	s6 =	sld [smem:$0x3FB4]  }
0x2c: {  	s7 =	sld [smem:$0x3FB5]  }
0x2d: {  	s3 =	simm.s32 $0x108;
	s8 =	sld [smem:$0x3FB6]  }
0x2e: {  	s3 =	simm.s32 @!p0 $0x1082;
	s9 =	sld [smem:$0x3FB7]  }
0x2f: {  	lr =	sadd.s32 s0, s3;
	s0 =	sld [smem:$0x3FAE]  }
0x30: {  	s3 =	sld [smem:$0x3FB1]  }
0x31: {  	[smem:$0x3FBA] =	sst s10  }
0x32: {  	s10 =	sld [smem:$0x3FB8];
	_ =	sdelay $0x3  }
0x33: {  	p0 =	seq.s32 s10, $0x1;
	s10 =	sld [smem:$0x3FBA];
	_ =	sdelay $0x3  }
0x34: {  	[smem:$0x3FBA] =	sst s10  }
0x35: {  	s10 =	sld [smem:$0x3FB9];
	_ =	sdelay $0x3  }
0x36: {  	p1 =	seq.s32 s10, $0x1;
	s10 =	sld [smem:$0x3FBA];
	_ =	sdelay $0x3  }
0x37: {  	[smem:$0x3FBA] =	sst s10  }
0x38: {  	s10 =	sld [smem:$0x3FBB]  }
0x39: {  	_ = 	snop;
	(pc) =	sbr.ind lr, $3  }
0x3a: {  	_ = 	snop  }
0x3b: {  	_ = 	snop  }
0x3c: {  	p2 =	seq.s32 s10, $0x1;
	s10 =	sld [smem:$0x3FBA]  }
0x3d: {  	_ =	shalt  }
0x3e: {  	_ =	shalt  }
0x3f: {  	_ =	shalt  }
0x40: {  	_ =	shalt  }
0x41: {  	_ =	shalt  }
0x42: {  	_ =	shalt  }
0x43: {  	_ =	shalt  }
0x44: {  	_ =	shalt  }
0x45: {  	_ =	shalt  }
0x46: {  	_ =	shalt  }
0x47: {  	_ =	shalt  }
0x48: {  	_ =	shalt  }
0x49: {  	_ =	shalt  }
0x4a: {  	_ =	shalt  }
0x4b: {  	_ =	shalt  }
0x4c: {  	_ =	shalt  }
0x4d: {  	_ =	shalt  }
0x4e: {  	_ =	shalt  }
0x4f: {  	_ =	shalt  }
0x50: {  	_ =	shalt  }
0x51: {  	_ =	shalt  }
0x52: {  	_ =	shalt  }
0x53: {  	_ =	shalt  }
0x54: {  	_ =	shalt  }
0x55: {  	_ =	shalt  }
0x56: {  	_ =	shalt  }
0x57: {  	_ =	shalt  }
0x58: {  	_ =	shalt  }
0x59: {  	_ =	shalt  }
0x5a: {  	_ =	shalt  }
0x5b: {  	_ =	shalt  }
0x5c: {  	_ =	shalt  }
0x5d: {  	_ =	shalt  }
0x5e: {  	_ =	shalt  }
0x5f: {  	_ =	shalt  }
0x60: {  	_ =	shalt  }
0x61: {  	_ =	shalt  }
0x62: {  	_ =	shalt  }
0x63: {  	_ =	shalt  }
0x64: {  	_ =	shalt  }
0x65: {  	_ =	shalt  }
0x66: {  	_ =	shalt  }
0x67: {  	_ =	shalt  }
0x68: {  	_ =	shalt  }
0x69: {  	_ =	shalt  }
0x6a: {  	_ =	shalt  }
0x6b: {  	_ =	shalt  }
0x6c: {  	_ =	shalt  }
0x6d: {  	_ =	shalt  }
0x6e: {  	_ =	shalt  }
0x6f: {  	_ =	shalt  }
0x70: {  	_ =	shalt  }
0x71: {  	_ =	shalt  }
0x72: {  	_ =	shalt  }
0x73: {  	_ =	shalt  }
0x74: {  	_ =	shalt  }
0x75: {  	_ =	shalt  }
0x76: {  	_ =	shalt  }
0x77: {  	_ =	shalt  }
0x78: {  	_ =	shalt  }
0x79: {  	_ =	shalt  }
0x7a: {  	_ =	shalt  }
0x7b: {  	_ =	shalt  }
0x7c: {  	_ =	shalt  }
0x7d: {  	_ =	shalt  }
0x7e: {  	_ =	shalt  }
0x7f: {  	_ =	shalt  }
0x80: {  	_ =	shalt  }
0x81: {  	_ =	shalt  }
0x82: {  	_ =	shalt  }
0x83: {  	_ =	shalt  }
0x84: {  	_ =	shalt  }
0x85: {  	_ =	shalt  }
0x86: {  	_ =	shalt  }
0x87: {  	_ =	shalt  }
.Lfunc_end0:
.L_simem_size_0:
called_computation_lowered:
.L_overlay_start_0:
0x88: {  	s2 =	sld [smem:$0x3FD9]  }
0x89: {  	s3 =	sld [smem:$0x3FFE];
	_ =	sdelay $0x1  }
0x8a: {  	s1 =	srdreg.scid  }
0x8b: {  	s0 =	sand.u32 $0x1, s1  }
0x8c: {  	s16 =	sshll.u32 s0, $0xA;
	s2 =	sadd.s32 s3, s2  }
0x8d: {  	s2 =	sadd.s32 s2, s16  }
0x8e: {  	[smem:$0x3FC6] =	sst s2  }
0x8f: {  	_ = 	snop  }
0x90: {  	(tm) =	ssettm $0x1  }
0x91: {  	s17 =	sld [smem:$0x3FFB];
	_ =	sdelay $0x3  }
0x92: {  	_ =	strace s17  }
0x93: {  	s2 =	sld [smem:$0x3FFC];
	_ =	sdelay $0x3  }
0x94: {  	_ =	strace s2  }
0x95: {  	s2 =	sld [smem:$0x3FFD];
	_ =	sdelay $0x3  }
0x96: {  	_ =	strace s2  }
0x97: {  	_ =	strace $0x8FFFFFFF  }
0x98: {  	s18 =	sld [smem:$0x3FDB];
	_ =	sdelay $0x1  }
0x99: {  	s19 =	simm.s32 $_scs_section_size  }
0x9a: {  	s4 =	simm.s32 $_size__tile_overlayer_lowered;
	s5 =	simm.s32 $_tile_overlayer_lowered  }
0x9b: {  	s22 =	simm.s32 $0x1BFF;
	s21 =	sshll.u32 s5, $0x1;
	s2 =	sadd.s32 s19, s18  }
0x9c: {  	s6 =	simm.s32 $0x0;
	s20 =	sshll.u32 s4, $0x1;
	s4 =	sadd.s32 s21, s2  }
0x9d: {  	[timem:s6], [sflag:s22] =	dma.local [hbm:s4], s20  }
0x9e: {  	_ =	swait.ge [sflag:s22], s20  }
0x9f: {  	s3 =	ssub.s32 $0x0, s20;
	[sflag:s22] =	ssyncset.done $0x0  }
0xa0: {  	[sflag:s22] =	ssyncadd.s32 s3;
	_ =	sdelay $0x1  }
0xa1: {  	s23 =	simm.s32 $0x1B8B  }
0xa2: {  	_ =	swait.ge [sflag:s23], $0x1  }
0xa3: {  	[sflag:s23] =	ssyncset.done $0x0  }
0xa4: {  	s25 =	simm.s32 $0x1B8E;
	s24 =	sld [smem:$0x3FFE];
	[sflag:s23] =	ssyncadd.s32 $0xFFFFFFFF  }
0xa5: {  	s26 =	simm.s32 $execute0_lowered;
	[smem:$0x3FD2] =	sst s25  }
0xa6: {  	s4 =	sshll.u32 s26, $0x1;
	_ =	strace $0x80000046;
	[dreg:$0x1] =	wrdreg $0xFFFFFFFF  }
0xa7: {  	s28 =	simm.s32 $_size_execute0_lowered;
	s2 =	sadd.s32 s2, s4;
	[dreg:$0x0] =	wrdreg $0x0  }
0xa8: {  	s4 =	sshll.u32 s28, $0x1;
	[dreg:$0x2] =	wrdreg s2  }
0xa9: {  	[dreg:$0x3] =	wrdreg s4  }
0xaa: {  	[dreg:$0x4] =	wrdreg $0xC0  }
0xab: {  	_ =	task [dreg:s6], $0x5FFFF  }
0xac: {  	[dreg:$0x1] =	wrdreg $0xFFFFFFFF  }
0xad: {  	[dreg:$0x0] =	wrdreg $0x60  }
0xae: {  	[dreg:$0x2] =	wrdreg s24  }
0xaf: {  	[dreg:$0x3] =	wrdreg $0x9  }
0xb0: {  	_ =	task.clear_ibuf [dreg:s6], $0x4FFFF;
	_ =	strace $0x90000046  }
0xb1: {  	s29 =	simm.s32 $0x9;
	_ =	strace $0x80000048  }
0xb2: {  	_ =	swait.ge [sflag:s29], $0x1  }
0xb3: {  	[sflag:s29] =	ssyncadd.s32 $0xFFFFFFFF  }
0xb4: {  	_ =	strace $0x90000048  }
0xb5: {  	_ =	sfence  }
0xb6: {  	s30 =	sld [smem:$0x0];
	_ =	sdelay $0x2  }
0xb7: {  	s31 =	sshll.u32 s1, $0xD;
	s1 =	sshrl.u32 s1, $0x2  }
0xb8: {  	s3 =	sand.u32 $0x4000, s31;
	s1 =	sadd.s32 s1, s30  }
0xb9: {  	s0 =	sor.u32 s3, s0;
	s1 =	sshll.u32 s1, $0x11  }
0xba: {  	s0 =	sor.u32 s1, s0  }
0xbb: {  	s0 =	sadd.s32 $0x8F2B, s0  }
0xbc: {  	[sflag:s0] =	ssyncadd.remote.s32 $0x1  }
0xbd: {  	_ =	sfence.sel $0xFFFF  }
0xbe: {  	[dreg:$0x0] =	wrdreg $0xFFFFFFFF;
	(pc) =	sbr.abs _section_cstart, $3  }
0xbf: {  	[dreg:$0x1] =	wrdreg $0xFFFFFFFF  }
0xc0: {  	_ =	task.clear_ibuf [dreg:s6], $0x2FFFF;
	_ =	strace $0x9FFFFFFF  }
0xc1: {  	(tm) =	ssettm $0x7FFFFFFF  }
tec
execute0_lowered:
.L_overlay_start_1:
0x0: {  	(tag) =	ssettag $0x1  }
0x1: {  	s1 =	srdreg.scid;
	s0 =	stileid.u32  }
0x2: {  	s8 =	rddreg [dreg:$0x0];
	s2 =	simm.s32 $0x0;
	s6 =	sand.u32 $0x1, s1  }
0x3: {  	s3 =	sshll.u32 s0, $0x8;
	s1 =	rddreg [dreg:$0x1];
	s4 =	sshll.u32 s6, $0x7  }
0x4: {  	s7 =	simm.s32 $0x1;
	[smem:$0x7FF] =	sst s2;
	s9 =	sor.u32 s4, s3  }
0x5: {  	s5 =	sadd.s32 $0x200, s8;
	_ =	strace $0x80000047;
	s3 =	sshrl.u32 s9, $0x3  }
0x6: {  	s10 =	ssub.s32 $0x2, s6;
	s4 =	sadd.s32 s8, s3;
	s3 =	simm.s32 $0x2  }
0x7: {  	[tilespmem:s2], [sflag:$0x2] =	stream.linear.gather [hbm4b:s4+s2], $0x80, $0x38;
	[tilespmem:$0x4080] =	vst v63  }
0x8: {  	s6 =	simm.s32 $0x80;
	s11 =	sshrl.u32 s10, $0x1;
	_ =	swait.ge [sflag:s3], $0x80  }
0x9: {  	s9 =	sshll.u32 s9, $0x4;
	s31 =	ssub.s32 s10, s11;
	[sflag:s3] =	ssyncset.done $0x0  }
0xa: {  	s8 =	sadd.s32 s9, s8;
	s9 =	smax.u32 s31, $0x1;
	[sflag:s3] =	ssyncadd.s32 $0xFFFFFF80  }
0xb: {  	[tilespmem:s6], [sflag:$0x1] =	stream.indirect.gather [hbm4b:s5+s6], $0x80, s2, s6, $0xb8;
	[tilespmem:$0x4080] =	vst v63  }
0xc: {  	p0 =	sne.s32 s9, $0x1;
	_ =	swait.ge [sflag:s7], $0x4000  }
.Ltmp0:
0xd: {  	[sflag:s7] =	ssyncset.done $0x0;
	(pc) =	sbr.rel @!p0 .LBB2_2-.Ltmp0, $4  }
0xe: {  	s8 =	sadd.s32 $0x4200, s8;
	[sflag:s7] =	ssyncadd.s32 $0xFFFFC000  }
0xf: {  	[hbm4b:s8+s2] =	stream.linear.scatter [tilespmem:s6], [sflag:$0x2], $0x4000, $0x38;
	[tilespmem:$0x4080] =	vst v63  }
0x10: {  	_ =	swait.ge [sflag:s3], $0x4000  }
0x11: {  	s9 =	sadd.s32 $0xFFFFFFFF, s9;
	[sflag:s3] =	ssyncset.done $0x0  }
.LBB2_1:
0x12: {  	p0 =	sne.s32 s9, $0x1;
	s9 =	sadd.s32 $0xFFFFFFFF, s9;
	[sflag:s3] =	ssyncadd.s32 $0xFFFFC000  }
0x13: {  	[tilespmem:s2], [sflag:$0x2] =	stream.linear.gather [hbm4b:s4+s2], $0x80, $0x38;
	[tilespmem:$0x4080] =	vst v63  }
0x14: {  	_ =	swait.ge [sflag:s3], $0x80  }
0x15: {  	[sflag:s3] =	ssyncset.done $0x0  }
0x16: {  	[sflag:s3] =	ssyncadd.s32 $0xFFFFFF80  }
0x17: {  	[tilespmem:s6], [sflag:$0x1] =	stream.indirect.gather [hbm4b:s5+s6], $0x80, s2, s6, $0xb8;
	[tilespmem:$0x4080] =	vst v63  }
0x18: {  	_ =	swait.ge [sflag:s7], $0x4000  }
.Ltmp1:
0x19: {  	[sflag:s7] =	ssyncset.done $0x0;
	(pc) =	sbr.rel @p0 .LBB2_1-.Ltmp1, $4  }
0x1a: {  	[sflag:s7] =	ssyncadd.s32 $0xFFFFC000  }
0x1b: {  	[hbm4b:s8+s2] =	stream.linear.scatter [tilespmem:s6], [sflag:$0x2], $0x4000, $0x38;
	[tilespmem:$0x4080] =	vst v63  }
0x1c: {  	_ =	swait.ge [sflag:s3], $0x4000  }
0x1d: {  	[sflag:s3] =	ssyncset.done $0x0  }
.LBB2_2:
0x1e: {  	[sflag:s3] =	ssyncadd.s32 $0xFFFFC000  }
0x1f: {  	_ =	sfence.sel $0x180000  }
0x20: {  	[bflag:$0x0] =	sbarrier.arrive $0xFFFF  }
0x21: {  	p0 =	sne.s32 s0, $0x0;
	_ =	strace $0x90000047  }
0x22: {  	s0 =	sadd.s32 @!p0 $0x100000, s1;
	[bflag:$0x2] =	sbarrier.arrive $0xFFFF  }
0x23: {  	[sflag:s0] =	ssyncadd.tile.s32 @!p0 $0x1;
	_ =	shalt  }
.Lfunc_end2:
_tile_overlayer_lowered:
.L_overlay_start_2:
0x24: {  	(tag) =	ssettag $0x2  }
0x25: {  	s0 =	rddreg [dreg:$0x0];
	s2 =	stileid.u32  }
0x26: {  	s1 =	rddreg [dreg:$0x1];
	p0 =	sne.s32 s2, $0x0  }
0x27: {  	s3 =	rddreg [dreg:$0x2];
	[bflag:$0x3] =	sbarrier.arrive $0xFFFF;
	s2 =	simm.s32 @!p0 $0x1C02  }
0x28: {  	[timem:s3], [sflag:s2] =	dma.local @!p0 [hbm:s0], s1  }
0x29: {  	s0 =	simm.s32 @!p0 $0x2  }
0x2a: {  	_ =	swait.ge @!p0 [sflag:s0], s1  }
0x2b: {  	s1 =	ssub.s32 @!p0 $0x0, s1;
	[sflag:s0] =	ssyncset.done @!p0 $0x0  }
0x2c: {  	[sflag:s0] =	ssyncadd.s32 @!p0 s1  }
0x2d: {  	[bflag:$0x3] =	sbarrier.arrive $0xFFFF  }
0x2e: {  	_ =	shalt  }

</sc_bundles>
